<compile_context>
chip_gen: v7x
topology: tpu7x:2x2x1
jax: 0.10.2.dev20260603
libtpu: 0.0.44.dev20260713+nightly
codegen_flags: <defaults>
</compile_context>

<pallas_src>
import functools

import jax
import jax.numpy as jnp
from jax import lax
from jax.experimental import pallas as pl
from jax.experimental.pallas import tpu as pltpu
from jax.experimental.pallas import tpu_sc as plsc

EMB_SIZE = 256
NUM_NODES = 100000
TABLE_SEED = 42
BATCH = 50000

_NC = 2
_NS = 16
_NW = _NC * _NS
_L = 16

_C = 128
_NCH = -(-BATCH // _C)
_LAST_BASE = BATCH - _C
_K = -(-_NCH // _NW)

def _node_embs():
    return jax.random.normal(
        jax.random.key(TABLE_SEED), (NUM_NODES, EMB_SIZE), dtype=jnp.float32
    ) / jnp.sqrt(jnp.float32(EMB_SIZE))


@functools.partial(
    pl.kernel,
    out_type=jax.ShapeDtypeStruct((BATCH, EMB_SIZE), jnp.float32),
    mesh=plsc.VectorSubcoreMesh(core_axis_name="c", subcore_axis_name="s"),
    scratch_types=[
        pltpu.VMEM((_C,), jnp.int32),
        pltpu.VMEM((_C,), jnp.float32),
        pltpu.VMEM((_C, EMB_SIZE), jnp.float32),
        pltpu.SemaphoreType.DMA,
        pltpu.SemaphoreType.DMA,
    ],
)
def _gather_scale(emb_hbm, idx_hbm, att_hbm, out_hbm,
                  idx_v, att_v, rows_v, sem_r, sem_a):
    wid = lax.axis_index("s") * _NC + lax.axis_index("c")

    def chunk_body(k, carry):
        cid = wid + k * _NW

        @pl.when(cid < _NCH)
        def _():
            base = jnp.minimum(cid * _C, _LAST_BASE)
            pltpu.sync_copy(idx_hbm.at[pl.ds(base, _C)], idx_v)
            row_cp = pltpu.async_copy(emb_hbm.at[idx_v], rows_v, sem_r)
            att_cp = pltpu.async_copy(att_hbm.at[idx_v], att_v, sem_a)
            att_cp.wait()
            row_cp.wait()

            def grp_body(g, c2):
                att16 = att_v[pl.ds(g * _L, _L)]
                base_r = g * _L
                for l in range(_L):
                    a = jnp.broadcast_to(att16[l], (_L,))
                    for j in range(EMB_SIZE // _L):
                        sl = pl.ds(j * _L, _L)
                        rows_v[base_r + l, sl] = rows_v[base_r + l, sl] * a
                return c2

            lax.fori_loop(0, _C // _L, grp_body, 0)
            pltpu.sync_copy(rows_v, out_hbm.at[pl.ds(base, _C)])

        return carry

    lax.fori_loop(0, _K, chunk_body, 0)


def kernel(node_idx, attenuation):
    return _gather_scale(_node_embs(), node_idx, attenuation)

# --- scband reference (transcript-rebuilt; emitter-appended) ---
"""Pipeline reference for scband-node-encoder-16432544874747 (READ-ONLY COPY).

The authoritative reference and input builder live on the scoring server;
editing this copy changes nothing except your own understanding.
"""

import jax, jax.numpy as jnp
import numpy as np

EMB_SIZE = 256
NUM_NODES = 100000
SEED = 42
BATCH = 50000


def fan_out_normal_seed(shape, seed):
    # Deterministic 'random projection' embeddings: normal with fan-out scaling
    key = jax.random.key(seed)
    return jax.random.normal(key, shape, dtype=jnp.float32) / jnp.sqrt(jnp.float32(shape[1]))


def setup_inputs(seed: int = 0) -> dict:
    key = jax.random.key(seed)
    k1, k2 = jax.random.split(key)
    node_idx = jax.random.randint(k1, (BATCH,), 0, NUM_NODES, dtype=jnp.int32)
    # attenuation parameter: init normal(mean=0.5, std=1/num_nodes), per torch reset_parameters
    attenuation = 0.5 + jax.random.normal(k2, (NUM_NODES,), dtype=jnp.float32) * (1.0 / NUM_NODES)
    return {"node_idx": node_idx, "attenuation": attenuation}


def reference(node_idx, attenuation):
    # node_features is None in this configuration: all nodes feature-less.
    node_embs = fan_out_normal_seed((NUM_NODES, EMB_SIZE), SEED)
    # attenuation_type == 1: per-node attenuation
    out = jnp.take(node_embs, node_idx, axis=0) * attenuation[node_idx][:, None]
    return out

if __name__ == "__main__":
    import jax
    _d = setup_inputs()
    print(jax.jit(kernel)(*tuple(_d.values())))

</pallas_src>

<mosaic_0001>
#map = affine_map<(d0, d1) -> (0, 0)>
#map1 = affine_map<(d0, d1) -> (0)>
module attributes {stable_mosaic.version = 14 : i64} {
  func.func @_gather_scale(%arg0: i32, %arg1: i32, %arg2: memref<100000x256xf32, #tpu.memory_space<hbm>>, %arg3: memref<50000xi32, #tpu.memory_space<hbm>>, %arg4: memref<100000xf32, #tpu.memory_space<hbm>>, %arg5: memref<50000x256xf32, #tpu.memory_space<hbm>>, %arg6: memref<128xi32, #tpu.memory_space<vmem>>, %arg7: memref<128xf32, #tpu.memory_space<vmem>>, %arg8: memref<128x256xf32, #tpu.memory_space<vmem>>, %arg9: memref<!tpu.dma_semaphore, #tpu.memory_space<semaphore_mem>>, %arg10: memref<!tpu.dma_semaphore, #tpu.memory_space<semaphore_mem>>) attributes {dimension_semantics = [#tpu.dimension_semantics<core_parallel>, #tpu.dimension_semantics<subcore_parallel>], iteration_bounds = array<i64: 2, 16>, scalar_prefetch = 0 : i64, scratch_operands = 5 : i64, tpu.core_type = #tpu.core_type<sc_vector_subcore>, window_params = [{transform_indices = #map}, {transform_indices = #map1}, {transform_indices = #map1}, {transform_indices = #map}]} {
    %mul3A = arith.constant 2 : i32
    %mul3A_0 = arith.muli %arg1, %mul3A : i32
    %add3A = arith.addi %mul3A_0, %arg0 : i32
    %scan3A = arith.constant 0 : i32
    %scan3A_1 = arith.constant 0 : i32
    %scan3A_2 = arith.constant 13 : i32
    %scan3A_3 = arith.addi %scan3A_1, %scan3A_2 : i32
    %scan3A_4 = arith.constant 1 : i32
    scf.for %scan3A_6 = %scan3A_1 to %scan3A_3 step %scan3A_4  : i32 {
      %mul3A_7 = arith.constant 32 : i32
      %mul3A_8 = arith.muli %scan3A_6, %mul3A_7 : i32
      %add3A_9 = arith.addi %add3A, %mul3A_8 : i32
      %lt3A = arith.constant 391 : i32
      %lt3A_10 = arith.cmpi slt, %add3A_9, %lt3A : i32
      %convert_element_type3A = arith.extui %lt3A_10 : i1 to i32
      %cond3A = arith.constant 0 : i32
      %cond3A_11 = arith.cmpi ne, %convert_element_type3A, %cond3A : i32
      scf.if %cond3A_11 {
        %mul3A_12 = arith.constant 128 : i32
        %mul3A_13 = arith.muli %add3A_9, %mul3A_12 : i32
        %min3A = arith.constant 49872 : i32
        %min3A_14 = arith.minsi %mul3A_13, %min3A : i32
        "tpu.region"() ({
          %run_scoped3A = tpu.sem_alloc : memref<!tpu.dma_semaphore, #tpu.memory_space<semaphore_mem>>
          %dma_start3A_29 = tpu.memref_slice %arg3[%min3A_14] : memref<50000xi32, #tpu.memory_space<hbm>> -> memref<128xi32, #tpu.memory_space<hbm>>
          %dma_start3A_30 = tpu.memref_slice %arg3[%min3A_14] : memref<50000xi32, #tpu.memory_space<hbm>> -> memref<128xi32, #tpu.memory_space<hbm>>
          tpu.enqueue_dma source(%dma_start3A_30 : memref<128xi32, #tpu.memory_space<hbm>>) target(%arg6 : memref<128xi32, #tpu.memory_space<vmem>>) target_semaphore(%run_scoped3A : memref<!tpu.dma_semaphore, #tpu.memory_space<semaphore_mem>>)
          %dma_wait3A_31 = tpu.memref_slice %arg3[%min3A_14] : memref<50000xi32, #tpu.memory_space<hbm>> -> memref<128xi32, #tpu.memory_space<hbm>>
          %dma_wait3A_32 = tpu.memref_slice %arg3[%min3A_14] : memref<50000xi32, #tpu.memory_space<hbm>> -> memref<128xi32, #tpu.memory_space<hbm>>
          tpu.wait_dma2 semaphore(%run_scoped3A : memref<!tpu.dma_semaphore, #tpu.memory_space<semaphore_mem>>) src(%dma_wait3A_32 : memref<128xi32, #tpu.memory_space<hbm>>) dst(%arg6 : memref<128xi32, #tpu.memory_space<vmem>>)
          tpu.yield
        }) : () -> ()
        %dma_start3A = arith.constant 0 : i32
        %dma_start3A_15 = arith.constant 0 : i32
        %dma_start3A_16 = tpu.memref_slice %arg2[%dma_start3A, %dma_start3A_15] : memref<100000x256xf32, #tpu.memory_space<hbm>> -> memref<100000x256xf32, #tpu.memory_space<hbm>>
        tpu.enqueue_indirect_dma source(%dma_start3A_16 : memref<100000x256xf32, #tpu.memory_space<hbm>>) target(%arg8 : memref<128x256xf32, #tpu.memory_space<vmem>>) offsets(%arg6 : memref<128xi32, #tpu.memory_space<vmem>>) semaphore(%arg9 : memref<!tpu.dma_semaphore, #tpu.memory_space<semaphore_mem>>)
        %dma_start3A_17 = arith.constant 0 : i32
        %dma_start3A_18 = tpu.memref_slice %arg4[%dma_start3A_17] : memref<100000xf32, #tpu.memory_space<hbm>> -> memref<100000xf32, #tpu.memory_space<hbm>>
        tpu.enqueue_indirect_dma source(%dma_start3A_18 : memref<100000xf32, #tpu.memory_space<hbm>>) target(%arg7 : memref<128xf32, #tpu.memory_space<vmem>>) offsets(%arg6 : memref<128xi32, #tpu.memory_space<vmem>>) semaphore(%arg10 : memref<!tpu.dma_semaphore, #tpu.memory_space<semaphore_mem>>)
        %dma_wait3A = arith.constant 0 : i32
        %dma_wait3A_19 = tpu.memref_slice %arg4[%dma_wait3A] : memref<100000xf32, #tpu.memory_space<hbm>> -> memref<100000xf32, #tpu.memory_space<hbm>>
        tpu.wait_indirect_dma semaphore(%arg10 : memref<!tpu.dma_semaphore, #tpu.memory_space<semaphore_mem>>) src(%dma_wait3A_19 : memref<100000xf32, #tpu.memory_space<hbm>>) dst(%arg7 : memref<128xf32, #tpu.memory_space<vmem>>)
        %dma_wait3A_20 = arith.constant 0 : i32
        %dma_wait3A_21 = arith.constant 0 : i32
        %dma_wait3A_22 = tpu.memref_slice %arg2[%dma_wait3A_20, %dma_wait3A_21] : memref<100000x256xf32, #tpu.memory_space<hbm>> -> memref<100000x256xf32, #tpu.memory_space<hbm>>
        tpu.wait_indirect_dma semaphore(%arg9 : memref<!tpu.dma_semaphore, #tpu.memory_space<semaphore_mem>>) src(%dma_wait3A_22 : memref<100000x256xf32, #tpu.memory_space<hbm>>) dst(%arg8 : memref<128x256xf32, #tpu.memory_space<vmem>>)
        %scan3A_23 = arith.constant 0 : i32
        %scan3A_24 = arith.constant 0 : i32
        %scan3A_25 = arith.constant 8 : i32
        %scan3A_26 = arith.addi %scan3A_24, %scan3A_25 : i32
        %scan3A_27 = arith.constant 1 : i32
        scf.for %scan3A_29 = %scan3A_24 to %scan3A_26 step %scan3A_27  : i32 {
          %mul3A_30 = arith.constant 16 : i32
          %mul3A_31 = arith.muli %scan3A_29, %mul3A_30 : i32
          %get3A = arith.index_cast %mul3A_31 : i32 to index
          %get3A_32 = tpu.vector_load %arg7[%get3A] {strides = array<i32>} : memref<128xf32, #tpu.memory_space<vmem>>, vector<16xf32>,
          %get3A_33 = vector.shape_cast %get3A_32 : vector<16xf32> to vector<16xf32>
          %mul3A_34 = arith.constant 16 : i32
          %mul3A_35 = arith.muli %scan3A_29, %mul3A_34 : i32
          %slice3A = vector.extract_strided_slice %get3A_33 {offsets = [0], sizes = [1], strides = [1]} : vector<16xf32> to vector<1xf32>
          %squeeze3A = vector.extract %slice3A[0] : f32 from vector<1xf32>
          %broadcast_in_dim3A = vector.broadcast %squeeze3A : f32 to vector<16xf32>
          %add3A_36 = arith.constant 0 : i32
          %add3A_37 = arith.addi %mul3A_35, %add3A_36 : i32
          %get3A_38 = arith.index_cast %add3A_37 : i32 to index
          %get3A_39 = arith.constant 0 : index
          %get3A_40 = tpu.vector_load %arg8[%get3A_38, %get3A_39] {strides = array<i32>} : memref<128x256xf32, #tpu.memory_space<vmem>>, vector<1x16xf32>,
          %get3A_41 = vector.shape_cast %get3A_40 : vector<1x16xf32> to vector<16xf32>
          %mul3A_42 = arith.mulf %get3A_41, %broadcast_in_dim3A : vector<16xf32>
          %add3A_43 = arith.constant 0 : i32
          %add3A_44 = arith.addi %mul3A_35, %add3A_43 : i32
          %swap3A = arith.index_cast %add3A_44 : i32 to index
          %swap3A_45 = arith.constant 0 : index
          %swap3A_46 = tpu.vector_load %arg8[%swap3A, %swap3A_45] {strides = array<i32>} : memref<128x256xf32, #tpu.memory_space<vmem>>, vector<1x16xf32>,
          %swap3A_47 = vector.shape_cast %swap3A_46 : vector<1x16xf32> to vector<16xf32>
          %swap3A_48 = vector.shape_cast %mul3A_42 : vector<16xf32> to vector<1x16xf32>
          tpu.vector_store %arg8[%swap3A, %swap3A_45], %swap3A_48 {strides = array<i32>} : memref<128x256xf32, #tpu.memory_space<vmem>>, vector<1x16xf32>,
          %add3A_49 = arith.constant 0 : i32
          %add3A_50 = arith.addi %mul3A_35, %add3A_49 : i32
          %get3A_51 = arith.index_cast %add3A_50 : i32 to index
          %get3A_52 = arith.constant 16 : index
          %get3A_53 = tpu.vector_load %arg8[%get3A_51, %get3A_52] {strides = array<i32>} : memref<128x256xf32, #tpu.memory_space<vmem>>, vector<1x16xf32>,
          %get3A_54 = vector.shape_cast %get3A_53 : vector<1x16xf32> to vector<16xf32>
          %mul3A_55 = arith.mulf %get3A_54, %broadcast_in_dim3A : vector<16xf32>
          %add3A_56 = arith.constant 0 : i32
          %add3A_57 = arith.addi %mul3A_35, %add3A_56 : i32
          %swap3A_58 = arith.index_cast %add3A_57 : i32 to index
          %swap3A_59 = arith.constant 16 : index
          %swap3A_60 = tpu.vector_load %arg8[%swap3A_58, %swap3A_59] {strides = array<i32>} : memref<128x256xf32, #tpu.memory_space<vmem>>, vector<1x16xf32>,
          %swap3A_61 = vector.shape_cast %swap3A_60 : vector<1x16xf32> to vector<16xf32>
          %swap3A_62 = vector.shape_cast %mul3A_55 : vector<16xf32> to vector<1x16xf32>
          tpu.vector_store %arg8[%swap3A_58, %swap3A_59], %swap3A_62 {strides = array<i32>} : memref<128x256xf32, #tpu.memory_space<vmem>>, vector<1x16xf32>,
          %add3A_63 = arith.constant 0 : i32
          %add3A_64 = arith.addi %mul3A_35, %add3A_63 : i32
          %get3A_65 = arith.index_cast %add3A_64 : i32 to index
          %get3A_66 = arith.constant 32 : index
          %get3A_67 = tpu.vector_load %arg8[%get3A_65, %get3A_66] {strides = array<i32>} : memref<128x256xf32, #tpu.memory_space<vmem>>, vector<1x16xf32>,
          %get3A_68 = vector.shape_cast %get3A_67 : vector<1x16xf32> to vector<16xf32>
          %mul3A_69 = arith.mulf %get3A_68, %broadcast_in_dim3A : vector<16xf32>
          %add3A_70 = arith.constant 0 : i32
          %add3A_71 = arith.addi %mul3A_35, %add3A_70 : i32
          %swap3A_72 = arith.index_cast %add3A_71 : i32 to index
          %swap3A_73 = arith.constant 32 : index
          %swap3A_74 = tpu.vector_load %arg8[%swap3A_72, %swap3A_73] {strides = array<i32>} : memref<128x256xf32, #tpu.memory_space<vmem>>, vector<1x16xf32>,
          %swap3A_75 = vector.shape_cast %swap3A_74 : vector<1x16xf32> to vector<16xf32>
          %swap3A_76 = vector.shape_cast %mul3A_69 : vector<16xf32> to vector<1x16xf32>
          tpu.vector_store %arg8[%swap3A_72, %swap3A_73], %swap3A_76 {strides = array<i32>} : memref<128x256xf32, #tpu.memory_space<vmem>>, vector<1x16xf32>,
          %add3A_77 = arith.constant 0 : i32
          %add3A_78 = arith.addi %mul3A_35, %add3A_77 : i32
          %get3A_79 = arith.index_cast %add3A_78 : i32 to index
          %get3A_80 = arith.constant 48 : index
          %get3A_81 = tpu.vector_load %arg8[%get3A_79, %get3A_80] {strides = array<i32>} : memref<128x256xf32, #tpu.memory_space<vmem>>, vector<1x16xf32>,
          %get3A_82 = vector.shape_cast %get3A_81 : vector<1x16xf32> to vector<16xf32>
          %mul3A_83 = arith.mulf %get3A_82, %broadcast_in_dim3A : vector<16xf32>
          %add3A_84 = arith.constant 0 : i32
          %add3A_85 = arith.addi %mul3A_35, %add3A_84 : i32
          %swap3A_86 = arith.index_cast %add3A_85 : i32 to index
          %swap3A_87 = arith.constant 48 : index
          %swap3A_88 = tpu.vector_load %arg8[%swap3A_86, %swap3A_87] {strides = array<i32>} : memref<128x256xf32, #tpu.memory_space<vmem>>, vector<1x16xf32>,
          %swap3A_89 = vector.shape_cast %swap3A_88 : vector<1x16xf32> to vector<16xf32>
          %swap3A_90 = vector.shape_cast %mul3A_83 : vector<16xf32> to vector<1x16xf32>
          tpu.vector_store %arg8[%swap3A_86, %swap3A_87], %swap3A_90 {strides = array<i32>} : memref<128x256xf32, #tpu.memory_space<vmem>>, vector<1x16xf32>,
          %add3A_91 = arith.constant 0 : i32
          %add3A_92 = arith.addi %mul3A_35, %add3A_91 : i32
          %get3A_93 = arith.index_cast %add3A_92 : i32 to index
          %get3A_94 = arith.constant 64 : index
          %get3A_95 = tpu.vector_load %arg8[%get3A_93, %get3A_94] {strides = array<i32>} : memref<128x256xf32, #tpu.memory_space<vmem>>, vector<1x16xf32>,
          %get3A_96 = vector.shape_cast %get3A_95 : vector<1x16xf32> to vector<16xf32>
          %mul3A_97 = arith.mulf %get3A_96, %broadcast_in_dim3A : vector<16xf32>
          %add3A_98 = arith.constant 0 : i32
          %add3A_99 = arith.addi %mul3A_35, %add3A_98 : i32
          %swap3A_100 = arith.index_cast %add3A_99 : i32 to index
          %swap3A_101 = arith.constant 64 : index
          %swap3A_102 = tpu.vector_load %arg8[%swap3A_100, %swap3A_101] {strides = array<i32>} : memref<128x256xf32, #tpu.memory_space<vmem>>, vector<1x16xf32>,
          %swap3A_103 = vector.shape_cast %swap3A_102 : vector<1x16xf32> to vector<16xf32>
          %swap3A_104 = vector.shape_cast %mul3A_97 : vector<16xf32> to vector<1x16xf32>
          tpu.vector_store %arg8[%swap3A_100, %swap3A_101], %swap3A_104 {strides = array<i32>} : memref<128x256xf32, #tpu.memory_space<vmem>>, vector<1x16xf32>,
          %add3A_105 = arith.constant 0 : i32
          %add3A_106 = arith.addi %mul3A_35, %add3A_105 : i32
          %get3A_107 = arith.index_cast %add3A_106 : i32 to index
          %get3A_108 = arith.constant 80 : index
          %get3A_109 = tpu.vector_load %arg8[%get3A_107, %get3A_108] {strides = array<i32>} : memref<128x256xf32, #tpu.memory_space<vmem>>, vector<1x16xf32>,
          %get3A_110 = vector.shape_cast %get3A_109 : vector<1x16xf32> to vector<16xf32>
          %mul3A_111 = arith.mulf %get3A_110, %broadcast_in_dim3A : vector<16xf32>
          %add3A_112 = arith.constant 0 : i32
          %add3A_113 = arith.addi %mul3A_35, %add3A_112 : i32
          %swap3A_114 = arith.index_cast %add3A_113 : i32 to index
          %swap3A_115 = arith.constant 80 : index
          %swap3A_116 = tpu.vector_load %arg8[%swap3A_114, %swap3A_115] {strides = array<i32>} : memref<128x256xf32, #tpu.memory_space<vmem>>, vector<1x16xf32>,
          %swap3A_117 = vector.shape_cast %swap3A_116 : vector<1x16xf32> to vector<16xf32>
          %swap3A_118 = vector.shape_cast %mul3A_111 : vector<16xf32> to vector<1x16xf32>
          tpu.vector_store %arg8[%swap3A_114, %swap3A_115], %swap3A_118 {strides = array<i32>} : memref<128x256xf32, #tpu.memory_space<vmem>>, vector<1x16xf32>,
          %add3A_119 = arith.constant 0 : i32
          %add3A_120 = arith.addi %mul3A_35, %add3A_119 : i32
          %get3A_121 = arith.index_cast %add3A_120 : i32 to index
          %get3A_122 = arith.constant 96 : index
          %get3A_123 = tpu.vector_load %arg8[%get3A_121, %get3A_122] {strides = array<i32>} : memref<128x256xf32, #tpu.memory_space<vmem>>, vector<1x16xf32>,
          %get3A_124 = vector.shape_cast %get3A_123 : vector<1x16xf32> to vector<16xf32>
          %mul3A_125 = arith.mulf %get3A_124, %broadcast_in_dim3A : vector<16xf32>
          %add3A_126 = arith.constant 0 : i32
          %add3A_127 = arith.addi %mul3A_35, %add3A_126 : i32
          %swap3A_128 = arith.index_cast %add3A_127 : i32 to index
          %swap3A_129 = arith.constant 96 : index
          %swap3A_130 = tpu.vector_load %arg8[%swap3A_128, %swap3A_129] {strides = array<i32>} : memref<128x256xf32, #tpu.memory_space<vmem>>, vector<1x16xf32>,
          %swap3A_131 = vector.shape_cast %swap3A_130 : vector<1x16xf32> to vector<16xf32>
          %swap3A_132 = vector.shape_cast %mul3A_125 : vector<16xf32> to vector<1x16xf32>
          tpu.vector_store %arg8[%swap3A_128, %swap3A_129], %swap3A_132 {strides = array<i32>} : memref<128x256xf32, #tpu.memory_space<vmem>>, vector<1x16xf32>,
          %add3A_133 = arith.constant 0 : i32
          %add3A_134 = arith.addi %mul3A_35, %add3A_133 : i32
          %get3A_135 = arith.index_cast %add3A_134 : i32 to index
          %get3A_136 = arith.constant 112 : index
          %get3A_137 = tpu.vector_load %arg8[%get3A_135, %get3A_136] {strides = array<i32>} : memref<128x256xf32, #tpu.memory_space<vmem>>, vector<1x16xf32>,
          %get3A_138 = vector.shape_cast %get3A_137 : vector<1x16xf32> to vector<16xf32>
          %mul3A_139 = arith.mulf %get3A_138, %broadcast_in_dim3A : vector<16xf32>
          %add3A_140 = arith.constant 0 : i32
          %add3A_141 = arith.addi %mul3A_35, %add3A_140 : i32
          %swap3A_142 = arith.index_cast %add3A_141 : i32 to index
          %swap3A_143 = arith.constant 112 : index
          %swap3A_144 = tpu.vector_load %arg8[%swap3A_142, %swap3A_143] {strides = array<i32>} : memref<128x256xf32, #tpu.memory_space<vmem>>, vector<1x16xf32>,
          %swap3A_145 = vector.shape_cast %swap3A_144 : vector<1x16xf32> to vector<16xf32>
          %swap3A_146 = vector.shape_cast %mul3A_139 : vector<16xf32> to vector<1x16xf32>
          tpu.vector_store %arg8[%swap3A_142, %swap3A_143], %swap3A_146 {strides = array<i32>} : memref<128x256xf32, #tpu.memory_space<vmem>>, vector<1x16xf32>,
          %add3A_147 = arith.constant 0 : i32
          %add3A_148 = arith.addi %mul3A_35, %add3A_147 : i32
          %get3A_149 = arith.index_cast %add3A_148 : i32 to index
          %get3A_150 = arith.constant 128 : index
          %get3A_151 = tpu.vector_load %arg8[%get3A_149, %get3A_150] {strides = array<i32>} : memref<128x256xf32, #tpu.memory_space<vmem>>, vector<1x16xf32>,
          %get3A_152 = vector.shape_cast %get3A_151 : vector<1x16xf32> to vector<16xf32>
          %mul3A_153 = arith.mulf %get3A_152, %broadcast_in_dim3A : vector<16xf32>
          %add3A_154 = arith.constant 0 : i32
          %add3A_155 = arith.addi %mul3A_35, %add3A_154 : i32
          %swap3A_156 = arith.index_cast %add3A_155 : i32 to index
          %swap3A_157 = arith.constant 128 : index
          %swap3A_158 = tpu.vector_load %arg8[%swap3A_156, %swap3A_157] {strides = array<i32>} : memref<128x256xf32, #tpu.memory_space<vmem>>, vector<1x16xf32>,
          %swap3A_159 = vector.shape_cast %swap3A_158 : vector<1x16xf32> to vector<16xf32>
          %swap3A_160 = vector.shape_cast %mul3A_153 : vector<16xf32> to vector<1x16xf32>
          tpu.vector_store %arg8[%swap3A_156, %swap3A_157], %swap3A_160 {strides = array<i32>} : memref<128x256xf32, #tpu.memory_space<vmem>>, vector<1x16xf32>,
          %add3A_161 = arith.constant 0 : i32
          %add3A_162 = arith.addi %mul3A_35, %add3A_161 : i32
          %get3A_163 = arith.index_cast %add3A_162 : i32 to index
          %get3A_164 = arith.constant 144 : index
          %get3A_165 = tpu.vector_load %arg8[%get3A_163, %get3A_164] {strides = array<i32>} : memref<128x256xf32, #tpu.memory_space<vmem>>, vector<1x16xf32>,
          %get3A_166 = vector.shape_cast %get3A_165 : vector<1x16xf32> to vector<16xf32>
          %mul3A_167 = arith.mulf %get3A_166, %broadcast_in_dim3A : vector<16xf32>
          %add3A_168 = arith.constant 0 : i32
          %add3A_169 = arith.addi %mul3A_35, %add3A_168 : i32
          %swap3A_170 = arith.index_cast %add3A_169 : i32 to index
          %swap3A_171 = arith.constant 144 : index
          %swap3A_172 = tpu.vector_load %arg8[%swap3A_170, %swap3A_171] {strides = array<i32>} : memref<128x256xf32, #tpu.memory_space<vmem>>, vector<1x16xf32>,
          %swap3A_173 = vector.shape_cast %swap3A_172 : vector<1x16xf32> to vector<16xf32>
          %swap3A_174 = vector.shape_cast %mul3A_167 : vector<16xf32> to vector<1x16xf32>
          tpu.vector_store %arg8[%swap3A_170, %swap3A_171], %swap3A_174 {strides = array<i32>} : memref<128x256xf32, #tpu.memory_space<vmem>>, vector<1x16xf32>,
          %add3A_175 = arith.constant 0 : i32
          %add3A_176 = arith.addi %mul3A_35, %add3A_175 : i32
          %get3A_177 = arith.index_cast %add3A_176 : i32 to index
          %get3A_178 = arith.constant 160 : index
          %get3A_179 = tpu.vector_load %arg8[%get3A_177, %get3A_178] {strides = array<i32>} : memref<128x256xf32, #tpu.memory_space<vmem>>, vector<1x16xf32>,
          %get3A_180 = vector.shape_cast %get3A_179 : vector<1x16xf32> to vector<16xf32>
          %mul3A_181 = arith.mulf %get3A_180, %broadcast_in_dim3A : vector<16xf32>
          %add3A_182 = arith.constant 0 : i32
          %add3A_183 = arith.addi %mul3A_35, %add3A_182 : i32
          %swap3A_184 = arith.index_cast %add3A_183 : i32 to index
          %swap3A_185 = arith.constant 160 : index
          %swap3A_186 = tpu.vector_load %arg8[%swap3A_184, %swap3A_185] {strides = array<i32>} : memref<128x256xf32, #tpu.memory_space<vmem>>, vector<1x16xf32>,
          %swap3A_187 = vector.shape_cast %swap3A_186 : vector<1x16xf32> to vector<16xf32>
          %swap3A_188 = vector.shape_cast %mul3A_181 : vector<16xf32> to vector<1x16xf32>
          tpu.vector_store %arg8[%swap3A_184, %swap3A_185], %swap3A_188 {strides = array<i32>} : memref<128x256xf32, #tpu.memory_space<vmem>>, vector<1x16xf32>,
          %add3A_189 = arith.constant 0 : i32
          %add3A_190 = arith.addi %mul3A_35, %add3A_189 : i32
          %get3A_191 = arith.index_cast %add3A_190 : i32 to index
          %get3A_192 = arith.constant 176 : index
          %get3A_193 = tpu.vector_load %arg8[%get3A_191, %get3A_192] {strides = array<i32>} : memref<128x256xf32, #tpu.memory_space<vmem>>, vector<1x16xf32>,
          %get3A_194 = vector.shape_cast %get3A_193 : vector<1x16xf32> to vector<16xf32>
          %mul3A_195 = arith.mulf %get3A_194, %broadcast_in_dim3A : vector<16xf32>
          %add3A_196 = arith.constant 0 : i32
          %add3A_197 = arith.addi %mul3A_35, %add3A_196 : i32
          %swap3A_198 = arith.index_cast %add3A_197 : i32 to index
          %swap3A_199 = arith.constant 176 : index
          %swap3A_200 = tpu.vector_load %arg8[%swap3A_198, %swap3A_199] {strides = array<i32>} : memref<128x256xf32, #tpu.memory_space<vmem>>, vector<1x16xf32>,
          %swap3A_201 = vector.shape_cast %swap3A_200 : vector<1x16xf32> to vector<16xf32>
          %swap3A_202 = vector.shape_cast %mul3A_195 : vector<16xf32> to vector<1x16xf32>
          tpu.vector_store %arg8[%swap3A_198, %swap3A_199], %swap3A_202 {strides = array<i32>} : memref<128x256xf32, #tpu.memory_space<vmem>>, vector<1x16xf32>,
          %add3A_203 = arith.constant 0 : i32
          %add3A_204 = arith.addi %mul3A_35, %add3A_203 : i32
          %get3A_205 = arith.index_cast %add3A_204 : i32 to index
          %get3A_206 = arith.constant 192 : index
          %get3A_207 = tpu.vector_load %arg8[%get3A_205, %get3A_206] {strides = array<i32>} : memref<128x256xf32, #tpu.memory_space<vmem>>, vector<1x16xf32>,
          %get3A_208 = vector.shape_cast %get3A_207 : vector<1x16xf32> to vector<16xf32>
          %mul3A_209 = arith.mulf %get3A_208, %broadcast_in_dim3A : vector<16xf32>
          %add3A_210 = arith.constant 0 : i32
          %add3A_211 = arith.addi %mul3A_35, %add3A_210 : i32
          %swap3A_212 = arith.index_cast %add3A_211 : i32 to index
          %swap3A_213 = arith.constant 192 : index
          %swap3A_214 = tpu.vector_load %arg8[%swap3A_212, %swap3A_213] {strides = array<i32>} : memref<128x256xf32, #tpu.memory_space<vmem>>, vector<1x16xf32>,
          %swap3A_215 = vector.shape_cast %swap3A_214 : vector<1x16xf32> to vector<16xf32>
          %swap3A_216 = vector.shape_cast %mul3A_209 : vector<16xf32> to vector<1x16xf32>
          tpu.vector_store %arg8[%swap3A_212, %swap3A_213], %swap3A_216 {strides = array<i32>} : memref<128x256xf32, #tpu.memory_space<vmem>>, vector<1x16xf32>,
          %add3A_217 = arith.constant 0 : i32
          %add3A_218 = arith.addi %mul3A_35, %add3A_217 : i32
          %get3A_219 = arith.index_cast %add3A_218 : i32 to index
          %get3A_220 = arith.constant 208 : index
          %get3A_221 = tpu.vector_load %arg8[%get3A_219, %get3A_220] {strides = array<i32>} : memref<128x256xf32, #tpu.memory_space<vmem>>, vector<1x16xf32>,
          %get3A_222 = vector.shape_cast %get3A_221 : vector<1x16xf32> to vector<16xf32>
          %mul3A_223 = arith.mulf %get3A_222, %broadcast_in_dim3A : vector<16xf32>
          %add3A_224 = arith.constant 0 : i32
          %add3A_225 = arith.addi %mul3A_35, %add3A_224 : i32
          %swap3A_226 = arith.index_cast %add3A_225 : i32 to index
          %swap3A_227 = arith.constant 208 : index
          %swap3A_228 = tpu.vector_load %arg8[%swap3A_226, %swap3A_227] {strides = array<i32>} : memref<128x256xf32, #tpu.memory_space<vmem>>, vector<1x16xf32>,
          %swap3A_229 = vector.shape_cast %swap3A_228 : vector<1x16xf32> to vector<16xf32>
          %swap3A_230 = vector.shape_cast %mul3A_223 : vector<16xf32> to vector<1x16xf32>
          tpu.vector_store %arg8[%swap3A_226, %swap3A_227], %swap3A_230 {strides = array<i32>} : memref<128x256xf32, #tpu.memory_space<vmem>>, vector<1x16xf32>,
          %add3A_231 = arith.constant 0 : i32
          %add3A_232 = arith.addi %mul3A_35, %add3A_231 : i32
          %get3A_233 = arith.index_cast %add3A_232 : i32 to index
          %get3A_234 = arith.constant 224 : index
          %get3A_235 = tpu.vector_load %arg8[%get3A_233, %get3A_234] {strides = array<i32>} : memref<128x256xf32, #tpu.memory_space<vmem>>, vector<1x16xf32>,
          %get3A_236 = vector.shape_cast %get3A_235 : vector<1x16xf32> to vector<16xf32>
          %mul3A_237 = arith.mulf %get3A_236, %broadcast_in_dim3A : vector<16xf32>
          %add3A_238 = arith.constant 0 : i32
          %add3A_239 = arith.addi %mul3A_35, %add3A_238 : i32
          %swap3A_240 = arith.index_cast %add3A_239 : i32 to index
          %swap3A_241 = arith.constant 224 : index
          %swap3A_242 = tpu.vector_load %arg8[%swap3A_240, %swap3A_241] {strides = array<i32>} : memref<128x256xf32, #tpu.memory_space<vmem>>, vector<1x16xf32>,
          %swap3A_243 = vector.shape_cast %swap3A_242 : vector<1x16xf32> to vector<16xf32>
          %swap3A_244 = vector.shape_cast %mul3A_237 : vector<16xf32> to vector<1x16xf32>
          tpu.vector_store %arg8[%swap3A_240, %swap3A_241], %swap3A_244 {strides = array<i32>} : memref<128x256xf32, #tpu.memory_space<vmem>>, vector<1x16xf32>,
          %add3A_245 = arith.constant 0 : i32
          %add3A_246 = arith.addi %mul3A_35, %add3A_245 : i32
          %get3A_247 = arith.index_cast %add3A_246 : i32 to index
          %get3A_248 = arith.constant 240 : index
          %get3A_249 = tpu.vector_load %arg8[%get3A_247, %get3A_248] {strides = array<i32>} : memref<128x256xf32, #tpu.memory_space<vmem>>, vector<1x16xf32>,
          %get3A_250 = vector.shape_cast %get3A_249 : vector<1x16xf32> to vector<16xf32>
          %mul3A_251 = arith.mulf %get3A_250, %broadcast_in_dim3A : vector<16xf32>
          %add3A_252 = arith.constant 0 : i32
          %add3A_253 = arith.addi %mul3A_35, %add3A_252 : i32
          %swap3A_254 = arith.index_cast %add3A_253 : i32 to index
          %swap3A_255 = arith.constant 240 : index
          %swap3A_256 = tpu.vector_load %arg8[%swap3A_254, %swap3A_255] {strides = array<i32>} : memref<128x256xf32, #tpu.memory_space<vmem>>, vector<1x16xf32>,
          %swap3A_257 = vector.shape_cast %swap3A_256 : vector<1x16xf32> to vector<16xf32>
          %swap3A_258 = vector.shape_cast %mul3A_251 : vector<16xf32> to vector<1x16xf32>
          tpu.vector_store %arg8[%swap3A_254, %swap3A_255], %swap3A_258 {strides = array<i32>} : memref<128x256xf32, #tpu.memory_space<vmem>>, vector<1x16xf32>,
          %slice3A_259 = vector.extract_strided_slice %get3A_33 {offsets = [1], sizes = [1], strides = [1]} : vector<16xf32> to vector<1xf32>
          %squeeze3A_260 = vector.extract %slice3A_259[0] : f32 from vector<1xf32>
          %broadcast_in_dim3A_261 = vector.broadcast %squeeze3A_260 : f32 to vector<16xf32>
          %add3A_262 = arith.constant 1 : i32
          %add3A_263 = arith.addi %mul3A_35, %add3A_262 : i32
          %get3A_264 = arith.index_cast %add3A_263 : i32 to index
          %get3A_265 = arith.constant 0 : index
          %get3A_266 = tpu.vector_load %arg8[%get3A_264, %get3A_265] {strides = array<i32>} : memref<128x256xf32, #tpu.memory_space<vmem>>, vector<1x16xf32>,
          %get3A_267 = vector.shape_cast %get3A_266 : vector<1x16xf32> to vector<16xf32>
          %mul3A_268 = arith.mulf %get3A_267, %broadcast_in_dim3A_261 : vector<16xf32>
          %add3A_269 = arith.constant 1 : i32
          %add3A_270 = arith.addi %mul3A_35, %add3A_269 : i32
          %swap3A_271 = arith.index_cast %add3A_270 : i32 to index
          %swap3A_272 = arith.constant 0 : index
          %swap3A_273 = tpu.vector_load %arg8[%swap3A_271, %swap3A_272] {strides = array<i32>} : memref<128x256xf32, #tpu.memory_space<vmem>>, vector<1x16xf32>,
          %swap3A_274 = vector.shape_cast %swap3A_273 : vector<1x16xf32> to vector<16xf32>
          %swap3A_275 = vector.shape_cast %mul3A_268 : vector<16xf32> to vector<1x16xf32>
          tpu.vector_store %arg8[%swap3A_271, %swap3A_272], %swap3A_275 {strides = array<i32>} : memref<128x256xf32, #tpu.memory_space<vmem>>, vector<1x16xf32>,
          %add3A_276 = arith.constant 1 : i32
          %add3A_277 = arith.addi %mul3A_35, %add3A_276 : i32
          %get3A_278 = arith.index_cast %add3A_277 : i32 to index
          %get3A_279 = arith.constant 16 : index
          %get3A_280 = tpu.vector_load %arg8[%get3A_278, %get3A_279] {strides = array<i32>} : memref<128x256xf32, #tpu.memory_space<vmem>>, vector<1x16xf32>,
          %get3A_281 = vector.shape_cast %get3A_280 : vector<1x16xf32> to vector<16xf32>
          %mul3A_282 = arith.mulf %get3A_281, %broadcast_in_dim3A_261 : vector<16xf32>
          %add3A_283 = arith.constant 1 : i32
          %add3A_284 = arith.addi %mul3A_35, %add3A_283 : i32
          %swap3A_285 = arith.index_cast %add3A_284 : i32 to index
          %swap3A_286 = arith.constant 16 : index
          %swap3A_287 = tpu.vector_load %arg8[%swap3A_285, %swap3A_286] {strides = array<i32>} : memref<128x256xf32, #tpu.memory_space<vmem>>, vector<1x16xf32>,
          %swap3A_288 = vector.shape_cast %swap3A_287 : vector<1x16xf32> to vector<16xf32>
          %swap3A_289 = vector.shape_cast %mul3A_282 : vector<16xf32> to vector<1x16xf32>
          tpu.vector_store %arg8[%swap3A_285, %swap3A_286], %swap3A_289 {strides = array<i32>} : memref<128x256xf32, #tpu.memory_space<vmem>>, vector<1x16xf32>,
          %add3A_290 = arith.constant 1 : i32
          %add3A_291 = arith.addi %mul3A_35, %add3A_290 : i32
          %get3A_292 = arith.index_cast %add3A_291 : i32 to index
          %get3A_293 = arith.constant 32 : index
          %get3A_294 = tpu.vector_load %arg8[%get3A_292, %get3A_293] {strides = array<i32>} : memref<128x256xf32, #tpu.memory_space<vmem>>, vector<1x16xf32>,
          %get3A_295 = vector.shape_cast %get3A_294 : vector<1x16xf32> to vector<16xf32>
          %mul3A_296 = arith.mulf %get3A_295, %broadcast_in_dim3A_261 : vector<16xf32>
          %add3A_297 = arith.constant 1 : i32
          %add3A_298 = arith.addi %mul3A_35, %add3A_297 : i32
          %swap3A_299 = arith.index_cast %add3A_298 : i32 to index
          %swap3A_300 = arith.constant 32 : index
          %swap3A_301 = tpu.vector_load %arg8[%swap3A_299, %swap3A_300] {strides = array<i32>} : memref<128x256xf32, #tpu.memory_space<vmem>>, vector<1x16xf32>,
          %swap3A_302 = vector.shape_cast %swap3A_301 : vector<1x16xf32> to vector<16xf32>
          %swap3A_303 = vector.shape_cast %mul3A_296 : vector<16xf32> to vector<1x16xf32>
          tpu.vector_store %arg8[%swap3A_299, %swap3A_300], %swap3A_303 {strides = array<i32>} : memref<128x256xf32, #tpu.memory_space<vmem>>, vector<1x16xf32>,
          %add3A_304 = arith.constant 1 : i32
          %add3A_305 = arith.addi %mul3A_35, %add3A_304 : i32
          %get3A_306 = arith.index_cast %add3A_305 : i32 to index
          %get3A_307 = arith.constant 48 : index
          %get3A_308 = tpu.vector_load %arg8[%get3A_306, %get3A_307] {strides = array<i32>} : memref<128x256xf32, #tpu.memory_space<vmem>>, vector<1x16xf32>,
          %get3A_309 = vector.shape_cast %get3A_308 : vector<1x16xf32> to vector<16xf32>
          %mul3A_310 = arith.mulf %get3A_309, %broadcast_in_dim3A_261 : vector<16xf32>
          %add3A_311 = arith.constant 1 : i32
          %add3A_312 = arith.addi %mul3A_35, %add3A_311 : i32
          %swap3A_313 = arith.index_cast %add3A_312 : i32 to index
          %swap3A_314 = arith.constant 48 : index
          %swap3A_315 = tpu.vector_load %arg8[%swap3A_313, %swap3A_314] {strides = array<i32>} : memref<128x256xf32, #tpu.memory_space<vmem>>, vector<1x16xf32>,
          %swap3A_316 = vector.shape_cast %swap3A_315 : vector<1x16xf32> to vector<16xf32>
          %swap3A_317 = vector.shape_cast %mul3A_310 : vector<16xf32> to vector<1x16xf32>
          tpu.vector_store %arg8[%swap3A_313, %swap3A_314], %swap3A_317 {strides = array<i32>} : memref<128x256xf32, #tpu.memory_space<vmem>>, vector<1x16xf32>,
          %add3A_318 = arith.constant 1 : i32
          %add3A_319 = arith.addi %mul3A_35, %add3A_318 : i32
          %get3A_320 = arith.index_cast %add3A_319 : i32 to index
          %get3A_321 = arith.constant 64 : index
          %get3A_322 = tpu.vector_load %arg8[%get3A_320, %get3A_321] {strides = array<i32>} : memref<128x256xf32, #tpu.memory_space<vmem>>, vector<1x16xf32>,
          %get3A_323 = vector.shape_cast %get3A_322 : vector<1x16xf32> to vector<16xf32>
          %mul3A_324 = arith.mulf %get3A_323, %broadcast_in_dim3A_261 : vector<16xf32>
          %add3A_325 = arith.constant 1 : i32
          %add3A_326 = arith.addi %mul3A_35, %add3A_325 : i32
          %swap3A_327 = arith.index_cast %add3A_326 : i32 to index
          %swap3A_328 = arith.constant 64 : index
          %swap3A_329 = tpu.vector_load %arg8[%swap3A_327, %swap3A_328] {strides = array<i32>} : memref<128x256xf32, #tpu.memory_space<vmem>>, vector<1x16xf32>,
          %swap3A_330 = vector.shape_cast %swap3A_329 : vector<1x16xf32> to vector<16xf32>
          %swap3A_331 = vector.shape_cast %mul3A_324 : vector<16xf32> to vector<1x16xf32>
          tpu.vector_store %arg8[%swap3A_327, %swap3A_328], %swap3A_331 {strides = array<i32>} : memref<128x256xf32, #tpu.memory_space<vmem>>, vector<1x16xf32>,
          %add3A_332 = arith.constant 1 : i32
          %add3A_333 = arith.addi %mul3A_35, %add3A_332 : i32
          %get3A_334 = arith.index_cast %add3A_333 : i32 to index
          %get3A_335 = arith.constant 80 : index
          %get3A_336 = tpu.vector_load %arg8[%get3A_334, %get3A_335] {strides = array<i32>} : memref<128x256xf32, #tpu.memory_space<vmem>>, vector<1x16xf32>,
          %get3A_337 = vector.shape_cast %get3A_336 : vector<1x16xf32> to vector<16xf32>
          %mul3A_338 = arith.mulf %get3A_337, %broadcast_in_dim3A_261 : vector<16xf32>
          %add3A_339 = arith.constant 1 : i32
          %add3A_340 = arith.addi %mul3A_35, %add3A_339 : i32
          %swap3A_341 = arith.index_cast %add3A_340 : i32 to index
          %swap3A_342 = arith.constant 80 : index
          %swap3A_343 = tpu.vector_load %arg8[%swap3A_341, %swap3A_342] {strides = array<i32>} : memref<128x256xf32, #tpu.memory_space<vmem>>, vector<1x16xf32>,
          %swap3A_344 = vector.shape_cast %swap3A_343 : vector<1x16xf32> to vector<16xf32>
          %swap3A_345 = vector.shape_cast %mul3A_338 : vector<16xf32> to vector<1x16xf32>
          tpu.vector_store %arg8[%swap3A_341, %swap3A_342], %swap3A_345 {strides = array<i32>} : memref<128x256xf32, #tpu.memory_space<vmem>>, vector<1x16xf32>,
          %add3A_346 = arith.constant 1 : i32
          %add3A_347 = arith.addi %mul3A_35, %add3A_346 : i32
          %get3A_348 = arith.index_cast %add3A_347 : i32 to index
          %get3A_349 = arith.constant 96 : index
          %get3A_350 = tpu.vector_load %arg8[%get3A_348, %get3A_349] {strides = array<i32>} : memref<128x256xf32, #tpu.memory_space<vmem>>, vector<1x16xf32>,
          %get3A_351 = vector.shape_cast %get3A_350 : vector<1x16xf32> to vector<16xf32>
          %mul3A_352 = arith.mulf %get3A_351, %broadcast_in_dim3A_261 : vector<16xf32>
          %add3A_353 = arith.constant 1 : i32
          %add3A_354 = arith.addi %mul3A_35, %add3A_353 : i32
          %swap3A_355 = arith.index_cast %add3A_354 : i32 to index
          %swap3A_356 = arith.constant 96 : index
          %swap3A_357 = tpu.vector_load %arg8[%swap3A_355, %swap3A_356] {strides = array<i32>} : memref<128x256xf32, #tpu.memory_space<vmem>>, vector<1x16xf32>,
          %swap3A_358 = vector.shape_cast %swap3A_357 : vector<1x16xf32> to vector<16xf32>
          %swap3A_359 = vector.shape_cast %mul3A_352 : vector<16xf32> to vector<1x16xf32>
          tpu.vector_store %arg8[%swap3A_355, %swap3A_356], %swap3A_359 {strides = array<i32>} : memref<128x256xf32, #tpu.memory_space<vmem>>, vector<1x16xf32>,
          %add3A_360 = arith.constant 1 : i32
          %add3A_361 = arith.addi %mul3A_35, %add3A_360 : i32
          %get3A_362 = arith.index_cast %add3A_361 : i32 to index
          %get3A_363 = arith.constant 112 : index
          %get3A_364 = tpu.vector_load %arg8[%get3A_362, %get3A_363] {strides = array<i32>} : memref<128x256xf32, #tpu.memory_space<vmem>>, vector<1x16xf32>,
          %get3A_365 = vector.shape_cast %get3A_364 : vector<1x16xf32> to vector<16xf32>
          %mul3A_366 = arith.mulf %get3A_365, %broadcast_in_dim3A_261 : vector<16xf32>
          %add3A_367 = arith.constant 1 : i32
          %add3A_368 = arith.addi %mul3A_35, %add3A_367 : i32
          %swap3A_369 = arith.index_cast %add3A_368 : i32 to index
          %swap3A_370 = arith.constant 112 : index
          %swap3A_371 = tpu.vector_load %arg8[%swap3A_369, %swap3A_370] {strides = array<i32>} : memref<128x256xf32, #tpu.memory_space<vmem>>, vector<1x16xf32>,
          %swap3A_372 = vector.shape_cast %swap3A_371 : vector<1x16xf32> to vector<16xf32>
          %swap3A_373 = vector.shape_cast %mul3A_366 : vector<16xf32> to vector<1x16xf32>
          tpu.vector_store %arg8[%swap3A_369, %swap3A_370], %swap3A_373 {strides = array<i32>} : memref<128x256xf32, #tpu.memory_space<vmem>>, vector<1x16xf32>,
          %add3A_374 = arith.constant 1 : i32
          %add3A_375 = arith.addi %mul3A_35, %add3A_374 : i32
          %get3A_376 = arith.index_cast %add3A_375 : i32 to index
          %get3A_377 = arith.constant 128 : index
          %get3A_378 = tpu.vector_load %arg8[%get3A_376, %get3A_377] {strides = array<i32>} : memref<128x256xf32, #tpu.memory_space<vmem>>, vector<1x16xf32>,
          %get3A_379 = vector.shape_cast %get3A_378 : vector<1x16xf32> to vector<16xf32>
          %mul3A_380 = arith.mulf %get3A_379, %broadcast_in_dim3A_261 : vector<16xf32>
          %add3A_381 = arith.constant 1 : i32
          %add3A_382 = arith.addi %mul3A_35, %add3A_381 : i32
          %swap3A_383 = arith.index_cast %add3A_382 : i32 to index
          %swap3A_384 = arith.constant 128 : index
          %swap3A_385 = tpu.vector_load %arg8[%swap3A_383, %swap3A_384] {strides = array<i32>} : memref<128x256xf32, #tpu.memory_space<vmem>>, vector<1x16xf32>,
          %swap3A_386 = vector.shape_cast %swap3A_385 : vector<1x16xf32> to vector<16xf32>
          %swap3A_387 = vector.shape_cast %mul3A_380 : vector<16xf32> to vector<1x16xf32>
          tpu.vector_store %arg8[%swap3A_383, %swap3A_384], %swap3A_387 {strides = array<i32>} : memref<128x256xf32, #tpu.memory_space<vmem>>, vector<1x16xf32>,
          %add3A_388 = arith.constant 1 : i32
          %add3A_389 = arith.addi %mul3A_35, %add3A_388 : i32
          %get3A_390 = arith.index_cast %add3A_389 : i32 to index
          %get3A_391 = arith.constant 144 : index
          %get3A_392 = tpu.vector_load %arg8[%get3A_390, %get3A_391] {strides = array<i32>} : memref<128x256xf32, #tpu.memory_space<vmem>>, vector<1x16xf32>,
          %get3A_393 = vector.shape_cast %get3A_392 : vector<1x16xf32> to vector<16xf32>
          %mul3A_394 = arith.mulf %get3A_393, %broadcast_in_dim3A_261 : vector<16xf32>
          %add3A_395 = arith.constant 1 : i32
          %add3A_396 = arith.addi %mul3A_35, %add3A_395 : i32
          %swap3A_397 = arith.index_cast %add3A_396 : i32 to index
          %swap3A_398 = arith.constant 144 : index
          %swap3A_399 = tpu.vector_load %arg8[%swap3A_397, %swap3A_398] {strides = array<i32>} : memref<128x256xf32, #tpu.memory_space<vmem>>, vector<1x16xf32>,
          %swap3A_400 = vector.shape_cast %swap3A_399 : vector<1x16xf32> to vector<16xf32>
          %swap3A_401 = vector.shape_cast %mul3A_394 : vector<16xf32> to vector<1x16xf32>
          tpu.vector_store %arg8[%swap3A_397, %swap3A_398], %swap3A_401 {strides = array<i32>} : memref<128x256xf32, #tpu.memory_space<vmem>>, vector<1x16xf32>,
          %add3A_402 = arith.constant 1 : i32
          %add3A_403 = arith.addi %mul3A_35, %add3A_402 : i32
          %get3A_404 = arith.index_cast %add3A_403 : i32 to index
          %get3A_405 = arith.constant 160 : index
          %get3A_406 = tpu.vector_load %arg8[%get3A_404, %get3A_405] {strides = array<i32>} : memref<128x256xf32, #tpu.memory_space<vmem>>, vector<1x16xf32>,
          %get3A_407 = vector.shape_cast %get3A_406 : vector<1x16xf32> to vector<16xf32>
          %mul3A_408 = arith.mulf %get3A_407, %broadcast_in_dim3A_261 : vector<16xf32>
          %add3A_409 = arith.constant 1 : i32
          %add3A_410 = arith.addi %mul3A_35, %add3A_409 : i32
          %swap3A_411 = arith.index_cast %add3A_410 : i32 to index
          %swap3A_412 = arith.constant 160 : index
          %swap3A_413 = tpu.vector_load %arg8[%swap3A_411, %swap3A_412] {strides = array<i32>} : memref<128x256xf32, #tpu.memory_space<vmem>>, vector<1x16xf32>,
          %swap3A_414 = vector.shape_cast %swap3A_413 : vector<1x16xf32> to vector<16xf32>
          %swap3A_415 = vector.shape_cast %mul3A_408 : vector<16xf32> to vector<1x16xf32>
          tpu.vector_store %arg8[%swap3A_411, %swap3A_412], %swap3A_415 {strides = array<i32>} : memref<128x256xf32, #tpu.memory_space<vmem>>, vector<1x16xf32>,
          %add3A_416 = arith.constant 1 : i32
          %add3A_417 = arith.addi %mul3A_35, %add3A_416 : i32
          %get3A_418 = arith.index_cast %add3A_417 : i32 to index
          %get3A_419 = arith.constant 176 : index
          %get3A_420 = tpu.vector_load %arg8[%get3A_418, %get3A_419] {strides = array<i32>} : memref<128x256xf32, #tpu.memory_space<vmem>>, vector<1x16xf32>,
          %get3A_421 = vector.shape_cast %get3A_420 : vector<1x16xf32> to vector<16xf32>
          %mul3A_422 = arith.mulf %get3A_421, %broadcast_in_dim3A_261 : vector<16xf32>
          %add3A_423 = arith.constant 1 : i32
          %add3A_424 = arith.addi %mul3A_35, %add3A_423 : i32
          %swap3A_425 = arith.index_cast %add3A_424 : i32 to index
          %swap3A_426 = arith.constant 176 : index
          %swap3A_427 = tpu.vector_load %arg8[%swap3A_425, %swap3A_426] {strides = array<i32>} : memref<128x256xf32, #tpu.memory_space<vmem>>, vector<1x16xf32>,
          %swap3A_428 = vector.shape_cast %swap3A_427 : vector<1x16xf32> to vector<16xf32>
          %swap3A_429 = vector.shape_cast %mul3A_422 : vector<16xf32> to vector<1x16xf32>
          tpu.vector_store %arg8[%swap3A_425, %swap3A_426], %swap3A_429 {strides = array<i32>} : memref<128x256xf32, #tpu.memory_space<vmem>>, vector<1x16xf32>,
          %add3A_430 = arith.constant 1 : i32
          %add3A_431 = arith.addi %mul3A_35, %add3A_430 : i32
          %get3A_432 = arith.index_cast %add3A_431 : i32 to index
          %get3A_433 = arith.constant 192 : index
          %get3A_434 = tpu.vector_load %arg8[%get3A_432, %get3A_433] {strides = array<i32>} : memref<128x256xf32, #tpu.memory_space<vmem>>, vector<1x16xf32>,
          %get3A_435 = vector.shape_cast %get3A_434 : vector<1x16xf32> to vector<16xf32>
          %mul3A_436 = arith.mulf %get3A_435, %broadcast_in_dim3A_261 : vector<16xf32>
          %add3A_437 = arith.constant 1 : i32
          %add3A_438 = arith.addi %mul3A_35, %add3A_437 : i32
          %swap3A_439 = arith.index_cast %add3A_438 : i32 to index
          %swap3A_440 = arith.constant 192 : index
          %swap3A_441 = tpu.vector_load %arg8[%swap3A_439, %swap3A_440] {strides = array<i32>} : memref<128x256xf32, #tpu.memory_space<vmem>>, vector<1x16xf32>,
          %swap3A_442 = vector.shape_cast %swap3A_441 : vector<1x16xf32> to vector<16xf32>
          %swap3A_443 = vector.shape_cast %mul3A_436 : vector<16xf32> to vector<1x16xf32>
          tpu.vector_store %arg8[%swap3A_439, %swap3A_440], %swap3A_443 {strides = array<i32>} : memref<128x256xf32, #tpu.memory_space<vmem>>, vector<1x16xf32>,
          %add3A_444 = arith.constant 1 : i32
          %add3A_445 = arith.addi %mul3A_35, %add3A_444 : i32
          %get3A_446 = arith.index_cast %add3A_445 : i32 to index
          %get3A_447 = arith.constant 208 : index
          %get3A_448 = tpu.vector_load %arg8[%get3A_446, %get3A_447] {strides = array<i32>} : memref<128x256xf32, #tpu.memory_space<vmem>>, vector<1x16xf32>,
          %get3A_449 = vector.shape_cast %get3A_448 : vector<1x16xf32> to vector<16xf32>
          %mul3A_450 = arith.mulf %get3A_449, %broadcast_in_dim3A_261 : vector<16xf32>
          %add3A_451 = arith.constant 1 : i32
          %add3A_452 = arith.addi %mul3A_35, %add3A_451 : i32
          %swap3A_453 = arith.index_cast %add3A_452 : i32 to index
          %swap3A_454 = arith.constant 208 : index
          %swap3A_455 = tpu.vector_load %arg8[%swap3A_453, %swap3A_454] {strides = array<i32>} : memref<128x256xf32, #tpu.memory_space<vmem>>, vector<1x16xf32>,
          %swap3A_456 = vector.shape_cast %swap3A_455 : vector<1x16xf32> to vector<16xf32>
          %swap3A_457 = vector.shape_cast %mul3A_450 : vector<16xf32> to vector<1x16xf32>
          tpu.vector_store %arg8[%swap3A_453, %swap3A_454], %swap3A_457 {strides = array<i32>} : memref<128x256xf32, #tpu.memory_space<vmem>>, vector<1x16xf32>,
          %add3A_458 = arith.constant 1 : i32
          %add3A_459 = arith.addi %mul3A_35, %add3A_458 : i32
          %get3A_460 = arith.index_cast %add3A_459 : i32 to index
          %get3A_461 = arith.constant 224 : index
          %get3A_462 = tpu.vector_load %arg8[%get3A_460, %get3A_461] {strides = array<i32>} : memref<128x256xf32, #tpu.memory_space<vmem>>, vector<1x16xf32>,
          %get3A_463 = vector.shape_cast %get3A_462 : vector<1x16xf32> to vector<16xf32>
          %mul3A_464 = arith.mulf %get3A_463, %broadcast_in_dim3A_261 : vector<16xf32>
          %add3A_465 = arith.constant 1 : i32
          %add3A_466 = arith.addi %mul3A_35, %add3A_465 : i32
          %swap3A_467 = arith.index_cast %add3A_466 : i32 to index
          %swap3A_468 = arith.constant 224 : index
          %swap3A_469 = tpu.vector_load %arg8[%swap3A_467, %swap3A_468] {strides = array<i32>} : memref<128x256xf32, #tpu.memory_space<vmem>>, vector<1x16xf32>,
          %swap3A_470 = vector.shape_cast %swap3A_469 : vector<1x16xf32> to vector<16xf32>
          %swap3A_471 = vector.shape_cast %mul3A_464 : vector<16xf32> to vector<1x16xf32>
          tpu.vector_store %arg8[%swap3A_467, %swap3A_468], %swap3A_471 {strides = array<i32>} : memref<128x256xf32, #tpu.memory_space<vmem>>, vector<1x16xf32>,
          %add3A_472 = arith.constant 1 : i32
          %add3A_473 = arith.addi %mul3A_35, %add3A_472 : i32
          %get3A_474 = arith.index_cast %add3A_473 : i32 to index
          %get3A_475 = arith.constant 240 : index
          %get3A_476 = tpu.vector_load %arg8[%get3A_474, %get3A_475] {strides = array<i32>} : memref<128x256xf32, #tpu.memory_space<vmem>>, vector<1x16xf32>,
          %get3A_477 = vector.shape_cast %get3A_476 : vector<1x16xf32> to vector<16xf32>
          %mul3A_478 = arith.mulf %get3A_477, %broadcast_in_dim3A_261 : vector<16xf32>
          %add3A_479 = arith.constant 1 : i32
          %add3A_480 = arith.addi %mul3A_35, %add3A_479 : i32
          %swap3A_481 = arith.index_cast %add3A_480 : i32 to index
          %swap3A_482 = arith.constant 240 : index
          %swap3A_483 = tpu.vector_load %arg8[%swap3A_481, %swap3A_482] {strides = array<i32>} : memref<128x256xf32, #tpu.memory_space<vmem>>, vector<1x16xf32>,
          %swap3A_484 = vector.shape_cast %swap3A_483 : vector<1x16xf32> to vector<16xf32>
          %swap3A_485 = vector.shape_cast %mul3A_478 : vector<16xf32> to vector<1x16xf32>
          tpu.vector_store %arg8[%swap3A_481, %swap3A_482], %swap3A_485 {strides = array<i32>} : memref<128x256xf32, #tpu.memory_space<vmem>>, vector<1x16xf32>,
          %slice3A_486 = vector.extract_strided_slice %get3A_33 {offsets = [2], sizes = [1], strides = [1]} : vector<16xf32> to vector<1xf32>
          %squeeze3A_487 = vector.extract %slice3A_486[0] : f32 from vector<1xf32>
          %broadcast_in_dim3A_488 = vector.broadcast %squeeze3A_487 : f32 to vector<16xf32>
          %add3A_489 = arith.constant 2 : i32
          %add3A_490 = arith.addi %mul3A_35, %add3A_489 : i32
          %get3A_491 = arith.index_cast %add3A_490 : i32 to index
          %get3A_492 = arith.constant 0 : index
          %get3A_493 = tpu.vector_load %arg8[%get3A_491, %get3A_492] {strides = array<i32>} : memref<128x256xf32, #tpu.memory_space<vmem>>, vector<1x16xf32>,
          %get3A_494 = vector.shape_cast %get3A_493 : vector<1x16xf32> to vector<16xf32>
          %mul3A_495 = arith.mulf %get3A_494, %broadcast_in_dim3A_488 : vector<16xf32>
          %add3A_496 = arith.constant 2 : i32
          %add3A_497 = arith.addi %mul3A_35, %add3A_496 : i32
          %swap3A_498 = arith.index_cast %add3A_497 : i32 to index
          %swap3A_499 = arith.constant 0 : index
          %swap3A_500 = tpu.vector_load %arg8[%swap3A_498, %swap3A_499] {strides = array<i32>} : memref<128x256xf32, #tpu.memory_space<vmem>>, vector<1x16xf32>,
          %swap3A_501 = vector.shape_cast %swap3A_500 : vector<1x16xf32> to vector<16xf32>
          %swap3A_502 = vector.shape_cast %mul3A_495 : vector<16xf32> to vector<1x16xf32>
          tpu.vector_store %arg8[%swap3A_498, %swap3A_499], %swap3A_502 {strides = array<i32>} : memref<128x256xf32, #tpu.memory_space<vmem>>, vector<1x16xf32>,
          %add3A_503 = arith.constant 2 : i32
          %add3A_504 = arith.addi %mul3A_35, %add3A_503 : i32
          %get3A_505 = arith.index_cast %add3A_504 : i32 to index
          %get3A_506 = arith.constant 16 : index
          %get3A_507 = tpu.vector_load %arg8[%get3A_505, %get3A_506] {strides = array<i32>} : memref<128x256xf32, #tpu.memory_space<vmem>>, vector<1x16xf32>,
          %get3A_508 = vector.shape_cast %get3A_507 : vector<1x16xf32> to vector<16xf32>
          %mul3A_509 = arith.mulf %get3A_508, %broadcast_in_dim3A_488 : vector<16xf32>
          %add3A_510 = arith.constant 2 : i32
          %add3A_511 = arith.addi %mul3A_35, %add3A_510 : i32
          %swap3A_512 = arith.index_cast %add3A_511 : i32 to index
          %swap3A_513 = arith.constant 16 : index
          %swap3A_514 = tpu.vector_load %arg8[%swap3A_512, %swap3A_513] {strides = array<i32>} : memref<128x256xf32, #tpu.memory_space<vmem>>, vector<1x16xf32>,
          %swap3A_515 = vector.shape_cast %swap3A_514 : vector<1x16xf32> to vector<16xf32>
          %swap3A_516 = vector.shape_cast %mul3A_509 : vector<16xf32> to vector<1x16xf32>
          tpu.vector_store %arg8[%swap3A_512, %swap3A_513], %swap3A_516 {strides = array<i32>} : memref<128x256xf32, #tpu.memory_space<vmem>>, vector<1x16xf32>,
          %add3A_517 = arith.constant 2 : i32
          %add3A_518 = arith.addi %mul3A_35, %add3A_517 : i32
          %get3A_519 = arith.index_cast %add3A_518 : i32 to index
          %get3A_520 = arith.constant 32 : index
          %get3A_521 = tpu.vector_load %arg8[%get3A_519, %get3A_520] {strides = array<i32>} : memref<128x256xf32, #tpu.memory_space<vmem>>, vector<1x16xf32>,
          %get3A_522 = vector.shape_cast %get3A_521 : vector<1x16xf32> to vector<16xf32>
          %mul3A_523 = arith.mulf %get3A_522, %broadcast_in_dim3A_488 : vector<16xf32>
          %add3A_524 = arith.constant 2 : i32
          %add3A_525 = arith.addi %mul3A_35, %add3A_524 : i32
          %swap3A_526 = arith.index_cast %add3A_525 : i32 to index
          %swap3A_527 = arith.constant 32 : index
          %swap3A_528 = tpu.vector_load %arg8[%swap3A_526, %swap3A_527] {strides = array<i32>} : memref<128x256xf32, #tpu.memory_space<vmem>>, vector<1x16xf32>,
          %swap3A_529 = vector.shape_cast %swap3A_528 : vector<1x16xf32> to vector<16xf32>
          %swap3A_530 = vector.shape_cast %mul3A_523 : vector<16xf32> to vector<1x16xf32>
          tpu.vector_store %arg8[%swap3A_526, %swap3A_527], %swap3A_530 {strides = array<i32>} : memref<128x256xf32, #tpu.memory_space<vmem>>, vector<1x16xf32>,
          %add3A_531 = arith.constant 2 : i32
          %add3A_532 = arith.addi %mul3A_35, %add3A_531 : i32
          %get3A_533 = arith.index_cast %add3A_532 : i32 to index
          %get3A_534 = arith.constant 48 : index
          %get3A_535 = tpu.vector_load %arg8[%get3A_533, %get3A_534] {strides = array<i32>} : memref<128x256xf32, #tpu.memory_space<vmem>>, vector<1x16xf32>,
          %get3A_536 = vector.shape_cast %get3A_535 : vector<1x16xf32> to vector<16xf32>
          %mul3A_537 = arith.mulf %get3A_536, %broadcast_in_dim3A_488 : vector<16xf32>
          %add3A_538 = arith.constant 2 : i32
          %add3A_539 = arith.addi %mul3A_35, %add3A_538 : i32
          %swap3A_540 = arith.index_cast %add3A_539 : i32 to index
          %swap3A_541 = arith.constant 48 : index
          %swap3A_542 = tpu.vector_load %arg8[%swap3A_540, %swap3A_541] {strides = array<i32>} : memref<128x256xf32, #tpu.memory_space<vmem>>, vector<1x16xf32>,
          %swap3A_543 = vector.shape_cast %swap3A_542 : vector<1x16xf32> to vector<16xf32>
          %swap3A_544 = vector.shape_cast %mul3A_537 : vector<16xf32> to vector<1x16xf32>
          tpu.vector_store %arg8[%swap3A_540, %swap3A_541], %swap3A_544 {strides = array<i32>} : memref<128x256xf32, #tpu.memory_space<vmem>>, vector<1x16xf32>,
          %add3A_545 = arith.constant 2 : i32
          %add3A_546 = arith.addi %mul3A_35, %add3A_545 : i32
          %get3A_547 = arith.index_cast %add3A_546 : i32 to index
          %get3A_548 = arith.constant 64 : index
          %get3A_549 = tpu.vector_load %arg8[%get3A_547, %get3A_548] {strides = array<i32>} : memref<128x256xf32, #tpu.memory_space<vmem>>, vector<1x16xf32>,
          %get3A_550 = vector.shape_cast %get3A_549 : vector<1x16xf32> to vector<16xf32>
          %mul3A_551 = arith.mulf %get3A_550, %broadcast_in_dim3A_488 : vector<16xf32>
          %add3A_552 = arith.constant 2 : i32
          %add3A_553 = arith.addi %mul3A_35, %add3A_552 : i32
          %swap3A_554 = arith.index_cast %add3A_553 : i32 to index
          %swap3A_555 = arith.constant 64 : index
          %swap3A_556 = tpu.vector_load %arg8[%swap3A_554, %swap3A_555] {strides = array<i32>} : memref<128x256xf32, #tpu.memory_space<vmem>>, vector<1x16xf32>,
          %swap3A_557 = vector.shape_cast %swap3A_556 : vector<1x16xf32> to vector<16xf32>
          %swap3A_558 = vector.shape_cast %mul3A_551 : vector<16xf32> to vector<1x16xf32>
          tpu.vector_store %arg8[%swap3A_554, %swap3A_555], %swap3A_558 {strides = array<i32>} : memref<128x256xf32, #tpu.memory_space<vmem>>, vector<1x16xf32>,
          %add3A_559 = arith.constant 2 : i32
          %add3A_560 = arith.addi %mul3A_35, %add3A_559 : i32
          %get3A_561 = arith.index_cast %add3A_560 : i32 to index
          %get3A_562 = arith.constant 80 : index
          %get3A_563 = tpu.vector_load %arg8[%get3A_561, %get3A_562] {strides = array<i32>} : memref<128x256xf32, #tpu.memory_space<vmem>>, vector<1x16xf32>,
          %get3A_564 = vector.shape_cast %get3A_563 : vector<1x16xf32> to vector<16xf32>
          %mul3A_565 = arith.mulf %get3A_564, %broadcast_in_dim3A_488 : vector<16xf32>
          %add3A_566 = arith.constant 2 : i32
          %add3A_567 = arith.addi %mul3A_35, %add3A_566 : i32
          %swap3A_568 = arith.index_cast %add3A_567 : i32 to index
          %swap3A_569 = arith.constant 80 : index
          %swap3A_570 = tpu.vector_load %arg8[%swap3A_568, %swap3A_569] {strides = array<i32>} : memref<128x256xf32, #tpu.memory_space<vmem>>, vector<1x16xf32>,
          %swap3A_571 = vector.shape_cast %swap3A_570 : vector<1x16xf32> to vector<16xf32>
          %swap3A_572 = vector.shape_cast %mul3A_565 : vector<16xf32> to vector<1x16xf32>
          tpu.vector_store %arg8[%swap3A_568, %swap3A_569], %swap3A_572 {strides = array<i32>} : memref<128x256xf32, #tpu.memory_space<vmem>>, vector<1x16xf32>,
          %add3A_573 = arith.constant 2 : i32
          %add3A_574 = arith.addi %mul3A_35, %add3A_573 : i32
          %get3A_575 = arith.index_cast %add3A_574 : i32 to index
          %get3A_576 = arith.constant 96 : index
          %get3A_577 = tpu.vector_load %arg8[%get3A_575, %get3A_576] {strides = array<i32>} : memref<128x256xf32, #tpu.memory_space<vmem>>, vector<1x16xf32>,
          %get3A_578 = vector.shape_cast %get3A_577 : vector<1x16xf32> to vector<16xf32>
          %mul3A_579 = arith.mulf %get3A_578, %broadcast_in_dim3A_488 : vector<16xf32>
          %add3A_580 = arith.constant 2 : i32
          %add3A_581 = arith.addi %mul3A_35, %add3A_580 : i32
          %swap3A_582 = arith.index_cast %add3A_581 : i32 to index
          %swap3A_583 = arith.constant 96 : index
          %swap3A_584 = tpu.vector_load %arg8[%swap3A_582, %swap3A_583] {strides = array<i32>} : memref<128x256xf32, #tpu.memory_space<vmem>>, vector<1x16xf32>,
          %swap3A_585 = vector.shape_cast %swap3A_584 : vector<1x16xf32> to vector<16xf32>
          %swap3A_586 = vector.shape_cast %mul3A_579 : vector<16xf32> to vector<1x16xf32>
          tpu.vector_store %arg8[%swap3A_582, %swap3A_583], %swap3A_586 {strides = array<i32>} : memref<128x256xf32, #tpu.memory_space<vmem>>, vector<1x16xf32>,
          %add3A_587 = arith.constant 2 : i32
          %add3A_588 = arith.addi %mul3A_35, %add3A_587 : i32
          %get3A_589 = arith.index_cast %add3A_588 : i32 to index
          %get3A_590 = arith.constant 112 : index
          %get3A_591 = tpu.vector_load %arg8[%get3A_589, %get3A_590] {strides = array<i32>} : memref<128x256xf32, #tpu.memory_space<vmem>>, vector<1x16xf32>,
          %get3A_592 = vector.shape_cast %get3A_591 : vector<1x16xf32> to vector<16xf32>
          %mul3A_593 = arith.mulf %get3A_592, %broadcast_in_dim3A_488 : vector<16xf32>
          %add3A_594 = arith.constant 2 : i32
          %add3A_595 = arith.addi %mul3A_35, %add3A_594 : i32
          %swap3A_596 = arith.index_cast %add3A_595 : i32 to index
          %swap3A_597 = arith.constant 112 : index
          %swap3A_598 = tpu.vector_load %arg8[%swap3A_596, %swap3A_597] {strides = array<i32>} : memref<128x256xf32, #tpu.memory_space<vmem>>, vector<1x16xf32>,
          %swap3A_599 = vector.shape_cast %swap3A_598 : vector<1x16xf32> to vector<16xf32>
          %swap3A_600 = vector.shape_cast %mul3A_593 : vector<16xf32> to vector<1x16xf32>
          tpu.vector_store %arg8[%swap3A_596, %swap3A_597], %swap3A_600 {strides = array<i32>} : memref<128x256xf32, #tpu.memory_space<vmem>>, vector<1x16xf32>,
          %add3A_601 = arith.constant 2 : i32
          %add3A_602 = arith.addi %mul3A_35, %add3A_601 : i32
          %get3A_603 = arith.index_cast %add3A_602 : i32 to index
          %get3A_604 = arith.constant 128 : index
          %get3A_605 = tpu.vector_load %arg8[%get3A_603, %get3A_604] {strides = array<i32>} : memref<128x256xf32, #tpu.memory_space<vmem>>, vector<1x16xf32>,
          %get3A_606 = vector.shape_cast %get3A_605 : vector<1x16xf32> to vector<16xf32>
          %mul3A_607 = arith.mulf %get3A_606, %broadcast_in_dim3A_488 : vector<16xf32>
          %add3A_608 = arith.constant 2 : i32
          %add3A_609 = arith.addi %mul3A_35, %add3A_608 : i32
          %swap3A_610 = arith.index_cast %add3A_609 : i32 to index
          %swap3A_611 = arith.constant 128 : index
          %swap3A_612 = tpu.vector_load %arg8[%swap3A_610, %swap3A_611] {strides = array<i32>} : memref<128x256xf32, #tpu.memory_space<vmem>>, vector<1x16xf32>,
          %swap3A_613 = vector.shape_cast %swap3A_612 : vector<1x16xf32> to vector<16xf32>
          %swap3A_614 = vector.shape_cast %mul3A_607 : vector<16xf32> to vector<1x16xf32>
          tpu.vector_store %arg8[%swap3A_610, %swap3A_611], %swap3A_614 {strides = array<i32>} : memref<128x256xf32, #tpu.memory_space<vmem>>, vector<1x16xf32>,
          %add3A_615 = arith.constant 2 : i32
          %add3A_616 = arith.addi %mul3A_35, %add3A_615 : i32
          %get3A_617 = arith.index_cast %add3A_616 : i32 to index
          %get3A_618 = arith.constant 144 : index
          %get3A_619 = tpu.vector_load %arg8[%get3A_617, %get3A_618] {strides = array<i32>} : memref<128x256xf32, #tpu.memory_space<vmem>>, vector<1x16xf32>,
          %get3A_620 = vector.shape_cast %get3A_619 : vector<1x16xf32> to vector<16xf32>
          %mul3A_621 = arith.mulf %get3A_620, %broadcast_in_dim3A_488 : vector<16xf32>
          %add3A_622 = arith.constant 2 : i32
          %add3A_623 = arith.addi %mul3A_35, %add3A_622 : i32
          %swap3A_624 = arith.index_cast %add3A_623 : i32 to index
          %swap3A_625 = arith.constant 144 : index
          %swap3A_626 = tpu.vector_load %arg8[%swap3A_624, %swap3A_625] {strides = array<i32>} : memref<128x256xf32, #tpu.memory_space<vmem>>, vector<1x16xf32>,
          %swap3A_627 = vector.shape_cast %swap3A_626 : vector<1x16xf32> to vector<16xf32>
          %swap3A_628 = vector.shape_cast %mul3A_621 : vector<16xf32> to vector<1x16xf32>
          tpu.vector_store %arg8[%swap3A_624, %swap3A_625], %swap3A_628 {strides = array<i32>} : memref<128x256xf32, #tpu.memory_space<vmem>>, vector<1x16xf32>,
          %add3A_629 = arith.constant 2 : i32
          %add3A_630 = arith.addi %mul3A_35, %add3A_629 : i32
          %get3A_631 = arith.index_cast %add3A_630 : i32 to index
          %get3A_632 = arith.constant 160 : index
          %get3A_633 = tpu.vector_load %arg8[%get3A_631, %get3A_632] {strides = array<i32>} : memref<128x256xf32, #tpu.memory_space<vmem>>, vector<1x16xf32>,
          %get3A_634 = vector.shape_cast %get3A_633 : vector<1x16xf32> to vector<16xf32>
          %mul3A_635 = arith.mulf %get3A_634, %broadcast_in_dim3A_488 : vector<16xf32>
          %add3A_636 = arith.constant 2 : i32
          %add3A_637 = arith.addi %mul3A_35, %add3A_636 : i32
          %swap3A_638 = arith.index_cast %add3A_637 : i32 to index
          %swap3A_639 = arith.constant 160 : index
          %swap3A_640 = tpu.vector_load %arg8[%swap3A_638, %swap3A_639] {strides = array<i32>} : memref<128x256xf32, #tpu.memory_space<vmem>>, vector<1x16xf32>,
          %swap3A_641 = vector.shape_cast %swap3A_640 : vector<1x16xf32> to vector<16xf32>
          %swap3A_642 = vector.shape_cast %mul3A_635 : vector<16xf32> to vector<1x16xf32>
          tpu.vector_store %arg8[%swap3A_638, %swap3A_639], %swap3A_642 {strides = array<i32>} : memref<128x256xf32, #tpu.memory_space<vmem>>, vector<1x16xf32>,
          %add3A_643 = arith.constant 2 : i32
          %add3A_644 = arith.addi %mul3A_35, %add3A_643 : i32
          %get3A_645 = arith.index_cast %add3A_644 : i32 to index
          %get3A_646 = arith.constant 176 : index
          %get3A_647 = tpu.vector_load %arg8[%get3A_645, %get3A_646] {strides = array<i32>} : memref<128x256xf32, #tpu.memory_space<vmem>>, vector<1x16xf32>,
          %get3A_648 = vector.shape_cast %get3A_647 : vector<1x16xf32> to vector<16xf32>
          %mul3A_649 = arith.mulf %get3A_648, %broadcast_in_dim3A_488 : vector<16xf32>
          %add3A_650 = arith.constant 2 : i32
          %add3A_651 = arith.addi %mul3A_35, %add3A_650 : i32
          %swap3A_652 = arith.index_cast %add3A_651 : i32 to index
          %swap3A_653 = arith.constant 176 : index
          %swap3A_654 = tpu.vector_load %arg8[%swap3A_652, %swap3A_653] {strides = array<i32>} : memref<128x256xf32, #tpu.memory_space<vmem>>, vector<1x16xf32>,
          %swap3A_655 = vector.shape_cast %swap3A_654 : vector<1x16xf32> to vector<16xf32>
          %swap3A_656 = vector.shape_cast %mul3A_649 : vector<16xf32> to vector<1x16xf32>
          tpu.vector_store %arg8[%swap3A_652, %swap3A_653], %swap3A_656 {strides = array<i32>} : memref<128x256xf32, #tpu.memory_space<vmem>>, vector<1x16xf32>,
          %add3A_657 = arith.constant 2 : i32
          %add3A_658 = arith.addi %mul3A_35, %add3A_657 : i32
          %get3A_659 = arith.index_cast %add3A_658 : i32 to index
          %get3A_660 = arith.constant 192 : index
          %get3A_661 = tpu.vector_load %arg8[%get3A_659, %get3A_660] {strides = array<i32>} : memref<128x256xf32, #tpu.memory_space<vmem>>, vector<1x16xf32>,
          %get3A_662 = vector.shape_cast %get3A_661 : vector<1x16xf32> to vector<16xf32>
          %mul3A_663 = arith.mulf %get3A_662, %broadcast_in_dim3A_488 : vector<16xf32>
          %add3A_664 = arith.constant 2 : i32
          %add3A_665 = arith.addi %mul3A_35, %add3A_664 : i32
          %swap3A_666 = arith.index_cast %add3A_665 : i32 to index
          %swap3A_667 = arith.constant 192 : index
          %swap3A_668 = tpu.vector_load %arg8[%swap3A_666, %swap3A_667] {strides = array<i32>} : memref<128x256xf32, #tpu.memory_space<vmem>>, vector<1x16xf32>,
          %swap3A_669 = vector.shape_cast %swap3A_668 : vector<1x16xf32> to vector<16xf32>
          %swap3A_670 = vector.shape_cast %mul3A_663 : vector<16xf32> to vector<1x16xf32>
          tpu.vector_store %arg8[%swap3A_666, %swap3A_667], %swap3A_670 {strides = array<i32>} : memref<128x256xf32, #tpu.memory_space<vmem>>, vector<1x16xf32>,
          %add3A_671 = arith.constant 2 : i32
          %add3A_672 = arith.addi %mul3A_35, %add3A_671 : i32
          %get3A_673 = arith.index_cast %add3A_672 : i32 to index
          %get3A_674 = arith.constant 208 : index
          %get3A_675 = tpu.vector_load %arg8[%get3A_673, %get3A_674] {strides = array<i32>} : memref<128x256xf32, #tpu.memory_space<vmem>>, vector<1x16xf32>,
          %get3A_676 = vector.shape_cast %get3A_675 : vector<1x16xf32> to vector<16xf32>
          %mul3A_677 = arith.mulf %get3A_676, %broadcast_in_dim3A_488 : vector<16xf32>
          %add3A_678 = arith.constant 2 : i32
          %add3A_679 = arith.addi %mul3A_35, %add3A_678 : i32
          %swap3A_680 = arith.index_cast %add3A_679 : i32 to index
          %swap3A_681 = arith.constant 208 : index
          %swap3A_682 = tpu.vector_load %arg8[%swap3A_680, %swap3A_681] {strides = array<i32>} : memref<128x256xf32, #tpu.memory_space<vmem>>, vector<1x16xf32>,
          %swap3A_683 = vector.shape_cast %swap3A_682 : vector<1x16xf32> to vector<16xf32>
          %swap3A_684 = vector.shape_cast %mul3A_677 : vector<16xf32> to vector<1x16xf32>
          tpu.vector_store %arg8[%swap3A_680, %swap3A_681], %swap3A_684 {strides = array<i32>} : memref<128x256xf32, #tpu.memory_space<vmem>>, vector<1x16xf32>,
          %add3A_685 = arith.constant 2 : i32
          %add3A_686 = arith.addi %mul3A_35, %add3A_685 : i32
          %get3A_687 = arith.index_cast %add3A_686 : i32 to index
          %get3A_688 = arith.constant 224 : index
          %get3A_689 = tpu.vector_load %arg8[%get3A_687, %get3A_688] {strides = array<i32>} : memref<128x256xf32, #tpu.memory_space<vmem>>, vector<1x16xf32>,
          %get3A_690 = vector.shape_cast %get3A_689 : vector<1x16xf32> to vector<16xf32>
          %mul3A_691 = arith.mulf %get3A_690, %broadcast_in_dim3A_488 : vector<16xf32>
          %add3A_692 = arith.constant 2 : i32
          %add3A_693 = arith.addi %mul3A_35, %add3A_692 : i32
          %swap3A_694 = arith.index_cast %add3A_693 : i32 to index
          %swap3A_695 = arith.constant 224 : index
          %swap3A_696 = tpu.vector_load %arg8[%swap3A_694, %swap3A_695] {strides = array<i32>} : memref<128x256xf32, #tpu.memory_space<vmem>>, vector<1x16xf32>,
          %swap3A_697 = vector.shape_cast %swap3A_696 : vector<1x16xf32> to vector<16xf32>
          %swap3A_698 = vector.shape_cast %mul3A_691 : vector<16xf32> to vector<1x16xf32>
          tpu.vector_store %arg8[%swap3A_694, %swap3A_695], %swap3A_698 {strides = array<i32>} : memref<128x256xf32, #tpu.memory_space<vmem>>, vector<1x16xf32>,
          %add3A_699 = arith.constant 2 : i32
          %add3A_700 = arith.addi %mul3A_35, %add3A_699 : i32
          %get3A_701 = arith.index_cast %add3A_700 : i32 to index
          %get3A_702 = arith.constant 240 : index
          %get3A_703 = tpu.vector_load %arg8[%get3A_701, %get3A_702] {strides = array<i32>} : memref<128x256xf32, #tpu.memory_space<vmem>>, vector<1x16xf32>,
          %get3A_704 = vector.shape_cast %get3A_703 : vector<1x16xf32> to vector<16xf32>
          %mul3A_705 = arith.mulf %get3A_704, %broadcast_in_dim3A_488 : vector<16xf32>
          %add3A_706 = arith.constant 2 : i32
          %add3A_707 = arith.addi %mul3A_35, %add3A_706 : i32
          %swap3A_708 = arith.index_cast %add3A_707 : i32 to index
          %swap3A_709 = arith.constant 240 : index
          %swap3A_710 = tpu.vector_load %arg8[%swap3A_708, %swap3A_709] {strides = array<i32>} : memref<128x256xf32, #tpu.memory_space<vmem>>, vector<1x16xf32>,
          %swap3A_711 = vector.shape_cast %swap3A_710 : vector<1x16xf32> to vector<16xf32>
          %swap3A_712 = vector.shape_cast %mul3A_705 : vector<16xf32> to vector<1x16xf32>
          tpu.vector_store %arg8[%swap3A_708, %swap3A_709], %swap3A_712 {strides = array<i32>} : memref<128x256xf32, #tpu.memory_space<vmem>>, vector<1x16xf32>,
          %slice3A_713 = vector.extract_strided_slice %get3A_33 {offsets = [3], sizes = [1], strides = [1]} : vector<16xf32> to vector<1xf32>
          %squeeze3A_714 = vector.extract %slice3A_713[0] : f32 from vector<1xf32>
          %broadcast_in_dim3A_715 = vector.broadcast %squeeze3A_714 : f32 to vector<16xf32>
          %add3A_716 = arith.constant 3 : i32
          %add3A_717 = arith.addi %mul3A_35, %add3A_716 : i32
          %get3A_718 = arith.index_cast %add3A_717 : i32 to index
          %get3A_719 = arith.constant 0 : index
          %get3A_720 = tpu.vector_load %arg8[%get3A_718, %get3A_719] {strides = array<i32>} : memref<128x256xf32, #tpu.memory_space<vmem>>, vector<1x16xf32>,
          %get3A_721 = vector.shape_cast %get3A_720 : vector<1x16xf32> to vector<16xf32>
          %mul3A_722 = arith.mulf %get3A_721, %broadcast_in_dim3A_715 : vector<16xf32>
          %add3A_723 = arith.constant 3 : i32
          %add3A_724 = arith.addi %mul3A_35, %add3A_723 : i32
          %swap3A_725 = arith.index_cast %add3A_724 : i32 to index
          %swap3A_726 = arith.constant 0 : index
          %swap3A_727 = tpu.vector_load %arg8[%swap3A_725, %swap3A_726] {strides = array<i32>} : memref<128x256xf32, #tpu.memory_space<vmem>>, vector<1x16xf32>,
          %swap3A_728 = vector.shape_cast %swap3A_727 : vector<1x16xf32> to vector<16xf32>
          %swap3A_729 = vector.shape_cast %mul3A_722 : vector<16xf32> to vector<1x16xf32>
          tpu.vector_store %arg8[%swap3A_725, %swap3A_726], %swap3A_729 {strides = array<i32>} : memref<128x256xf32, #tpu.memory_space<vmem>>, vector<1x16xf32>,
          %add3A_730 = arith.constant 3 : i32
          %add3A_731 = arith.addi %mul3A_35, %add3A_730 : i32
          %get3A_732 = arith.index_cast %add3A_731 : i32 to index
          %get3A_733 = arith.constant 16 : index
          %get3A_734 = tpu.vector_load %arg8[%get3A_732, %get3A_733] {strides = array<i32>} : memref<128x256xf32, #tpu.memory_space<vmem>>, vector<1x16xf32>,
          %get3A_735 = vector.shape_cast %get3A_734 : vector<1x16xf32> to vector<16xf32>
          %mul3A_736 = arith.mulf %get3A_735, %broadcast_in_dim3A_715 : vector<16xf32>
          %add3A_737 = arith.constant 3 : i32
          %add3A_738 = arith.addi %mul3A_35, %add3A_737 : i32
          %swap3A_739 = arith.index_cast %add3A_738 : i32 to index
          %swap3A_740 = arith.constant 16 : index
          %swap3A_741 = tpu.vector_load %arg8[%swap3A_739, %swap3A_740] {strides = array<i32>} : memref<128x256xf32, #tpu.memory_space<vmem>>, vector<1x16xf32>,
          %swap3A_742 = vector.shape_cast %swap3A_741 : vector<1x16xf32> to vector<16xf32>
          %swap3A_743 = vector.shape_cast %mul3A_736 : vector<16xf32> to vector<1x16xf32>
          tpu.vector_store %arg8[%swap3A_739, %swap3A_740], %swap3A_743 {strides = array<i32>} : memref<128x256xf32, #tpu.memory_space<vmem>>, vector<1x16xf32>,
          %add3A_744 = arith.constant 3 : i32
          %add3A_745 = arith.addi %mul3A_35, %add3A_744 : i32
          %get3A_746 = arith.index_cast %add3A_745 : i32 to index
          %get3A_747 = arith.constant 32 : index
          %get3A_748 = tpu.vector_load %arg8[%get3A_746, %get3A_747] {strides = array<i32>} : memref<128x256xf32, #tpu.memory_space<vmem>>, vector<1x16xf32>,
          %get3A_749 = vector.shape_cast %get3A_748 : vector<1x16xf32> to vector<16xf32>
          %mul3A_750 = arith.mulf %get3A_749, %broadcast_in_dim3A_715 : vector<16xf32>
          %add3A_751 = arith.constant 3 : i32
          %add3A_752 = arith.addi %mul3A_35, %add3A_751 : i32
          %swap3A_753 = arith.index_cast %add3A_752 : i32 to index
          %swap3A_754 = arith.constant 32 : index
          %swap3A_755 = tpu.vector_load %arg8[%swap3A_753, %swap3A_754] {strides = array<i32>} : memref<128x256xf32, #tpu.memory_space<vmem>>, vector<1x16xf32>,
          %swap3A_756 = vector.shape_cast %swap3A_755 : vector<1x16xf32> to vector<16xf32>
          %swap3A_757 = vector.shape_cast %mul3A_750 : vector<16xf32> to vector<1x16xf32>
          tpu.vector_store %arg8[%swap3A_753, %swap3A_754], %swap3A_757 {strides = array<i32>} : memref<128x256xf32, #tpu.memory_space<vmem>>, vector<1x16xf32>,
          %add3A_758 = arith.constant 3 : i32
          %add3A_759 = arith.addi %mul3A_35, %add3A_758 : i32
          %get3A_760 = arith.index_cast %add3A_759 : i32 to index
          %get3A_761 = arith.constant 48 : index
          %get3A_762 = tpu.vector_load %arg8[%get3A_760, %get3A_761] {strides = array<i32>} : memref<128x256xf32, #tpu.memory_space<vmem>>, vector<1x16xf32>,
          %get3A_763 = vector.shape_cast %get3A_762 : vector<1x16xf32> to vector<16xf32>
          %mul3A_764 = arith.mulf %get3A_763, %broadcast_in_dim3A_715 : vector<16xf32>
          %add3A_765 = arith.constant 3 : i32
          %add3A_766 = arith.addi %mul3A_35, %add3A_765 : i32
          %swap3A_767 = arith.index_cast %add3A_766 : i32 to index
          %swap3A_768 = arith.constant 48 : index
          %swap3A_769 = tpu.vector_load %arg8[%swap3A_767, %swap3A_768] {strides = array<i32>} : memref<128x256xf32, #tpu.memory_space<vmem>>, vector<1x16xf32>,
          %swap3A_770 = vector.shape_cast %swap3A_769 : vector<1x16xf32> to vector<16xf32>
          %swap3A_771 = vector.shape_cast %mul3A_764 : vector<16xf32> to vector<1x16xf32>
          tpu.vector_store %arg8[%swap3A_767, %swap3A_768], %swap3A_771 {strides = array<i32>} : memref<128x256xf32, #tpu.memory_space<vmem>>, vector<1x16xf32>,
          %add3A_772 = arith.constant 3 : i32
          %add3A_773 = arith.addi %mul3A_35, %add3A_772 : i32
          %get3A_774 = arith.index_cast %add3A_773 : i32 to index
          %get3A_775 = arith.constant 64 : index
          %get3A_776 = tpu.vector_load %arg8[%get3A_774, %get3A_775] {strides = array<i32>} : memref<128x256xf32, #tpu.memory_space<vmem>>, vector<1x16xf32>,
          %get3A_777 = vector.shape_cast %get3A_776 : vector<1x16xf32> to vector<16xf32>
          %mul3A_778 = arith.mulf %get3A_777, %broadcast_in_dim3A_715 : vector<16xf32>
          %add3A_779 = arith.constant 3 : i32
          %add3A_780 = arith.addi %mul3A_35, %add3A_779 : i32
          %swap3A_781 = arith.index_cast %add3A_780 : i32 to index
          %swap3A_782 = arith.constant 64 : index
          %swap3A_783 = tpu.vector_load %arg8[%swap3A_781, %swap3A_782] {strides = array<i32>} : memref<128x256xf32, #tpu.memory_space<vmem>>, vector<1x16xf32>,
          %swap3A_784 = vector.shape_cast %swap3A_783 : vector<1x16xf32> to vector<16xf32>
          %swap3A_785 = vector.shape_cast %mul3A_778 : vector<16xf32> to vector<1x16xf32>
          tpu.vector_store %arg8[%swap3A_781, %swap3A_782], %swap3A_785 {strides = array<i32>} : memref<128x256xf32, #tpu.memory_space<vmem>>, vector<1x16xf32>,
          %add3A_786 = arith.constant 3 : i32
          %add3A_787 = arith.addi %mul3A_35, %add3A_786 : i32
          %get3A_788 = arith.index_cast %add3A_787 : i32 to index
          %get3A_789 = arith.constant 80 : index
          %get3A_790 = tpu.vector_load %arg8[%get3A_788, %get3A_789] {strides = array<i32>} : memref<128x256xf32, #tpu.memory_space<vmem>>, vector<1x16xf32>,
          %get3A_791 = vector.shape_cast %get3A_790 : vector<1x16xf32> to vector<16xf32>
          %mul3A_792 = arith.mulf %get3A_791, %broadcast_in_dim3A_715 : vector<16xf32>
          %add3A_793 = arith.constant 3 : i32
          %add3A_794 = arith.addi %mul3A_35, %add3A_793 : i32
          %swap3A_795 = arith.index_cast %add3A_794 : i32 to index
          %swap3A_796 = arith.constant 80 : index
          %swap3A_797 = tpu.vector_load %arg8[%swap3A_795, %swap3A_796] {strides = array<i32>} : memref<128x256xf32, #tpu.memory_space<vmem>>, vector<1x16xf32>,
          %swap3A_798 = vector.shape_cast %swap3A_797 : vector<1x16xf32> to vector<16xf32>
          %swap3A_799 = vector.shape_cast %mul3A_792 : vector<16xf32> to vector<1x16xf32>
          tpu.vector_store %arg8[%swap3A_795, %swap3A_796], %swap3A_799 {strides = array<i32>} : memref<128x256xf32, #tpu.memory_space<vmem>>, vector<1x16xf32>,
          %add3A_800 = arith.constant 3 : i32
          %add3A_801 = arith.addi %mul3A_35, %add3A_800 : i32
          %get3A_802 = arith.index_cast %add3A_801 : i32 to index
          %get3A_803 = arith.constant 96 : index
          %get3A_804 = tpu.vector_load %arg8[%get3A_802, %get3A_803] {strides = array<i32>} : memref<128x256xf32, #tpu.memory_space<vmem>>, vector<1x16xf32>,
          %get3A_805 = vector.shape_cast %get3A_804 : vector<1x16xf32> to vector<16xf32>
          %mul3A_806 = arith.mulf %get3A_805, %broadcast_in_dim3A_715 : vector<16xf32>
          %add3A_807 = arith.constant 3 : i32
          %add3A_808 = arith.addi %mul3A_35, %add3A_807 : i32
          %swap3A_809 = arith.index_cast %add3A_808 : i32 to index
          %swap3A_810 = arith.constant 96 : index
          %swap3A_811 = tpu.vector_load %arg8[%swap3A_809, %swap3A_810] {strides = array<i32>} : memref<128x256xf32, #tpu.memory_space<vmem>>, vector<1x16xf32>,
          %swap3A_812 = vector.shape_cast %swap3A_811 : vector<1x16xf32> to vector<16xf32>
          %swap3A_813 = vector.shape_cast %mul3A_806 : vector<16xf32> to vector<1x16xf32>
          tpu.vector_store %arg8[%swap3A_809, %swap3A_810], %swap3A_813 {strides = array<i32>} : memref<128x256xf32, #tpu.memory_space<vmem>>, vector<1x16xf32>,
          %add3A_814 = arith.constant 3 : i32
          %add3A_815 = arith.addi %mul3A_35, %add3A_814 : i32
          %get3A_816 = arith.index_cast %add3A_815 : i32 to index
          %get3A_817 = arith.constant 112 : index
          %get3A_818 = tpu.vector_load %arg8[%get3A_816, %get3A_817] {strides = array<i32>} : memref<128x256xf32, #tpu.memory_space<vmem>>, vector<1x16xf32>,
          %get3A_819 = vector.shape_cast %get3A_818 : vector<1x16xf32> to vector<16xf32>
          %mul3A_820 = arith.mulf %get3A_819, %broadcast_in_dim3A_715 : vector<16xf32>
          %add3A_821 = arith.constant 3 : i32
          %add3A_822 = arith.addi %mul3A_35, %add3A_821 : i32
          %swap3A_823 = arith.index_cast %add3A_822 : i32 to index
          %swap3A_824 = arith.constant 112 : index
          %swap3A_825 = tpu.vector_load %arg8[%swap3A_823, %swap3A_824] {strides = array<i32>} : memref<128x256xf32, #tpu.memory_space<vmem>>, vector<1x16xf32>,
          %swap3A_826 = vector.shape_cast %swap3A_825 : vector<1x16xf32> to vector<16xf32>
          %swap3A_827 = vector.shape_cast %mul3A_820 : vector<16xf32> to vector<1x16xf32>
          tpu.vector_store %arg8[%swap3A_823, %swap3A_824], %swap3A_827 {strides = array<i32>} : memref<128x256xf32, #tpu.memory_space<vmem>>, vector<1x16xf32>,
          %add3A_828 = arith.constant 3 : i32
          %add3A_829 = arith.addi %mul3A_35, %add3A_828 : i32
          %get3A_830 = arith.index_cast %add3A_829 : i32 to index
          %get3A_831 = arith.constant 128 : index
          %get3A_832 = tpu.vector_load %arg8[%get3A_830, %get3A_831] {strides = array<i32>} : memref<128x256xf32, #tpu.memory_space<vmem>>, vector<1x16xf32>,
          %get3A_833 = vector.shape_cast %get3A_832 : vector<1x16xf32> to vector<16xf32>
          %mul3A_834 = arith.mulf %get3A_833, %broadcast_in_dim3A_715 : vector<16xf32>
          %add3A_835 = arith.constant 3 : i32
          %add3A_836 = arith.addi %mul3A_35, %add3A_835 : i32
          %swap3A_837 = arith.index_cast %add3A_836 : i32 to index
          %swap3A_838 = arith.constant 128 : index
          %swap3A_839 = tpu.vector_load %arg8[%swap3A_837, %swap3A_838] {strides = array<i32>} : memref<128x256xf32, #tpu.memory_space<vmem>>, vector<1x16xf32>,
          %swap3A_840 = vector.shape_cast %swap3A_839 : vector<1x16xf32> to vector<16xf32>
          %swap3A_841 = vector.shape_cast %mul3A_834 : vector<16xf32> to vector<1x16xf32>
          tpu.vector_store %arg8[%swap3A_837, %swap3A_838], %swap3A_841 {strides = array<i32>} : memref<128x256xf32, #tpu.memory_space<vmem>>, vector<1x16xf32>,
          %add3A_842 = arith.constant 3 : i32
          %add3A_843 = arith.addi %mul3A_35, %add3A_842 : i32
          %get3A_844 = arith.index_cast %add3A_843 : i32 to index
          %get3A_845 = arith.constant 144 : index
          %get3A_846 = tpu.vector_load %arg8[%get3A_844, %get3A_845] {strides = array<i32>} : memref<128x256xf32, #tpu.memory_space<vmem>>, vector<1x16xf32>,
          %get3A_847 = vector.shape_cast %get3A_846 : vector<1x16xf32> to vector<16xf32>
          %mul3A_848 = arith.mulf %get3A_847, %broadcast_in_dim3A_715 : vector<16xf32>
          %add3A_849 = arith.constant 3 : i32
          %add3A_850 = arith.addi %mul3A_35, %add3A_849 : i32
          %swap3A_851 = arith.index_cast %add3A_850 : i32 to index
          %swap3A_852 = arith.constant 144 : index
          %swap3A_853 = tpu.vector_load %arg8[%swap3A_851, %swap3A_852] {strides = array<i32>} : memref<128x256xf32, #tpu.memory_space<vmem>>, vector<1x16xf32>,
          %swap3A_854 = vector.shape_cast %swap3A_853 : vector<1x16xf32> to vector<16xf32>
          %swap3A_855 = vector.shape_cast %mul3A_848 : vector<16xf32> to vector<1x16xf32>
          tpu.vector_store %arg8[%swap3A_851, %swap3A_852], %swap3A_855 {strides = array<i32>} : memref<128x256xf32, #tpu.memory_space<vmem>>, vector<1x16xf32>,
          %add3A_856 = arith.constant 3 : i32
          %add3A_857 = arith.addi %mul3A_35, %add3A_856 : i32
          %get3A_858 = arith.index_cast %add3A_857 : i32 to index
          %get3A_859 = arith.constant 160 : index
          %get3A_860 = tpu.vector_load %arg8[%get3A_858, %get3A_859] {strides = array<i32>} : memref<128x256xf32, #tpu.memory_space<vmem>>, vector<1x16xf32>,
          %get3A_861 = vector.shape_cast %get3A_860 : vector<1x16xf32> to vector<16xf32>
          %mul3A_862 = arith.mulf %get3A_861, %broadcast_in_dim3A_715 : vector<16xf32>
          %add3A_863 = arith.constant 3 : i32
          %add3A_864 = arith.addi %mul3A_35, %add3A_863 : i32
          %swap3A_865 = arith.index_cast %add3A_864 : i32 to index
          %swap3A_866 = arith.constant 160 : index
          %swap3A_867 = tpu.vector_load %arg8[%swap3A_865, %swap3A_866] {strides = array<i32>} : memref<128x256xf32, #tpu.memory_space<vmem>>, vector<1x16xf32>,
          %swap3A_868 = vector.shape_cast %swap3A_867 : vector<1x16xf32> to vector<16xf32>
          %swap3A_869 = vector.shape_cast %mul3A_862 : vector<16xf32> to vector<1x16xf32>
          tpu.vector_store %arg8[%swap3A_865, %swap3A_866], %swap3A_869 {strides = array<i32>} : memref<128x256xf32, #tpu.memory_space<vmem>>, vector<1x16xf32>,
          %add3A_870 = arith.constant 3 : i32
          %add3A_871 = arith.addi %mul3A_35, %add3A_870 : i32
          %get3A_872 = arith.index_cast %add3A_871 : i32 to index
          %get3A_873 = arith.constant 176 : index
          %get3A_874 = tpu.vector_load %arg8[%get3A_872, %get3A_873] {strides = array<i32>} : memref<128x256xf32, #tpu.memory_space<vmem>>, vector<1x16xf32>,
          %get3A_875 = vector.shape_cast %get3A_874 : vector<1x16xf32> to vector<16xf32>
          %mul3A_876 = arith.mulf %get3A_875, %broadcast_in_dim3A_715 : vector<16xf32>
          %add3A_877 = arith.constant 3 : i32
          %add3A_878 = arith.addi %mul3A_35, %add3A_877 : i32
          %swap3A_879 = arith.index_cast %add3A_878 : i32 to index
          %swap3A_880 = arith.constant 176 : index
          %swap3A_881 = tpu.vector_load %arg8[%swap3A_879, %swap3A_880] {strides = array<i32>} : memref<128x256xf32, #tpu.memory_space<vmem>>, vector<1x16xf32>,
          %swap3A_882 = vector.shape_cast %swap3A_881 : vector<1x16xf32> to vector<16xf32>
          %swap3A_883 = vector.shape_cast %mul3A_876 : vector<16xf32> to vector<1x16xf32>
          tpu.vector_store %arg8[%swap3A_879, %swap3A_880], %swap3A_883 {strides = array<i32>} : memref<128x256xf32, #tpu.memory_space<vmem>>, vector<1x16xf32>,
          %add3A_884 = arith.constant 3 : i32
          %add3A_885 = arith.addi %mul3A_35, %add3A_884 : i32
          %get3A_886 = arith.index_cast %add3A_885 : i32 to index
          %get3A_887 = arith.constant 192 : index
          %get3A_888 = tpu.vector_load %arg8[%get3A_886, %get3A_887] {strides = array<i32>} : memref<128x256xf32, #tpu.memory_space<vmem>>, vector<1x16xf32>,
          %get3A_889 = vector.shape_cast %get3A_888 : vector<1x16xf32> to vector<16xf32>
          %mul3A_890 = arith.mulf %get3A_889, %broadcast_in_dim3A_715 : vector<16xf32>
          %add3A_891 = arith.constant 3 : i32
          %add3A_892 = arith.addi %mul3A_35, %add3A_891 : i32
          %swap3A_893 = arith.index_cast %add3A_892 : i32 to index
          %swap3A_894 = arith.constant 192 : index
          %swap3A_895 = tpu.vector_load %arg8[%swap3A_893, %swap3A_894] {strides = array<i32>} : memref<128x256xf32, #tpu.memory_space<vmem>>, vector<1x16xf32>,
          %swap3A_896 = vector.shape_cast %swap3A_895 : vector<1x16xf32> to vector<16xf32>
          %swap3A_897 = vector.shape_cast %mul3A_890 : vector<16xf32> to vector<1x16xf32>
          tpu.vector_store %arg8[%swap3A_893, %swap3A_894], %swap3A_897 {strides = array<i32>} : memref<128x256xf32, #tpu.memory_space<vmem>>, vector<1x16xf32>,
          %add3A_898 = arith.constant 3 : i32
          %add3A_899 = arith.addi %mul3A_35, %add3A_898 : i32
          %get3A_900 = arith.index_cast %add3A_899 : i32 to index
          %get3A_901 = arith.constant 208 : index
          %get3A_902 = tpu.vector_load %arg8[%get3A_900, %get3A_901] {strides = array<i32>} : memref<128x256xf32, #tpu.memory_space<vmem>>, vector<1x16xf32>,
          %get3A_903 = vector.shape_cast %get3A_902 : vector<1x16xf32> to vector<16xf32>
          %mul3A_904 = arith.mulf %get3A_903, %broadcast_in_dim3A_715 : vector<16xf32>
          %add3A_905 = arith.constant 3 : i32
          %add3A_906 = arith.addi %mul3A_35, %add3A_905 : i32
          %swap3A_907 = arith.index_cast %add3A_906 : i32 to index
          %swap3A_908 = arith.constant 208 : index
          %swap3A_909 = tpu.vector_load %arg8[%swap3A_907, %swap3A_908] {strides = array<i32>} : memref<128x256xf32, #tpu.memory_space<vmem>>, vector<1x16xf32>,
          %swap3A_910 = vector.shape_cast %swap3A_909 : vector<1x16xf32> to vector<16xf32>
          %swap3A_911 = vector.shape_cast %mul3A_904 : vector<16xf32> to vector<1x16xf32>
          tpu.vector_store %arg8[%swap3A_907, %swap3A_908], %swap3A_911 {strides = array<i32>} : memref<128x256xf32, #tpu.memory_space<vmem>>, vector<1x16xf32>,
          %add3A_912 = arith.constant 3 : i32
          %add3A_913 = arith.addi %mul3A_35, %add3A_912 : i32
          %get3A_914 = arith.index_cast %add3A_913 : i32 to index
          %get3A_915 = arith.constant 224 : index
          %get3A_916 = tpu.vector_load %arg8[%get3A_914, %get3A_915] {strides = array<i32>} : memref<128x256xf32, #tpu.memory_space<vmem>>, vector<1x16xf32>,
          %get3A_917 = vector.shape_cast %get3A_916 : vector<1x16xf32> to vector<16xf32>
          %mul3A_918 = arith.mulf %get3A_917, %broadcast_in_dim3A_715 : vector<16xf32>
          %add3A_919 = arith.constant 3 : i32
          %add3A_920 = arith.addi %mul3A_35, %add3A_919 : i32
          %swap3A_921 = arith.index_cast %add3A_920 : i32 to index
          %swap3A_922 = arith.constant 224 : index
          %swap3A_923 = tpu.vector_load %arg8[%swap3A_921, %swap3A_922] {strides = array<i32>} : memref<128x256xf32, #tpu.memory_space<vmem>>, vector<1x16xf32>,
          %swap3A_924 = vector.shape_cast %swap3A_923 : vector<1x16xf32> to vector<16xf32>
          %swap3A_925 = vector.shape_cast %mul3A_918 : vector<16xf32> to vector<1x16xf32>
          tpu.vector_store %arg8[%swap3A_921, %swap3A_922], %swap3A_925 {strides = array<i32>} : memref<128x256xf32, #tpu.memory_space<vmem>>, vector<1x16xf32>,
          %add3A_926 = arith.constant 3 : i32
          %add3A_927 = arith.addi %mul3A_35, %add3A_926 : i32
          %get3A_928 = arith.index_cast %add3A_927 : i32 to index
          %get3A_929 = arith.constant 240 : index
          %get3A_930 = tpu.vector_load %arg8[%get3A_928, %get3A_929] {strides = array<i32>} : memref<128x256xf32, #tpu.memory_space<vmem>>, vector<1x16xf32>,
          %get3A_931 = vector.shape_cast %get3A_930 : vector<1x16xf32> to vector<16xf32>
          %mul3A_932 = arith.mulf %get3A_931, %broadcast_in_dim3A_715 : vector<16xf32>
          %add3A_933 = arith.constant 3 : i32
          %add3A_934 = arith.addi %mul3A_35, %add3A_933 : i32
          %swap3A_935 = arith.index_cast %add3A_934 : i32 to index
          %swap3A_936 = arith.constant 240 : index
          %swap3A_937 = tpu.vector_load %arg8[%swap3A_935, %swap3A_936] {strides = array<i32>} : memref<128x256xf32, #tpu.memory_space<vmem>>, vector<1x16xf32>,
          %swap3A_938 = vector.shape_cast %swap3A_937 : vector<1x16xf32> to vector<16xf32>
          %swap3A_939 = vector.shape_cast %mul3A_932 : vector<16xf32> to vector<1x16xf32>
          tpu.vector_store %arg8[%swap3A_935, %swap3A_936], %swap3A_939 {strides = array<i32>} : memref<128x256xf32, #tpu.memory_space<vmem>>, vector<1x16xf32>,
          %slice3A_940 = vector.extract_strided_slice %get3A_33 {offsets = [4], sizes = [1], strides = [1]} : vector<16xf32> to vector<1xf32>
          %squeeze3A_941 = vector.extract %slice3A_940[0] : f32 from vector<1xf32>
          %broadcast_in_dim3A_942 = vector.broadcast %squeeze3A_941 : f32 to vector<16xf32>
          %add3A_943 = arith.constant 4 : i32
          %add3A_944 = arith.addi %mul3A_35, %add3A_943 : i32
          %get3A_945 = arith.index_cast %add3A_944 : i32 to index
          %get3A_946 = arith.constant 0 : index
          %get3A_947 = tpu.vector_load %arg8[%get3A_945, %get3A_946] {strides = array<i32>} : memref<128x256xf32, #tpu.memory_space<vmem>>, vector<1x16xf32>,
          %get3A_948 = vector.shape_cast %get3A_947 : vector<1x16xf32> to vector<16xf32>
          %mul3A_949 = arith.mulf %get3A_948, %broadcast_in_dim3A_942 : vector<16xf32>
          %add3A_950 = arith.constant 4 : i32
          %add3A_951 = arith.addi %mul3A_35, %add3A_950 : i32
          %swap3A_952 = arith.index_cast %add3A_951 : i32 to index
          %swap3A_953 = arith.constant 0 : index
          %swap3A_954 = tpu.vector_load %arg8[%swap3A_952, %swap3A_953] {strides = array<i32>} : memref<128x256xf32, #tpu.memory_space<vmem>>, vector<1x16xf32>,
          %swap3A_955 = vector.shape_cast %swap3A_954 : vector<1x16xf32> to vector<16xf32>
          %swap3A_956 = vector.shape_cast %mul3A_949 : vector<16xf32> to vector<1x16xf32>
          tpu.vector_store %arg8[%swap3A_952, %swap3A_953], %swap3A_956 {strides = array<i32>} : memref<128x256xf32, #tpu.memory_space<vmem>>, vector<1x16xf32>,
          %add3A_957 = arith.constant 4 : i32
          %add3A_958 = arith.addi %mul3A_35, %add3A_957 : i32
          %get3A_959 = arith.index_cast %add3A_958 : i32 to index
          %get3A_960 = arith.constant 16 : index
          %get3A_961 = tpu.vector_load %arg8[%get3A_959, %get3A_960] {strides = array<i32>} : memref<128x256xf32, #tpu.memory_space<vmem>>, vector<1x16xf32>,
          %get3A_962 = vector.shape_cast %get3A_961 : vector<1x16xf32> to vector<16xf32>
          %mul3A_963 = arith.mulf %get3A_962, %broadcast_in_dim3A_942 : vector<16xf32>
          %add3A_964 = arith.constant 4 : i32
          %add3A_965 = arith.addi %mul3A_35, %add3A_964 : i32
          %swap3A_966 = arith.index_cast %add3A_965 : i32 to index
          %swap3A_967 = arith.constant 16 : index
          %swap3A_968 = tpu.vector_load %arg8[%swap3A_966, %swap3A_967] {strides = array<i32>} : memref<128x256xf32, #tpu.memory_space<vmem>>, vector<1x16xf32>,
          %swap3A_969 = vector.shape_cast %swap3A_968 : vector<1x16xf32> to vector<16xf32>
          %swap3A_970 = vector.shape_cast %mul3A_963 : vector<16xf32> to vector<1x16xf32>
          tpu.vector_store %arg8[%swap3A_966, %swap3A_967], %swap3A_970 {strides = array<i32>} : memref<128x256xf32, #tpu.memory_space<vmem>>, vector<1x16xf32>,
          %add3A_971 = arith.constant 4 : i32
          %add3A_972 = arith.addi %mul3A_35, %add3A_971 : i32
          %get3A_973 = arith.index_cast %add3A_972 : i32 to index
          %get3A_974 = arith.constant 32 : index
          %get3A_975 = tpu.vector_load %arg8[%get3A_973, %get3A_974] {strides = array<i32>} : memref<128x256xf32, #tpu.memory_space<vmem>>, vector<1x16xf32>,
          %get3A_976 = vector.shape_cast %get3A_975 : vector<1x16xf32> to vector<16xf32>
          %mul3A_977 = arith.mulf %get3A_976, %broadcast_in_dim3A_942 : vector<16xf32>
          %add3A_978 = arith.constant 4 : i32
          %add3A_979 = arith.addi %mul3A_35, %add3A_978 : i32
          %swap3A_980 = arith.index_cast %add3A_979 : i32 to index
          %swap3A_981 = arith.constant 32 : index
          %swap3A_982 = tpu.vector_load %arg8[%swap3A_980, %swap3A_981] {strides = array<i32>} : memref<128x256xf32, #tpu.memory_space<vmem>>, vector<1x16xf32>,
          %swap3A_983 = vector.shape_cast %swap3A_982 : vector<1x16xf32> to vector<16xf32>
          %swap3A_984 = vector.shape_cast %mul3A_977 : vector<16xf32> to vector<1x16xf32>
          tpu.vector_store %arg8[%swap3A_980, %swap3A_981], %swap3A_984 {strides = array<i32>} : memref<128x256xf32, #tpu.memory_space<vmem>>, vector<1x16xf32>,
          %add3A_985 = arith.constant 4 : i32
          %add3A_986 = arith.addi %mul3A_35, %add3A_985 : i32
          %get3A_987 = arith.index_cast %add3A_986 : i32 to index
          %get3A_988 = arith.constant 48 : index
          %get3A_989 = tpu.vector_load %arg8[%get3A_987, %get3A_988] {strides = array<i32>} : memref<128x256xf32, #tpu.memory_space<vmem>>, vector<1x16xf32>,
          %get3A_990 = vector.shape_cast %get3A_989 : vector<1x16xf32> to vector<16xf32>
          %mul3A_991 = arith.mulf %get3A_990, %broadcast_in_dim3A_942 : vector<16xf32>
          %add3A_992 = arith.constant 4 : i32
          %add3A_993 = arith.addi %mul3A_35, %add3A_992 : i32
          %swap3A_994 = arith.index_cast %add3A_993 : i32 to index
          %swap3A_995 = arith.constant 48 : index
          %swap3A_996 = tpu.vector_load %arg8[%swap3A_994, %swap3A_995] {strides = array<i32>} : memref<128x256xf32, #tpu.memory_space<vmem>>, vector<1x16xf32>,
          %swap3A_997 = vector.shape_cast %swap3A_996 : vector<1x16xf32> to vector<16xf32>
          %swap3A_998 = vector.shape_cast %mul3A_991 : vector<16xf32> to vector<1x16xf32>
          tpu.vector_store %arg8[%swap3A_994, %swap3A_995], %swap3A_998 {strides = array<i32>} : memref<128x256xf32, #tpu.memory_space<vmem>>, vector<1x16xf32>,
          %add3A_999 = arith.constant 4 : i32
          %add3A_1000 = arith.addi %mul3A_35, %add3A_999 : i32
          %get3A_1001 = arith.index_cast %add3A_1000 : i32 to index
          %get3A_1002 = arith.constant 64 : index
          %get3A_1003 = tpu.vector_load %arg8[%get3A_1001, %get3A_1002] {strides = array<i32>} : memref<128x256xf32, #tpu.memory_space<vmem>>, vector<1x16xf32>,
          %get3A_1004 = vector.shape_cast %get3A_1003 : vector<1x16xf32> to vector<16xf32>
          %mul3A_1005 = arith.mulf %get3A_1004, %broadcast_in_dim3A_942 : vector<16xf32>
          %add3A_1006 = arith.constant 4 : i32
          %add3A_1007 = arith.addi %mul3A_35, %add3A_1006 : i32
          %swap3A_1008 = arith.index_cast %add3A_1007 : i32 to index
          %swap3A_1009 = arith.constant 64 : index
          %swap3A_1010 = tpu.vector_load %arg8[%swap3A_1008, %swap3A_1009] {strides = array<i32>} : memref<128x256xf32, #tpu.memory_space<vmem>>, vector<1x16xf32>,
          %swap3A_1011 = vector.shape_cast %swap3A_1010 : vector<1x16xf32> to vector<16xf32>
          %swap3A_1012 = vector.shape_cast %mul3A_1005 : vector<16xf32> to vector<1x16xf32>
          tpu.vector_store %arg8[%swap3A_1008, %swap3A_1009], %swap3A_1012 {strides = array<i32>} : memref<128x256xf32, #tpu.memory_space<vmem>>, vector<1x16xf32>,
          %add3A_1013 = arith.constant 4 : i32
          %add3A_1014 = arith.addi %mul3A_35, %add3A_1013 : i32
          %get3A_1015 = arith.index_cast %add3A_1014 : i32 to index
          %get3A_1016 = arith.constant 80 : index
          %get3A_1017 = tpu.vector_load %arg8[%get3A_1015, %get3A_1016] {strides = array<i32>} : memref<128x256xf32, #tpu.memory_space<vmem>>, vector<1x16xf32>,
          %get3A_1018 = vector.shape_cast %get3A_1017 : vector<1x16xf32> to vector<16xf32>
          %mul3A_1019 = arith.mulf %get3A_1018, %broadcast_in_dim3A_942 : vector<16xf32>
          %add3A_1020 = arith.constant 4 : i32
          %add3A_1021 = arith.addi %mul3A_35, %add3A_1020 : i32
          %swap3A_1022 = arith.index_cast %add3A_1021 : i32 to index
          %swap3A_1023 = arith.constant 80 : index
          %swap3A_1024 = tpu.vector_load %arg8[%swap3A_1022, %swap3A_1023] {strides = array<i32>} : memref<128x256xf32, #tpu.memory_space<vmem>>, vector<1x16xf32>,
          %swap3A_1025 = vector.shape_cast %swap3A_1024 : vector<1x16xf32> to vector<16xf32>
          %swap3A_1026 = vector.shape_cast %mul3A_1019 : vector<16xf32> to vector<1x16xf32>
          tpu.vector_store %arg8[%swap3A_1022, %swap3A_1023], %swap3A_1026 {strides = array<i32>} : memref<128x256xf32, #tpu.memory_space<vmem>>, vector<1x16xf32>,
          %add3A_1027 = arith.constant 4 : i32
          %add3A_1028 = arith.addi %mul3A_35, %add3A_1027 : i32
          %get3A_1029 = arith.index_cast %add3A_1028 : i32 to index
          %get3A_1030 = arith.constant 96 : index
          %get3A_1031 = tpu.vector_load %arg8[%get3A_1029, %get3A_1030] {strides = array<i32>} : memref<128x256xf32, #tpu.memory_space<vmem>>, vector<1x16xf32>,
          %get3A_1032 = vector.shape_cast %get3A_1031 : vector<1x16xf32> to vector<16xf32>
          %mul3A_1033 = arith.mulf %get3A_1032, %broadcast_in_dim3A_942 : vector<16xf32>
          %add3A_1034 = arith.constant 4 : i32
          %add3A_1035 = arith.addi %mul3A_35, %add3A_1034 : i32
          %swap3A_1036 = arith.index_cast %add3A_1035 : i32 to index
          %swap3A_1037 = arith.constant 96 : index
          %swap3A_1038 = tpu.vector_load %arg8[%swap3A_1036, %swap3A_1037] {strides = array<i32>} : memref<128x256xf32, #tpu.memory_space<vmem>>, vector<1x16xf32>,
          %swap3A_1039 = vector.shape_cast %swap3A_1038 : vector<1x16xf32> to vector<16xf32>
          %swap3A_1040 = vector.shape_cast %mul3A_1033 : vector<16xf32> to vector<1x16xf32>
          tpu.vector_store %arg8[%swap3A_1036, %swap3A_1037], %swap3A_1040 {strides = array<i32>} : memref<128x256xf32, #tpu.memory_space<vmem>>, vector<1x16xf32>,
          %add3A_1041 = arith.constant 4 : i32
          %add3A_1042 = arith.addi %mul3A_35, %add3A_1041 : i32
          %get3A_1043 = arith.index_cast %add3A_1042 : i32 to index
          %get3A_1044 = arith.constant 112 : index
          %get3A_1045 = tpu.vector_load %arg8[%get3A_1043, %get3A_1044] {strides = array<i32>} : memref<128x256xf32, #tpu.memory_space<vmem>>, vector<1x16xf32>,
          %get3A_1046 = vector.shape_cast %get3A_1045 : vector<1x16xf32> to vector<16xf32>
          %mul3A_1047 = arith.mulf %get3A_1046, %broadcast_in_dim3A_942 : vector<16xf32>
          %add3A_1048 = arith.constant 4 : i32
          %add3A_1049 = arith.addi %mul3A_35, %add3A_1048 : i32
          %swap3A_1050 = arith.index_cast %add3A_1049 : i32 to index
          %swap3A_1051 = arith.constant 112 : index
          %swap3A_1052 = tpu.vector_load %arg8[%swap3A_1050, %swap3A_1051] {strides = array<i32>} : memref<128x256xf32, #tpu.memory_space<vmem>>, vector<1x16xf32>,
          %swap3A_1053 = vector.shape_cast %swap3A_1052 : vector<1x16xf32> to vector<16xf32>
          %swap3A_1054 = vector.shape_cast %mul3A_1047 : vector<16xf32> to vector<1x16xf32>
          tpu.vector_store %arg8[%swap3A_1050, %swap3A_1051], %swap3A_1054 {strides = array<i32>} : memref<128x256xf32, #tpu.memory_space<vmem>>, vector<1x16xf32>,
          %add3A_1055 = arith.constant 4 : i32
          %add3A_1056 = arith.addi %mul3A_35, %add3A_1055 : i32
          %get3A_1057 = arith.index_cast %add3A_1056 : i32 to index
          %get3A_1058 = arith.constant 128 : index
          %get3A_1059 = tpu.vector_load %arg8[%get3A_1057, %get3A_1058] {strides = array<i32>} : memref<128x256xf32, #tpu.memory_space<vmem>>, vector<1x16xf32>,
          %get3A_1060 = vector.shape_cast %get3A_1059 : vector<1x16xf32> to vector<16xf32>
          %mul3A_1061 = arith.mulf %get3A_1060, %broadcast_in_dim3A_942 : vector<16xf32>
          %add3A_1062 = arith.constant 4 : i32
          %add3A_1063 = arith.addi %mul3A_35, %add3A_1062 : i32
          %swap3A_1064 = arith.index_cast %add3A_1063 : i32 to index
          %swap3A_1065 = arith.constant 128 : index
          %swap3A_1066 = tpu.vector_load %arg8[%swap3A_1064, %swap3A_1065] {strides = array<i32>} : memref<128x256xf32, #tpu.memory_space<vmem>>, vector<1x16xf32>,
          %swap3A_1067 = vector.shape_cast %swap3A_1066 : vector<1x16xf32> to vector<16xf32>
          %swap3A_1068 = vector.shape_cast %mul3A_1061 : vector<16xf32> to vector<1x16xf32>
          tpu.vector_store %arg8[%swap3A_1064, %swap3A_1065], %swap3A_1068 {strides = array<i32>} : memref<128x256xf32, #tpu.memory_space<vmem>>, vector<1x16xf32>,
          %add3A_1069 = arith.constant 4 : i32
          %add3A_1070 = arith.addi %mul3A_35, %add3A_1069 : i32
          %get3A_1071 = arith.index_cast %add3A_1070 : i32 to index
          %get3A_1072 = arith.constant 144 : index
          %get3A_1073 = tpu.vector_load %arg8[%get3A_1071, %get3A_1072] {strides = array<i32>} : memref<128x256xf32, #tpu.memory_space<vmem>>, vector<1x16xf32>,
          %get3A_1074 = vector.shape_cast %get3A_1073 : vector<1x16xf32> to vector<16xf32>
          %mul3A_1075 = arith.mulf %get3A_1074, %broadcast_in_dim3A_942 : vector<16xf32>
          %add3A_1076 = arith.constant 4 : i32
          %add3A_1077 = arith.addi %mul3A_35, %add3A_1076 : i32
          %swap3A_1078 = arith.index_cast %add3A_1077 : i32 to index
          %swap3A_1079 = arith.constant 144 : index
          %swap3A_1080 = tpu.vector_load %arg8[%swap3A_1078, %swap3A_1079] {strides = array<i32>} : memref<128x256xf32, #tpu.memory_space<vmem>>, vector<1x16xf32>,
          %swap3A_1081 = vector.shape_cast %swap3A_1080 : vector<1x16xf32> to vector<16xf32>
          %swap3A_1082 = vector.shape_cast %mul3A_1075 : vector<16xf32> to vector<1x16xf32>
          tpu.vector_store %arg8[%swap3A_1078, %swap3A_1079], %swap3A_1082 {strides = array<i32>} : memref<128x256xf32, #tpu.memory_space<vmem>>, vector<1x16xf32>,
          %add3A_1083 = arith.constant 4 : i32
          %add3A_1084 = arith.addi %mul3A_35, %add3A_1083 : i32
          %get3A_1085 = arith.index_cast %add3A_1084 : i32 to index
          %get3A_1086 = arith.constant 160 : index
          %get3A_1087 = tpu.vector_load %arg8[%get3A_1085, %get3A_1086] {strides = array<i32>} : memref<128x256xf32, #tpu.memory_space<vmem>>, vector<1x16xf32>,
          %get3A_1088 = vector.shape_cast %get3A_1087 : vector<1x16xf32> to vector<16xf32>
          %mul3A_1089 = arith.mulf %get3A_1088, %broadcast_in_dim3A_942 : vector<16xf32>
          %add3A_1090 = arith.constant 4 : i32
          %add3A_1091 = arith.addi %mul3A_35, %add3A_1090 : i32
          %swap3A_1092 = arith.index_cast %add3A_1091 : i32 to index
          %swap3A_1093 = arith.constant 160 : index
          %swap3A_1094 = tpu.vector_load %arg8[%swap3A_1092, %swap3A_1093] {strides = array<i32>} : memref<128x256xf32, #tpu.memory_space<vmem>>, vector<1x16xf32>,
          %swap3A_1095 = vector.shape_cast %swap3A_1094 : vector<1x16xf32> to vector<16xf32>
          %swap3A_1096 = vector.shape_cast %mul3A_1089 : vector<16xf32> to vector<1x16xf32>
          tpu.vector_store %arg8[%swap3A_1092, %swap3A_1093], %swap3A_1096 {strides = array<i32>} : memref<128x256xf32, #tpu.memory_space<vmem>>, vector<1x16xf32>,
          %add3A_1097 = arith.constant 4 : i32
          %add3A_1098 = arith.addi %mul3A_35, %add3A_1097 : i32
          %get3A_1099 = arith.index_cast %add3A_1098 : i32 to index
          %get3A_1100 = arith.constant 176 : index
          %get3A_1101 = tpu.vector_load %arg8[%get3A_1099, %get3A_1100] {strides = array<i32>} : memref<128x256xf32, #tpu.memory_space<vmem>>, vector<1x16xf32>,
          %get3A_1102 = vector.shape_cast %get3A_1101 : vector<1x16xf32> to vector<16xf32>
          %mul3A_1103 = arith.mulf %get3A_1102, %broadcast_in_dim3A_942 : vector<16xf32>
          %add3A_1104 = arith.constant 4 : i32
          %add3A_1105 = arith.addi %mul3A_35, %add3A_1104 : i32
          %swap3A_1106 = arith.index_cast %add3A_1105 : i32 to index
          %swap3A_1107 = arith.constant 176 : index
          %swap3A_1108 = tpu.vector_load %arg8[%swap3A_1106, %swap3A_1107] {strides = array<i32>} : memref<128x256xf32, #tpu.memory_space<vmem>>, vector<1x16xf32>,
          %swap3A_1109 = vector.shape_cast %swap3A_1108 : vector<1x16xf32> to vector<16xf32>
          %swap3A_1110 = vector.shape_cast %mul3A_1103 : vector<16xf32> to vector<1x16xf32>
          tpu.vector_store %arg8[%swap3A_1106, %swap3A_1107], %swap3A_1110 {strides = array<i32>} : memref<128x256xf32, #tpu.memory_space<vmem>>, vector<1x16xf32>,
          %add3A_1111 = arith.constant 4 : i32
          %add3A_1112 = arith.addi %mul3A_35, %add3A_1111 : i32
          %get3A_1113 = arith.index_cast %add3A_1112 : i32 to index
          %get3A_1114 = arith.constant 192 : index
          %get3A_1115 = tpu.vector_load %arg8[%get3A_1113, %get3A_1114] {strides = array<i32>} : memref<128x256xf32, #tpu.memory_space<vmem>>, vector<1x16xf32>,
          %get3A_1116 = vector.shape_cast %get3A_1115 : vector<1x16xf32> to vector<16xf32>
          %mul3A_1117 = arith.mulf %get3A_1116, %broadcast_in_dim3A_942 : vector<16xf32>
          %add3A_1118 = arith.constant 4 : i32
          %add3A_1119 = arith.addi %mul3A_35, %add3A_1118 : i32
          %swap3A_1120 = arith.index_cast %add3A_1119 : i32 to index
          %swap3A_1121 = arith.constant 192 : index
          %swap3A_1122 = tpu.vector_load %arg8[%swap3A_1120, %swap3A_1121] {strides = array<i32>} : memref<128x256xf32, #tpu.memory_space<vmem>>, vector<1x16xf32>,
          %swap3A_1123 = vector.shape_cast %swap3A_1122 : vector<1x16xf32> to vector<16xf32>
          %swap3A_1124 = vector.shape_cast %mul3A_1117 : vector<16xf32> to vector<1x16xf32>
          tpu.vector_store %arg8[%swap3A_1120, %swap3A_1121], %swap3A_1124 {strides = array<i32>} : memref<128x256xf32, #tpu.memory_space<vmem>>, vector<1x16xf32>,
          %add3A_1125 = arith.constant 4 : i32
          %add3A_1126 = arith.addi %mul3A_35, %add3A_1125 : i32
          %get3A_1127 = arith.index_cast %add3A_1126 : i32 to index
          %get3A_1128 = arith.constant 208 : index
          %get3A_1129 = tpu.vector_load %arg8[%get3A_1127, %get3A_1128] {strides = array<i32>} : memref<128x256xf32, #tpu.memory_space<vmem>>, vector<1x16xf32>,
          %get3A_1130 = vector.shape_cast %get3A_1129 : vector<1x16xf32> to vector<16xf32>
          %mul3A_1131 = arith.mulf %get3A_1130, %broadcast_in_dim3A_942 : vector<16xf32>
          %add3A_1132 = arith.constant 4 : i32
          %add3A_1133 = arith.addi %mul3A_35, %add3A_1132 : i32
          %swap3A_1134 = arith.index_cast %add3A_1133 : i32 to index
          %swap3A_1135 = arith.constant 208 : index
          %swap3A_1136 = tpu.vector_load %arg8[%swap3A_1134, %swap3A_1135] {strides = array<i32>} : memref<128x256xf32, #tpu.memory_space<vmem>>, vector<1x16xf32>,
          %swap3A_1137 = vector.shape_cast %swap3A_1136 : vector<1x16xf32> to vector<16xf32>
          %swap3A_1138 = vector.shape_cast %mul3A_1131 : vector<16xf32> to vector<1x16xf32>
          tpu.vector_store %arg8[%swap3A_1134, %swap3A_1135], %swap3A_1138 {strides = array<i32>} : memref<128x256xf32, #tpu.memory_space<vmem>>, vector<1x16xf32>,
          %add3A_1139 = arith.constant 4 : i32
          %add3A_1140 = arith.addi %mul3A_35, %add3A_1139 : i32
          %get3A_1141 = arith.index_cast %add3A_1140 : i32 to index
          %get3A_1142 = arith.constant 224 : index
          %get3A_1143 = tpu.vector_load %arg8[%get3A_1141, %get3A_1142] {strides = array<i32>} : memref<128x256xf32, #tpu.memory_space<vmem>>, vector<1x16xf32>,
          %get3A_1144 = vector.shape_cast %get3A_1143 : vector<1x16xf32> to vector<16xf32>
          %mul3A_1145 = arith.mulf %get3A_1144, %broadcast_in_dim3A_942 : vector<16xf32>
          %add3A_1146 = arith.constant 4 : i32
          %add3A_1147 = arith.addi %mul3A_35, %add3A_1146 : i32
          %swap3A_1148 = arith.index_cast %add3A_1147 : i32 to index
          %swap3A_1149 = arith.constant 224 : index
          %swap3A_1150 = tpu.vector_load %arg8[%swap3A_1148, %swap3A_1149] {strides = array<i32>} : memref<128x256xf32, #tpu.memory_space<vmem>>, vector<1x16xf32>,
          %swap3A_1151 = vector.shape_cast %swap3A_1150 : vector<1x16xf32> to vector<16xf32>
          %swap3A_1152 = vector.shape_cast %mul3A_1145 : vector<16xf32> to vector<1x16xf32>
          tpu.vector_store %arg8[%swap3A_1148, %swap3A_1149], %swap3A_1152 {strides = array<i32>} : memref<128x256xf32, #tpu.memory_space<vmem>>, vector<1x16xf32>,
          %add3A_1153 = arith.constant 4 : i32
          %add3A_1154 = arith.addi %mul3A_35, %add3A_1153 : i32
          %get3A_1155 = arith.index_cast %add3A_1154 : i32 to index
          %get3A_1156 = arith.constant 240 : index
          %get3A_1157 = tpu.vector_load %arg8[%get3A_1155, %get3A_1156] {strides = array<i32>} : memref<128x256xf32, #tpu.memory_space<vmem>>, vector<1x16xf32>,
          %get3A_1158 = vector.shape_cast %get3A_1157 : vector<1x16xf32> to vector<16xf32>
          %mul3A_1159 = arith.mulf %get3A_1158, %broadcast_in_dim3A_942 : vector<16xf32>
          %add3A_1160 = arith.constant 4 : i32
          %add3A_1161 = arith.addi %mul3A_35, %add3A_1160 : i32
          %swap3A_1162 = arith.index_cast %add3A_1161 : i32 to index
          %swap3A_1163 = arith.constant 240 : index
          %swap3A_1164 = tpu.vector_load %arg8[%swap3A_1162, %swap3A_1163] {strides = array<i32>} : memref<128x256xf32, #tpu.memory_space<vmem>>, vector<1x16xf32>,
          %swap3A_1165 = vector.shape_cast %swap3A_1164 : vector<1x16xf32> to vector<16xf32>
          %swap3A_1166 = vector.shape_cast %mul3A_1159 : vector<16xf32> to vector<1x16xf32>
          tpu.vector_store %arg8[%swap3A_1162, %swap3A_1163], %swap3A_1166 {strides = array<i32>} : memref<128x256xf32, #tpu.memory_space<vmem>>, vector<1x16xf32>,
          %slice3A_1167 = vector.extract_strided_slice %get3A_33 {offsets = [5], sizes = [1], strides = [1]} : vector<16xf32> to vector<1xf32>
          %squeeze3A_1168 = vector.extract %slice3A_1167[0] : f32 from vector<1xf32>
          %broadcast_in_dim3A_1169 = vector.broadcast %squeeze3A_1168 : f32 to vector<16xf32>
          %add3A_1170 = arith.constant 5 : i32
          %add3A_1171 = arith.addi %mul3A_35, %add3A_1170 : i32
          %get3A_1172 = arith.index_cast %add3A_1171 : i32 to index
          %get3A_1173 = arith.constant 0 : index
          %get3A_1174 = tpu.vector_load %arg8[%get3A_1172, %get3A_1173] {strides = array<i32>} : memref<128x256xf32, #tpu.memory_space<vmem>>, vector<1x16xf32>,
          %get3A_1175 = vector.shape_cast %get3A_1174 : vector<1x16xf32> to vector<16xf32>
          %mul3A_1176 = arith.mulf %get3A_1175, %broadcast_in_dim3A_1169 : vector<16xf32>
          %add3A_1177 = arith.constant 5 : i32
          %add3A_1178 = arith.addi %mul3A_35, %add3A_1177 : i32
          %swap3A_1179 = arith.index_cast %add3A_1178 : i32 to index
          %swap3A_1180 = arith.constant 0 : index
          %swap3A_1181 = tpu.vector_load %arg8[%swap3A_1179, %swap3A_1180] {strides = array<i32>} : memref<128x256xf32, #tpu.memory_space<vmem>>, vector<1x16xf32>,
          %swap3A_1182 = vector.shape_cast %swap3A_1181 : vector<1x16xf32> to vector<16xf32>
          %swap3A_1183 = vector.shape_cast %mul3A_1176 : vector<16xf32> to vector<1x16xf32>
          tpu.vector_store %arg8[%swap3A_1179, %swap3A_1180], %swap3A_1183 {strides = array<i32>} : memref<128x256xf32, #tpu.memory_space<vmem>>, vector<1x16xf32>,
          %add3A_1184 = arith.constant 5 : i32
          %add3A_1185 = arith.addi %mul3A_35, %add3A_1184 : i32
          %get3A_1186 = arith.index_cast %add3A_1185 : i32 to index
          %get3A_1187 = arith.constant 16 : index
          %get3A_1188 = tpu.vector_load %arg8[%get3A_1186, %get3A_1187] {strides = array<i32>} : memref<128x256xf32, #tpu.memory_space<vmem>>, vector<1x16xf32>,
          %get3A_1189 = vector.shape_cast %get3A_1188 : vector<1x16xf32> to vector<16xf32>
          %mul3A_1190 = arith.mulf %get3A_1189, %broadcast_in_dim3A_1169 : vector<16xf32>
          %add3A_1191 = arith.constant 5 : i32
          %add3A_1192 = arith.addi %mul3A_35, %add3A_1191 : i32
          %swap3A_1193 = arith.index_cast %add3A_1192 : i32 to index
          %swap3A_1194 = arith.constant 16 : index
          %swap3A_1195 = tpu.vector_load %arg8[%swap3A_1193, %swap3A_1194] {strides = array<i32>} : memref<128x256xf32, #tpu.memory_space<vmem>>, vector<1x16xf32>,
          %swap3A_1196 = vector.shape_cast %swap3A_1195 : vector<1x16xf32> to vector<16xf32>
          %swap3A_1197 = vector.shape_cast %mul3A_1190 : vector<16xf32> to vector<1x16xf32>
          tpu.vector_store %arg8[%swap3A_1193, %swap3A_1194], %swap3A_1197 {strides = array<i32>} : memref<128x256xf32, #tpu.memory_space<vmem>>, vector<1x16xf32>,
          %add3A_1198 = arith.constant 5 : i32
          %add3A_1199 = arith.addi %mul3A_35, %add3A_1198 : i32
          %get3A_1200 = arith.index_cast %add3A_1199 : i32 to index
          %get3A_1201 = arith.constant 32 : index
          %get3A_1202 = tpu.vector_load %arg8[%get3A_1200, %get3A_1201] {strides = array<i32>} : memref<128x256xf32, #tpu.memory_space<vmem>>, vector<1x16xf32>,
          %get3A_1203 = vector.shape_cast %get3A_1202 : vector<1x16xf32> to vector<16xf32>
          %mul3A_1204 = arith.mulf %get3A_1203, %broadcast_in_dim3A_1169 : vector<16xf32>
          %add3A_1205 = arith.constant 5 : i32
          %add3A_1206 = arith.addi %mul3A_35, %add3A_1205 : i32
          %swap3A_1207 = arith.index_cast %add3A_1206 : i32 to index
          %swap3A_1208 = arith.constant 32 : index
          %swap3A_1209 = tpu.vector_load %arg8[%swap3A_1207, %swap3A_1208] {strides = array<i32>} : memref<128x256xf32, #tpu.memory_space<vmem>>, vector<1x16xf32>,
          %swap3A_1210 = vector.shape_cast %swap3A_1209 : vector<1x16xf32> to vector<16xf32>
          %swap3A_1211 = vector.shape_cast %mul3A_1204 : vector<16xf32> to vector<1x16xf32>
          tpu.vector_store %arg8[%swap3A_1207, %swap3A_1208], %swap3A_1211 {strides = array<i32>} : memref<128x256xf32, #tpu.memory_space<vmem>>, vector<1x16xf32>,
          %add3A_1212 = arith.constant 5 : i32
          %add3A_1213 = arith.addi %mul3A_35, %add3A_1212 : i32
          %get3A_1214 = arith.index_cast %add3A_1213 : i32 to index
          %get3A_1215 = arith.constant 48 : index
          %get3A_1216 = tpu.vector_load %arg8[%get3A_1214, %get3A_1215] {strides = array<i32>} : memref<128x256xf32, #tpu.memory_space<vmem>>, vector<1x16xf32>,
          %get3A_1217 = vector.shape_cast %get3A_1216 : vector<1x16xf32> to vector<16xf32>
          %mul3A_1218 = arith.mulf %get3A_1217, %broadcast_in_dim3A_1169 : vector<16xf32>
          %add3A_1219 = arith.constant 5 : i32
          %add3A_1220 = arith.addi %mul3A_35, %add3A_1219 : i32
          %swap3A_1221 = arith.index_cast %add3A_1220 : i32 to index
          %swap3A_1222 = arith.constant 48 : index
          %swap3A_1223 = tpu.vector_load %arg8[%swap3A_1221, %swap3A_1222] {strides = array<i32>} : memref<128x256xf32, #tpu.memory_space<vmem>>, vector<1x16xf32>,
          %swap3A_1224 = vector.shape_cast %swap3A_1223 : vector<1x16xf32> to vector<16xf32>
          %swap3A_1225 = vector.shape_cast %mul3A_1218 : vector<16xf32> to vector<1x16xf32>
          tpu.vector_store %arg8[%swap3A_1221, %swap3A_1222], %swap3A_1225 {strides = array<i32>} : memref<128x256xf32, #tpu.memory_space<vmem>>, vector<1x16xf32>,
          %add3A_1226 = arith.constant 5 : i32
          %add3A_1227 = arith.addi %mul3A_35, %add3A_1226 : i32
          %get3A_1228 = arith.index_cast %add3A_1227 : i32 to index
          %get3A_1229 = arith.constant 64 : index
          %get3A_1230 = tpu.vector_load %arg8[%get3A_1228, %get3A_1229] {strides = array<i32>} : memref<128x256xf32, #tpu.memory_space<vmem>>, vector<1x16xf32>,
          %get3A_1231 = vector.shape_cast %get3A_1230 : vector<1x16xf32> to vector<16xf32>
          %mul3A_1232 = arith.mulf %get3A_1231, %broadcast_in_dim3A_1169 : vector<16xf32>
          %add3A_1233 = arith.constant 5 : i32
          %add3A_1234 = arith.addi %mul3A_35, %add3A_1233 : i32
          %swap3A_1235 = arith.index_cast %add3A_1234 : i32 to index
          %swap3A_1236 = arith.constant 64 : index
          %swap3A_1237 = tpu.vector_load %arg8[%swap3A_1235, %swap3A_1236] {strides = array<i32>} : memref<128x256xf32, #tpu.memory_space<vmem>>, vector<1x16xf32>,
          %swap3A_1238 = vector.shape_cast %swap3A_1237 : vector<1x16xf32> to vector<16xf32>
          %swap3A_1239 = vector.shape_cast %mul3A_1232 : vector<16xf32> to vector<1x16xf32>
          tpu.vector_store %arg8[%swap3A_1235, %swap3A_1236], %swap3A_1239 {strides = array<i32>} : memref<128x256xf32, #tpu.memory_space<vmem>>, vector<1x16xf32>,
          %add3A_1240 = arith.constant 5 : i32
          %add3A_1241 = arith.addi %mul3A_35, %add3A_1240 : i32
          %get3A_1242 = arith.index_cast %add3A_1241 : i32 to index
          %get3A_1243 = arith.constant 80 : index
          %get3A_1244 = tpu.vector_load %arg8[%get3A_1242, %get3A_1243] {strides = array<i32>} : memref<128x256xf32, #tpu.memory_space<vmem>>, vector<1x16xf32>,
          %get3A_1245 = vector.shape_cast %get3A_1244 : vector<1x16xf32> to vector<16xf32>
          %mul3A_1246 = arith.mulf %get3A_1245, %broadcast_in_dim3A_1169 : vector<16xf32>
          %add3A_1247 = arith.constant 5 : i32
          %add3A_1248 = arith.addi %mul3A_35, %add3A_1247 : i32
          %swap3A_1249 = arith.index_cast %add3A_1248 : i32 to index
          %swap3A_1250 = arith.constant 80 : index
          %swap3A_1251 = tpu.vector_load %arg8[%swap3A_1249, %swap3A_1250] {strides = array<i32>} : memref<128x256xf32, #tpu.memory_space<vmem>>, vector<1x16xf32>,
          %swap3A_1252 = vector.shape_cast %swap3A_1251 : vector<1x16xf32> to vector<16xf32>
          %swap3A_1253 = vector.shape_cast %mul3A_1246 : vector<16xf32> to vector<1x16xf32>
          tpu.vector_store %arg8[%swap3A_1249, %swap3A_1250], %swap3A_1253 {strides = array<i32>} : memref<128x256xf32, #tpu.memory_space<vmem>>, vector<1x16xf32>,
          %add3A_1254 = arith.constant 5 : i32
          %add3A_1255 = arith.addi %mul3A_35, %add3A_1254 : i32
          %get3A_1256 = arith.index_cast %add3A_1255 : i32 to index
          %get3A_1257 = arith.constant 96 : index
          %get3A_1258 = tpu.vector_load %arg8[%get3A_1256, %get3A_1257] {strides = array<i32>} : memref<128x256xf32, #tpu.memory_space<vmem>>, vector<1x16xf32>,
          %get3A_1259 = vector.shape_cast %get3A_1258 : vector<1x16xf32> to vector<16xf32>
          %mul3A_1260 = arith.mulf %get3A_1259, %broadcast_in_dim3A_1169 : vector<16xf32>
          %add3A_1261 = arith.constant 5 : i32
          %add3A_1262 = arith.addi %mul3A_35, %add3A_1261 : i32
          %swap3A_1263 = arith.index_cast %add3A_1262 : i32 to index
          %swap3A_1264 = arith.constant 96 : index
          %swap3A_1265 = tpu.vector_load %arg8[%swap3A_1263, %swap3A_1264] {strides = array<i32>} : memref<128x256xf32, #tpu.memory_space<vmem>>, vector<1x16xf32>,
          %swap3A_1266 = vector.shape_cast %swap3A_1265 : vector<1x16xf32> to vector<16xf32>
          %swap3A_1267 = vector.shape_cast %mul3A_1260 : vector<16xf32> to vector<1x16xf32>
          tpu.vector_store %arg8[%swap3A_1263, %swap3A_1264], %swap3A_1267 {strides = array<i32>} : memref<128x256xf32, #tpu.memory_space<vmem>>, vector<1x16xf32>,
          %add3A_1268 = arith.constant 5 : i32
          %add3A_1269 = arith.addi %mul3A_35, %add3A_1268 : i32
          %get3A_1270 = arith.index_cast %add3A_1269 : i32 to index
          %get3A_1271 = arith.constant 112 : index
          %get3A_1272 = tpu.vector_load %arg8[%get3A_1270, %get3A_1271] {strides = array<i32>} : memref<128x256xf32, #tpu.memory_space<vmem>>, vector<1x16xf32>,
          %get3A_1273 = vector.shape_cast %get3A_1272 : vector<1x16xf32> to vector<16xf32>
          %mul3A_1274 = arith.mulf %get3A_1273, %broadcast_in_dim3A_1169 : vector<16xf32>
          %add3A_1275 = arith.constant 5 : i32
          %add3A_1276 = arith.addi %mul3A_35, %add3A_1275 : i32
          %swap3A_1277 = arith.index_cast %add3A_1276 : i32 to index
          %swap3A_1278 = arith.constant 112 : index
          %swap3A_1279 = tpu.vector_load %arg8[%swap3A_1277, %swap3A_1278] {strides = array<i32>} : memref<128x256xf32, #tpu.memory_space<vmem>>, vector<1x16xf32>,
          %swap3A_1280 = vector.shape_cast %swap3A_1279 : vector<1x16xf32> to vector<16xf32>
          %swap3A_1281 = vector.shape_cast %mul3A_1274 : vector<16xf32> to vector<1x16xf32>
          tpu.vector_store %arg8[%swap3A_1277, %swap3A_1278], %swap3A_1281 {strides = array<i32>} : memref<128x256xf32, #tpu.memory_space<vmem>>, vector<1x16xf32>,
          %add3A_1282 = arith.constant 5 : i32
          %add3A_1283 = arith.addi %mul3A_35, %add3A_1282 : i32
          %get3A_1284 = arith.index_cast %add3A_1283 : i32 to index
          %get3A_1285 = arith.constant 128 : index
          %get3A_1286 = tpu.vector_load %arg8[%get3A_1284, %get3A_1285] {strides = array<i32>} : memref<128x256xf32, #tpu.memory_space<vmem>>, vector<1x16xf32>,
          %get3A_1287 = vector.shape_cast %get3A_1286 : vector<1x16xf32> to vector<16xf32>
          %mul3A_1288 = arith.mulf %get3A_1287, %broadcast_in_dim3A_1169 : vector<16xf32>
          %add3A_1289 = arith.constant 5 : i32
          %add3A_1290 = arith.addi %mul3A_35, %add3A_1289 : i32
          %swap3A_1291 = arith.index_cast %add3A_1290 : i32 to index
          %swap3A_1292 = arith.constant 128 : index
          %swap3A_1293 = tpu.vector_load %arg8[%swap3A_1291, %swap3A_1292] {strides = array<i32>} : memref<128x256xf32, #tpu.memory_space<vmem>>, vector<1x16xf32>,
          %swap3A_1294 = vector.shape_cast %swap3A_1293 : vector<1x16xf32> to vector<16xf32>
          %swap3A_1295 = vector.shape_cast %mul3A_1288 : vector<16xf32> to vector<1x16xf32>
          tpu.vector_store %arg8[%swap3A_1291, %swap3A_1292], %swap3A_1295 {strides = array<i32>} : memref<128x256xf32, #tpu.memory_space<vmem>>, vector<1x16xf32>,
          %add3A_1296 = arith.constant 5 : i32
          %add3A_1297 = arith.addi %mul3A_35, %add3A_1296 : i32
          %get3A_1298 = arith.index_cast %add3A_1297 : i32 to index
          %get3A_1299 = arith.constant 144 : index
          %get3A_1300 = tpu.vector_load %arg8[%get3A_1298, %get3A_1299] {strides = array<i32>} : memref<128x256xf32, #tpu.memory_space<vmem>>, vector<1x16xf32>,
          %get3A_1301 = vector.shape_cast %get3A_1300 : vector<1x16xf32> to vector<16xf32>
          %mul3A_1302 = arith.mulf %get3A_1301, %broadcast_in_dim3A_1169 : vector<16xf32>
          %add3A_1303 = arith.constant 5 : i32
          %add3A_1304 = arith.addi %mul3A_35, %add3A_1303 : i32
          %swap3A_1305 = arith.index_cast %add3A_1304 : i32 to index
          %swap3A_1306 = arith.constant 144 : index
          %swap3A_1307 = tpu.vector_load %arg8[%swap3A_1305, %swap3A_1306] {strides = array<i32>} : memref<128x256xf32, #tpu.memory_space<vmem>>, vector<1x16xf32>,
          %swap3A_1308 = vector.shape_cast %swap3A_1307 : vector<1x16xf32> to vector<16xf32>
          %swap3A_1309 = vector.shape_cast %mul3A_1302 : vector<16xf32> to vector<1x16xf32>
          tpu.vector_store %arg8[%swap3A_1305, %swap3A_1306], %swap3A_1309 {strides = array<i32>} : memref<128x256xf32, #tpu.memory_space<vmem>>, vector<1x16xf32>,
          %add3A_1310 = arith.constant 5 : i32
          %add3A_1311 = arith.addi %mul3A_35, %add3A_1310 : i32
          %get3A_1312 = arith.index_cast %add3A_1311 : i32 to index
          %get3A_1313 = arith.constant 160 : index
          %get3A_1314 = tpu.vector_load %arg8[%get3A_1312, %get3A_1313] {strides = array<i32>} : memref<128x256xf32, #tpu.memory_space<vmem>>, vector<1x16xf32>,
          %get3A_1315 = vector.shape_cast %get3A_1314 : vector<1x16xf32> to vector<16xf32>
          %mul3A_1316 = arith.mulf %get3A_1315, %broadcast_in_dim3A_1169 : vector<16xf32>
          %add3A_1317 = arith.constant 5 : i32
          %add3A_1318 = arith.addi %mul3A_35, %add3A_1317 : i32
          %swap3A_1319 = arith.index_cast %add3A_1318 : i32 to index
          %swap3A_1320 = arith.constant 160 : index
          %swap3A_1321 = tpu.vector_load %arg8[%swap3A_1319, %swap3A_1320] {strides = array<i32>} : memref<128x256xf32, #tpu.memory_space<vmem>>, vector<1x16xf32>,
          %swap3A_1322 = vector.shape_cast %swap3A_1321 : vector<1x16xf32> to vector<16xf32>
          %swap3A_1323 = vector.shape_cast %mul3A_1316 : vector<16xf32> to vector<1x16xf32>
          tpu.vector_store %arg8[%swap3A_1319, %swap3A_1320], %swap3A_1323 {strides = array<i32>} : memref<128x256xf32, #tpu.memory_space<vmem>>, vector<1x16xf32>,
          %add3A_1324 = arith.constant 5 : i32
          %add3A_1325 = arith.addi %mul3A_35, %add3A_1324 : i32
          %get3A_1326 = arith.index_cast %add3A_1325 : i32 to index
          %get3A_1327 = arith.constant 176 : index
          %get3A_1328 = tpu.vector_load %arg8[%get3A_1326, %get3A_1327] {strides = array<i32>} : memref<128x256xf32, #tpu.memory_space<vmem>>, vector<1x16xf32>,
          %get3A_1329 = vector.shape_cast %get3A_1328 : vector<1x16xf32> to vector<16xf32>
          %mul3A_1330 = arith.mulf %get3A_1329, %broadcast_in_dim3A_1169 : vector<16xf32>
          %add3A_1331 = arith.constant 5 : i32
          %add3A_1332 = arith.addi %mul3A_35, %add3A_1331 : i32
          %swap3A_1333 = arith.index_cast %add3A_1332 : i32 to index
          %swap3A_1334 = arith.constant 176 : index
          %swap3A_1335 = tpu.vector_load %arg8[%swap3A_1333, %swap3A_1334] {strides = array<i32>} : memref<128x256xf32, #tpu.memory_space<vmem>>, vector<1x16xf32>,
          %swap3A_1336 = vector.shape_cast %swap3A_1335 : vector<1x16xf32> to vector<16xf32>
          %swap3A_1337 = vector.shape_cast %mul3A_1330 : vector<16xf32> to vector<1x16xf32>
          tpu.vector_store %arg8[%swap3A_1333, %swap3A_1334], %swap3A_1337 {strides = array<i32>} : memref<128x256xf32, #tpu.memory_space<vmem>>, vector<1x16xf32>,
          %add3A_1338 = arith.constant 5 : i32
          %add3A_1339 = arith.addi %mul3A_35, %add3A_1338 : i32
          %get3A_1340 = arith.index_cast %add3A_1339 : i32 to index
          %get3A_1341 = arith.constant 192 : index
          %get3A_1342 = tpu.vector_load %arg8[%get3A_1340, %get3A_1341] {strides = array<i32>} : memref<128x256xf32, #tpu.memory_space<vmem>>, vector<1x16xf32>,
          %get3A_1343 = vector.shape_cast %get3A_1342 : vector<1x16xf32> to vector<16xf32>
          %mul3A_1344 = arith.mulf %get3A_1343, %broadcast_in_dim3A_1169 : vector<16xf32>
          %add3A_1345 = arith.constant 5 : i32
          %add3A_1346 = arith.addi %mul3A_35, %add3A_1345 : i32
          %swap3A_1347 = arith.index_cast %add3A_1346 : i32 to index
          %swap3A_1348 = arith.constant 192 : index
          %swap3A_1349 = tpu.vector_load %arg8[%swap3A_1347, %swap3A_1348] {strides = array<i32>} : memref<128x256xf32, #tpu.memory_space<vmem>>, vector<1x16xf32>,
          %swap3A_1350 = vector.shape_cast %swap3A_1349 : vector<1x16xf32> to vector<16xf32>
          %swap3A_1351 = vector.shape_cast %mul3A_1344 : vector<16xf32> to vector<1x16xf32>
          tpu.vector_store %arg8[%swap3A_1347, %swap3A_1348], %swap3A_1351 {strides = array<i32>} : memref<128x256xf32, #tpu.memory_space<vmem>>, vector<1x16xf32>,
          %add3A_1352 = arith.constant 5 : i32
          %add3A_1353 = arith.addi %mul3A_35, %add3A_1352 : i32
          %get3A_1354 = arith.index_cast %add3A_1353 : i32 to index
          %get3A_1355 = arith.constant 208 : index
          %get3A_1356 = tpu.vector_load %arg8[%get3A_1354, %get3A_1355] {strides = array<i32>} : memref<128x256xf32, #tpu.memory_space<vmem>>, vector<1x16xf32>,
          %get3A_1357 = vector.shape_cast %get3A_1356 : vector<1x16xf32> to vector<16xf32>
          %mul3A_1358 = arith.mulf %get3A_1357, %broadcast_in_dim3A_1169 : vector<16xf32>
          %add3A_1359 = arith.constant 5 : i32
          %add3A_1360 = arith.addi %mul3A_35, %add3A_1359 : i32
          %swap3A_1361 = arith.index_cast %add3A_1360 : i32 to index
          %swap3A_1362 = arith.constant 208 : index
          %swap3A_1363 = tpu.vector_load %arg8[%swap3A_1361, %swap3A_1362] {strides = array<i32>} : memref<128x256xf32, #tpu.memory_space<vmem>>, vector<1x16xf32>,
          %swap3A_1364 = vector.shape_cast %swap3A_1363 : vector<1x16xf32> to vector<16xf32>
          %swap3A_1365 = vector.shape_cast %mul3A_1358 : vector<16xf32> to vector<1x16xf32>
          tpu.vector_store %arg8[%swap3A_1361, %swap3A_1362], %swap3A_1365 {strides = array<i32>} : memref<128x256xf32, #tpu.memory_space<vmem>>, vector<1x16xf32>,
          %add3A_1366 = arith.constant 5 : i32
          %add3A_1367 = arith.addi %mul3A_35, %add3A_1366 : i32
          %get3A_1368 = arith.index_cast %add3A_1367 : i32 to index
          %get3A_1369 = arith.constant 224 : index
          %get3A_1370 = tpu.vector_load %arg8[%get3A_1368, %get3A_1369] {strides = array<i32>} : memref<128x256xf32, #tpu.memory_space<vmem>>, vector<1x16xf32>,
          %get3A_1371 = vector.shape_cast %get3A_1370 : vector<1x16xf32> to vector<16xf32>
          %mul3A_1372 = arith.mulf %get3A_1371, %broadcast_in_dim3A_1169 : vector<16xf32>
          %add3A_1373 = arith.constant 5 : i32
          %add3A_1374 = arith.addi %mul3A_35, %add3A_1373 : i32
          %swap3A_1375 = arith.index_cast %add3A_1374 : i32 to index
          %swap3A_1376 = arith.constant 224 : index
          %swap3A_1377 = tpu.vector_load %arg8[%swap3A_1375, %swap3A_1376] {strides = array<i32>} : memref<128x256xf32, #tpu.memory_space<vmem>>, vector<1x16xf32>,
          %swap3A_1378 = vector.shape_cast %swap3A_1377 : vector<1x16xf32> to vector<16xf32>
          %swap3A_1379 = vector.shape_cast %mul3A_1372 : vector<16xf32> to vector<1x16xf32>
          tpu.vector_store %arg8[%swap3A_1375, %swap3A_1376], %swap3A_1379 {strides = array<i32>} : memref<128x256xf32, #tpu.memory_space<vmem>>, vector<1x16xf32>,
          %add3A_1380 = arith.constant 5 : i32
          %add3A_1381 = arith.addi %mul3A_35, %add3A_1380 : i32
          %get3A_1382 = arith.index_cast %add3A_1381 : i32 to index
          %get3A_1383 = arith.constant 240 : index
          %get3A_1384 = tpu.vector_load %arg8[%get3A_1382, %get3A_1383] {strides = array<i32>} : memref<128x256xf32, #tpu.memory_space<vmem>>, vector<1x16xf32>,
          %get3A_1385 = vector.shape_cast %get3A_1384 : vector<1x16xf32> to vector<16xf32>
          %mul3A_1386 = arith.mulf %get3A_1385, %broadcast_in_dim3A_1169 : vector<16xf32>
          %add3A_1387 = arith.constant 5 : i32
          %add3A_1388 = arith.addi %mul3A_35, %add3A_1387 : i32
          %swap3A_1389 = arith.index_cast %add3A_1388 : i32 to index
          %swap3A_1390 = arith.constant 240 : index
          %swap3A_1391 = tpu.vector_load %arg8[%swap3A_1389, %swap3A_1390] {strides = array<i32>} : memref<128x256xf32, #tpu.memory_space<vmem>>, vector<1x16xf32>,
          %swap3A_1392 = vector.shape_cast %swap3A_1391 : vector<1x16xf32> to vector<16xf32>
          %swap3A_1393 = vector.shape_cast %mul3A_1386 : vector<16xf32> to vector<1x16xf32>
          tpu.vector_store %arg8[%swap3A_1389, %swap3A_1390], %swap3A_1393 {strides = array<i32>} : memref<128x256xf32, #tpu.memory_space<vmem>>, vector<1x16xf32>,
          %slice3A_1394 = vector.extract_strided_slice %get3A_33 {offsets = [6], sizes = [1], strides = [1]} : vector<16xf32> to vector<1xf32>
          %squeeze3A_1395 = vector.extract %slice3A_1394[0] : f32 from vector<1xf32>
          %broadcast_in_dim3A_1396 = vector.broadcast %squeeze3A_1395 : f32 to vector<16xf32>
          %add3A_1397 = arith.constant 6 : i32
          %add3A_1398 = arith.addi %mul3A_35, %add3A_1397 : i32
          %get3A_1399 = arith.index_cast %add3A_1398 : i32 to index
          %get3A_1400 = arith.constant 0 : index
          %get3A_1401 = tpu.vector_load %arg8[%get3A_1399, %get3A_1400] {strides = array<i32>} : memref<128x256xf32, #tpu.memory_space<vmem>>, vector<1x16xf32>,
          %get3A_1402 = vector.shape_cast %get3A_1401 : vector<1x16xf32> to vector<16xf32>
          %mul3A_1403 = arith.mulf %get3A_1402, %broadcast_in_dim3A_1396 : vector<16xf32>
          %add3A_1404 = arith.constant 6 : i32
          %add3A_1405 = arith.addi %mul3A_35, %add3A_1404 : i32
          %swap3A_1406 = arith.index_cast %add3A_1405 : i32 to index
          %swap3A_1407 = arith.constant 0 : index
          %swap3A_1408 = tpu.vector_load %arg8[%swap3A_1406, %swap3A_1407] {strides = array<i32>} : memref<128x256xf32, #tpu.memory_space<vmem>>, vector<1x16xf32>,
          %swap3A_1409 = vector.shape_cast %swap3A_1408 : vector<1x16xf32> to vector<16xf32>
          %swap3A_1410 = vector.shape_cast %mul3A_1403 : vector<16xf32> to vector<1x16xf32>
          tpu.vector_store %arg8[%swap3A_1406, %swap3A_1407], %swap3A_1410 {strides = array<i32>} : memref<128x256xf32, #tpu.memory_space<vmem>>, vector<1x16xf32>,
          %add3A_1411 = arith.constant 6 : i32
          %add3A_1412 = arith.addi %mul3A_35, %add3A_1411 : i32
          %get3A_1413 = arith.index_cast %add3A_1412 : i32 to index
          %get3A_1414 = arith.constant 16 : index
          %get3A_1415 = tpu.vector_load %arg8[%get3A_1413, %get3A_1414] {strides = array<i32>} : memref<128x256xf32, #tpu.memory_space<vmem>>, vector<1x16xf32>,
          %get3A_1416 = vector.shape_cast %get3A_1415 : vector<1x16xf32> to vector<16xf32>
          %mul3A_1417 = arith.mulf %get3A_1416, %broadcast_in_dim3A_1396 : vector<16xf32>
          %add3A_1418 = arith.constant 6 : i32
          %add3A_1419 = arith.addi %mul3A_35, %add3A_1418 : i32
          %swap3A_1420 = arith.index_cast %add3A_1419 : i32 to index
          %swap3A_1421 = arith.constant 16 : index
          %swap3A_1422 = tpu.vector_load %arg8[%swap3A_1420, %swap3A_1421] {strides = array<i32>} : memref<128x256xf32, #tpu.memory_space<vmem>>, vector<1x16xf32>,
          %swap3A_1423 = vector.shape_cast %swap3A_1422 : vector<1x16xf32> to vector<16xf32>
          %swap3A_1424 = vector.shape_cast %mul3A_1417 : vector<16xf32> to vector<1x16xf32>
          tpu.vector_store %arg8[%swap3A_1420, %swap3A_1421], %swap3A_1424 {strides = array<i32>} : memref<128x256xf32, #tpu.memory_space<vmem>>, vector<1x16xf32>,
          %add3A_1425 = arith.constant 6 : i32
          %add3A_1426 = arith.addi %mul3A_35, %add3A_1425 : i32
          %get3A_1427 = arith.index_cast %add3A_1426 : i32 to index
          %get3A_1428 = arith.constant 32 : index
          %get3A_1429 = tpu.vector_load %arg8[%get3A_1427, %get3A_1428] {strides = array<i32>} : memref<128x256xf32, #tpu.memory_space<vmem>>, vector<1x16xf32>,
          %get3A_1430 = vector.shape_cast %get3A_1429 : vector<1x16xf32> to vector<16xf32>
          %mul3A_1431 = arith.mulf %get3A_1430, %broadcast_in_dim3A_1396 : vector<16xf32>
          %add3A_1432 = arith.constant 6 : i32
          %add3A_1433 = arith.addi %mul3A_35, %add3A_1432 : i32
          %swap3A_1434 = arith.index_cast %add3A_1433 : i32 to index
          %swap3A_1435 = arith.constant 32 : index
          %swap3A_1436 = tpu.vector_load %arg8[%swap3A_1434, %swap3A_1435] {strides = array<i32>} : memref<128x256xf32, #tpu.memory_space<vmem>>, vector<1x16xf32>,
          %swap3A_1437 = vector.shape_cast %swap3A_1436 : vector<1x16xf32> to vector<16xf32>
          %swap3A_1438 = vector.shape_cast %mul3A_1431 : vector<16xf32> to vector<1x16xf32>
          tpu.vector_store %arg8[%swap3A_1434, %swap3A_1435], %swap3A_1438 {strides = array<i32>} : memref<128x256xf32, #tpu.memory_space<vmem>>, vector<1x16xf32>,
          %add3A_1439 = arith.constant 6 : i32
          %add3A_1440 = arith.addi %mul3A_35, %add3A_1439 : i32
          %get3A_1441 = arith.index_cast %add3A_1440 : i32 to index
          %get3A_1442 = arith.constant 48 : index
          %get3A_1443 = tpu.vector_load %arg8[%get3A_1441, %get3A_1442] {strides = array<i32>} : memref<128x256xf32, #tpu.memory_space<vmem>>, vector<1x16xf32>,
          %get3A_1444 = vector.shape_cast %get3A_1443 : vector<1x16xf32> to vector<16xf32>
          %mul3A_1445 = arith.mulf %get3A_1444, %broadcast_in_dim3A_1396 : vector<16xf32>
          %add3A_1446 = arith.constant 6 : i32
          %add3A_1447 = arith.addi %mul3A_35, %add3A_1446 : i32
          %swap3A_1448 = arith.index_cast %add3A_1447 : i32 to index
          %swap3A_1449 = arith.constant 48 : index
          %swap3A_1450 = tpu.vector_load %arg8[%swap3A_1448, %swap3A_1449] {strides = array<i32>} : memref<128x256xf32, #tpu.memory_space<vmem>>, vector<1x16xf32>,
          %swap3A_1451 = vector.shape_cast %swap3A_1450 : vector<1x16xf32> to vector<16xf32>
          %swap3A_1452 = vector.shape_cast %mul3A_1445 : vector<16xf32> to vector<1x16xf32>
          tpu.vector_store %arg8[%swap3A_1448, %swap3A_1449], %swap3A_1452 {strides = array<i32>} : memref<128x256xf32, #tpu.memory_space<vmem>>, vector<1x16xf32>,
          %add3A_1453 = arith.constant 6 : i32
          %add3A_1454 = arith.addi %mul3A_35, %add3A_1453 : i32
          %get3A_1455 = arith.index_cast %add3A_1454 : i32 to index
          %get3A_1456 = arith.constant 64 : index
          %get3A_1457 = tpu.vector_load %arg8[%get3A_1455, %get3A_1456] {strides = array<i32>} : memref<128x256xf32, #tpu.memory_space<vmem>>, vector<1x16xf32>,
          %get3A_1458 = vector.shape_cast %get3A_1457 : vector<1x16xf32> to vector<16xf32>
          %mul3A_1459 = arith.mulf %get3A_1458, %broadcast_in_dim3A_1396 : vector<16xf32>
          %add3A_1460 = arith.constant 6 : i32
          %add3A_1461 = arith.addi %mul3A_35, %add3A_1460 : i32
          %swap3A_1462 = arith.index_cast %add3A_1461 : i32 to index
          %swap3A_1463 = arith.constant 64 : index
          %swap3A_1464 = tpu.vector_load %arg8[%swap3A_1462, %swap3A_1463] {strides = array<i32>} : memref<128x256xf32, #tpu.memory_space<vmem>>, vector<1x16xf32>,
          %swap3A_1465 = vector.shape_cast %swap3A_1464 : vector<1x16xf32> to vector<16xf32>
          %swap3A_1466 = vector.shape_cast %mul3A_1459 : vector<16xf32> to vector<1x16xf32>
          tpu.vector_store %arg8[%swap3A_1462, %swap3A_1463], %swap3A_1466 {strides = array<i32>} : memref<128x256xf32, #tpu.memory_space<vmem>>, vector<1x16xf32>,
          %add3A_1467 = arith.constant 6 : i32
          %add3A_1468 = arith.addi %mul3A_35, %add3A_1467 : i32
          %get3A_1469 = arith.index_cast %add3A_1468 : i32 to index
          %get3A_1470 = arith.constant 80 : index
          %get3A_1471 = tpu.vector_load %arg8[%get3A_1469, %get3A_1470] {strides = array<i32>} : memref<128x256xf32, #tpu.memory_space<vmem>>, vector<1x16xf32>,
          %get3A_1472 = vector.shape_cast %get3A_1471 : vector<1x16xf32> to vector<16xf32>
          %mul3A_1473 = arith.mulf %get3A_1472, %broadcast_in_dim3A_1396 : vector<16xf32>
          %add3A_1474 = arith.constant 6 : i32
          %add3A_1475 = arith.addi %mul3A_35, %add3A_1474 : i32
          %swap3A_1476 = arith.index_cast %add3A_1475 : i32 to index
          %swap3A_1477 = arith.constant 80 : index
          %swap3A_1478 = tpu.vector_load %arg8[%swap3A_1476, %swap3A_1477] {strides = array<i32>} : memref<128x256xf32, #tpu.memory_space<vmem>>, vector<1x16xf32>,
          %swap3A_1479 = vector.shape_cast %swap3A_1478 : vector<1x16xf32> to vector<16xf32>
          %swap3A_1480 = vector.shape_cast %mul3A_1473 : vector<16xf32> to vector<1x16xf32>
          tpu.vector_store %arg8[%swap3A_1476, %swap3A_1477], %swap3A_1480 {strides = array<i32>} : memref<128x256xf32, #tpu.memory_space<vmem>>, vector<1x16xf32>,
          %add3A_1481 = arith.constant 6 : i32
          %add3A_1482 = arith.addi %mul3A_35, %add3A_1481 : i32
          %get3A_1483 = arith.index_cast %add3A_1482 : i32 to index
          %get3A_1484 = arith.constant 96 : index
          %get3A_1485 = tpu.vector_load %arg8[%get3A_1483, %get3A_1484] {strides = array<i32>} : memref<128x256xf32, #tpu.memory_space<vmem>>, vector<1x16xf32>,
          %get3A_1486 = vector.shape_cast %get3A_1485 : vector<1x16xf32> to vector<16xf32>
          %mul3A_1487 = arith.mulf %get3A_1486, %broadcast_in_dim3A_1396 : vector<16xf32>
          %add3A_1488 = arith.constant 6 : i32
          %add3A_1489 = arith.addi %mul3A_35, %add3A_1488 : i32
          %swap3A_1490 = arith.index_cast %add3A_1489 : i32 to index
          %swap3A_1491 = arith.constant 96 : index
          %swap3A_1492 = tpu.vector_load %arg8[%swap3A_1490, %swap3A_1491] {strides = array<i32>} : memref<128x256xf32, #tpu.memory_space<vmem>>, vector<1x16xf32>,
          %swap3A_1493 = vector.shape_cast %swap3A_1492 : vector<1x16xf32> to vector<16xf32>
          %swap3A_1494 = vector.shape_cast %mul3A_1487 : vector<16xf32> to vector<1x16xf32>
          tpu.vector_store %arg8[%swap3A_1490, %swap3A_1491], %swap3A_1494 {strides = array<i32>} : memref<128x256xf32, #tpu.memory_space<vmem>>, vector<1x16xf32>,
          %add3A_1495 = arith.constant 6 : i32
          %add3A_1496 = arith.addi %mul3A_35, %add3A_1495 : i32
          %get3A_1497 = arith.index_cast %add3A_1496 : i32 to index
          %get3A_1498 = arith.constant 112 : index
          %get3A_1499 = tpu.vector_load %arg8[%get3A_1497, %get3A_1498] {strides = array<i32>} : memref<128x256xf32, #tpu.memory_space<vmem>>, vector<1x16xf32>,
          %get3A_1500 = vector.shape_cast %get3A_1499 : vector<1x16xf32> to vector<16xf32>
          %mul3A_1501 = arith.mulf %get3A_1500, %broadcast_in_dim3A_1396 : vector<16xf32>
          %add3A_1502 = arith.constant 6 : i32
          %add3A_1503 = arith.addi %mul3A_35, %add3A_1502 : i32
          %swap3A_1504 = arith.index_cast %add3A_1503 : i32 to index
          %swap3A_1505 = arith.constant 112 : index
          %swap3A_1506 = tpu.vector_load %arg8[%swap3A_1504, %swap3A_1505] {strides = array<i32>} : memref<128x256xf32, #tpu.memory_space<vmem>>, vector<1x16xf32>,
          %swap3A_1507 = vector.shape_cast %swap3A_1506 : vector<1x16xf32> to vector<16xf32>
          %swap3A_1508 = vector.shape_cast %mul3A_1501 : vector<16xf32> to vector<1x16xf32>
          tpu.vector_store %arg8[%swap3A_1504, %swap3A_1505], %swap3A_1508 {strides = array<i32>} : memref<128x256xf32, #tpu.memory_space<vmem>>, vector<1x16xf32>,
          %add3A_1509 = arith.constant 6 : i32
          %add3A_1510 = arith.addi %mul3A_35, %add3A_1509 : i32
          %get3A_1511 = arith.index_cast %add3A_1510 : i32 to index
          %get3A_1512 = arith.constant 128 : index
          %get3A_1513 = tpu.vector_load %arg8[%get3A_1511, %get3A_1512] {strides = array<i32>} : memref<128x256xf32, #tpu.memory_space<vmem>>, vector<1x16xf32>,
          %get3A_1514 = vector.shape_cast %get3A_1513 : vector<1x16xf32> to vector<16xf32>
          %mul3A_1515 = arith.mulf %get3A_1514, %broadcast_in_dim3A_1396 : vector<16xf32>
          %add3A_1516 = arith.constant 6 : i32
          %add3A_1517 = arith.addi %mul3A_35, %add3A_1516 : i32
          %swap3A_1518 = arith.index_cast %add3A_1517 : i32 to index
          %swap3A_1519 = arith.constant 128 : index
          %swap3A_1520 = tpu.vector_load %arg8[%swap3A_1518, %swap3A_1519] {strides = array<i32>} : memref<128x256xf32, #tpu.memory_space<vmem>>, vector<1x16xf32>,
          %swap3A_1521 = vector.shape_cast %swap3A_1520 : vector<1x16xf32> to vector<16xf32>
          %swap3A_1522 = vector.shape_cast %mul3A_1515 : vector<16xf32> to vector<1x16xf32>
          tpu.vector_store %arg8[%swap3A_1518, %swap3A_1519], %swap3A_1522 {strides = array<i32>} : memref<128x256xf32, #tpu.memory_space<vmem>>, vector<1x16xf32>,
          %add3A_1523 = arith.constant 6 : i32
          %add3A_1524 = arith.addi %mul3A_35, %add3A_1523 : i32
          %get3A_1525 = arith.index_cast %add3A_1524 : i32 to index
          %get3A_1526 = arith.constant 144 : index
          %get3A_1527 = tpu.vector_load %arg8[%get3A_1525, %get3A_1526] {strides = array<i32>} : memref<128x256xf32, #tpu.memory_space<vmem>>, vector<1x16xf32>,
          %get3A_1528 = vector.shape_cast %get3A_1527 : vector<1x16xf32> to vector<16xf32>
          %mul3A_1529 = arith.mulf %get3A_1528, %broadcast_in_dim3A_1396 : vector<16xf32>
          %add3A_1530 = arith.constant 6 : i32
          %add3A_1531 = arith.addi %mul3A_35, %add3A_1530 : i32
          %swap3A_1532 = arith.index_cast %add3A_1531 : i32 to index
          %swap3A_1533 = arith.constant 144 : index
          %swap3A_1534 = tpu.vector_load %arg8[%swap3A_1532, %swap3A_1533] {strides = array<i32>} : memref<128x256xf32, #tpu.memory_space<vmem>>, vector<1x16xf32>,
          %swap3A_1535 = vector.shape_cast %swap3A_1534 : vector<1x16xf32> to vector<16xf32>
          %swap3A_1536 = vector.shape_cast %mul3A_1529 : vector<16xf32> to vector<1x16xf32>
          tpu.vector_store %arg8[%swap3A_1532, %swap3A_1533], %swap3A_1536 {strides = array<i32>} : memref<128x256xf32, #tpu.memory_space<vmem>>, vector<1x16xf32>,
          %add3A_1537 = arith.constant 6 : i32
          %add3A_1538 = arith.addi %mul3A_35, %add3A_1537 : i32
          %get3A_1539 = arith.index_cast %add3A_1538 : i32 to index
          %get3A_1540 = arith.constant 160 : index
          %get3A_1541 = tpu.vector_load %arg8[%get3A_1539, %get3A_1540] {strides = array<i32>} : memref<128x256xf32, #tpu.memory_space<vmem>>, vector<1x16xf32>,
          %get3A_1542 = vector.shape_cast %get3A_1541 : vector<1x16xf32> to vector<16xf32>
          %mul3A_1543 = arith.mulf %get3A_1542, %broadcast_in_dim3A_1396 : vector<16xf32>
          %add3A_1544 = arith.constant 6 : i32
          %add3A_1545 = arith.addi %mul3A_35, %add3A_1544 : i32
          %swap3A_1546 = arith.index_cast %add3A_1545 : i32 to index
          %swap3A_1547 = arith.constant 160 : index
          %swap3A_1548 = tpu.vector_load %arg8[%swap3A_1546, %swap3A_1547] {strides = array<i32>} : memref<128x256xf32, #tpu.memory_space<vmem>>, vector<1x16xf32>,
          %swap3A_1549 = vector.shape_cast %swap3A_1548 : vector<1x16xf32> to vector<16xf32>
          %swap3A_1550 = vector.shape_cast %mul3A_1543 : vector<16xf32> to vector<1x16xf32>
          tpu.vector_store %arg8[%swap3A_1546, %swap3A_1547], %swap3A_1550 {strides = array<i32>} : memref<128x256xf32, #tpu.memory_space<vmem>>, vector<1x16xf32>,
          %add3A_1551 = arith.constant 6 : i32
          %add3A_1552 = arith.addi %mul3A_35, %add3A_1551 : i32
          %get3A_1553 = arith.index_cast %add3A_1552 : i32 to index
          %get3A_1554 = arith.constant 176 : index
          %get3A_1555 = tpu.vector_load %arg8[%get3A_1553, %get3A_1554] {strides = array<i32>} : memref<128x256xf32, #tpu.memory_space<vmem>>, vector<1x16xf32>,
          %get3A_1556 = vector.shape_cast %get3A_1555 : vector<1x16xf32> to vector<16xf32>
          %mul3A_1557 = arith.mulf %get3A_1556, %broadcast_in_dim3A_1396 : vector<16xf32>
          %add3A_1558 = arith.constant 6 : i32
          %add3A_1559 = arith.addi %mul3A_35, %add3A_1558 : i32
          %swap3A_1560 = arith.index_cast %add3A_1559 : i32 to index
          %swap3A_1561 = arith.constant 176 : index
          %swap3A_1562 = tpu.vector_load %arg8[%swap3A_1560, %swap3A_1561] {strides = array<i32>} : memref<128x256xf32, #tpu.memory_space<vmem>>, vector<1x16xf32>,
          %swap3A_1563 = vector.shape_cast %swap3A_1562 : vector<1x16xf32> to vector<16xf32>
          %swap3A_1564 = vector.shape_cast %mul3A_1557 : vector<16xf32> to vector<1x16xf32>
          tpu.vector_store %arg8[%swap3A_1560, %swap3A_1561], %swap3A_1564 {strides = array<i32>} : memref<128x256xf32, #tpu.memory_space<vmem>>, vector<1x16xf32>,
          %add3A_1565 = arith.constant 6 : i32
          %add3A_1566 = arith.addi %mul3A_35, %add3A_1565 : i32
          %get3A_1567 = arith.index_cast %add3A_1566 : i32 to index
          %get3A_1568 = arith.constant 192 : index
          %get3A_1569 = tpu.vector_load %arg8[%get3A_1567, %get3A_1568] {strides = array<i32>} : memref<128x256xf32, #tpu.memory_space<vmem>>, vector<1x16xf32>,
          %get3A_1570 = vector.shape_cast %get3A_1569 : vector<1x16xf32> to vector<16xf32>
          %mul3A_1571 = arith.mulf %get3A_1570, %broadcast_in_dim3A_1396 : vector<16xf32>
          %add3A_1572 = arith.constant 6 : i32
          %add3A_1573 = arith.addi %mul3A_35, %add3A_1572 : i32
          %swap3A_1574 = arith.index_cast %add3A_1573 : i32 to index
          %swap3A_1575 = arith.constant 192 : index
          %swap3A_1576 = tpu.vector_load %arg8[%swap3A_1574, %swap3A_1575] {strides = array<i32>} : memref<128x256xf32, #tpu.memory_space<vmem>>, vector<1x16xf32>,
          %swap3A_1577 = vector.shape_cast %swap3A_1576 : vector<1x16xf32> to vector<16xf32>
          %swap3A_1578 = vector.shape_cast %mul3A_1571 : vector<16xf32> to vector<1x16xf32>
          tpu.vector_store %arg8[%swap3A_1574, %swap3A_1575], %swap3A_1578 {strides = array<i32>} : memref<128x256xf32, #tpu.memory_space<vmem>>, vector<1x16xf32>,
          %add3A_1579 = arith.constant 6 : i32
          %add3A_1580 = arith.addi %mul3A_35, %add3A_1579 : i32
          %get3A_1581 = arith.index_cast %add3A_1580 : i32 to index
          %get3A_1582 = arith.constant 208 : index
          %get3A_1583 = tpu.vector_load %arg8[%get3A_1581, %get3A_1582] {strides = array<i32>} : memref<128x256xf32, #tpu.memory_space<vmem>>, vector<1x16xf32>,
          %get3A_1584 = vector.shape_cast %get3A_1583 : vector<1x16xf32> to vector<16xf32>
          %mul3A_1585 = arith.mulf %get3A_1584, %broadcast_in_dim3A_1396 : vector<16xf32>
          %add3A_1586 = arith.constant 6 : i32
          %add3A_1587 = arith.addi %mul3A_35, %add3A_1586 : i32
          %swap3A_1588 = arith.index_cast %add3A_1587 : i32 to index
          %swap3A_1589 = arith.constant 208 : index
          %swap3A_1590 = tpu.vector_load %arg8[%swap3A_1588, %swap3A_1589] {strides = array<i32>} : memref<128x256xf32, #tpu.memory_space<vmem>>, vector<1x16xf32>,
          %swap3A_1591 = vector.shape_cast %swap3A_1590 : vector<1x16xf32> to vector<16xf32>
          %swap3A_1592 = vector.shape_cast %mul3A_1585 : vector<16xf32> to vector<1x16xf32>
          tpu.vector_store %arg8[%swap3A_1588, %swap3A_1589], %swap3A_1592 {strides = array<i32>} : memref<128x256xf32, #tpu.memory_space<vmem>>, vector<1x16xf32>,
          %add3A_1593 = arith.constant 6 : i32
          %add3A_1594 = arith.addi %mul3A_35, %add3A_1593 : i32
          %get3A_1595 = arith.index_cast %add3A_1594 : i32 to index
          %get3A_1596 = arith.constant 224 : index
          %get3A_1597 = tpu.vector_load %arg8[%get3A_1595, %get3A_1596] {strides = array<i32>} : memref<128x256xf32, #tpu.memory_space<vmem>>, vector<1x16xf32>,
          %get3A_1598 = vector.shape_cast %get3A_1597 : vector<1x16xf32> to vector<16xf32>
          %mul3A_1599 = arith.mulf %get3A_1598, %broadcast_in_dim3A_1396 : vector<16xf32>
          %add3A_1600 = arith.constant 6 : i32
          %add3A_1601 = arith.addi %mul3A_35, %add3A_1600 : i32
          %swap3A_1602 = arith.index_cast %add3A_1601 : i32 to index
          %swap3A_1603 = arith.constant 224 : index
          %swap3A_1604 = tpu.vector_load %arg8[%swap3A_1602, %swap3A_1603] {strides = array<i32>} : memref<128x256xf32, #tpu.memory_space<vmem>>, vector<1x16xf32>,
          %swap3A_1605 = vector.shape_cast %swap3A_1604 : vector<1x16xf32> to vector<16xf32>
          %swap3A_1606 = vector.shape_cast %mul3A_1599 : vector<16xf32> to vector<1x16xf32>
          tpu.vector_store %arg8[%swap3A_1602, %swap3A_1603], %swap3A_1606 {strides = array<i32>} : memref<128x256xf32, #tpu.memory_space<vmem>>, vector<1x16xf32>,
          %add3A_1607 = arith.constant 6 : i32
          %add3A_1608 = arith.addi %mul3A_35, %add3A_1607 : i32
          %get3A_1609 = arith.index_cast %add3A_1608 : i32 to index
          %get3A_1610 = arith.constant 240 : index
          %get3A_1611 = tpu.vector_load %arg8[%get3A_1609, %get3A_1610] {strides = array<i32>} : memref<128x256xf32, #tpu.memory_space<vmem>>, vector<1x16xf32>,
          %get3A_1612 = vector.shape_cast %get3A_1611 : vector<1x16xf32> to vector<16xf32>
          %mul3A_1613 = arith.mulf %get3A_1612, %broadcast_in_dim3A_1396 : vector<16xf32>
          %add3A_1614 = arith.constant 6 : i32
          %add3A_1615 = arith.addi %mul3A_35, %add3A_1614 : i32
          %swap3A_1616 = arith.index_cast %add3A_1615 : i32 to index
          %swap3A_1617 = arith.constant 240 : index
          %swap3A_1618 = tpu.vector_load %arg8[%swap3A_1616, %swap3A_1617] {strides = array<i32>} : memref<128x256xf32, #tpu.memory_space<vmem>>, vector<1x16xf32>,
          %swap3A_1619 = vector.shape_cast %swap3A_1618 : vector<1x16xf32> to vector<16xf32>
          %swap3A_1620 = vector.shape_cast %mul3A_1613 : vector<16xf32> to vector<1x16xf32>
          tpu.vector_store %arg8[%swap3A_1616, %swap3A_1617], %swap3A_1620 {strides = array<i32>} : memref<128x256xf32, #tpu.memory_space<vmem>>, vector<1x16xf32>,
          %slice3A_1621 = vector.extract_strided_slice %get3A_33 {offsets = [7], sizes = [1], strides = [1]} : vector<16xf32> to vector<1xf32>
          %squeeze3A_1622 = vector.extract %slice3A_1621[0] : f32 from vector<1xf32>
          %broadcast_in_dim3A_1623 = vector.broadcast %squeeze3A_1622 : f32 to vector<16xf32>
          %add3A_1624 = arith.constant 7 : i32
          %add3A_1625 = arith.addi %mul3A_35, %add3A_1624 : i32
          %get3A_1626 = arith.index_cast %add3A_1625 : i32 to index
          %get3A_1627 = arith.constant 0 : index
          %get3A_1628 = tpu.vector_load %arg8[%get3A_1626, %get3A_1627] {strides = array<i32>} : memref<128x256xf32, #tpu.memory_space<vmem>>, vector<1x16xf32>,
          %get3A_1629 = vector.shape_cast %get3A_1628 : vector<1x16xf32> to vector<16xf32>
          %mul3A_1630 = arith.mulf %get3A_1629, %broadcast_in_dim3A_1623 : vector<16xf32>
          %add3A_1631 = arith.constant 7 : i32
          %add3A_1632 = arith.addi %mul3A_35, %add3A_1631 : i32
          %swap3A_1633 = arith.index_cast %add3A_1632 : i32 to index
          %swap3A_1634 = arith.constant 0 : index
          %swap3A_1635 = tpu.vector_load %arg8[%swap3A_1633, %swap3A_1634] {strides = array<i32>} : memref<128x256xf32, #tpu.memory_space<vmem>>, vector<1x16xf32>,
          %swap3A_1636 = vector.shape_cast %swap3A_1635 : vector<1x16xf32> to vector<16xf32>
          %swap3A_1637 = vector.shape_cast %mul3A_1630 : vector<16xf32> to vector<1x16xf32>
          tpu.vector_store %arg8[%swap3A_1633, %swap3A_1634], %swap3A_1637 {strides = array<i32>} : memref<128x256xf32, #tpu.memory_space<vmem>>, vector<1x16xf32>,
          %add3A_1638 = arith.constant 7 : i32
          %add3A_1639 = arith.addi %mul3A_35, %add3A_1638 : i32
          %get3A_1640 = arith.index_cast %add3A_1639 : i32 to index
          %get3A_1641 = arith.constant 16 : index
          %get3A_1642 = tpu.vector_load %arg8[%get3A_1640, %get3A_1641] {strides = array<i32>} : memref<128x256xf32, #tpu.memory_space<vmem>>, vector<1x16xf32>,
          %get3A_1643 = vector.shape_cast %get3A_1642 : vector<1x16xf32> to vector<16xf32>
          %mul3A_1644 = arith.mulf %get3A_1643, %broadcast_in_dim3A_1623 : vector<16xf32>
          %add3A_1645 = arith.constant 7 : i32
          %add3A_1646 = arith.addi %mul3A_35, %add3A_1645 : i32
          %swap3A_1647 = arith.index_cast %add3A_1646 : i32 to index
          %swap3A_1648 = arith.constant 16 : index
          %swap3A_1649 = tpu.vector_load %arg8[%swap3A_1647, %swap3A_1648] {strides = array<i32>} : memref<128x256xf32, #tpu.memory_space<vmem>>, vector<1x16xf32>,
          %swap3A_1650 = vector.shape_cast %swap3A_1649 : vector<1x16xf32> to vector<16xf32>
          %swap3A_1651 = vector.shape_cast %mul3A_1644 : vector<16xf32> to vector<1x16xf32>
          tpu.vector_store %arg8[%swap3A_1647, %swap3A_1648], %swap3A_1651 {strides = array<i32>} : memref<128x256xf32, #tpu.memory_space<vmem>>, vector<1x16xf32>,
          %add3A_1652 = arith.constant 7 : i32
          %add3A_1653 = arith.addi %mul3A_35, %add3A_1652 : i32
          %get3A_1654 = arith.index_cast %add3A_1653 : i32 to index
          %get3A_1655 = arith.constant 32 : index
          %get3A_1656 = tpu.vector_load %arg8[%get3A_1654, %get3A_1655] {strides = array<i32>} : memref<128x256xf32, #tpu.memory_space<vmem>>, vector<1x16xf32>,
          %get3A_1657 = vector.shape_cast %get3A_1656 : vector<1x16xf32> to vector<16xf32>
          %mul3A_1658 = arith.mulf %get3A_1657, %broadcast_in_dim3A_1623 : vector<16xf32>
          %add3A_1659 = arith.constant 7 : i32
          %add3A_1660 = arith.addi %mul3A_35, %add3A_1659 : i32
          %swap3A_1661 = arith.index_cast %add3A_1660 : i32 to index
          %swap3A_1662 = arith.constant 32 : index
          %swap3A_1663 = tpu.vector_load %arg8[%swap3A_1661, %swap3A_1662] {strides = array<i32>} : memref<128x256xf32, #tpu.memory_space<vmem>>, vector<1x16xf32>,
          %swap3A_1664 = vector.shape_cast %swap3A_1663 : vector<1x16xf32> to vector<16xf32>
          %swap3A_1665 = vector.shape_cast %mul3A_1658 : vector<16xf32> to vector<1x16xf32>
          tpu.vector_store %arg8[%swap3A_1661, %swap3A_1662], %swap3A_1665 {strides = array<i32>} : memref<128x256xf32, #tpu.memory_space<vmem>>, vector<1x16xf32>,
          %add3A_1666 = arith.constant 7 : i32
          %add3A_1667 = arith.addi %mul3A_35, %add3A_1666 : i32
          %get3A_1668 = arith.index_cast %add3A_1667 : i32 to index
          %get3A_1669 = arith.constant 48 : index
          %get3A_1670 = tpu.vector_load %arg8[%get3A_1668, %get3A_1669] {strides = array<i32>} : memref<128x256xf32, #tpu.memory_space<vmem>>, vector<1x16xf32>,
          %get3A_1671 = vector.shape_cast %get3A_1670 : vector<1x16xf32> to vector<16xf32>
          %mul3A_1672 = arith.mulf %get3A_1671, %broadcast_in_dim3A_1623 : vector<16xf32>
          %add3A_1673 = arith.constant 7 : i32
          %add3A_1674 = arith.addi %mul3A_35, %add3A_1673 : i32
          %swap3A_1675 = arith.index_cast %add3A_1674 : i32 to index
          %swap3A_1676 = arith.constant 48 : index
          %swap3A_1677 = tpu.vector_load %arg8[%swap3A_1675, %swap3A_1676] {strides = array<i32>} : memref<128x256xf32, #tpu.memory_space<vmem>>, vector<1x16xf32>,
          %swap3A_1678 = vector.shape_cast %swap3A_1677 : vector<1x16xf32> to vector<16xf32>
          %swap3A_1679 = vector.shape_cast %mul3A_1672 : vector<16xf32> to vector<1x16xf32>
          tpu.vector_store %arg8[%swap3A_1675, %swap3A_1676], %swap3A_1679 {strides = array<i32>} : memref<128x256xf32, #tpu.memory_space<vmem>>, vector<1x16xf32>,
          %add3A_1680 = arith.constant 7 : i32
          %add3A_1681 = arith.addi %mul3A_35, %add3A_1680 : i32
          %get3A_1682 = arith.index_cast %add3A_1681 : i32 to index
          %get3A_1683 = arith.constant 64 : index
          %get3A_1684 = tpu.vector_load %arg8[%get3A_1682, %get3A_1683] {strides = array<i32>} : memref<128x256xf32, #tpu.memory_space<vmem>>, vector<1x16xf32>,
          %get3A_1685 = vector.shape_cast %get3A_1684 : vector<1x16xf32> to vector<16xf32>
          %mul3A_1686 = arith.mulf %get3A_1685, %broadcast_in_dim3A_1623 : vector<16xf32>
          %add3A_1687 = arith.constant 7 : i32
          %add3A_1688 = arith.addi %mul3A_35, %add3A_1687 : i32
          %swap3A_1689 = arith.index_cast %add3A_1688 : i32 to index
          %swap3A_1690 = arith.constant 64 : index
          %swap3A_1691 = tpu.vector_load %arg8[%swap3A_1689, %swap3A_1690] {strides = array<i32>} : memref<128x256xf32, #tpu.memory_space<vmem>>, vector<1x16xf32>,
          %swap3A_1692 = vector.shape_cast %swap3A_1691 : vector<1x16xf32> to vector<16xf32>
          %swap3A_1693 = vector.shape_cast %mul3A_1686 : vector<16xf32> to vector<1x16xf32>
          tpu.vector_store %arg8[%swap3A_1689, %swap3A_1690], %swap3A_1693 {strides = array<i32>} : memref<128x256xf32, #tpu.memory_space<vmem>>, vector<1x16xf32>,
          %add3A_1694 = arith.constant 7 : i32
          %add3A_1695 = arith.addi %mul3A_35, %add3A_1694 : i32
          %get3A_1696 = arith.index_cast %add3A_1695 : i32 to index
          %get3A_1697 = arith.constant 80 : index
          %get3A_1698 = tpu.vector_load %arg8[%get3A_1696, %get3A_1697] {strides = array<i32>} : memref<128x256xf32, #tpu.memory_space<vmem>>, vector<1x16xf32>,
          %get3A_1699 = vector.shape_cast %get3A_1698 : vector<1x16xf32> to vector<16xf32>
          %mul3A_1700 = arith.mulf %get3A_1699, %broadcast_in_dim3A_1623 : vector<16xf32>
          %add3A_1701 = arith.constant 7 : i32
          %add3A_1702 = arith.addi %mul3A_35, %add3A_1701 : i32
          %swap3A_1703 = arith.index_cast %add3A_1702 : i32 to index
          %swap3A_1704 = arith.constant 80 : index
          %swap3A_1705 = tpu.vector_load %arg8[%swap3A_1703, %swap3A_1704] {strides = array<i32>} : memref<128x256xf32, #tpu.memory_space<vmem>>, vector<1x16xf32>,
          %swap3A_1706 = vector.shape_cast %swap3A_1705 : vector<1x16xf32> to vector<16xf32>
          %swap3A_1707 = vector.shape_cast %mul3A_1700 : vector<16xf32> to vector<1x16xf32>
          tpu.vector_store %arg8[%swap3A_1703, %swap3A_1704], %swap3A_1707 {strides = array<i32>} : memref<128x256xf32, #tpu.memory_space<vmem>>, vector<1x16xf32>,
          %add3A_1708 = arith.constant 7 : i32
          %add3A_1709 = arith.addi %mul3A_35, %add3A_1708 : i32
          %get3A_1710 = arith.index_cast %add3A_1709 : i32 to index
          %get3A_1711 = arith.constant 96 : index
          %get3A_1712 = tpu.vector_load %arg8[%get3A_1710, %get3A_1711] {strides = array<i32>} : memref<128x256xf32, #tpu.memory_space<vmem>>, vector<1x16xf32>,
          %get3A_1713 = vector.shape_cast %get3A_1712 : vector<1x16xf32> to vector<16xf32>
          %mul3A_1714 = arith.mulf %get3A_1713, %broadcast_in_dim3A_1623 : vector<16xf32>
          %add3A_1715 = arith.constant 7 : i32
          %add3A_1716 = arith.addi %mul3A_35, %add3A_1715 : i32
          %swap3A_1717 = arith.index_cast %add3A_1716 : i32 to index
          %swap3A_1718 = arith.constant 96 : index
          %swap3A_1719 = tpu.vector_load %arg8[%swap3A_1717, %swap3A_1718] {strides = array<i32>} : memref<128x256xf32, #tpu.memory_space<vmem>>, vector<1x16xf32>,
          %swap3A_1720 = vector.shape_cast %swap3A_1719 : vector<1x16xf32> to vector<16xf32>
          %swap3A_1721 = vector.shape_cast %mul3A_1714 : vector<16xf32> to vector<1x16xf32>
          tpu.vector_store %arg8[%swap3A_1717, %swap3A_1718], %swap3A_1721 {strides = array<i32>} : memref<128x256xf32, #tpu.memory_space<vmem>>, vector<1x16xf32>,
          %add3A_1722 = arith.constant 7 : i32
          %add3A_1723 = arith.addi %mul3A_35, %add3A_1722 : i32
          %get3A_1724 = arith.index_cast %add3A_1723 : i32 to index
          %get3A_1725 = arith.constant 112 : index
          %get3A_1726 = tpu.vector_load %arg8[%get3A_1724, %get3A_1725] {strides = array<i32>} : memref<128x256xf32, #tpu.memory_space<vmem>>, vector<1x16xf32>,
          %get3A_1727 = vector.shape_cast %get3A_1726 : vector<1x16xf32> to vector<16xf32>
          %mul3A_1728 = arith.mulf %get3A_1727, %broadcast_in_dim3A_1623 : vector<16xf32>
          %add3A_1729 = arith.constant 7 : i32
          %add3A_1730 = arith.addi %mul3A_35, %add3A_1729 : i32
          %swap3A_1731 = arith.index_cast %add3A_1730 : i32 to index
          %swap3A_1732 = arith.constant 112 : index
          %swap3A_1733 = tpu.vector_load %arg8[%swap3A_1731, %swap3A_1732] {strides = array<i32>} : memref<128x256xf32, #tpu.memory_space<vmem>>, vector<1x16xf32>,
          %swap3A_1734 = vector.shape_cast %swap3A_1733 : vector<1x16xf32> to vector<16xf32>
          %swap3A_1735 = vector.shape_cast %mul3A_1728 : vector<16xf32> to vector<1x16xf32>
          tpu.vector_store %arg8[%swap3A_1731, %swap3A_1732], %swap3A_1735 {strides = array<i32>} : memref<128x256xf32, #tpu.memory_space<vmem>>, vector<1x16xf32>,
          %add3A_1736 = arith.constant 7 : i32
          %add3A_1737 = arith.addi %mul3A_35, %add3A_1736 : i32
          %get3A_1738 = arith.index_cast %add3A_1737 : i32 to index
          %get3A_1739 = arith.constant 128 : index
          %get3A_1740 = tpu.vector_load %arg8[%get3A_1738, %get3A_1739] {strides = array<i32>} : memref<128x256xf32, #tpu.memory_space<vmem>>, vector<1x16xf32>,
          %get3A_1741 = vector.shape_cast %get3A_1740 : vector<1x16xf32> to vector<16xf32>
          %mul3A_1742 = arith.mulf %get3A_1741, %broadcast_in_dim3A_1623 : vector<16xf32>
          %add3A_1743 = arith.constant 7 : i32
          %add3A_1744 = arith.addi %mul3A_35, %add3A_1743 : i32
          %swap3A_1745 = arith.index_cast %add3A_1744 : i32 to index
          %swap3A_1746 = arith.constant 128 : index
          %swap3A_1747 = tpu.vector_load %arg8[%swap3A_1745, %swap3A_1746] {strides = array<i32>} : memref<128x256xf32, #tpu.memory_space<vmem>>, vector<1x16xf32>,
          %swap3A_1748 = vector.shape_cast %swap3A_1747 : vector<1x16xf32> to vector<16xf32>
          %swap3A_1749 = vector.shape_cast %mul3A_1742 : vector<16xf32> to vector<1x16xf32>
          tpu.vector_store %arg8[%swap3A_1745, %swap3A_1746], %swap3A_1749 {strides = array<i32>} : memref<128x256xf32, #tpu.memory_space<vmem>>, vector<1x16xf32>,
          %add3A_1750 = arith.constant 7 : i32
          %add3A_1751 = arith.addi %mul3A_35, %add3A_1750 : i32
          %get3A_1752 = arith.index_cast %add3A_1751 : i32 to index
          %get3A_1753 = arith.constant 144 : index
          %get3A_1754 = tpu.vector_load %arg8[%get3A_1752, %get3A_1753] {strides = array<i32>} : memref<128x256xf32, #tpu.memory_space<vmem>>, vector<1x16xf32>,
          %get3A_1755 = vector.shape_cast %get3A_1754 : vector<1x16xf32> to vector<16xf32>
          %mul3A_1756 = arith.mulf %get3A_1755, %broadcast_in_dim3A_1623 : vector<16xf32>
          %add3A_1757 = arith.constant 7 : i32
          %add3A_1758 = arith.addi %mul3A_35, %add3A_1757 : i32
          %swap3A_1759 = arith.index_cast %add3A_1758 : i32 to index
          %swap3A_1760 = arith.constant 144 : index
          %swap3A_1761 = tpu.vector_load %arg8[%swap3A_1759, %swap3A_1760] {strides = array<i32>} : memref<128x256xf32, #tpu.memory_space<vmem>>, vector<1x16xf32>,
          %swap3A_1762 = vector.shape_cast %swap3A_1761 : vector<1x16xf32> to vector<16xf32>
          %swap3A_1763 = vector.shape_cast %mul3A_1756 : vector<16xf32> to vector<1x16xf32>
          tpu.vector_store %arg8[%swap3A_1759, %swap3A_1760], %swap3A_1763 {strides = array<i32>} : memref<128x256xf32, #tpu.memory_space<vmem>>, vector<1x16xf32>,
          %add3A_1764 = arith.constant 7 : i32
          %add3A_1765 = arith.addi %mul3A_35, %add3A_1764 : i32
          %get3A_1766 = arith.index_cast %add3A_1765 : i32 to index
          %get3A_1767 = arith.constant 160 : index
          %get3A_1768 = tpu.vector_load %arg8[%get3A_1766, %get3A_1767] {strides = array<i32>} : memref<128x256xf32, #tpu.memory_space<vmem>>, vector<1x16xf32>,
          %get3A_1769 = vector.shape_cast %get3A_1768 : vector<1x16xf32> to vector<16xf32>
          %mul3A_1770 = arith.mulf %get3A_1769, %broadcast_in_dim3A_1623 : vector<16xf32>
          %add3A_1771 = arith.constant 7 : i32
          %add3A_1772 = arith.addi %mul3A_35, %add3A_1771 : i32
          %swap3A_1773 = arith.index_cast %add3A_1772 : i32 to index
          %swap3A_1774 = arith.constant 160 : index
          %swap3A_1775 = tpu.vector_load %arg8[%swap3A_1773, %swap3A_1774] {strides = array<i32>} : memref<128x256xf32, #tpu.memory_space<vmem>>, vector<1x16xf32>,
          %swap3A_1776 = vector.shape_cast %swap3A_1775 : vector<1x16xf32> to vector<16xf32>
          %swap3A_1777 = vector.shape_cast %mul3A_1770 : vector<16xf32> to vector<1x16xf32>
          tpu.vector_store %arg8[%swap3A_1773, %swap3A_1774], %swap3A_1777 {strides = array<i32>} : memref<128x256xf32, #tpu.memory_space<vmem>>, vector<1x16xf32>,
          %add3A_1778 = arith.constant 7 : i32
          %add3A_1779 = arith.addi %mul3A_35, %add3A_1778 : i32
          %get3A_1780 = arith.index_cast %add3A_1779 : i32 to index
          %get3A_1781 = arith.constant 176 : index
          %get3A_1782 = tpu.vector_load %arg8[%get3A_1780, %get3A_1781] {strides = array<i32>} : memref<128x256xf32, #tpu.memory_space<vmem>>, vector<1x16xf32>,
          %get3A_1783 = vector.shape_cast %get3A_1782 : vector<1x16xf32> to vector<16xf32>
          %mul3A_1784 = arith.mulf %get3A_1783, %broadcast_in_dim3A_1623 : vector<16xf32>
          %add3A_1785 = arith.constant 7 : i32
          %add3A_1786 = arith.addi %mul3A_35, %add3A_1785 : i32
          %swap3A_1787 = arith.index_cast %add3A_1786 : i32 to index
          %swap3A_1788 = arith.constant 176 : index
          %swap3A_1789 = tpu.vector_load %arg8[%swap3A_1787, %swap3A_1788] {strides = array<i32>} : memref<128x256xf32, #tpu.memory_space<vmem>>, vector<1x16xf32>,
          %swap3A_1790 = vector.shape_cast %swap3A_1789 : vector<1x16xf32> to vector<16xf32>
          %swap3A_1791 = vector.shape_cast %mul3A_1784 : vector<16xf32> to vector<1x16xf32>
          tpu.vector_store %arg8[%swap3A_1787, %swap3A_1788], %swap3A_1791 {strides = array<i32>} : memref<128x256xf32, #tpu.memory_space<vmem>>, vector<1x16xf32>,
          %add3A_1792 = arith.constant 7 : i32
          %add3A_1793 = arith.addi %mul3A_35, %add3A_1792 : i32
          %get3A_1794 = arith.index_cast %add3A_1793 : i32 to index
          %get3A_1795 = arith.constant 192 : index
          %get3A_1796 = tpu.vector_load %arg8[%get3A_1794, %get3A_1795] {strides = array<i32>} : memref<128x256xf32, #tpu.memory_space<vmem>>, vector<1x16xf32>,
          %get3A_1797 = vector.shape_cast %get3A_1796 : vector<1x16xf32> to vector<16xf32>
          %mul3A_1798 = arith.mulf %get3A_1797, %broadcast_in_dim3A_1623 : vector<16xf32>
          %add3A_1799 = arith.constant 7 : i32
          %add3A_1800 = arith.addi %mul3A_35, %add3A_1799 : i32
          %swap3A_1801 = arith.index_cast %add3A_1800 : i32 to index
          %swap3A_1802 = arith.constant 192 : index
          %swap3A_1803 = tpu.vector_load %arg8[%swap3A_1801, %swap3A_1802] {strides = array<i32>} : memref<128x256xf32, #tpu.memory_space<vmem>>, vector<1x16xf32>,
          %swap3A_1804 = vector.shape_cast %swap3A_1803 : vector<1x16xf32> to vector<16xf32>
          %swap3A_1805 = vector.shape_cast %mul3A_1798 : vector<16xf32> to vector<1x16xf32>
          tpu.vector_store %arg8[%swap3A_1801, %swap3A_1802], %swap3A_1805 {strides = array<i32>} : memref<128x256xf32, #tpu.memory_space<vmem>>, vector<1x16xf32>,
          %add3A_1806 = arith.constant 7 : i32
          %add3A_1807 = arith.addi %mul3A_35, %add3A_1806 : i32
          %get3A_1808 = arith.index_cast %add3A_1807 : i32 to index
          %get3A_1809 = arith.constant 208 : index
          %get3A_1810 = tpu.vector_load %arg8[%get3A_1808, %get3A_1809] {strides = array<i32>} : memref<128x256xf32, #tpu.memory_space<vmem>>, vector<1x16xf32>,
          %get3A_1811 = vector.shape_cast %get3A_1810 : vector<1x16xf32> to vector<16xf32>
          %mul3A_1812 = arith.mulf %get3A_1811, %broadcast_in_dim3A_1623 : vector<16xf32>
          %add3A_1813 = arith.constant 7 : i32
          %add3A_1814 = arith.addi %mul3A_35, %add3A_1813 : i32
          %swap3A_1815 = arith.index_cast %add3A_1814 : i32 to index
          %swap3A_1816 = arith.constant 208 : index
          %swap3A_1817 = tpu.vector_load %arg8[%swap3A_1815, %swap3A_1816] {strides = array<i32>} : memref<128x256xf32, #tpu.memory_space<vmem>>, vector<1x16xf32>,
          %swap3A_1818 = vector.shape_cast %swap3A_1817 : vector<1x16xf32> to vector<16xf32>
          %swap3A_1819 = vector.shape_cast %mul3A_1812 : vector<16xf32> to vector<1x16xf32>
          tpu.vector_store %arg8[%swap3A_1815, %swap3A_1816], %swap3A_1819 {strides = array<i32>} : memref<128x256xf32, #tpu.memory_space<vmem>>, vector<1x16xf32>,
          %add3A_1820 = arith.constant 7 : i32
          %add3A_1821 = arith.addi %mul3A_35, %add3A_1820 : i32
          %get3A_1822 = arith.index_cast %add3A_1821 : i32 to index
          %get3A_1823 = arith.constant 224 : index
          %get3A_1824 = tpu.vector_load %arg8[%get3A_1822, %get3A_1823] {strides = array<i32>} : memref<128x256xf32, #tpu.memory_space<vmem>>, vector<1x16xf32>,
          %get3A_1825 = vector.shape_cast %get3A_1824 : vector<1x16xf32> to vector<16xf32>
          %mul3A_1826 = arith.mulf %get3A_1825, %broadcast_in_dim3A_1623 : vector<16xf32>
          %add3A_1827 = arith.constant 7 : i32
          %add3A_1828 = arith.addi %mul3A_35, %add3A_1827 : i32
          %swap3A_1829 = arith.index_cast %add3A_1828 : i32 to index
          %swap3A_1830 = arith.constant 224 : index
          %swap3A_1831 = tpu.vector_load %arg8[%swap3A_1829, %swap3A_1830] {strides = array<i32>} : memref<128x256xf32, #tpu.memory_space<vmem>>, vector<1x16xf32>,
          %swap3A_1832 = vector.shape_cast %swap3A_1831 : vector<1x16xf32> to vector<16xf32>
          %swap3A_1833 = vector.shape_cast %mul3A_1826 : vector<16xf32> to vector<1x16xf32>
          tpu.vector_store %arg8[%swap3A_1829, %swap3A_1830], %swap3A_1833 {strides = array<i32>} : memref<128x256xf32, #tpu.memory_space<vmem>>, vector<1x16xf32>,
          %add3A_1834 = arith.constant 7 : i32
          %add3A_1835 = arith.addi %mul3A_35, %add3A_1834 : i32
          %get3A_1836 = arith.index_cast %add3A_1835 : i32 to index
          %get3A_1837 = arith.constant 240 : index
          %get3A_1838 = tpu.vector_load %arg8[%get3A_1836, %get3A_1837] {strides = array<i32>} : memref<128x256xf32, #tpu.memory_space<vmem>>, vector<1x16xf32>,
          %get3A_1839 = vector.shape_cast %get3A_1838 : vector<1x16xf32> to vector<16xf32>
          %mul3A_1840 = arith.mulf %get3A_1839, %broadcast_in_dim3A_1623 : vector<16xf32>
          %add3A_1841 = arith.constant 7 : i32
          %add3A_1842 = arith.addi %mul3A_35, %add3A_1841 : i32
          %swap3A_1843 = arith.index_cast %add3A_1842 : i32 to index
          %swap3A_1844 = arith.constant 240 : index
          %swap3A_1845 = tpu.vector_load %arg8[%swap3A_1843, %swap3A_1844] {strides = array<i32>} : memref<128x256xf32, #tpu.memory_space<vmem>>, vector<1x16xf32>,
          %swap3A_1846 = vector.shape_cast %swap3A_1845 : vector<1x16xf32> to vector<16xf32>
          %swap3A_1847 = vector.shape_cast %mul3A_1840 : vector<16xf32> to vector<1x16xf32>
          tpu.vector_store %arg8[%swap3A_1843, %swap3A_1844], %swap3A_1847 {strides = array<i32>} : memref<128x256xf32, #tpu.memory_space<vmem>>, vector<1x16xf32>,
          %slice3A_1848 = vector.extract_strided_slice %get3A_33 {offsets = [8], sizes = [1], strides = [1]} : vector<16xf32> to vector<1xf32>
          %squeeze3A_1849 = vector.extract %slice3A_1848[0] : f32 from vector<1xf32>
          %broadcast_in_dim3A_1850 = vector.broadcast %squeeze3A_1849 : f32 to vector<16xf32>
          %add3A_1851 = arith.constant 8 : i32
          %add3A_1852 = arith.addi %mul3A_35, %add3A_1851 : i32
          %get3A_1853 = arith.index_cast %add3A_1852 : i32 to index
          %get3A_1854 = arith.constant 0 : index
          %get3A_1855 = tpu.vector_load %arg8[%get3A_1853, %get3A_1854] {strides = array<i32>} : memref<128x256xf32, #tpu.memory_space<vmem>>, vector<1x16xf32>,
          %get3A_1856 = vector.shape_cast %get3A_1855 : vector<1x16xf32> to vector<16xf32>
          %mul3A_1857 = arith.mulf %get3A_1856, %broadcast_in_dim3A_1850 : vector<16xf32>
          %add3A_1858 = arith.constant 8 : i32
          %add3A_1859 = arith.addi %mul3A_35, %add3A_1858 : i32
          %swap3A_1860 = arith.index_cast %add3A_1859 : i32 to index
          %swap3A_1861 = arith.constant 0 : index
          %swap3A_1862 = tpu.vector_load %arg8[%swap3A_1860, %swap3A_1861] {strides = array<i32>} : memref<128x256xf32, #tpu.memory_space<vmem>>, vector<1x16xf32>,
          %swap3A_1863 = vector.shape_cast %swap3A_1862 : vector<1x16xf32> to vector<16xf32>
          %swap3A_1864 = vector.shape_cast %mul3A_1857 : vector<16xf32> to vector<1x16xf32>
          tpu.vector_store %arg8[%swap3A_1860, %swap3A_1861], %swap3A_1864 {strides = array<i32>} : memref<128x256xf32, #tpu.memory_space<vmem>>, vector<1x16xf32>,
          %add3A_1865 = arith.constant 8 : i32
          %add3A_1866 = arith.addi %mul3A_35, %add3A_1865 : i32
          %get3A_1867 = arith.index_cast %add3A_1866 : i32 to index
          %get3A_1868 = arith.constant 16 : index
          %get3A_1869 = tpu.vector_load %arg8[%get3A_1867, %get3A_1868] {strides = array<i32>} : memref<128x256xf32, #tpu.memory_space<vmem>>, vector<1x16xf32>,
          %get3A_1870 = vector.shape_cast %get3A_1869 : vector<1x16xf32> to vector<16xf32>
          %mul3A_1871 = arith.mulf %get3A_1870, %broadcast_in_dim3A_1850 : vector<16xf32>
          %add3A_1872 = arith.constant 8 : i32
          %add3A_1873 = arith.addi %mul3A_35, %add3A_1872 : i32
          %swap3A_1874 = arith.index_cast %add3A_1873 : i32 to index
          %swap3A_1875 = arith.constant 16 : index
          %swap3A_1876 = tpu.vector_load %arg8[%swap3A_1874, %swap3A_1875] {strides = array<i32>} : memref<128x256xf32, #tpu.memory_space<vmem>>, vector<1x16xf32>,
          %swap3A_1877 = vector.shape_cast %swap3A_1876 : vector<1x16xf32> to vector<16xf32>
          %swap3A_1878 = vector.shape_cast %mul3A_1871 : vector<16xf32> to vector<1x16xf32>
          tpu.vector_store %arg8[%swap3A_1874, %swap3A_1875], %swap3A_1878 {strides = array<i32>} : memref<128x256xf32, #tpu.memory_space<vmem>>, vector<1x16xf32>,
          %add3A_1879 = arith.constant 8 : i32
          %add3A_1880 = arith.addi %mul3A_35, %add3A_1879 : i32
          %get3A_1881 = arith.index_cast %add3A_1880 : i32 to index
          %get3A_1882 = arith.constant 32 : index
          %get3A_1883 = tpu.vector_load %arg8[%get3A_1881, %get3A_1882] {strides = array<i32>} : memref<128x256xf32, #tpu.memory_space<vmem>>, vector<1x16xf32>,
          %get3A_1884 = vector.shape_cast %get3A_1883 : vector<1x16xf32> to vector<16xf32>
          %mul3A_1885 = arith.mulf %get3A_1884, %broadcast_in_dim3A_1850 : vector<16xf32>
          %add3A_1886 = arith.constant 8 : i32
          %add3A_1887 = arith.addi %mul3A_35, %add3A_1886 : i32
          %swap3A_1888 = arith.index_cast %add3A_1887 : i32 to index
          %swap3A_1889 = arith.constant 32 : index
          %swap3A_1890 = tpu.vector_load %arg8[%swap3A_1888, %swap3A_1889] {strides = array<i32>} : memref<128x256xf32, #tpu.memory_space<vmem>>, vector<1x16xf32>,
          %swap3A_1891 = vector.shape_cast %swap3A_1890 : vector<1x16xf32> to vector<16xf32>
          %swap3A_1892 = vector.shape_cast %mul3A_1885 : vector<16xf32> to vector<1x16xf32>
          tpu.vector_store %arg8[%swap3A_1888, %swap3A_1889], %swap3A_1892 {strides = array<i32>} : memref<128x256xf32, #tpu.memory_space<vmem>>, vector<1x16xf32>,
          %add3A_1893 = arith.constant 8 : i32
          %add3A_1894 = arith.addi %mul3A_35, %add3A_1893 : i32
          %get3A_1895 = arith.index_cast %add3A_1894 : i32 to index
          %get3A_1896 = arith.constant 48 : index
          %get3A_1897 = tpu.vector_load %arg8[%get3A_1895, %get3A_1896] {strides = array<i32>} : memref<128x256xf32, #tpu.memory_space<vmem>>, vector<1x16xf32>,
          %get3A_1898 = vector.shape_cast %get3A_1897 : vector<1x16xf32> to vector<16xf32>
          %mul3A_1899 = arith.mulf %get3A_1898, %broadcast_in_dim3A_1850 : vector<16xf32>
          %add3A_1900 = arith.constant 8 : i32
          %add3A_1901 = arith.addi %mul3A_35, %add3A_1900 : i32
          %swap3A_1902 = arith.index_cast %add3A_1901 : i32 to index
          %swap3A_1903 = arith.constant 48 : index
          %swap3A_1904 = tpu.vector_load %arg8[%swap3A_1902, %swap3A_1903] {strides = array<i32>} : memref<128x256xf32, #tpu.memory_space<vmem>>, vector<1x16xf32>,
          %swap3A_1905 = vector.shape_cast %swap3A_1904 : vector<1x16xf32> to vector<16xf32>
          %swap3A_1906 = vector.shape_cast %mul3A_1899 : vector<16xf32> to vector<1x16xf32>
          tpu.vector_store %arg8[%swap3A_1902, %swap3A_1903], %swap3A_1906 {strides = array<i32>} : memref<128x256xf32, #tpu.memory_space<vmem>>, vector<1x16xf32>,
          %add3A_1907 = arith.constant 8 : i32
          %add3A_1908 = arith.addi %mul3A_35, %add3A_1907 : i32
          %get3A_1909 = arith.index_cast %add3A_1908 : i32 to index
          %get3A_1910 = arith.constant 64 : index
          %get3A_1911 = tpu.vector_load %arg8[%get3A_1909, %get3A_1910] {strides = array<i32>} : memref<128x256xf32, #tpu.memory_space<vmem>>, vector<1x16xf32>,
          %get3A_1912 = vector.shape_cast %get3A_1911 : vector<1x16xf32> to vector<16xf32>
          %mul3A_1913 = arith.mulf %get3A_1912, %broadcast_in_dim3A_1850 : vector<16xf32>
          %add3A_1914 = arith.constant 8 : i32
          %add3A_1915 = arith.addi %mul3A_35, %add3A_1914 : i32
          %swap3A_1916 = arith.index_cast %add3A_1915 : i32 to index
          %swap3A_1917 = arith.constant 64 : index
          %swap3A_1918 = tpu.vector_load %arg8[%swap3A_1916, %swap3A_1917] {strides = array<i32>} : memref<128x256xf32, #tpu.memory_space<vmem>>, vector<1x16xf32>,
          %swap3A_1919 = vector.shape_cast %swap3A_1918 : vector<1x16xf32> to vector<16xf32>
          %swap3A_1920 = vector.shape_cast %mul3A_1913 : vector<16xf32> to vector<1x16xf32>
          tpu.vector_store %arg8[%swap3A_1916, %swap3A_1917], %swap3A_1920 {strides = array<i32>} : memref<128x256xf32, #tpu.memory_space<vmem>>, vector<1x16xf32>,
          %add3A_1921 = arith.constant 8 : i32
          %add3A_1922 = arith.addi %mul3A_35, %add3A_1921 : i32
          %get3A_1923 = arith.index_cast %add3A_1922 : i32 to index
          %get3A_1924 = arith.constant 80 : index
          %get3A_1925 = tpu.vector_load %arg8[%get3A_1923, %get3A_1924] {strides = array<i32>} : memref<128x256xf32, #tpu.memory_space<vmem>>, vector<1x16xf32>,
          %get3A_1926 = vector.shape_cast %get3A_1925 : vector<1x16xf32> to vector<16xf32>
          %mul3A_1927 = arith.mulf %get3A_1926, %broadcast_in_dim3A_1850 : vector<16xf32>
          %add3A_1928 = arith.constant 8 : i32
          %add3A_1929 = arith.addi %mul3A_35, %add3A_1928 : i32
          %swap3A_1930 = arith.index_cast %add3A_1929 : i32 to index
          %swap3A_1931 = arith.constant 80 : index
          %swap3A_1932 = tpu.vector_load %arg8[%swap3A_1930, %swap3A_1931] {strides = array<i32>} : memref<128x256xf32, #tpu.memory_space<vmem>>, vector<1x16xf32>,
          %swap3A_1933 = vector.shape_cast %swap3A_1932 : vector<1x16xf32> to vector<16xf32>
          %swap3A_1934 = vector.shape_cast %mul3A_1927 : vector<16xf32> to vector<1x16xf32>
          tpu.vector_store %arg8[%swap3A_1930, %swap3A_1931], %swap3A_1934 {strides = array<i32>} : memref<128x256xf32, #tpu.memory_space<vmem>>, vector<1x16xf32>,
          %add3A_1935 = arith.constant 8 : i32
          %add3A_1936 = arith.addi %mul3A_35, %add3A_1935 : i32
          %get3A_1937 = arith.index_cast %add3A_1936 : i32 to index
          %get3A_1938 = arith.constant 96 : index
          %get3A_1939 = tpu.vector_load %arg8[%get3A_1937, %get3A_1938] {strides = array<i32>} : memref<128x256xf32, #tpu.memory_space<vmem>>, vector<1x16xf32>,
          %get3A_1940 = vector.shape_cast %get3A_1939 : vector<1x16xf32> to vector<16xf32>
          %mul3A_1941 = arith.mulf %get3A_1940, %broadcast_in_dim3A_1850 : vector<16xf32>
          %add3A_1942 = arith.constant 8 : i32
          %add3A_1943 = arith.addi %mul3A_35, %add3A_1942 : i32
          %swap3A_1944 = arith.index_cast %add3A_1943 : i32 to index
          %swap3A_1945 = arith.constant 96 : index
          %swap3A_1946 = tpu.vector_load %arg8[%swap3A_1944, %swap3A_1945] {strides = array<i32>} : memref<128x256xf32, #tpu.memory_space<vmem>>, vector<1x16xf32>,
          %swap3A_1947 = vector.shape_cast %swap3A_1946 : vector<1x16xf32> to vector<16xf32>
          %swap3A_1948 = vector.shape_cast %mul3A_1941 : vector<16xf32> to vector<1x16xf32>
          tpu.vector_store %arg8[%swap3A_1944, %swap3A_1945], %swap3A_1948 {strides = array<i32>} : memref<128x256xf32, #tpu.memory_space<vmem>>, vector<1x16xf32>,
          %add3A_1949 = arith.constant 8 : i32
          %add3A_1950 = arith.addi %mul3A_35, %add3A_1949 : i32
          %get3A_1951 = arith.index_cast %add3A_1950 : i32 to index
          %get3A_1952 = arith.constant 112 : index
          %get3A_1953 = tpu.vector_load %arg8[%get3A_1951, %get3A_1952] {strides = array<i32>} : memref<128x256xf32, #tpu.memory_space<vmem>>, vector<1x16xf32>,
          %get3A_1954 = vector.shape_cast %get3A_1953 : vector<1x16xf32> to vector<16xf32>
          %mul3A_1955 = arith.mulf %get3A_1954, %broadcast_in_dim3A_1850 : vector<16xf32>
          %add3A_1956 = arith.constant 8 : i32
          %add3A_1957 = arith.addi %mul3A_35, %add3A_1956 : i32
          %swap3A_1958 = arith.index_cast %add3A_1957 : i32 to index
          %swap3A_1959 = arith.constant 112 : index
          %swap3A_1960 = tpu.vector_load %arg8[%swap3A_1958, %swap3A_1959] {strides = array<i32>} : memref<128x256xf32, #tpu.memory_space<vmem>>, vector<1x16xf32>,
          %swap3A_1961 = vector.shape_cast %swap3A_1960 : vector<1x16xf32> to vector<16xf32>
          %swap3A_1962 = vector.shape_cast %mul3A_1955 : vector<16xf32> to vector<1x16xf32>
          tpu.vector_store %arg8[%swap3A_1958, %swap3A_1959], %swap3A_1962 {strides = array<i32>} : memref<128x256xf32, #tpu.memory_space<vmem>>, vector<1x16xf32>,
          %add3A_1963 = arith.constant 8 : i32
          %add3A_1964 = arith.addi %mul3A_35, %add3A_1963 : i32
          %get3A_1965 = arith.index_cast %add3A_1964 : i32 to index
          %get3A_1966 = arith.constant 128 : index
          %get3A_1967 = tpu.vector_load %arg8[%get3A_1965, %get3A_1966] {strides = array<i32>} : memref<128x256xf32, #tpu.memory_space<vmem>>, vector<1x16xf32>,
          %get3A_1968 = vector.shape_cast %get3A_1967 : vector<1x16xf32> to vector<16xf32>
          %mul3A_1969 = arith.mulf %get3A_1968, %broadcast_in_dim3A_1850 : vector<16xf32>
          %add3A_1970 = arith.constant 8 : i32
          %add3A_1971 = arith.addi %mul3A_35, %add3A_1970 : i32
          %swap3A_1972 = arith.index_cast %add3A_1971 : i32 to index
          %swap3A_1973 = arith.constant 128 : index
          %swap3A_1974 = tpu.vector_load %arg8[%swap3A_1972, %swap3A_1973] {strides = array<i32>} : memref<128x256xf32, #tpu.memory_space<vmem>>, vector<1x16xf32>,
          %swap3A_1975 = vector.shape_cast %swap3A_1974 : vector<1x16xf32> to vector<16xf32>
          %swap3A_1976 = vector.shape_cast %mul3A_1969 : vector<16xf32> to vector<1x16xf32>
          tpu.vector_store %arg8[%swap3A_1972, %swap3A_1973], %swap3A_1976 {strides = array<i32>} : memref<128x256xf32, #tpu.memory_space<vmem>>, vector<1x16xf32>,
          %add3A_1977 = arith.constant 8 : i32
          %add3A_1978 = arith.addi %mul3A_35, %add3A_1977 : i32
          %get3A_1979 = arith.index_cast %add3A_1978 : i32 to index
          %get3A_1980 = arith.constant 144 : index
          %get3A_1981 = tpu.vector_load %arg8[%get3A_1979, %get3A_1980] {strides = array<i32>} : memref<128x256xf32, #tpu.memory_space<vmem>>, vector<1x16xf32>,
          %get3A_1982 = vector.shape_cast %get3A_1981 : vector<1x16xf32> to vector<16xf32>
          %mul3A_1983 = arith.mulf %get3A_1982, %broadcast_in_dim3A_1850 : vector<16xf32>
          %add3A_1984 = arith.constant 8 : i32
          %add3A_1985 = arith.addi %mul3A_35, %add3A_1984 : i32
          %swap3A_1986 = arith.index_cast %add3A_1985 : i32 to index
          %swap3A_1987 = arith.constant 144 : index
          %swap3A_1988 = tpu.vector_load %arg8[%swap3A_1986, %swap3A_1987] {strides = array<i32>} : memref<128x256xf32, #tpu.memory_space<vmem>>, vector<1x16xf32>,
          %swap3A_1989 = vector.shape_cast %swap3A_1988 : vector<1x16xf32> to vector<16xf32>
          %swap3A_1990 = vector.shape_cast %mul3A_1983 : vector<16xf32> to vector<1x16xf32>
          tpu.vector_store %arg8[%swap3A_1986, %swap3A_1987], %swap3A_1990 {strides = array<i32>} : memref<128x256xf32, #tpu.memory_space<vmem>>, vector<1x16xf32>,
          %add3A_1991 = arith.constant 8 : i32
          %add3A_1992 = arith.addi %mul3A_35, %add3A_1991 : i32
          %get3A_1993 = arith.index_cast %add3A_1992 : i32 to index
          %get3A_1994 = arith.constant 160 : index
          %get3A_1995 = tpu.vector_load %arg8[%get3A_1993, %get3A_1994] {strides = array<i32>} : memref<128x256xf32, #tpu.memory_space<vmem>>, vector<1x16xf32>,
          %get3A_1996 = vector.shape_cast %get3A_1995 : vector<1x16xf32> to vector<16xf32>
          %mul3A_1997 = arith.mulf %get3A_1996, %broadcast_in_dim3A_1850 : vector<16xf32>
          %add3A_1998 = arith.constant 8 : i32
          %add3A_1999 = arith.addi %mul3A_35, %add3A_1998 : i32
          %swap3A_2000 = arith.index_cast %add3A_1999 : i32 to index
          %swap3A_2001 = arith.constant 160 : index
          %swap3A_2002 = tpu.vector_load %arg8[%swap3A_2000, %swap3A_2001] {strides = array<i32>} : memref<128x256xf32, #tpu.memory_space<vmem>>, vector<1x16xf32>,
          %swap3A_2003 = vector.shape_cast %swap3A_2002 : vector<1x16xf32> to vector<16xf32>
          %swap3A_2004 = vector.shape_cast %mul3A_1997 : vector<16xf32> to vector<1x16xf32>
          tpu.vector_store %arg8[%swap3A_2000, %swap3A_2001], %swap3A_2004 {strides = array<i32>} : memref<128x256xf32, #tpu.memory_space<vmem>>, vector<1x16xf32>,
          %add3A_2005 = arith.constant 8 : i32
          %add3A_2006 = arith.addi %mul3A_35, %add3A_2005 : i32
          %get3A_2007 = arith.index_cast %add3A_2006 : i32 to index
          %get3A_2008 = arith.constant 176 : index
          %get3A_2009 = tpu.vector_load %arg8[%get3A_2007, %get3A_2008] {strides = array<i32>} : memref<128x256xf32, #tpu.memory_space<vmem>>, vector<1x16xf32>,
          %get3A_2010 = vector.shape_cast %get3A_2009 : vector<1x16xf32> to vector<16xf32>
          %mul3A_2011 = arith.mulf %get3A_2010, %broadcast_in_dim3A_1850 : vector<16xf32>
          %add3A_2012 = arith.constant 8 : i32
          %add3A_2013 = arith.addi %mul3A_35, %add3A_2012 : i32
          %swap3A_2014 = arith.index_cast %add3A_2013 : i32 to index
          %swap3A_2015 = arith.constant 176 : index
          %swap3A_2016 = tpu.vector_load %arg8[%swap3A_2014, %swap3A_2015] {strides = array<i32>} : memref<128x256xf32, #tpu.memory_space<vmem>>, vector<1x16xf32>,
          %swap3A_2017 = vector.shape_cast %swap3A_2016 : vector<1x16xf32> to vector<16xf32>
          %swap3A_2018 = vector.shape_cast %mul3A_2011 : vector<16xf32> to vector<1x16xf32>
          tpu.vector_store %arg8[%swap3A_2014, %swap3A_2015], %swap3A_2018 {strides = array<i32>} : memref<128x256xf32, #tpu.memory_space<vmem>>, vector<1x16xf32>,
          %add3A_2019 = arith.constant 8 : i32
          %add3A_2020 = arith.addi %mul3A_35, %add3A_2019 : i32
          %get3A_2021 = arith.index_cast %add3A_2020 : i32 to index
          %get3A_2022 = arith.constant 192 : index
          %get3A_2023 = tpu.vector_load %arg8[%get3A_2021, %get3A_2022] {strides = array<i32>} : memref<128x256xf32, #tpu.memory_space<vmem>>, vector<1x16xf32>,
          %get3A_2024 = vector.shape_cast %get3A_2023 : vector<1x16xf32> to vector<16xf32>
          %mul3A_2025 = arith.mulf %get3A_2024, %broadcast_in_dim3A_1850 : vector<16xf32>
          %add3A_2026 = arith.constant 8 : i32
          %add3A_2027 = arith.addi %mul3A_35, %add3A_2026 : i32
          %swap3A_2028 = arith.index_cast %add3A_2027 : i32 to index
          %swap3A_2029 = arith.constant 192 : index
          %swap3A_2030 = tpu.vector_load %arg8[%swap3A_2028, %swap3A_2029] {strides = array<i32>} : memref<128x256xf32, #tpu.memory_space<vmem>>, vector<1x16xf32>,
          %swap3A_2031 = vector.shape_cast %swap3A_2030 : vector<1x16xf32> to vector<16xf32>
          %swap3A_2032 = vector.shape_cast %mul3A_2025 : vector<16xf32> to vector<1x16xf32>
          tpu.vector_store %arg8[%swap3A_2028, %swap3A_2029], %swap3A_2032 {strides = array<i32>} : memref<128x256xf32, #tpu.memory_space<vmem>>, vector<1x16xf32>,
          %add3A_2033 = arith.constant 8 : i32
          %add3A_2034 = arith.addi %mul3A_35, %add3A_2033 : i32
          %get3A_2035 = arith.index_cast %add3A_2034 : i32 to index
          %get3A_2036 = arith.constant 208 : index
          %get3A_2037 = tpu.vector_load %arg8[%get3A_2035, %get3A_2036] {strides = array<i32>} : memref<128x256xf32, #tpu.memory_space<vmem>>, vector<1x16xf32>,
          %get3A_2038 = vector.shape_cast %get3A_2037 : vector<1x16xf32> to vector<16xf32>
          %mul3A_2039 = arith.mulf %get3A_2038, %broadcast_in_dim3A_1850 : vector<16xf32>
          %add3A_2040 = arith.constant 8 : i32
          %add3A_2041 = arith.addi %mul3A_35, %add3A_2040 : i32
          %swap3A_2042 = arith.index_cast %add3A_2041 : i32 to index
          %swap3A_2043 = arith.constant 208 : index
          %swap3A_2044 = tpu.vector_load %arg8[%swap3A_2042, %swap3A_2043] {strides = array<i32>} : memref<128x256xf32, #tpu.memory_space<vmem>>, vector<1x16xf32>,
          %swap3A_2045 = vector.shape_cast %swap3A_2044 : vector<1x16xf32> to vector<16xf32>
          %swap3A_2046 = vector.shape_cast %mul3A_2039 : vector<16xf32> to vector<1x16xf32>
          tpu.vector_store %arg8[%swap3A_2042, %swap3A_2043], %swap3A_2046 {strides = array<i32>} : memref<128x256xf32, #tpu.memory_space<vmem>>, vector<1x16xf32>,
          %add3A_2047 = arith.constant 8 : i32
          %add3A_2048 = arith.addi %mul3A_35, %add3A_2047 : i32
          %get3A_2049 = arith.index_cast %add3A_2048 : i32 to index
          %get3A_2050 = arith.constant 224 : index
          %get3A_2051 = tpu.vector_load %arg8[%get3A_2049, %get3A_2050] {strides = array<i32>} : memref<128x256xf32, #tpu.memory_space<vmem>>, vector<1x16xf32>,
          %get3A_2052 = vector.shape_cast %get3A_2051 : vector<1x16xf32> to vector<16xf32>
          %mul3A_2053 = arith.mulf %get3A_2052, %broadcast_in_dim3A_1850 : vector<16xf32>
          %add3A_2054 = arith.constant 8 : i32
          %add3A_2055 = arith.addi %mul3A_35, %add3A_2054 : i32
          %swap3A_2056 = arith.index_cast %add3A_2055 : i32 to index
          %swap3A_2057 = arith.constant 224 : index
          %swap3A_2058 = tpu.vector_load %arg8[%swap3A_2056, %swap3A_2057] {strides = array<i32>} : memref<128x256xf32, #tpu.memory_space<vmem>>, vector<1x16xf32>,
          %swap3A_2059 = vector.shape_cast %swap3A_2058 : vector<1x16xf32> to vector<16xf32>
          %swap3A_2060 = vector.shape_cast %mul3A_2053 : vector<16xf32> to vector<1x16xf32>
          tpu.vector_store %arg8[%swap3A_2056, %swap3A_2057], %swap3A_2060 {strides = array<i32>} : memref<128x256xf32, #tpu.memory_space<vmem>>, vector<1x16xf32>,
          %add3A_2061 = arith.constant 8 : i32
          %add3A_2062 = arith.addi %mul3A_35, %add3A_2061 : i32
          %get3A_2063 = arith.index_cast %add3A_2062 : i32 to index
          %get3A_2064 = arith.constant 240 : index
          %get3A_2065 = tpu.vector_load %arg8[%get3A_2063, %get3A_2064] {strides = array<i32>} : memref<128x256xf32, #tpu.memory_space<vmem>>, vector<1x16xf32>,
          %get3A_2066 = vector.shape_cast %get3A_2065 : vector<1x16xf32> to vector<16xf32>
          %mul3A_2067 = arith.mulf %get3A_2066, %broadcast_in_dim3A_1850 : vector<16xf32>
          %add3A_2068 = arith.constant 8 : i32
          %add3A_2069 = arith.addi %mul3A_35, %add3A_2068 : i32
          %swap3A_2070 = arith.index_cast %add3A_2069 : i32 to index
          %swap3A_2071 = arith.constant 240 : index
          %swap3A_2072 = tpu.vector_load %arg8[%swap3A_2070, %swap3A_2071] {strides = array<i32>} : memref<128x256xf32, #tpu.memory_space<vmem>>, vector<1x16xf32>,
          %swap3A_2073 = vector.shape_cast %swap3A_2072 : vector<1x16xf32> to vector<16xf32>
          %swap3A_2074 = vector.shape_cast %mul3A_2067 : vector<16xf32> to vector<1x16xf32>
          tpu.vector_store %arg8[%swap3A_2070, %swap3A_2071], %swap3A_2074 {strides = array<i32>} : memref<128x256xf32, #tpu.memory_space<vmem>>, vector<1x16xf32>,
          %slice3A_2075 = vector.extract_strided_slice %get3A_33 {offsets = [9], sizes = [1], strides = [1]} : vector<16xf32> to vector<1xf32>
          %squeeze3A_2076 = vector.extract %slice3A_2075[0] : f32 from vector<1xf32>
          %broadcast_in_dim3A_2077 = vector.broadcast %squeeze3A_2076 : f32 to vector<16xf32>
          %add3A_2078 = arith.constant 9 : i32
          %add3A_2079 = arith.addi %mul3A_35, %add3A_2078 : i32
          %get3A_2080 = arith.index_cast %add3A_2079 : i32 to index
          %get3A_2081 = arith.constant 0 : index
          %get3A_2082 = tpu.vector_load %arg8[%get3A_2080, %get3A_2081] {strides = array<i32>} : memref<128x256xf32, #tpu.memory_space<vmem>>, vector<1x16xf32>,
          %get3A_2083 = vector.shape_cast %get3A_2082 : vector<1x16xf32> to vector<16xf32>
          %mul3A_2084 = arith.mulf %get3A_2083, %broadcast_in_dim3A_2077 : vector<16xf32>
          %add3A_2085 = arith.constant 9 : i32
          %add3A_2086 = arith.addi %mul3A_35, %add3A_2085 : i32
          %swap3A_2087 = arith.index_cast %add3A_2086 : i32 to index
          %swap3A_2088 = arith.constant 0 : index
          %swap3A_2089 = tpu.vector_load %arg8[%swap3A_2087, %swap3A_2088] {strides = array<i32>} : memref<128x256xf32, #tpu.memory_space<vmem>>, vector<1x16xf32>,
          %swap3A_2090 = vector.shape_cast %swap3A_2089 : vector<1x16xf32> to vector<16xf32>
          %swap3A_2091 = vector.shape_cast %mul3A_2084 : vector<16xf32> to vector<1x16xf32>
          tpu.vector_store %arg8[%swap3A_2087, %swap3A_2088], %swap3A_2091 {strides = array<i32>} : memref<128x256xf32, #tpu.memory_space<vmem>>, vector<1x16xf32>,
          %add3A_2092 = arith.constant 9 : i32
          %add3A_2093 = arith.addi %mul3A_35, %add3A_2092 : i32
          %get3A_2094 = arith.index_cast %add3A_2093 : i32 to index
          %get3A_2095 = arith.constant 16 : index
          %get3A_2096 = tpu.vector_load %arg8[%get3A_2094, %get3A_2095] {strides = array<i32>} : memref<128x256xf32, #tpu.memory_space<vmem>>, vector<1x16xf32>,
          %get3A_2097 = vector.shape_cast %get3A_2096 : vector<1x16xf32> to vector<16xf32>
          %mul3A_2098 = arith.mulf %get3A_2097, %broadcast_in_dim3A_2077 : vector<16xf32>
          %add3A_2099 = arith.constant 9 : i32
          %add3A_2100 = arith.addi %mul3A_35, %add3A_2099 : i32
          %swap3A_2101 = arith.index_cast %add3A_2100 : i32 to index
          %swap3A_2102 = arith.constant 16 : index
          %swap3A_2103 = tpu.vector_load %arg8[%swap3A_2101, %swap3A_2102] {strides = array<i32>} : memref<128x256xf32, #tpu.memory_space<vmem>>, vector<1x16xf32>,
          %swap3A_2104 = vector.shape_cast %swap3A_2103 : vector<1x16xf32> to vector<16xf32>
          %swap3A_2105 = vector.shape_cast %mul3A_2098 : vector<16xf32> to vector<1x16xf32>
          tpu.vector_store %arg8[%swap3A_2101, %swap3A_2102], %swap3A_2105 {strides = array<i32>} : memref<128x256xf32, #tpu.memory_space<vmem>>, vector<1x16xf32>,
          %add3A_2106 = arith.constant 9 : i32
          %add3A_2107 = arith.addi %mul3A_35, %add3A_2106 : i32
          %get3A_2108 = arith.index_cast %add3A_2107 : i32 to index
          %get3A_2109 = arith.constant 32 : index
          %get3A_2110 = tpu.vector_load %arg8[%get3A_2108, %get3A_2109] {strides = array<i32>} : memref<128x256xf32, #tpu.memory_space<vmem>>, vector<1x16xf32>,
          %get3A_2111 = vector.shape_cast %get3A_2110 : vector<1x16xf32> to vector<16xf32>
          %mul3A_2112 = arith.mulf %get3A_2111, %broadcast_in_dim3A_2077 : vector<16xf32>
          %add3A_2113 = arith.constant 9 : i32
          %add3A_2114 = arith.addi %mul3A_35, %add3A_2113 : i32
          %swap3A_2115 = arith.index_cast %add3A_2114 : i32 to index
          %swap3A_2116 = arith.constant 32 : index
          %swap3A_2117 = tpu.vector_load %arg8[%swap3A_2115, %swap3A_2116] {strides = array<i32>} : memref<128x256xf32, #tpu.memory_space<vmem>>, vector<1x16xf32>,
          %swap3A_2118 = vector.shape_cast %swap3A_2117 : vector<1x16xf32> to vector<16xf32>
          %swap3A_2119 = vector.shape_cast %mul3A_2112 : vector<16xf32> to vector<1x16xf32>
          tpu.vector_store %arg8[%swap3A_2115, %swap3A_2116], %swap3A_2119 {strides = array<i32>} : memref<128x256xf32, #tpu.memory_space<vmem>>, vector<1x16xf32>,
          %add3A_2120 = arith.constant 9 : i32
          %add3A_2121 = arith.addi %mul3A_35, %add3A_2120 : i32
          %get3A_2122 = arith.index_cast %add3A_2121 : i32 to index
          %get3A_2123 = arith.constant 48 : index
          %get3A_2124 = tpu.vector_load %arg8[%get3A_2122, %get3A_2123] {strides = array<i32>} : memref<128x256xf32, #tpu.memory_space<vmem>>, vector<1x16xf32>,
          %get3A_2125 = vector.shape_cast %get3A_2124 : vector<1x16xf32> to vector<16xf32>
          %mul3A_2126 = arith.mulf %get3A_2125, %broadcast_in_dim3A_2077 : vector<16xf32>
          %add3A_2127 = arith.constant 9 : i32
          %add3A_2128 = arith.addi %mul3A_35, %add3A_2127 : i32
          %swap3A_2129 = arith.index_cast %add3A_2128 : i32 to index
          %swap3A_2130 = arith.constant 48 : index
          %swap3A_2131 = tpu.vector_load %arg8[%swap3A_2129, %swap3A_2130] {strides = array<i32>} : memref<128x256xf32, #tpu.memory_space<vmem>>, vector<1x16xf32>,
          %swap3A_2132 = vector.shape_cast %swap3A_2131 : vector<1x16xf32> to vector<16xf32>
          %swap3A_2133 = vector.shape_cast %mul3A_2126 : vector<16xf32> to vector<1x16xf32>
          tpu.vector_store %arg8[%swap3A_2129, %swap3A_2130], %swap3A_2133 {strides = array<i32>} : memref<128x256xf32, #tpu.memory_space<vmem>>, vector<1x16xf32>,
          %add3A_2134 = arith.constant 9 : i32
          %add3A_2135 = arith.addi %mul3A_35, %add3A_2134 : i32
          %get3A_2136 = arith.index_cast %add3A_2135 : i32 to index
          %get3A_2137 = arith.constant 64 : index
          %get3A_2138 = tpu.vector_load %arg8[%get3A_2136, %get3A_2137] {strides = array<i32>} : memref<128x256xf32, #tpu.memory_space<vmem>>, vector<1x16xf32>,
          %get3A_2139 = vector.shape_cast %get3A_2138 : vector<1x16xf32> to vector<16xf32>
          %mul3A_2140 = arith.mulf %get3A_2139, %broadcast_in_dim3A_2077 : vector<16xf32>
          %add3A_2141 = arith.constant 9 : i32
          %add3A_2142 = arith.addi %mul3A_35, %add3A_2141 : i32
          %swap3A_2143 = arith.index_cast %add3A_2142 : i32 to index
          %swap3A_2144 = arith.constant 64 : index
          %swap3A_2145 = tpu.vector_load %arg8[%swap3A_2143, %swap3A_2144] {strides = array<i32>} : memref<128x256xf32, #tpu.memory_space<vmem>>, vector<1x16xf32>,
          %swap3A_2146 = vector.shape_cast %swap3A_2145 : vector<1x16xf32> to vector<16xf32>
          %swap3A_2147 = vector.shape_cast %mul3A_2140 : vector<16xf32> to vector<1x16xf32>
          tpu.vector_store %arg8[%swap3A_2143, %swap3A_2144], %swap3A_2147 {strides = array<i32>} : memref<128x256xf32, #tpu.memory_space<vmem>>, vector<1x16xf32>,
          %add3A_2148 = arith.constant 9 : i32
          %add3A_2149 = arith.addi %mul3A_35, %add3A_2148 : i32
          %get3A_2150 = arith.index_cast %add3A_2149 : i32 to index
          %get3A_2151 = arith.constant 80 : index
          %get3A_2152 = tpu.vector_load %arg8[%get3A_2150, %get3A_2151] {strides = array<i32>} : memref<128x256xf32, #tpu.memory_space<vmem>>, vector<1x16xf32>,
          %get3A_2153 = vector.shape_cast %get3A_2152 : vector<1x16xf32> to vector<16xf32>
          %mul3A_2154 = arith.mulf %get3A_2153, %broadcast_in_dim3A_2077 : vector<16xf32>
          %add3A_2155 = arith.constant 9 : i32
          %add3A_2156 = arith.addi %mul3A_35, %add3A_2155 : i32
          %swap3A_2157 = arith.index_cast %add3A_2156 : i32 to index
          %swap3A_2158 = arith.constant 80 : index
          %swap3A_2159 = tpu.vector_load %arg8[%swap3A_2157, %swap3A_2158] {strides = array<i32>} : memref<128x256xf32, #tpu.memory_space<vmem>>, vector<1x16xf32>,
          %swap3A_2160 = vector.shape_cast %swap3A_2159 : vector<1x16xf32> to vector<16xf32>
          %swap3A_2161 = vector.shape_cast %mul3A_2154 : vector<16xf32> to vector<1x16xf32>
          tpu.vector_store %arg8[%swap3A_2157, %swap3A_2158], %swap3A_2161 {strides = array<i32>} : memref<128x256xf32, #tpu.memory_space<vmem>>, vector<1x16xf32>,
          %add3A_2162 = arith.constant 9 : i32
          %add3A_2163 = arith.addi %mul3A_35, %add3A_2162 : i32
          %get3A_2164 = arith.index_cast %add3A_2163 : i32 to index
          %get3A_2165 = arith.constant 96 : index
          %get3A_2166 = tpu.vector_load %arg8[%get3A_2164, %get3A_2165] {strides = array<i32>} : memref<128x256xf32, #tpu.memory_space<vmem>>, vector<1x16xf32>,
          %get3A_2167 = vector.shape_cast %get3A_2166 : vector<1x16xf32> to vector<16xf32>
          %mul3A_2168 = arith.mulf %get3A_2167, %broadcast_in_dim3A_2077 : vector<16xf32>
          %add3A_2169 = arith.constant 9 : i32
          %add3A_2170 = arith.addi %mul3A_35, %add3A_2169 : i32
          %swap3A_2171 = arith.index_cast %add3A_2170 : i32 to index
          %swap3A_2172 = arith.constant 96 : index
          %swap3A_2173 = tpu.vector_load %arg8[%swap3A_2171, %swap3A_2172] {strides = array<i32>} : memref<128x256xf32, #tpu.memory_space<vmem>>, vector<1x16xf32>,
          %swap3A_2174 = vector.shape_cast %swap3A_2173 : vector<1x16xf32> to vector<16xf32>
          %swap3A_2175 = vector.shape_cast %mul3A_2168 : vector<16xf32> to vector<1x16xf32>
          tpu.vector_store %arg8[%swap3A_2171, %swap3A_2172], %swap3A_2175 {strides = array<i32>} : memref<128x256xf32, #tpu.memory_space<vmem>>, vector<1x16xf32>,
          %add3A_2176 = arith.constant 9 : i32
          %add3A_2177 = arith.addi %mul3A_35, %add3A_2176 : i32
          %get3A_2178 = arith.index_cast %add3A_2177 : i32 to index
          %get3A_2179 = arith.constant 112 : index
          %get3A_2180 = tpu.vector_load %arg8[%get3A_2178, %get3A_2179] {strides = array<i32>} : memref<128x256xf32, #tpu.memory_space<vmem>>, vector<1x16xf32>,
          %get3A_2181 = vector.shape_cast %get3A_2180 : vector<1x16xf32> to vector<16xf32>
          %mul3A_2182 = arith.mulf %get3A_2181, %broadcast_in_dim3A_2077 : vector<16xf32>
          %add3A_2183 = arith.constant 9 : i32
          %add3A_2184 = arith.addi %mul3A_35, %add3A_2183 : i32
          %swap3A_2185 = arith.index_cast %add3A_2184 : i32 to index
          %swap3A_2186 = arith.constant 112 : index
          %swap3A_2187 = tpu.vector_load %arg8[%swap3A_2185, %swap3A_2186] {strides = array<i32>} : memref<128x256xf32, #tpu.memory_space<vmem>>, vector<1x16xf32>,
          %swap3A_2188 = vector.shape_cast %swap3A_2187 : vector<1x16xf32> to vector<16xf32>
          %swap3A_2189 = vector.shape_cast %mul3A_2182 : vector<16xf32> to vector<1x16xf32>
          tpu.vector_store %arg8[%swap3A_2185, %swap3A_2186], %swap3A_2189 {strides = array<i32>} : memref<128x256xf32, #tpu.memory_space<vmem>>, vector<1x16xf32>,
          %add3A_2190 = arith.constant 9 : i32
          %add3A_2191 = arith.addi %mul3A_35, %add3A_2190 : i32
          %get3A_2192 = arith.index_cast %add3A_2191 : i32 to index
          %get3A_2193 = arith.constant 128 : index
          %get3A_2194 = tpu.vector_load %arg8[%get3A_2192, %get3A_2193] {strides = array<i32>} : memref<128x256xf32, #tpu.memory_space<vmem>>, vector<1x16xf32>,
          %get3A_2195 = vector.shape_cast %get3A_2194 : vector<1x16xf32> to vector<16xf32>
          %mul3A_2196 = arith.mulf %get3A_2195, %broadcast_in_dim3A_2077 : vector<16xf32>
          %add3A_2197 = arith.constant 9 : i32
          %add3A_2198 = arith.addi %mul3A_35, %add3A_2197 : i32
          %swap3A_2199 = arith.index_cast %add3A_2198 : i32 to index
          %swap3A_2200 = arith.constant 128 : index
          %swap3A_2201 = tpu.vector_load %arg8[%swap3A_2199, %swap3A_2200] {strides = array<i32>} : memref<128x256xf32, #tpu.memory_space<vmem>>, vector<1x16xf32>,
          %swap3A_2202 = vector.shape_cast %swap3A_2201 : vector<1x16xf32> to vector<16xf32>
          %swap3A_2203 = vector.shape_cast %mul3A_2196 : vector<16xf32> to vector<1x16xf32>
          tpu.vector_store %arg8[%swap3A_2199, %swap3A_2200], %swap3A_2203 {strides = array<i32>} : memref<128x256xf32, #tpu.memory_space<vmem>>, vector<1x16xf32>,
          %add3A_2204 = arith.constant 9 : i32
          %add3A_2205 = arith.addi %mul3A_35, %add3A_2204 : i32
          %get3A_2206 = arith.index_cast %add3A_2205 : i32 to index
          %get3A_2207 = arith.constant 144 : index
          %get3A_2208 = tpu.vector_load %arg8[%get3A_2206, %get3A_2207] {strides = array<i32>} : memref<128x256xf32, #tpu.memory_space<vmem>>, vector<1x16xf32>,
          %get3A_2209 = vector.shape_cast %get3A_2208 : vector<1x16xf32> to vector<16xf32>
          %mul3A_2210 = arith.mulf %get3A_2209, %broadcast_in_dim3A_2077 : vector<16xf32>
          %add3A_2211 = arith.constant 9 : i32
          %add3A_2212 = arith.addi %mul3A_35, %add3A_2211 : i32
          %swap3A_2213 = arith.index_cast %add3A_2212 : i32 to index
          %swap3A_2214 = arith.constant 144 : index
          %swap3A_2215 = tpu.vector_load %arg8[%swap3A_2213, %swap3A_2214] {strides = array<i32>} : memref<128x256xf32, #tpu.memory_space<vmem>>, vector<1x16xf32>,
          %swap3A_2216 = vector.shape_cast %swap3A_2215 : vector<1x16xf32> to vector<16xf32>
          %swap3A_2217 = vector.shape_cast %mul3A_2210 : vector<16xf32> to vector<1x16xf32>
          tpu.vector_store %arg8[%swap3A_2213, %swap3A_2214], %swap3A_2217 {strides = array<i32>} : memref<128x256xf32, #tpu.memory_space<vmem>>, vector<1x16xf32>,
          %add3A_2218 = arith.constant 9 : i32
          %add3A_2219 = arith.addi %mul3A_35, %add3A_2218 : i32
          %get3A_2220 = arith.index_cast %add3A_2219 : i32 to index
          %get3A_2221 = arith.constant 160 : index
          %get3A_2222 = tpu.vector_load %arg8[%get3A_2220, %get3A_2221] {strides = array<i32>} : memref<128x256xf32, #tpu.memory_space<vmem>>, vector<1x16xf32>,
          %get3A_2223 = vector.shape_cast %get3A_2222 : vector<1x16xf32> to vector<16xf32>
          %mul3A_2224 = arith.mulf %get3A_2223, %broadcast_in_dim3A_2077 : vector<16xf32>
          %add3A_2225 = arith.constant 9 : i32
          %add3A_2226 = arith.addi %mul3A_35, %add3A_2225 : i32
          %swap3A_2227 = arith.index_cast %add3A_2226 : i32 to index
          %swap3A_2228 = arith.constant 160 : index
          %swap3A_2229 = tpu.vector_load %arg8[%swap3A_2227, %swap3A_2228] {strides = array<i32>} : memref<128x256xf32, #tpu.memory_space<vmem>>, vector<1x16xf32>,
          %swap3A_2230 = vector.shape_cast %swap3A_2229 : vector<1x16xf32> to vector<16xf32>
          %swap3A_2231 = vector.shape_cast %mul3A_2224 : vector<16xf32> to vector<1x16xf32>
          tpu.vector_store %arg8[%swap3A_2227, %swap3A_2228], %swap3A_2231 {strides = array<i32>} : memref<128x256xf32, #tpu.memory_space<vmem>>, vector<1x16xf32>,
          %add3A_2232 = arith.constant 9 : i32
          %add3A_2233 = arith.addi %mul3A_35, %add3A_2232 : i32
          %get3A_2234 = arith.index_cast %add3A_2233 : i32 to index
          %get3A_2235 = arith.constant 176 : index
          %get3A_2236 = tpu.vector_load %arg8[%get3A_2234, %get3A_2235] {strides = array<i32>} : memref<128x256xf32, #tpu.memory_space<vmem>>, vector<1x16xf32>,
          %get3A_2237 = vector.shape_cast %get3A_2236 : vector<1x16xf32> to vector<16xf32>
          %mul3A_2238 = arith.mulf %get3A_2237, %broadcast_in_dim3A_2077 : vector<16xf32>
          %add3A_2239 = arith.constant 9 : i32
          %add3A_2240 = arith.addi %mul3A_35, %add3A_2239 : i32
          %swap3A_2241 = arith.index_cast %add3A_2240 : i32 to index
          %swap3A_2242 = arith.constant 176 : index
          %swap3A_2243 = tpu.vector_load %arg8[%swap3A_2241, %swap3A_2242] {strides = array<i32>} : memref<128x256xf32, #tpu.memory_space<vmem>>, vector<1x16xf32>,
          %swap3A_2244 = vector.shape_cast %swap3A_2243 : vector<1x16xf32> to vector<16xf32>
          %swap3A_2245 = vector.shape_cast %mul3A_2238 : vector<16xf32> to vector<1x16xf32>
          tpu.vector_store %arg8[%swap3A_2241, %swap3A_2242], %swap3A_2245 {strides = array<i32>} : memref<128x256xf32, #tpu.memory_space<vmem>>, vector<1x16xf32>,
          %add3A_2246 = arith.constant 9 : i32
          %add3A_2247 = arith.addi %mul3A_35, %add3A_2246 : i32
          %get3A_2248 = arith.index_cast %add3A_2247 : i32 to index
          %get3A_2249 = arith.constant 192 : index
          %get3A_2250 = tpu.vector_load %arg8[%get3A_2248, %get3A_2249] {strides = array<i32>} : memref<128x256xf32, #tpu.memory_space<vmem>>, vector<1x16xf32>,
          %get3A_2251 = vector.shape_cast %get3A_2250 : vector<1x16xf32> to vector<16xf32>
          %mul3A_2252 = arith.mulf %get3A_2251, %broadcast_in_dim3A_2077 : vector<16xf32>
          %add3A_2253 = arith.constant 9 : i32
          %add3A_2254 = arith.addi %mul3A_35, %add3A_2253 : i32
          %swap3A_2255 = arith.index_cast %add3A_2254 : i32 to index
          %swap3A_2256 = arith.constant 192 : index
          %swap3A_2257 = tpu.vector_load %arg8[%swap3A_2255, %swap3A_2256] {strides = array<i32>} : memref<128x256xf32, #tpu.memory_space<vmem>>, vector<1x16xf32>,
          %swap3A_2258 = vector.shape_cast %swap3A_2257 : vector<1x16xf32> to vector<16xf32>
          %swap3A_2259 = vector.shape_cast %mul3A_2252 : vector<16xf32> to vector<1x16xf32>
          tpu.vector_store %arg8[%swap3A_2255, %swap3A_2256], %swap3A_2259 {strides = array<i32>} : memref<128x256xf32, #tpu.memory_space<vmem>>, vector<1x16xf32>,
          %add3A_2260 = arith.constant 9 : i32
          %add3A_2261 = arith.addi %mul3A_35, %add3A_2260 : i32
          %get3A_2262 = arith.index_cast %add3A_2261 : i32 to index
          %get3A_2263 = arith.constant 208 : index
          %get3A_2264 = tpu.vector_load %arg8[%get3A_2262, %get3A_2263] {strides = array<i32>} : memref<128x256xf32, #tpu.memory_space<vmem>>, vector<1x16xf32>,
          %get3A_2265 = vector.shape_cast %get3A_2264 : vector<1x16xf32> to vector<16xf32>
          %mul3A_2266 = arith.mulf %get3A_2265, %broadcast_in_dim3A_2077 : vector<16xf32>
          %add3A_2267 = arith.constant 9 : i32
          %add3A_2268 = arith.addi %mul3A_35, %add3A_2267 : i32
          %swap3A_2269 = arith.index_cast %add3A_2268 : i32 to index
          %swap3A_2270 = arith.constant 208 : index
          %swap3A_2271 = tpu.vector_load %arg8[%swap3A_2269, %swap3A_2270] {strides = array<i32>} : memref<128x256xf32, #tpu.memory_space<vmem>>, vector<1x16xf32>,
          %swap3A_2272 = vector.shape_cast %swap3A_2271 : vector<1x16xf32> to vector<16xf32>
          %swap3A_2273 = vector.shape_cast %mul3A_2266 : vector<16xf32> to vector<1x16xf32>
          tpu.vector_store %arg8[%swap3A_2269, %swap3A_2270], %swap3A_2273 {strides = array<i32>} : memref<128x256xf32, #tpu.memory_space<vmem>>, vector<1x16xf32>,
          %add3A_2274 = arith.constant 9 : i32
          %add3A_2275 = arith.addi %mul3A_35, %add3A_2274 : i32
          %get3A_2276 = arith.index_cast %add3A_2275 : i32 to index
          %get3A_2277 = arith.constant 224 : index
          %get3A_2278 = tpu.vector_load %arg8[%get3A_2276, %get3A_2277] {strides = array<i32>} : memref<128x256xf32, #tpu.memory_space<vmem>>, vector<1x16xf32>,
          %get3A_2279 = vector.shape_cast %get3A_2278 : vector<1x16xf32> to vector<16xf32>
          %mul3A_2280 = arith.mulf %get3A_2279, %broadcast_in_dim3A_2077 : vector<16xf32>
          %add3A_2281 = arith.constant 9 : i32
          %add3A_2282 = arith.addi %mul3A_35, %add3A_2281 : i32
          %swap3A_2283 = arith.index_cast %add3A_2282 : i32 to index
          %swap3A_2284 = arith.constant 224 : index
          %swap3A_2285 = tpu.vector_load %arg8[%swap3A_2283, %swap3A_2284] {strides = array<i32>} : memref<128x256xf32, #tpu.memory_space<vmem>>, vector<1x16xf32>,
          %swap3A_2286 = vector.shape_cast %swap3A_2285 : vector<1x16xf32> to vector<16xf32>
          %swap3A_2287 = vector.shape_cast %mul3A_2280 : vector<16xf32> to vector<1x16xf32>
          tpu.vector_store %arg8[%swap3A_2283, %swap3A_2284], %swap3A_2287 {strides = array<i32>} : memref<128x256xf32, #tpu.memory_space<vmem>>, vector<1x16xf32>,
          %add3A_2288 = arith.constant 9 : i32
          %add3A_2289 = arith.addi %mul3A_35, %add3A_2288 : i32
          %get3A_2290 = arith.index_cast %add3A_2289 : i32 to index
          %get3A_2291 = arith.constant 240 : index
          %get3A_2292 = tpu.vector_load %arg8[%get3A_2290, %get3A_2291] {strides = array<i32>} : memref<128x256xf32, #tpu.memory_space<vmem>>, vector<1x16xf32>,
          %get3A_2293 = vector.shape_cast %get3A_2292 : vector<1x16xf32> to vector<16xf32>
          %mul3A_2294 = arith.mulf %get3A_2293, %broadcast_in_dim3A_2077 : vector<16xf32>
          %add3A_2295 = arith.constant 9 : i32
          %add3A_2296 = arith.addi %mul3A_35, %add3A_2295 : i32
          %swap3A_2297 = arith.index_cast %add3A_2296 : i32 to index
          %swap3A_2298 = arith.constant 240 : index
          %swap3A_2299 = tpu.vector_load %arg8[%swap3A_2297, %swap3A_2298] {strides = array<i32>} : memref<128x256xf32, #tpu.memory_space<vmem>>, vector<1x16xf32>,
          %swap3A_2300 = vector.shape_cast %swap3A_2299 : vector<1x16xf32> to vector<16xf32>
          %swap3A_2301 = vector.shape_cast %mul3A_2294 : vector<16xf32> to vector<1x16xf32>
          tpu.vector_store %arg8[%swap3A_2297, %swap3A_2298], %swap3A_2301 {strides = array<i32>} : memref<128x256xf32, #tpu.memory_space<vmem>>, vector<1x16xf32>,
          %slice3A_2302 = vector.extract_strided_slice %get3A_33 {offsets = [10], sizes = [1], strides = [1]} : vector<16xf32> to vector<1xf32>
          %squeeze3A_2303 = vector.extract %slice3A_2302[0] : f32 from vector<1xf32>
          %broadcast_in_dim3A_2304 = vector.broadcast %squeeze3A_2303 : f32 to vector<16xf32>
          %add3A_2305 = arith.constant 10 : i32
          %add3A_2306 = arith.addi %mul3A_35, %add3A_2305 : i32
          %get3A_2307 = arith.index_cast %add3A_2306 : i32 to index
          %get3A_2308 = arith.constant 0 : index
          %get3A_2309 = tpu.vector_load %arg8[%get3A_2307, %get3A_2308] {strides = array<i32>} : memref<128x256xf32, #tpu.memory_space<vmem>>, vector<1x16xf32>,
          %get3A_2310 = vector.shape_cast %get3A_2309 : vector<1x16xf32> to vector<16xf32>
          %mul3A_2311 = arith.mulf %get3A_2310, %broadcast_in_dim3A_2304 : vector<16xf32>
          %add3A_2312 = arith.constant 10 : i32
          %add3A_2313 = arith.addi %mul3A_35, %add3A_2312 : i32
          %swap3A_2314 = arith.index_cast %add3A_2313 : i32 to index
          %swap3A_2315 = arith.constant 0 : index
          %swap3A_2316 = tpu.vector_load %arg8[%swap3A_2314, %swap3A_2315] {strides = array<i32>} : memref<128x256xf32, #tpu.memory_space<vmem>>, vector<1x16xf32>,
          %swap3A_2317 = vector.shape_cast %swap3A_2316 : vector<1x16xf32> to vector<16xf32>
          %swap3A_2318 = vector.shape_cast %mul3A_2311 : vector<16xf32> to vector<1x16xf32>
          tpu.vector_store %arg8[%swap3A_2314, %swap3A_2315], %swap3A_2318 {strides = array<i32>} : memref<128x256xf32, #tpu.memory_space<vmem>>, vector<1x16xf32>,
          %add3A_2319 = arith.constant 10 : i32
          %add3A_2320 = arith.addi %mul3A_35, %add3A_2319 : i32
          %get3A_2321 = arith.index_cast %add3A_2320 : i32 to index
          %get3A_2322 = arith.constant 16 : index
          %get3A_2323 = tpu.vector_load %arg8[%get3A_2321, %get3A_2322] {strides = array<i32>} : memref<128x256xf32, #tpu.memory_space<vmem>>, vector<1x16xf32>,
          %get3A_2324 = vector.shape_cast %get3A_2323 : vector<1x16xf32> to vector<16xf32>
          %mul3A_2325 = arith.mulf %get3A_2324, %broadcast_in_dim3A_2304 : vector<16xf32>
          %add3A_2326 = arith.constant 10 : i32
          %add3A_2327 = arith.addi %mul3A_35, %add3A_2326 : i32
          %swap3A_2328 = arith.index_cast %add3A_2327 : i32 to index
          %swap3A_2329 = arith.constant 16 : index
          %swap3A_2330 = tpu.vector_load %arg8[%swap3A_2328, %swap3A_2329] {strides = array<i32>} : memref<128x256xf32, #tpu.memory_space<vmem>>, vector<1x16xf32>,
          %swap3A_2331 = vector.shape_cast %swap3A_2330 : vector<1x16xf32> to vector<16xf32>
          %swap3A_2332 = vector.shape_cast %mul3A_2325 : vector<16xf32> to vector<1x16xf32>
          tpu.vector_store %arg8[%swap3A_2328, %swap3A_2329], %swap3A_2332 {strides = array<i32>} : memref<128x256xf32, #tpu.memory_space<vmem>>, vector<1x16xf32>,
          %add3A_2333 = arith.constant 10 : i32
          %add3A_2334 = arith.addi %mul3A_35, %add3A_2333 : i32
          %get3A_2335 = arith.index_cast %add3A_2334 : i32 to index
          %get3A_2336 = arith.constant 32 : index
          %get3A_2337 = tpu.vector_load %arg8[%get3A_2335, %get3A_2336] {strides = array<i32>} : memref<128x256xf32, #tpu.memory_space<vmem>>, vector<1x16xf32>,
          %get3A_2338 = vector.shape_cast %get3A_2337 : vector<1x16xf32> to vector<16xf32>
          %mul3A_2339 = arith.mulf %get3A_2338, %broadcast_in_dim3A_2304 : vector<16xf32>
          %add3A_2340 = arith.constant 10 : i32
          %add3A_2341 = arith.addi %mul3A_35, %add3A_2340 : i32
          %swap3A_2342 = arith.index_cast %add3A_2341 : i32 to index
          %swap3A_2343 = arith.constant 32 : index
          %swap3A_2344 = tpu.vector_load %arg8[%swap3A_2342, %swap3A_2343] {strides = array<i32>} : memref<128x256xf32, #tpu.memory_space<vmem>>, vector<1x16xf32>,
          %swap3A_2345 = vector.shape_cast %swap3A_2344 : vector<1x16xf32> to vector<16xf32>
          %swap3A_2346 = vector.shape_cast %mul3A_2339 : vector<16xf32> to vector<1x16xf32>
          tpu.vector_store %arg8[%swap3A_2342, %swap3A_2343], %swap3A_2346 {strides = array<i32>} : memref<128x256xf32, #tpu.memory_space<vmem>>, vector<1x16xf32>,
          %add3A_2347 = arith.constant 10 : i32
          %add3A_2348 = arith.addi %mul3A_35, %add3A_2347 : i32
          %get3A_2349 = arith.index_cast %add3A_2348 : i32 to index
          %get3A_2350 = arith.constant 48 : index
          %get3A_2351 = tpu.vector_load %arg8[%get3A_2349, %get3A_2350] {strides = array<i32>} : memref<128x256xf32, #tpu.memory_space<vmem>>, vector<1x16xf32>,
          %get3A_2352 = vector.shape_cast %get3A_2351 : vector<1x16xf32> to vector<16xf32>
          %mul3A_2353 = arith.mulf %get3A_2352, %broadcast_in_dim3A_2304 : vector<16xf32>
          %add3A_2354 = arith.constant 10 : i32
          %add3A_2355 = arith.addi %mul3A_35, %add3A_2354 : i32
          %swap3A_2356 = arith.index_cast %add3A_2355 : i32 to index
          %swap3A_2357 = arith.constant 48 : index
          %swap3A_2358 = tpu.vector_load %arg8[%swap3A_2356, %swap3A_2357] {strides = array<i32>} : memref<128x256xf32, #tpu.memory_space<vmem>>, vector<1x16xf32>,
          %swap3A_2359 = vector.shape_cast %swap3A_2358 : vector<1x16xf32> to vector<16xf32>
          %swap3A_2360 = vector.shape_cast %mul3A_2353 : vector<16xf32> to vector<1x16xf32>
          tpu.vector_store %arg8[%swap3A_2356, %swap3A_2357], %swap3A_2360 {strides = array<i32>} : memref<128x256xf32, #tpu.memory_space<vmem>>, vector<1x16xf32>,
          %add3A_2361 = arith.constant 10 : i32
          %add3A_2362 = arith.addi %mul3A_35, %add3A_2361 : i32
          %get3A_2363 = arith.index_cast %add3A_2362 : i32 to index
          %get3A_2364 = arith.constant 64 : index
          %get3A_2365 = tpu.vector_load %arg8[%get3A_2363, %get3A_2364] {strides = array<i32>} : memref<128x256xf32, #tpu.memory_space<vmem>>, vector<1x16xf32>,
          %get3A_2366 = vector.shape_cast %get3A_2365 : vector<1x16xf32> to vector<16xf32>
          %mul3A_2367 = arith.mulf %get3A_2366, %broadcast_in_dim3A_2304 : vector<16xf32>
          %add3A_2368 = arith.constant 10 : i32
          %add3A_2369 = arith.addi %mul3A_35, %add3A_2368 : i32
          %swap3A_2370 = arith.index_cast %add3A_2369 : i32 to index
          %swap3A_2371 = arith.constant 64 : index
          %swap3A_2372 = tpu.vector_load %arg8[%swap3A_2370, %swap3A_2371] {strides = array<i32>} : memref<128x256xf32, #tpu.memory_space<vmem>>, vector<1x16xf32>,
          %swap3A_2373 = vector.shape_cast %swap3A_2372 : vector<1x16xf32> to vector<16xf32>
          %swap3A_2374 = vector.shape_cast %mul3A_2367 : vector<16xf32> to vector<1x16xf32>
          tpu.vector_store %arg8[%swap3A_2370, %swap3A_2371], %swap3A_2374 {strides = array<i32>} : memref<128x256xf32, #tpu.memory_space<vmem>>, vector<1x16xf32>,
          %add3A_2375 = arith.constant 10 : i32
          %add3A_2376 = arith.addi %mul3A_35, %add3A_2375 : i32
          %get3A_2377 = arith.index_cast %add3A_2376 : i32 to index
          %get3A_2378 = arith.constant 80 : index
          %get3A_2379 = tpu.vector_load %arg8[%get3A_2377, %get3A_2378] {strides = array<i32>} : memref<128x256xf32, #tpu.memory_space<vmem>>, vector<1x16xf32>,
          %get3A_2380 = vector.shape_cast %get3A_2379 : vector<1x16xf32> to vector<16xf32>
          %mul3A_2381 = arith.mulf %get3A_2380, %broadcast_in_dim3A_2304 : vector<16xf32>
          %add3A_2382 = arith.constant 10 : i32
          %add3A_2383 = arith.addi %mul3A_35, %add3A_2382 : i32
          %swap3A_2384 = arith.index_cast %add3A_2383 : i32 to index
          %swap3A_2385 = arith.constant 80 : index
          %swap3A_2386 = tpu.vector_load %arg8[%swap3A_2384, %swap3A_2385] {strides = array<i32>} : memref<128x256xf32, #tpu.memory_space<vmem>>, vector<1x16xf32>,
          %swap3A_2387 = vector.shape_cast %swap3A_2386 : vector<1x16xf32> to vector<16xf32>
          %swap3A_2388 = vector.shape_cast %mul3A_2381 : vector<16xf32> to vector<1x16xf32>
          tpu.vector_store %arg8[%swap3A_2384, %swap3A_2385], %swap3A_2388 {strides = array<i32>} : memref<128x256xf32, #tpu.memory_space<vmem>>, vector<1x16xf32>,
          %add3A_2389 = arith.constant 10 : i32
          %add3A_2390 = arith.addi %mul3A_35, %add3A_2389 : i32
          %get3A_2391 = arith.index_cast %add3A_2390 : i32 to index
          %get3A_2392 = arith.constant 96 : index
          %get3A_2393 = tpu.vector_load %arg8[%get3A_2391, %get3A_2392] {strides = array<i32>} : memref<128x256xf32, #tpu.memory_space<vmem>>, vector<1x16xf32>,
          %get3A_2394 = vector.shape_cast %get3A_2393 : vector<1x16xf32> to vector<16xf32>
          %mul3A_2395 = arith.mulf %get3A_2394, %broadcast_in_dim3A_2304 : vector<16xf32>
          %add3A_2396 = arith.constant 10 : i32
          %add3A_2397 = arith.addi %mul3A_35, %add3A_2396 : i32
          %swap3A_2398 = arith.index_cast %add3A_2397 : i32 to index
          %swap3A_2399 = arith.constant 96 : index
          %swap3A_2400 = tpu.vector_load %arg8[%swap3A_2398, %swap3A_2399] {strides = array<i32>} : memref<128x256xf32, #tpu.memory_space<vmem>>, vector<1x16xf32>,
          %swap3A_2401 = vector.shape_cast %swap3A_2400 : vector<1x16xf32> to vector<16xf32>
          %swap3A_2402 = vector.shape_cast %mul3A_2395 : vector<16xf32> to vector<1x16xf32>
          tpu.vector_store %arg8[%swap3A_2398, %swap3A_2399], %swap3A_2402 {strides = array<i32>} : memref<128x256xf32, #tpu.memory_space<vmem>>, vector<1x16xf32>,
          %add3A_2403 = arith.constant 10 : i32
          %add3A_2404 = arith.addi %mul3A_35, %add3A_2403 : i32
          %get3A_2405 = arith.index_cast %add3A_2404 : i32 to index
          %get3A_2406 = arith.constant 112 : index
          %get3A_2407 = tpu.vector_load %arg8[%get3A_2405, %get3A_2406] {strides = array<i32>} : memref<128x256xf32, #tpu.memory_space<vmem>>, vector<1x16xf32>,
          %get3A_2408 = vector.shape_cast %get3A_2407 : vector<1x16xf32> to vector<16xf32>
          %mul3A_2409 = arith.mulf %get3A_2408, %broadcast_in_dim3A_2304 : vector<16xf32>
          %add3A_2410 = arith.constant 10 : i32
          %add3A_2411 = arith.addi %mul3A_35, %add3A_2410 : i32
          %swap3A_2412 = arith.index_cast %add3A_2411 : i32 to index
          %swap3A_2413 = arith.constant 112 : index
          %swap3A_2414 = tpu.vector_load %arg8[%swap3A_2412, %swap3A_2413] {strides = array<i32>} : memref<128x256xf32, #tpu.memory_space<vmem>>, vector<1x16xf32>,
          %swap3A_2415 = vector.shape_cast %swap3A_2414 : vector<1x16xf32> to vector<16xf32>
          %swap3A_2416 = vector.shape_cast %mul3A_2409 : vector<16xf32> to vector<1x16xf32>
          tpu.vector_store %arg8[%swap3A_2412, %swap3A_2413], %swap3A_2416 {strides = array<i32>} : memref<128x256xf32, #tpu.memory_space<vmem>>, vector<1x16xf32>,
          %add3A_2417 = arith.constant 10 : i32
          %add3A_2418 = arith.addi %mul3A_35, %add3A_2417 : i32
          %get3A_2419 = arith.index_cast %add3A_2418 : i32 to index
          %get3A_2420 = arith.constant 128 : index
          %get3A_2421 = tpu.vector_load %arg8[%get3A_2419, %get3A_2420] {strides = array<i32>} : memref<128x256xf32, #tpu.memory_space<vmem>>, vector<1x16xf32>,
          %get3A_2422 = vector.shape_cast %get3A_2421 : vector<1x16xf32> to vector<16xf32>
          %mul3A_2423 = arith.mulf %get3A_2422, %broadcast_in_dim3A_2304 : vector<16xf32>
          %add3A_2424 = arith.constant 10 : i32
          %add3A_2425 = arith.addi %mul3A_35, %add3A_2424 : i32
          %swap3A_2426 = arith.index_cast %add3A_2425 : i32 to index
          %swap3A_2427 = arith.constant 128 : index
          %swap3A_2428 = tpu.vector_load %arg8[%swap3A_2426, %swap3A_2427] {strides = array<i32>} : memref<128x256xf32, #tpu.memory_space<vmem>>, vector<1x16xf32>,
          %swap3A_2429 = vector.shape_cast %swap3A_2428 : vector<1x16xf32> to vector<16xf32>
          %swap3A_2430 = vector.shape_cast %mul3A_2423 : vector<16xf32> to vector<1x16xf32>
          tpu.vector_store %arg8[%swap3A_2426, %swap3A_2427], %swap3A_2430 {strides = array<i32>} : memref<128x256xf32, #tpu.memory_space<vmem>>, vector<1x16xf32>,
          %add3A_2431 = arith.constant 10 : i32
          %add3A_2432 = arith.addi %mul3A_35, %add3A_2431 : i32
          %get3A_2433 = arith.index_cast %add3A_2432 : i32 to index
          %get3A_2434 = arith.constant 144 : index
          %get3A_2435 = tpu.vector_load %arg8[%get3A_2433, %get3A_2434] {strides = array<i32>} : memref<128x256xf32, #tpu.memory_space<vmem>>, vector<1x16xf32>,
          %get3A_2436 = vector.shape_cast %get3A_2435 : vector<1x16xf32> to vector<16xf32>
          %mul3A_2437 = arith.mulf %get3A_2436, %broadcast_in_dim3A_2304 : vector<16xf32>
          %add3A_2438 = arith.constant 10 : i32
          %add3A_2439 = arith.addi %mul3A_35, %add3A_2438 : i32
          %swap3A_2440 = arith.index_cast %add3A_2439 : i32 to index
          %swap3A_2441 = arith.constant 144 : index
          %swap3A_2442 = tpu.vector_load %arg8[%swap3A_2440, %swap3A_2441] {strides = array<i32>} : memref<128x256xf32, #tpu.memory_space<vmem>>, vector<1x16xf32>,
          %swap3A_2443 = vector.shape_cast %swap3A_2442 : vector<1x16xf32> to vector<16xf32>
          %swap3A_2444 = vector.shape_cast %mul3A_2437 : vector<16xf32> to vector<1x16xf32>
          tpu.vector_store %arg8[%swap3A_2440, %swap3A_2441], %swap3A_2444 {strides = array<i32>} : memref<128x256xf32, #tpu.memory_space<vmem>>, vector<1x16xf32>,
          %add3A_2445 = arith.constant 10 : i32
          %add3A_2446 = arith.addi %mul3A_35, %add3A_2445 : i32
          %get3A_2447 = arith.index_cast %add3A_2446 : i32 to index
          %get3A_2448 = arith.constant 160 : index
          %get3A_2449 = tpu.vector_load %arg8[%get3A_2447, %get3A_2448] {strides = array<i32>} : memref<128x256xf32, #tpu.memory_space<vmem>>, vector<1x16xf32>,
          %get3A_2450 = vector.shape_cast %get3A_2449 : vector<1x16xf32> to vector<16xf32>
          %mul3A_2451 = arith.mulf %get3A_2450, %broadcast_in_dim3A_2304 : vector<16xf32>
          %add3A_2452 = arith.constant 10 : i32
          %add3A_2453 = arith.addi %mul3A_35, %add3A_2452 : i32
          %swap3A_2454 = arith.index_cast %add3A_2453 : i32 to index
          %swap3A_2455 = arith.constant 160 : index
          %swap3A_2456 = tpu.vector_load %arg8[%swap3A_2454, %swap3A_2455] {strides = array<i32>} : memref<128x256xf32, #tpu.memory_space<vmem>>, vector<1x16xf32>,
          %swap3A_2457 = vector.shape_cast %swap3A_2456 : vector<1x16xf32> to vector<16xf32>
          %swap3A_2458 = vector.shape_cast %mul3A_2451 : vector<16xf32> to vector<1x16xf32>
          tpu.vector_store %arg8[%swap3A_2454, %swap3A_2455], %swap3A_2458 {strides = array<i32>} : memref<128x256xf32, #tpu.memory_space<vmem>>, vector<1x16xf32>,
          %add3A_2459 = arith.constant 10 : i32
          %add3A_2460 = arith.addi %mul3A_35, %add3A_2459 : i32
          %get3A_2461 = arith.index_cast %add3A_2460 : i32 to index
          %get3A_2462 = arith.constant 176 : index
          %get3A_2463 = tpu.vector_load %arg8[%get3A_2461, %get3A_2462] {strides = array<i32>} : memref<128x256xf32, #tpu.memory_space<vmem>>, vector<1x16xf32>,
          %get3A_2464 = vector.shape_cast %get3A_2463 : vector<1x16xf32> to vector<16xf32>
          %mul3A_2465 = arith.mulf %get3A_2464, %broadcast_in_dim3A_2304 : vector<16xf32>
          %add3A_2466 = arith.constant 10 : i32
          %add3A_2467 = arith.addi %mul3A_35, %add3A_2466 : i32
          %swap3A_2468 = arith.index_cast %add3A_2467 : i32 to index
          %swap3A_2469 = arith.constant 176 : index
          %swap3A_2470 = tpu.vector_load %arg8[%swap3A_2468, %swap3A_2469] {strides = array<i32>} : memref<128x256xf32, #tpu.memory_space<vmem>>, vector<1x16xf32>,
          %swap3A_2471 = vector.shape_cast %swap3A_2470 : vector<1x16xf32> to vector<16xf32>
          %swap3A_2472 = vector.shape_cast %mul3A_2465 : vector<16xf32> to vector<1x16xf32>
          tpu.vector_store %arg8[%swap3A_2468, %swap3A_2469], %swap3A_2472 {strides = array<i32>} : memref<128x256xf32, #tpu.memory_space<vmem>>, vector<1x16xf32>,
          %add3A_2473 = arith.constant 10 : i32
          %add3A_2474 = arith.addi %mul3A_35, %add3A_2473 : i32
          %get3A_2475 = arith.index_cast %add3A_2474 : i32 to index
          %get3A_2476 = arith.constant 192 : index
          %get3A_2477 = tpu.vector_load %arg8[%get3A_2475, %get3A_2476] {strides = array<i32>} : memref<128x256xf32, #tpu.memory_space<vmem>>, vector<1x16xf32>,
          %get3A_2478 = vector.shape_cast %get3A_2477 : vector<1x16xf32> to vector<16xf32>
          %mul3A_2479 = arith.mulf %get3A_2478, %broadcast_in_dim3A_2304 : vector<16xf32>
          %add3A_2480 = arith.constant 10 : i32
          %add3A_2481 = arith.addi %mul3A_35, %add3A_2480 : i32
          %swap3A_2482 = arith.index_cast %add3A_2481 : i32 to index
          %swap3A_2483 = arith.constant 192 : index
          %swap3A_2484 = tpu.vector_load %arg8[%swap3A_2482, %swap3A_2483] {strides = array<i32>} : memref<128x256xf32, #tpu.memory_space<vmem>>, vector<1x16xf32>,
          %swap3A_2485 = vector.shape_cast %swap3A_2484 : vector<1x16xf32> to vector<16xf32>
          %swap3A_2486 = vector.shape_cast %mul3A_2479 : vector<16xf32> to vector<1x16xf32>
          tpu.vector_store %arg8[%swap3A_2482, %swap3A_2483], %swap3A_2486 {strides = array<i32>} : memref<128x256xf32, #tpu.memory_space<vmem>>, vector<1x16xf32>,
          %add3A_2487 = arith.constant 10 : i32
          %add3A_2488 = arith.addi %mul3A_35, %add3A_2487 : i32
          %get3A_2489 = arith.index_cast %add3A_2488 : i32 to index
          %get3A_2490 = arith.constant 208 : index
          %get3A_2491 = tpu.vector_load %arg8[%get3A_2489, %get3A_2490] {strides = array<i32>} : memref<128x256xf32, #tpu.memory_space<vmem>>, vector<1x16xf32>,
          %get3A_2492 = vector.shape_cast %get3A_2491 : vector<1x16xf32> to vector<16xf32>
          %mul3A_2493 = arith.mulf %get3A_2492, %broadcast_in_dim3A_2304 : vector<16xf32>
          %add3A_2494 = arith.constant 10 : i32
          %add3A_2495 = arith.addi %mul3A_35, %add3A_2494 : i32
          %swap3A_2496 = arith.index_cast %add3A_2495 : i32 to index
          %swap3A_2497 = arith.constant 208 : index
          %swap3A_2498 = tpu.vector_load %arg8[%swap3A_2496, %swap3A_2497] {strides = array<i32>} : memref<128x256xf32, #tpu.memory_space<vmem>>, vector<1x16xf32>,
          %swap3A_2499 = vector.shape_cast %swap3A_2498 : vector<1x16xf32> to vector<16xf32>
          %swap3A_2500 = vector.shape_cast %mul3A_2493 : vector<16xf32> to vector<1x16xf32>
          tpu.vector_store %arg8[%swap3A_2496, %swap3A_2497], %swap3A_2500 {strides = array<i32>} : memref<128x256xf32, #tpu.memory_space<vmem>>, vector<1x16xf32>,
          %add3A_2501 = arith.constant 10 : i32
          %add3A_2502 = arith.addi %mul3A_35, %add3A_2501 : i32
          %get3A_2503 = arith.index_cast %add3A_2502 : i32 to index
          %get3A_2504 = arith.constant 224 : index
          %get3A_2505 = tpu.vector_load %arg8[%get3A_2503, %get3A_2504] {strides = array<i32>} : memref<128x256xf32, #tpu.memory_space<vmem>>, vector<1x16xf32>,
          %get3A_2506 = vector.shape_cast %get3A_2505 : vector<1x16xf32> to vector<16xf32>
          %mul3A_2507 = arith.mulf %get3A_2506, %broadcast_in_dim3A_2304 : vector<16xf32>
          %add3A_2508 = arith.constant 10 : i32
          %add3A_2509 = arith.addi %mul3A_35, %add3A_2508 : i32
          %swap3A_2510 = arith.index_cast %add3A_2509 : i32 to index
          %swap3A_2511 = arith.constant 224 : index
          %swap3A_2512 = tpu.vector_load %arg8[%swap3A_2510, %swap3A_2511] {strides = array<i32>} : memref<128x256xf32, #tpu.memory_space<vmem>>, vector<1x16xf32>,
          %swap3A_2513 = vector.shape_cast %swap3A_2512 : vector<1x16xf32> to vector<16xf32>
          %swap3A_2514 = vector.shape_cast %mul3A_2507 : vector<16xf32> to vector<1x16xf32>
          tpu.vector_store %arg8[%swap3A_2510, %swap3A_2511], %swap3A_2514 {strides = array<i32>} : memref<128x256xf32, #tpu.memory_space<vmem>>, vector<1x16xf32>,
          %add3A_2515 = arith.constant 10 : i32
          %add3A_2516 = arith.addi %mul3A_35, %add3A_2515 : i32
          %get3A_2517 = arith.index_cast %add3A_2516 : i32 to index
          %get3A_2518 = arith.constant 240 : index
          %get3A_2519 = tpu.vector_load %arg8[%get3A_2517, %get3A_2518] {strides = array<i32>} : memref<128x256xf32, #tpu.memory_space<vmem>>, vector<1x16xf32>,
          %get3A_2520 = vector.shape_cast %get3A_2519 : vector<1x16xf32> to vector<16xf32>
          %mul3A_2521 = arith.mulf %get3A_2520, %broadcast_in_dim3A_2304 : vector<16xf32>
          %add3A_2522 = arith.constant 10 : i32
          %add3A_2523 = arith.addi %mul3A_35, %add3A_2522 : i32
          %swap3A_2524 = arith.index_cast %add3A_2523 : i32 to index
          %swap3A_2525 = arith.constant 240 : index
          %swap3A_2526 = tpu.vector_load %arg8[%swap3A_2524, %swap3A_2525] {strides = array<i32>} : memref<128x256xf32, #tpu.memory_space<vmem>>, vector<1x16xf32>,
          %swap3A_2527 = vector.shape_cast %swap3A_2526 : vector<1x16xf32> to vector<16xf32>
          %swap3A_2528 = vector.shape_cast %mul3A_2521 : vector<16xf32> to vector<1x16xf32>
          tpu.vector_store %arg8[%swap3A_2524, %swap3A_2525], %swap3A_2528 {strides = array<i32>} : memref<128x256xf32, #tpu.memory_space<vmem>>, vector<1x16xf32>,
          %slice3A_2529 = vector.extract_strided_slice %get3A_33 {offsets = [11], sizes = [1], strides = [1]} : vector<16xf32> to vector<1xf32>
          %squeeze3A_2530 = vector.extract %slice3A_2529[0] : f32 from vector<1xf32>
          %broadcast_in_dim3A_2531 = vector.broadcast %squeeze3A_2530 : f32 to vector<16xf32>
          %add3A_2532 = arith.constant 11 : i32
          %add3A_2533 = arith.addi %mul3A_35, %add3A_2532 : i32
          %get3A_2534 = arith.index_cast %add3A_2533 : i32 to index
          %get3A_2535 = arith.constant 0 : index
          %get3A_2536 = tpu.vector_load %arg8[%get3A_2534, %get3A_2535] {strides = array<i32>} : memref<128x256xf32, #tpu.memory_space<vmem>>, vector<1x16xf32>,
          %get3A_2537 = vector.shape_cast %get3A_2536 : vector<1x16xf32> to vector<16xf32>
          %mul3A_2538 = arith.mulf %get3A_2537, %broadcast_in_dim3A_2531 : vector<16xf32>
          %add3A_2539 = arith.constant 11 : i32
          %add3A_2540 = arith.addi %mul3A_35, %add3A_2539 : i32
          %swap3A_2541 = arith.index_cast %add3A_2540 : i32 to index
          %swap3A_2542 = arith.constant 0 : index
          %swap3A_2543 = tpu.vector_load %arg8[%swap3A_2541, %swap3A_2542] {strides = array<i32>} : memref<128x256xf32, #tpu.memory_space<vmem>>, vector<1x16xf32>,
          %swap3A_2544 = vector.shape_cast %swap3A_2543 : vector<1x16xf32> to vector<16xf32>
          %swap3A_2545 = vector.shape_cast %mul3A_2538 : vector<16xf32> to vector<1x16xf32>
          tpu.vector_store %arg8[%swap3A_2541, %swap3A_2542], %swap3A_2545 {strides = array<i32>} : memref<128x256xf32, #tpu.memory_space<vmem>>, vector<1x16xf32>,
          %add3A_2546 = arith.constant 11 : i32
          %add3A_2547 = arith.addi %mul3A_35, %add3A_2546 : i32
          %get3A_2548 = arith.index_cast %add3A_2547 : i32 to index
          %get3A_2549 = arith.constant 16 : index
          %get3A_2550 = tpu.vector_load %arg8[%get3A_2548, %get3A_2549] {strides = array<i32>} : memref<128x256xf32, #tpu.memory_space<vmem>>, vector<1x16xf32>,
          %get3A_2551 = vector.shape_cast %get3A_2550 : vector<1x16xf32> to vector<16xf32>
          %mul3A_2552 = arith.mulf %get3A_2551, %broadcast_in_dim3A_2531 : vector<16xf32>
          %add3A_2553 = arith.constant 11 : i32
          %add3A_2554 = arith.addi %mul3A_35, %add3A_2553 : i32
          %swap3A_2555 = arith.index_cast %add3A_2554 : i32 to index
          %swap3A_2556 = arith.constant 16 : index
          %swap3A_2557 = tpu.vector_load %arg8[%swap3A_2555, %swap3A_2556] {strides = array<i32>} : memref<128x256xf32, #tpu.memory_space<vmem>>, vector<1x16xf32>,
          %swap3A_2558 = vector.shape_cast %swap3A_2557 : vector<1x16xf32> to vector<16xf32>
          %swap3A_2559 = vector.shape_cast %mul3A_2552 : vector<16xf32> to vector<1x16xf32>
          tpu.vector_store %arg8[%swap3A_2555, %swap3A_2556], %swap3A_2559 {strides = array<i32>} : memref<128x256xf32, #tpu.memory_space<vmem>>, vector<1x16xf32>,
          %add3A_2560 = arith.constant 11 : i32
          %add3A_2561 = arith.addi %mul3A_35, %add3A_2560 : i32
          %get3A_2562 = arith.index_cast %add3A_2561 : i32 to index
          %get3A_2563 = arith.constant 32 : index
          %get3A_2564 = tpu.vector_load %arg8[%get3A_2562, %get3A_2563] {strides = array<i32>} : memref<128x256xf32, #tpu.memory_space<vmem>>, vector<1x16xf32>,
          %get3A_2565 = vector.shape_cast %get3A_2564 : vector<1x16xf32> to vector<16xf32>
          %mul3A_2566 = arith.mulf %get3A_2565, %broadcast_in_dim3A_2531 : vector<16xf32>
          %add3A_2567 = arith.constant 11 : i32
          %add3A_2568 = arith.addi %mul3A_35, %add3A_2567 : i32
          %swap3A_2569 = arith.index_cast %add3A_2568 : i32 to index
          %swap3A_2570 = arith.constant 32 : index
          %swap3A_2571 = tpu.vector_load %arg8[%swap3A_2569, %swap3A_2570] {strides = array<i32>} : memref<128x256xf32, #tpu.memory_space<vmem>>, vector<1x16xf32>,
          %swap3A_2572 = vector.shape_cast %swap3A_2571 : vector<1x16xf32> to vector<16xf32>
          %swap3A_2573 = vector.shape_cast %mul3A_2566 : vector<16xf32> to vector<1x16xf32>
          tpu.vector_store %arg8[%swap3A_2569, %swap3A_2570], %swap3A_2573 {strides = array<i32>} : memref<128x256xf32, #tpu.memory_space<vmem>>, vector<1x16xf32>,
          %add3A_2574 = arith.constant 11 : i32
          %add3A_2575 = arith.addi %mul3A_35, %add3A_2574 : i32
          %get3A_2576 = arith.index_cast %add3A_2575 : i32 to index
          %get3A_2577 = arith.constant 48 : index
          %get3A_2578 = tpu.vector_load %arg8[%get3A_2576, %get3A_2577] {strides = array<i32>} : memref<128x256xf32, #tpu.memory_space<vmem>>, vector<1x16xf32>,
          %get3A_2579 = vector.shape_cast %get3A_2578 : vector<1x16xf32> to vector<16xf32>
          %mul3A_2580 = arith.mulf %get3A_2579, %broadcast_in_dim3A_2531 : vector<16xf32>
          %add3A_2581 = arith.constant 11 : i32
          %add3A_2582 = arith.addi %mul3A_35, %add3A_2581 : i32
          %swap3A_2583 = arith.index_cast %add3A_2582 : i32 to index
          %swap3A_2584 = arith.constant 48 : index
          %swap3A_2585 = tpu.vector_load %arg8[%swap3A_2583, %swap3A_2584] {strides = array<i32>} : memref<128x256xf32, #tpu.memory_space<vmem>>, vector<1x16xf32>,
          %swap3A_2586 = vector.shape_cast %swap3A_2585 : vector<1x16xf32> to vector<16xf32>
          %swap3A_2587 = vector.shape_cast %mul3A_2580 : vector<16xf32> to vector<1x16xf32>
          tpu.vector_store %arg8[%swap3A_2583, %swap3A_2584], %swap3A_2587 {strides = array<i32>} : memref<128x256xf32, #tpu.memory_space<vmem>>, vector<1x16xf32>,
          %add3A_2588 = arith.constant 11 : i32
          %add3A_2589 = arith.addi %mul3A_35, %add3A_2588 : i32
          %get3A_2590 = arith.index_cast %add3A_2589 : i32 to index
          %get3A_2591 = arith.constant 64 : index
          %get3A_2592 = tpu.vector_load %arg8[%get3A_2590, %get3A_2591] {strides = array<i32>} : memref<128x256xf32, #tpu.memory_space<vmem>>, vector<1x16xf32>,
          %get3A_2593 = vector.shape_cast %get3A_2592 : vector<1x16xf32> to vector<16xf32>
          %mul3A_2594 = arith.mulf %get3A_2593, %broadcast_in_dim3A_2531 : vector<16xf32>
          %add3A_2595 = arith.constant 11 : i32
          %add3A_2596 = arith.addi %mul3A_35, %add3A_2595 : i32
          %swap3A_2597 = arith.index_cast %add3A_2596 : i32 to index
          %swap3A_2598 = arith.constant 64 : index
          %swap3A_2599 = tpu.vector_load %arg8[%swap3A_2597, %swap3A_2598] {strides = array<i32>} : memref<128x256xf32, #tpu.memory_space<vmem>>, vector<1x16xf32>,
          %swap3A_2600 = vector.shape_cast %swap3A_2599 : vector<1x16xf32> to vector<16xf32>
          %swap3A_2601 = vector.shape_cast %mul3A_2594 : vector<16xf32> to vector<1x16xf32>
          tpu.vector_store %arg8[%swap3A_2597, %swap3A_2598], %swap3A_2601 {strides = array<i32>} : memref<128x256xf32, #tpu.memory_space<vmem>>, vector<1x16xf32>,
          %add3A_2602 = arith.constant 11 : i32
          %add3A_2603 = arith.addi %mul3A_35, %add3A_2602 : i32
          %get3A_2604 = arith.index_cast %add3A_2603 : i32 to index
          %get3A_2605 = arith.constant 80 : index
          %get3A_2606 = tpu.vector_load %arg8[%get3A_2604, %get3A_2605] {strides = array<i32>} : memref<128x256xf32, #tpu.memory_space<vmem>>, vector<1x16xf32>,
          %get3A_2607 = vector.shape_cast %get3A_2606 : vector<1x16xf32> to vector<16xf32>
          %mul3A_2608 = arith.mulf %get3A_2607, %broadcast_in_dim3A_2531 : vector<16xf32>
          %add3A_2609 = arith.constant 11 : i32
          %add3A_2610 = arith.addi %mul3A_35, %add3A_2609 : i32
          %swap3A_2611 = arith.index_cast %add3A_2610 : i32 to index
          %swap3A_2612 = arith.constant 80 : index
          %swap3A_2613 = tpu.vector_load %arg8[%swap3A_2611, %swap3A_2612] {strides = array<i32>} : memref<128x256xf32, #tpu.memory_space<vmem>>, vector<1x16xf32>,
          %swap3A_2614 = vector.shape_cast %swap3A_2613 : vector<1x16xf32> to vector<16xf32>
          %swap3A_2615 = vector.shape_cast %mul3A_2608 : vector<16xf32> to vector<1x16xf32>
          tpu.vector_store %arg8[%swap3A_2611, %swap3A_2612], %swap3A_2615 {strides = array<i32>} : memref<128x256xf32, #tpu.memory_space<vmem>>, vector<1x16xf32>,
          %add3A_2616 = arith.constant 11 : i32
          %add3A_2617 = arith.addi %mul3A_35, %add3A_2616 : i32
          %get3A_2618 = arith.index_cast %add3A_2617 : i32 to index
          %get3A_2619 = arith.constant 96 : index
          %get3A_2620 = tpu.vector_load %arg8[%get3A_2618, %get3A_2619] {strides = array<i32>} : memref<128x256xf32, #tpu.memory_space<vmem>>, vector<1x16xf32>,
          %get3A_2621 = vector.shape_cast %get3A_2620 : vector<1x16xf32> to vector<16xf32>
          %mul3A_2622 = arith.mulf %get3A_2621, %broadcast_in_dim3A_2531 : vector<16xf32>
          %add3A_2623 = arith.constant 11 : i32
          %add3A_2624 = arith.addi %mul3A_35, %add3A_2623 : i32
          %swap3A_2625 = arith.index_cast %add3A_2624 : i32 to index
          %swap3A_2626 = arith.constant 96 : index
          %swap3A_2627 = tpu.vector_load %arg8[%swap3A_2625, %swap3A_2626] {strides = array<i32>} : memref<128x256xf32, #tpu.memory_space<vmem>>, vector<1x16xf32>,
          %swap3A_2628 = vector.shape_cast %swap3A_2627 : vector<1x16xf32> to vector<16xf32>
          %swap3A_2629 = vector.shape_cast %mul3A_2622 : vector<16xf32> to vector<1x16xf32>
          tpu.vector_store %arg8[%swap3A_2625, %swap3A_2626], %swap3A_2629 {strides = array<i32>} : memref<128x256xf32, #tpu.memory_space<vmem>>, vector<1x16xf32>,
          %add3A_2630 = arith.constant 11 : i32
          %add3A_2631 = arith.addi %mul3A_35, %add3A_2630 : i32
          %get3A_2632 = arith.index_cast %add3A_2631 : i32 to index
          %get3A_2633 = arith.constant 112 : index
          %get3A_2634 = tpu.vector_load %arg8[%get3A_2632, %get3A_2633] {strides = array<i32>} : memref<128x256xf32, #tpu.memory_space<vmem>>, vector<1x16xf32>,
          %get3A_2635 = vector.shape_cast %get3A_2634 : vector<1x16xf32> to vector<16xf32>
          %mul3A_2636 = arith.mulf %get3A_2635, %broadcast_in_dim3A_2531 : vector<16xf32>
          %add3A_2637 = arith.constant 11 : i32
          %add3A_2638 = arith.addi %mul3A_35, %add3A_2637 : i32
          %swap3A_2639 = arith.index_cast %add3A_2638 : i32 to index
          %swap3A_2640 = arith.constant 112 : index
          %swap3A_2641 = tpu.vector_load %arg8[%swap3A_2639, %swap3A_2640] {strides = array<i32>} : memref<128x256xf32, #tpu.memory_space<vmem>>, vector<1x16xf32>,
          %swap3A_2642 = vector.shape_cast %swap3A_2641 : vector<1x16xf32> to vector<16xf32>
          %swap3A_2643 = vector.shape_cast %mul3A_2636 : vector<16xf32> to vector<1x16xf32>
          tpu.vector_store %arg8[%swap3A_2639, %swap3A_2640], %swap3A_2643 {strides = array<i32>} : memref<128x256xf32, #tpu.memory_space<vmem>>, vector<1x16xf32>,
          %add3A_2644 = arith.constant 11 : i32
          %add3A_2645 = arith.addi %mul3A_35, %add3A_2644 : i32
          %get3A_2646 = arith.index_cast %add3A_2645 : i32 to index
          %get3A_2647 = arith.constant 128 : index
          %get3A_2648 = tpu.vector_load %arg8[%get3A_2646, %get3A_2647] {strides = array<i32>} : memref<128x256xf32, #tpu.memory_space<vmem>>, vector<1x16xf32>,
          %get3A_2649 = vector.shape_cast %get3A_2648 : vector<1x16xf32> to vector<16xf32>
          %mul3A_2650 = arith.mulf %get3A_2649, %broadcast_in_dim3A_2531 : vector<16xf32>
          %add3A_2651 = arith.constant 11 : i32
          %add3A_2652 = arith.addi %mul3A_35, %add3A_2651 : i32
          %swap3A_2653 = arith.index_cast %add3A_2652 : i32 to index
          %swap3A_2654 = arith.constant 128 : index
          %swap3A_2655 = tpu.vector_load %arg8[%swap3A_2653, %swap3A_2654] {strides = array<i32>} : memref<128x256xf32, #tpu.memory_space<vmem>>, vector<1x16xf32>,
          %swap3A_2656 = vector.shape_cast %swap3A_2655 : vector<1x16xf32> to vector<16xf32>
          %swap3A_2657 = vector.shape_cast %mul3A_2650 : vector<16xf32> to vector<1x16xf32>
          tpu.vector_store %arg8[%swap3A_2653, %swap3A_2654], %swap3A_2657 {strides = array<i32>} : memref<128x256xf32, #tpu.memory_space<vmem>>, vector<1x16xf32>,
          %add3A_2658 = arith.constant 11 : i32
          %add3A_2659 = arith.addi %mul3A_35, %add3A_2658 : i32
          %get3A_2660 = arith.index_cast %add3A_2659 : i32 to index
          %get3A_2661 = arith.constant 144 : index
          %get3A_2662 = tpu.vector_load %arg8[%get3A_2660, %get3A_2661] {strides = array<i32>} : memref<128x256xf32, #tpu.memory_space<vmem>>, vector<1x16xf32>,
          %get3A_2663 = vector.shape_cast %get3A_2662 : vector<1x16xf32> to vector<16xf32>
          %mul3A_2664 = arith.mulf %get3A_2663, %broadcast_in_dim3A_2531 : vector<16xf32>
          %add3A_2665 = arith.constant 11 : i32
          %add3A_2666 = arith.addi %mul3A_35, %add3A_2665 : i32
          %swap3A_2667 = arith.index_cast %add3A_2666 : i32 to index
          %swap3A_2668 = arith.constant 144 : index
          %swap3A_2669 = tpu.vector_load %arg8[%swap3A_2667, %swap3A_2668] {strides = array<i32>} : memref<128x256xf32, #tpu.memory_space<vmem>>, vector<1x16xf32>,
          %swap3A_2670 = vector.shape_cast %swap3A_2669 : vector<1x16xf32> to vector<16xf32>
          %swap3A_2671 = vector.shape_cast %mul3A_2664 : vector<16xf32> to vector<1x16xf32>
          tpu.vector_store %arg8[%swap3A_2667, %swap3A_2668], %swap3A_2671 {strides = array<i32>} : memref<128x256xf32, #tpu.memory_space<vmem>>, vector<1x16xf32>,
          %add3A_2672 = arith.constant 11 : i32
          %add3A_2673 = arith.addi %mul3A_35, %add3A_2672 : i32
          %get3A_2674 = arith.index_cast %add3A_2673 : i32 to index
          %get3A_2675 = arith.constant 160 : index
          %get3A_2676 = tpu.vector_load %arg8[%get3A_2674, %get3A_2675] {strides = array<i32>} : memref<128x256xf32, #tpu.memory_space<vmem>>, vector<1x16xf32>,
          %get3A_2677 = vector.shape_cast %get3A_2676 : vector<1x16xf32> to vector<16xf32>
          %mul3A_2678 = arith.mulf %get3A_2677, %broadcast_in_dim3A_2531 : vector<16xf32>
          %add3A_2679 = arith.constant 11 : i32
          %add3A_2680 = arith.addi %mul3A_35, %add3A_2679 : i32
          %swap3A_2681 = arith.index_cast %add3A_2680 : i32 to index
          %swap3A_2682 = arith.constant 160 : index
          %swap3A_2683 = tpu.vector_load %arg8[%swap3A_2681, %swap3A_2682] {strides = array<i32>} : memref<128x256xf32, #tpu.memory_space<vmem>>, vector<1x16xf32>,
          %swap3A_2684 = vector.shape_cast %swap3A_2683 : vector<1x16xf32> to vector<16xf32>
          %swap3A_2685 = vector.shape_cast %mul3A_2678 : vector<16xf32> to vector<1x16xf32>
          tpu.vector_store %arg8[%swap3A_2681, %swap3A_2682], %swap3A_2685 {strides = array<i32>} : memref<128x256xf32, #tpu.memory_space<vmem>>, vector<1x16xf32>,
          %add3A_2686 = arith.constant 11 : i32
          %add3A_2687 = arith.addi %mul3A_35, %add3A_2686 : i32
          %get3A_2688 = arith.index_cast %add3A_2687 : i32 to index
          %get3A_2689 = arith.constant 176 : index
          %get3A_2690 = tpu.vector_load %arg8[%get3A_2688, %get3A_2689] {strides = array<i32>} : memref<128x256xf32, #tpu.memory_space<vmem>>, vector<1x16xf32>,
          %get3A_2691 = vector.shape_cast %get3A_2690 : vector<1x16xf32> to vector<16xf32>
          %mul3A_2692 = arith.mulf %get3A_2691, %broadcast_in_dim3A_2531 : vector<16xf32>
          %add3A_2693 = arith.constant 11 : i32
          %add3A_2694 = arith.addi %mul3A_35, %add3A_2693 : i32
          %swap3A_2695 = arith.index_cast %add3A_2694 : i32 to index
          %swap3A_2696 = arith.constant 176 : index
          %swap3A_2697 = tpu.vector_load %arg8[%swap3A_2695, %swap3A_2696] {strides = array<i32>} : memref<128x256xf32, #tpu.memory_space<vmem>>, vector<1x16xf32>,
          %swap3A_2698 = vector.shape_cast %swap3A_2697 : vector<1x16xf32> to vector<16xf32>
          %swap3A_2699 = vector.shape_cast %mul3A_2692 : vector<16xf32> to vector<1x16xf32>
          tpu.vector_store %arg8[%swap3A_2695, %swap3A_2696], %swap3A_2699 {strides = array<i32>} : memref<128x256xf32, #tpu.memory_space<vmem>>, vector<1x16xf32>,
          %add3A_2700 = arith.constant 11 : i32
          %add3A_2701 = arith.addi %mul3A_35, %add3A_2700 : i32
          %get3A_2702 = arith.index_cast %add3A_2701 : i32 to index
          %get3A_2703 = arith.constant 192 : index
          %get3A_2704 = tpu.vector_load %arg8[%get3A_2702, %get3A_2703] {strides = array<i32>} : memref<128x256xf32, #tpu.memory_space<vmem>>, vector<1x16xf32>,
          %get3A_2705 = vector.shape_cast %get3A_2704 : vector<1x16xf32> to vector<16xf32>
          %mul3A_2706 = arith.mulf %get3A_2705, %broadcast_in_dim3A_2531 : vector<16xf32>
          %add3A_2707 = arith.constant 11 : i32
          %add3A_2708 = arith.addi %mul3A_35, %add3A_2707 : i32
          %swap3A_2709 = arith.index_cast %add3A_2708 : i32 to index
          %swap3A_2710 = arith.constant 192 : index
          %swap3A_2711 = tpu.vector_load %arg8[%swap3A_2709, %swap3A_2710] {strides = array<i32>} : memref<128x256xf32, #tpu.memory_space<vmem>>, vector<1x16xf32>,
          %swap3A_2712 = vector.shape_cast %swap3A_2711 : vector<1x16xf32> to vector<16xf32>
          %swap3A_2713 = vector.shape_cast %mul3A_2706 : vector<16xf32> to vector<1x16xf32>
          tpu.vector_store %arg8[%swap3A_2709, %swap3A_2710], %swap3A_2713 {strides = array<i32>} : memref<128x256xf32, #tpu.memory_space<vmem>>, vector<1x16xf32>,
          %add3A_2714 = arith.constant 11 : i32
          %add3A_2715 = arith.addi %mul3A_35, %add3A_2714 : i32
          %get3A_2716 = arith.index_cast %add3A_2715 : i32 to index
          %get3A_2717 = arith.constant 208 : index
          %get3A_2718 = tpu.vector_load %arg8[%get3A_2716, %get3A_2717] {strides = array<i32>} : memref<128x256xf32, #tpu.memory_space<vmem>>, vector<1x16xf32>,
          %get3A_2719 = vector.shape_cast %get3A_2718 : vector<1x16xf32> to vector<16xf32>
          %mul3A_2720 = arith.mulf %get3A_2719, %broadcast_in_dim3A_2531 : vector<16xf32>
          %add3A_2721 = arith.constant 11 : i32
          %add3A_2722 = arith.addi %mul3A_35, %add3A_2721 : i32
          %swap3A_2723 = arith.index_cast %add3A_2722 : i32 to index
          %swap3A_2724 = arith.constant 208 : index
          %swap3A_2725 = tpu.vector_load %arg8[%swap3A_2723, %swap3A_2724] {strides = array<i32>} : memref<128x256xf32, #tpu.memory_space<vmem>>, vector<1x16xf32>,
          %swap3A_2726 = vector.shape_cast %swap3A_2725 : vector<1x16xf32> to vector<16xf32>
          %swap3A_2727 = vector.shape_cast %mul3A_2720 : vector<16xf32> to vector<1x16xf32>
          tpu.vector_store %arg8[%swap3A_2723, %swap3A_2724], %swap3A_2727 {strides = array<i32>} : memref<128x256xf32, #tpu.memory_space<vmem>>, vector<1x16xf32>,
          %add3A_2728 = arith.constant 11 : i32
          %add3A_2729 = arith.addi %mul3A_35, %add3A_2728 : i32
          %get3A_2730 = arith.index_cast %add3A_2729 : i32 to index
          %get3A_2731 = arith.constant 224 : index
          %get3A_2732 = tpu.vector_load %arg8[%get3A_2730, %get3A_2731] {strides = array<i32>} : memref<128x256xf32, #tpu.memory_space<vmem>>, vector<1x16xf32>,
          %get3A_2733 = vector.shape_cast %get3A_2732 : vector<1x16xf32> to vector<16xf32>
          %mul3A_2734 = arith.mulf %get3A_2733, %broadcast_in_dim3A_2531 : vector<16xf32>
          %add3A_2735 = arith.constant 11 : i32
          %add3A_2736 = arith.addi %mul3A_35, %add3A_2735 : i32
          %swap3A_2737 = arith.index_cast %add3A_2736 : i32 to index
          %swap3A_2738 = arith.constant 224 : index
          %swap3A_2739 = tpu.vector_load %arg8[%swap3A_2737, %swap3A_2738] {strides = array<i32>} : memref<128x256xf32, #tpu.memory_space<vmem>>, vector<1x16xf32>,
          %swap3A_2740 = vector.shape_cast %swap3A_2739 : vector<1x16xf32> to vector<16xf32>
          %swap3A_2741 = vector.shape_cast %mul3A_2734 : vector<16xf32> to vector<1x16xf32>
          tpu.vector_store %arg8[%swap3A_2737, %swap3A_2738], %swap3A_2741 {strides = array<i32>} : memref<128x256xf32, #tpu.memory_space<vmem>>, vector<1x16xf32>,
          %add3A_2742 = arith.constant 11 : i32
          %add3A_2743 = arith.addi %mul3A_35, %add3A_2742 : i32
          %get3A_2744 = arith.index_cast %add3A_2743 : i32 to index
          %get3A_2745 = arith.constant 240 : index
          %get3A_2746 = tpu.vector_load %arg8[%get3A_2744, %get3A_2745] {strides = array<i32>} : memref<128x256xf32, #tpu.memory_space<vmem>>, vector<1x16xf32>,
          %get3A_2747 = vector.shape_cast %get3A_2746 : vector<1x16xf32> to vector<16xf32>
          %mul3A_2748 = arith.mulf %get3A_2747, %broadcast_in_dim3A_2531 : vector<16xf32>
          %add3A_2749 = arith.constant 11 : i32
          %add3A_2750 = arith.addi %mul3A_35, %add3A_2749 : i32
          %swap3A_2751 = arith.index_cast %add3A_2750 : i32 to index
          %swap3A_2752 = arith.constant 240 : index
          %swap3A_2753 = tpu.vector_load %arg8[%swap3A_2751, %swap3A_2752] {strides = array<i32>} : memref<128x256xf32, #tpu.memory_space<vmem>>, vector<1x16xf32>,
          %swap3A_2754 = vector.shape_cast %swap3A_2753 : vector<1x16xf32> to vector<16xf32>
          %swap3A_2755 = vector.shape_cast %mul3A_2748 : vector<16xf32> to vector<1x16xf32>
          tpu.vector_store %arg8[%swap3A_2751, %swap3A_2752], %swap3A_2755 {strides = array<i32>} : memref<128x256xf32, #tpu.memory_space<vmem>>, vector<1x16xf32>,
          %slice3A_2756 = vector.extract_strided_slice %get3A_33 {offsets = [12], sizes = [1], strides = [1]} : vector<16xf32> to vector<1xf32>
          %squeeze3A_2757 = vector.extract %slice3A_2756[0] : f32 from vector<1xf32>
          %broadcast_in_dim3A_2758 = vector.broadcast %squeeze3A_2757 : f32 to vector<16xf32>
          %add3A_2759 = arith.constant 12 : i32
          %add3A_2760 = arith.addi %mul3A_35, %add3A_2759 : i32
          %get3A_2761 = arith.index_cast %add3A_2760 : i32 to index
          %get3A_2762 = arith.constant 0 : index
          %get3A_2763 = tpu.vector_load %arg8[%get3A_2761, %get3A_2762] {strides = array<i32>} : memref<128x256xf32, #tpu.memory_space<vmem>>, vector<1x16xf32>,
          %get3A_2764 = vector.shape_cast %get3A_2763 : vector<1x16xf32> to vector<16xf32>
          %mul3A_2765 = arith.mulf %get3A_2764, %broadcast_in_dim3A_2758 : vector<16xf32>
          %add3A_2766 = arith.constant 12 : i32
          %add3A_2767 = arith.addi %mul3A_35, %add3A_2766 : i32
          %swap3A_2768 = arith.index_cast %add3A_2767 : i32 to index
          %swap3A_2769 = arith.constant 0 : index
          %swap3A_2770 = tpu.vector_load %arg8[%swap3A_2768, %swap3A_2769] {strides = array<i32>} : memref<128x256xf32, #tpu.memory_space<vmem>>, vector<1x16xf32>,
          %swap3A_2771 = vector.shape_cast %swap3A_2770 : vector<1x16xf32> to vector<16xf32>
          %swap3A_2772 = vector.shape_cast %mul3A_2765 : vector<16xf32> to vector<1x16xf32>
          tpu.vector_store %arg8[%swap3A_2768, %swap3A_2769], %swap3A_2772 {strides = array<i32>} : memref<128x256xf32, #tpu.memory_space<vmem>>, vector<1x16xf32>,
          %add3A_2773 = arith.constant 12 : i32
          %add3A_2774 = arith.addi %mul3A_35, %add3A_2773 : i32
          %get3A_2775 = arith.index_cast %add3A_2774 : i32 to index
          %get3A_2776 = arith.constant 16 : index
          %get3A_2777 = tpu.vector_load %arg8[%get3A_2775, %get3A_2776] {strides = array<i32>} : memref<128x256xf32, #tpu.memory_space<vmem>>, vector<1x16xf32>,
          %get3A_2778 = vector.shape_cast %get3A_2777 : vector<1x16xf32> to vector<16xf32>
          %mul3A_2779 = arith.mulf %get3A_2778, %broadcast_in_dim3A_2758 : vector<16xf32>
          %add3A_2780 = arith.constant 12 : i32
          %add3A_2781 = arith.addi %mul3A_35, %add3A_2780 : i32
          %swap3A_2782 = arith.index_cast %add3A_2781 : i32 to index
          %swap3A_2783 = arith.constant 16 : index
          %swap3A_2784 = tpu.vector_load %arg8[%swap3A_2782, %swap3A_2783] {strides = array<i32>} : memref<128x256xf32, #tpu.memory_space<vmem>>, vector<1x16xf32>,
          %swap3A_2785 = vector.shape_cast %swap3A_2784 : vector<1x16xf32> to vector<16xf32>
          %swap3A_2786 = vector.shape_cast %mul3A_2779 : vector<16xf32> to vector<1x16xf32>
          tpu.vector_store %arg8[%swap3A_2782, %swap3A_2783], %swap3A_2786 {strides = array<i32>} : memref<128x256xf32, #tpu.memory_space<vmem>>, vector<1x16xf32>,
          %add3A_2787 = arith.constant 12 : i32
          %add3A_2788 = arith.addi %mul3A_35, %add3A_2787 : i32
          %get3A_2789 = arith.index_cast %add3A_2788 : i32 to index
          %get3A_2790 = arith.constant 32 : index
          %get3A_2791 = tpu.vector_load %arg8[%get3A_2789, %get3A_2790] {strides = array<i32>} : memref<128x256xf32, #tpu.memory_space<vmem>>, vector<1x16xf32>,
          %get3A_2792 = vector.shape_cast %get3A_2791 : vector<1x16xf32> to vector<16xf32>
          %mul3A_2793 = arith.mulf %get3A_2792, %broadcast_in_dim3A_2758 : vector<16xf32>
          %add3A_2794 = arith.constant 12 : i32
          %add3A_2795 = arith.addi %mul3A_35, %add3A_2794 : i32
          %swap3A_2796 = arith.index_cast %add3A_2795 : i32 to index
          %swap3A_2797 = arith.constant 32 : index
          %swap3A_2798 = tpu.vector_load %arg8[%swap3A_2796, %swap3A_2797] {strides = array<i32>} : memref<128x256xf32, #tpu.memory_space<vmem>>, vector<1x16xf32>,
          %swap3A_2799 = vector.shape_cast %swap3A_2798 : vector<1x16xf32> to vector<16xf32>
          %swap3A_2800 = vector.shape_cast %mul3A_2793 : vector<16xf32> to vector<1x16xf32>
          tpu.vector_store %arg8[%swap3A_2796, %swap3A_2797], %swap3A_2800 {strides = array<i32>} : memref<128x256xf32, #tpu.memory_space<vmem>>, vector<1x16xf32>,
          %add3A_2801 = arith.constant 12 : i32
          %add3A_2802 = arith.addi %mul3A_35, %add3A_2801 : i32
          %get3A_2803 = arith.index_cast %add3A_2802 : i32 to index
          %get3A_2804 = arith.constant 48 : index
          %get3A_2805 = tpu.vector_load %arg8[%get3A_2803, %get3A_2804] {strides = array<i32>} : memref<128x256xf32, #tpu.memory_space<vmem>>, vector<1x16xf32>,
          %get3A_2806 = vector.shape_cast %get3A_2805 : vector<1x16xf32> to vector<16xf32>
          %mul3A_2807 = arith.mulf %get3A_2806, %broadcast_in_dim3A_2758 : vector<16xf32>
          %add3A_2808 = arith.constant 12 : i32
          %add3A_2809 = arith.addi %mul3A_35, %add3A_2808 : i32
          %swap3A_2810 = arith.index_cast %add3A_2809 : i32 to index
          %swap3A_2811 = arith.constant 48 : index
          %swap3A_2812 = tpu.vector_load %arg8[%swap3A_2810, %swap3A_2811] {strides = array<i32>} : memref<128x256xf32, #tpu.memory_space<vmem>>, vector<1x16xf32>,
          %swap3A_2813 = vector.shape_cast %swap3A_2812 : vector<1x16xf32> to vector<16xf32>
          %swap3A_2814 = vector.shape_cast %mul3A_2807 : vector<16xf32> to vector<1x16xf32>
          tpu.vector_store %arg8[%swap3A_2810, %swap3A_2811], %swap3A_2814 {strides = array<i32>} : memref<128x256xf32, #tpu.memory_space<vmem>>, vector<1x16xf32>,
          %add3A_2815 = arith.constant 12 : i32
          %add3A_2816 = arith.addi %mul3A_35, %add3A_2815 : i32
          %get3A_2817 = arith.index_cast %add3A_2816 : i32 to index
          %get3A_2818 = arith.constant 64 : index
          %get3A_2819 = tpu.vector_load %arg8[%get3A_2817, %get3A_2818] {strides = array<i32>} : memref<128x256xf32, #tpu.memory_space<vmem>>, vector<1x16xf32>,
          %get3A_2820 = vector.shape_cast %get3A_2819 : vector<1x16xf32> to vector<16xf32>
          %mul3A_2821 = arith.mulf %get3A_2820, %broadcast_in_dim3A_2758 : vector<16xf32>
          %add3A_2822 = arith.constant 12 : i32
          %add3A_2823 = arith.addi %mul3A_35, %add3A_2822 : i32
          %swap3A_2824 = arith.index_cast %add3A_2823 : i32 to index
          %swap3A_2825 = arith.constant 64 : index
          %swap3A_2826 = tpu.vector_load %arg8[%swap3A_2824, %swap3A_2825] {strides = array<i32>} : memref<128x256xf32, #tpu.memory_space<vmem>>, vector<1x16xf32>,
          %swap3A_2827 = vector.shape_cast %swap3A_2826 : vector<1x16xf32> to vector<16xf32>
          %swap3A_2828 = vector.shape_cast %mul3A_2821 : vector<16xf32> to vector<1x16xf32>
          tpu.vector_store %arg8[%swap3A_2824, %swap3A_2825], %swap3A_2828 {strides = array<i32>} : memref<128x256xf32, #tpu.memory_space<vmem>>, vector<1x16xf32>,
          %add3A_2829 = arith.constant 12 : i32
          %add3A_2830 = arith.addi %mul3A_35, %add3A_2829 : i32
          %get3A_2831 = arith.index_cast %add3A_2830 : i32 to index
          %get3A_2832 = arith.constant 80 : index
          %get3A_2833 = tpu.vector_load %arg8[%get3A_2831, %get3A_2832] {strides = array<i32>} : memref<128x256xf32, #tpu.memory_space<vmem>>, vector<1x16xf32>,
          %get3A_2834 = vector.shape_cast %get3A_2833 : vector<1x16xf32> to vector<16xf32>
          %mul3A_2835 = arith.mulf %get3A_2834, %broadcast_in_dim3A_2758 : vector<16xf32>
          %add3A_2836 = arith.constant 12 : i32
          %add3A_2837 = arith.addi %mul3A_35, %add3A_2836 : i32
          %swap3A_2838 = arith.index_cast %add3A_2837 : i32 to index
          %swap3A_2839 = arith.constant 80 : index
          %swap3A_2840 = tpu.vector_load %arg8[%swap3A_2838, %swap3A_2839] {strides = array<i32>} : memref<128x256xf32, #tpu.memory_space<vmem>>, vector<1x16xf32>,
          %swap3A_2841 = vector.shape_cast %swap3A_2840 : vector<1x16xf32> to vector<16xf32>
          %swap3A_2842 = vector.shape_cast %mul3A_2835 : vector<16xf32> to vector<1x16xf32>
          tpu.vector_store %arg8[%swap3A_2838, %swap3A_2839], %swap3A_2842 {strides = array<i32>} : memref<128x256xf32, #tpu.memory_space<vmem>>, vector<1x16xf32>,
          %add3A_2843 = arith.constant 12 : i32
          %add3A_2844 = arith.addi %mul3A_35, %add3A_2843 : i32
          %get3A_2845 = arith.index_cast %add3A_2844 : i32 to index
          %get3A_2846 = arith.constant 96 : index
          %get3A_2847 = tpu.vector_load %arg8[%get3A_2845, %get3A_2846] {strides = array<i32>} : memref<128x256xf32, #tpu.memory_space<vmem>>, vector<1x16xf32>,
          %get3A_2848 = vector.shape_cast %get3A_2847 : vector<1x16xf32> to vector<16xf32>
          %mul3A_2849 = arith.mulf %get3A_2848, %broadcast_in_dim3A_2758 : vector<16xf32>
          %add3A_2850 = arith.constant 12 : i32
          %add3A_2851 = arith.addi %mul3A_35, %add3A_2850 : i32
          %swap3A_2852 = arith.index_cast %add3A_2851 : i32 to index
          %swap3A_2853 = arith.constant 96 : index
          %swap3A_2854 = tpu.vector_load %arg8[%swap3A_2852, %swap3A_2853] {strides = array<i32>} : memref<128x256xf32, #tpu.memory_space<vmem>>, vector<1x16xf32>,
          %swap3A_2855 = vector.shape_cast %swap3A_2854 : vector<1x16xf32> to vector<16xf32>
          %swap3A_2856 = vector.shape_cast %mul3A_2849 : vector<16xf32> to vector<1x16xf32>
          tpu.vector_store %arg8[%swap3A_2852, %swap3A_2853], %swap3A_2856 {strides = array<i32>} : memref<128x256xf32, #tpu.memory_space<vmem>>, vector<1x16xf32>,
          %add3A_2857 = arith.constant 12 : i32
          %add3A_2858 = arith.addi %mul3A_35, %add3A_2857 : i32
          %get3A_2859 = arith.index_cast %add3A_2858 : i32 to index
          %get3A_2860 = arith.constant 112 : index
          %get3A_2861 = tpu.vector_load %arg8[%get3A_2859, %get3A_2860] {strides = array<i32>} : memref<128x256xf32, #tpu.memory_space<vmem>>, vector<1x16xf32>,
          %get3A_2862 = vector.shape_cast %get3A_2861 : vector<1x16xf32> to vector<16xf32>
          %mul3A_2863 = arith.mulf %get3A_2862, %broadcast_in_dim3A_2758 : vector<16xf32>
          %add3A_2864 = arith.constant 12 : i32
          %add3A_2865 = arith.addi %mul3A_35, %add3A_2864 : i32
          %swap3A_2866 = arith.index_cast %add3A_2865 : i32 to index
          %swap3A_2867 = arith.constant 112 : index
          %swap3A_2868 = tpu.vector_load %arg8[%swap3A_2866, %swap3A_2867] {strides = array<i32>} : memref<128x256xf32, #tpu.memory_space<vmem>>, vector<1x16xf32>,
          %swap3A_2869 = vector.shape_cast %swap3A_2868 : vector<1x16xf32> to vector<16xf32>
          %swap3A_2870 = vector.shape_cast %mul3A_2863 : vector<16xf32> to vector<1x16xf32>
          tpu.vector_store %arg8[%swap3A_2866, %swap3A_2867], %swap3A_2870 {strides = array<i32>} : memref<128x256xf32, #tpu.memory_space<vmem>>, vector<1x16xf32>,
          %add3A_2871 = arith.constant 12 : i32
          %add3A_2872 = arith.addi %mul3A_35, %add3A_2871 : i32
          %get3A_2873 = arith.index_cast %add3A_2872 : i32 to index
          %get3A_2874 = arith.constant 128 : index
          %get3A_2875 = tpu.vector_load %arg8[%get3A_2873, %get3A_2874] {strides = array<i32>} : memref<128x256xf32, #tpu.memory_space<vmem>>, vector<1x16xf32>,
          %get3A_2876 = vector.shape_cast %get3A_2875 : vector<1x16xf32> to vector<16xf32>
          %mul3A_2877 = arith.mulf %get3A_2876, %broadcast_in_dim3A_2758 : vector<16xf32>
          %add3A_2878 = arith.constant 12 : i32
          %add3A_2879 = arith.addi %mul3A_35, %add3A_2878 : i32
          %swap3A_2880 = arith.index_cast %add3A_2879 : i32 to index
          %swap3A_2881 = arith.constant 128 : index
          %swap3A_2882 = tpu.vector_load %arg8[%swap3A_2880, %swap3A_2881] {strides = array<i32>} : memref<128x256xf32, #tpu.memory_space<vmem>>, vector<1x16xf32>,
          %swap3A_2883 = vector.shape_cast %swap3A_2882 : vector<1x16xf32> to vector<16xf32>
          %swap3A_2884 = vector.shape_cast %mul3A_2877 : vector<16xf32> to vector<1x16xf32>
          tpu.vector_store %arg8[%swap3A_2880, %swap3A_2881], %swap3A_2884 {strides = array<i32>} : memref<128x256xf32, #tpu.memory_space<vmem>>, vector<1x16xf32>,
          %add3A_2885 = arith.constant 12 : i32
          %add3A_2886 = arith.addi %mul3A_35, %add3A_2885 : i32
          %get3A_2887 = arith.index_cast %add3A_2886 : i32 to index
          %get3A_2888 = arith.constant 144 : index
          %get3A_2889 = tpu.vector_load %arg8[%get3A_2887, %get3A_2888] {strides = array<i32>} : memref<128x256xf32, #tpu.memory_space<vmem>>, vector<1x16xf32>,
          %get3A_2890 = vector.shape_cast %get3A_2889 : vector<1x16xf32> to vector<16xf32>
          %mul3A_2891 = arith.mulf %get3A_2890, %broadcast_in_dim3A_2758 : vector<16xf32>
          %add3A_2892 = arith.constant 12 : i32
          %add3A_2893 = arith.addi %mul3A_35, %add3A_2892 : i32
          %swap3A_2894 = arith.index_cast %add3A_2893 : i32 to index
          %swap3A_2895 = arith.constant 144 : index
          %swap3A_2896 = tpu.vector_load %arg8[%swap3A_2894, %swap3A_2895] {strides = array<i32>} : memref<128x256xf32, #tpu.memory_space<vmem>>, vector<1x16xf32>,
          %swap3A_2897 = vector.shape_cast %swap3A_2896 : vector<1x16xf32> to vector<16xf32>
          %swap3A_2898 = vector.shape_cast %mul3A_2891 : vector<16xf32> to vector<1x16xf32>
          tpu.vector_store %arg8[%swap3A_2894, %swap3A_2895], %swap3A_2898 {strides = array<i32>} : memref<128x256xf32, #tpu.memory_space<vmem>>, vector<1x16xf32>,
          %add3A_2899 = arith.constant 12 : i32
          %add3A_2900 = arith.addi %mul3A_35, %add3A_2899 : i32
          %get3A_2901 = arith.index_cast %add3A_2900 : i32 to index
          %get3A_2902 = arith.constant 160 : index
          %get3A_2903 = tpu.vector_load %arg8[%get3A_2901, %get3A_2902] {strides = array<i32>} : memref<128x256xf32, #tpu.memory_space<vmem>>, vector<1x16xf32>,
          %get3A_2904 = vector.shape_cast %get3A_2903 : vector<1x16xf32> to vector<16xf32>
          %mul3A_2905 = arith.mulf %get3A_2904, %broadcast_in_dim3A_2758 : vector<16xf32>
          %add3A_2906 = arith.constant 12 : i32
          %add3A_2907 = arith.addi %mul3A_35, %add3A_2906 : i32
          %swap3A_2908 = arith.index_cast %add3A_2907 : i32 to index
          %swap3A_2909 = arith.constant 160 : index
          %swap3A_2910 = tpu.vector_load %arg8[%swap3A_2908, %swap3A_2909] {strides = array<i32>} : memref<128x256xf32, #tpu.memory_space<vmem>>, vector<1x16xf32>,
          %swap3A_2911 = vector.shape_cast %swap3A_2910 : vector<1x16xf32> to vector<16xf32>
          %swap3A_2912 = vector.shape_cast %mul3A_2905 : vector<16xf32> to vector<1x16xf32>
          tpu.vector_store %arg8[%swap3A_2908, %swap3A_2909], %swap3A_2912 {strides = array<i32>} : memref<128x256xf32, #tpu.memory_space<vmem>>, vector<1x16xf32>,
          %add3A_2913 = arith.constant 12 : i32
          %add3A_2914 = arith.addi %mul3A_35, %add3A_2913 : i32
          %get3A_2915 = arith.index_cast %add3A_2914 : i32 to index
          %get3A_2916 = arith.constant 176 : index
          %get3A_2917 = tpu.vector_load %arg8[%get3A_2915, %get3A_2916] {strides = array<i32>} : memref<128x256xf32, #tpu.memory_space<vmem>>, vector<1x16xf32>,
          %get3A_2918 = vector.shape_cast %get3A_2917 : vector<1x16xf32> to vector<16xf32>
          %mul3A_2919 = arith.mulf %get3A_2918, %broadcast_in_dim3A_2758 : vector<16xf32>
          %add3A_2920 = arith.constant 12 : i32
          %add3A_2921 = arith.addi %mul3A_35, %add3A_2920 : i32
          %swap3A_2922 = arith.index_cast %add3A_2921 : i32 to index
          %swap3A_2923 = arith.constant 176 : index
          %swap3A_2924 = tpu.vector_load %arg8[%swap3A_2922, %swap3A_2923] {strides = array<i32>} : memref<128x256xf32, #tpu.memory_space<vmem>>, vector<1x16xf32>,
          %swap3A_2925 = vector.shape_cast %swap3A_2924 : vector<1x16xf32> to vector<16xf32>
          %swap3A_2926 = vector.shape_cast %mul3A_2919 : vector<16xf32> to vector<1x16xf32>
          tpu.vector_store %arg8[%swap3A_2922, %swap3A_2923], %swap3A_2926 {strides = array<i32>} : memref<128x256xf32, #tpu.memory_space<vmem>>, vector<1x16xf32>,
          %add3A_2927 = arith.constant 12 : i32
          %add3A_2928 = arith.addi %mul3A_35, %add3A_2927 : i32
          %get3A_2929 = arith.index_cast %add3A_2928 : i32 to index
          %get3A_2930 = arith.constant 192 : index
          %get3A_2931 = tpu.vector_load %arg8[%get3A_2929, %get3A_2930] {strides = array<i32>} : memref<128x256xf32, #tpu.memory_space<vmem>>, vector<1x16xf32>,
          %get3A_2932 = vector.shape_cast %get3A_2931 : vector<1x16xf32> to vector<16xf32>
          %mul3A_2933 = arith.mulf %get3A_2932, %broadcast_in_dim3A_2758 : vector<16xf32>
          %add3A_2934 = arith.constant 12 : i32
          %add3A_2935 = arith.addi %mul3A_35, %add3A_2934 : i32
          %swap3A_2936 = arith.index_cast %add3A_2935 : i32 to index
          %swap3A_2937 = arith.constant 192 : index
          %swap3A_2938 = tpu.vector_load %arg8[%swap3A_2936, %swap3A_2937] {strides = array<i32>} : memref<128x256xf32, #tpu.memory_space<vmem>>, vector<1x16xf32>,
          %swap3A_2939 = vector.shape_cast %swap3A_2938 : vector<1x16xf32> to vector<16xf32>
          %swap3A_2940 = vector.shape_cast %mul3A_2933 : vector<16xf32> to vector<1x16xf32>
          tpu.vector_store %arg8[%swap3A_2936, %swap3A_2937], %swap3A_2940 {strides = array<i32>} : memref<128x256xf32, #tpu.memory_space<vmem>>, vector<1x16xf32>,
          %add3A_2941 = arith.constant 12 : i32
          %add3A_2942 = arith.addi %mul3A_35, %add3A_2941 : i32
          %get3A_2943 = arith.index_cast %add3A_2942 : i32 to index
          %get3A_2944 = arith.constant 208 : index
          %get3A_2945 = tpu.vector_load %arg8[%get3A_2943, %get3A_2944] {strides = array<i32>} : memref<128x256xf32, #tpu.memory_space<vmem>>, vector<1x16xf32>,
          %get3A_2946 = vector.shape_cast %get3A_2945 : vector<1x16xf32> to vector<16xf32>
          %mul3A_2947 = arith.mulf %get3A_2946, %broadcast_in_dim3A_2758 : vector<16xf32>
          %add3A_2948 = arith.constant 12 : i32
          %add3A_2949 = arith.addi %mul3A_35, %add3A_2948 : i32
          %swap3A_2950 = arith.index_cast %add3A_2949 : i32 to index
          %swap3A_2951 = arith.constant 208 : index
          %swap3A_2952 = tpu.vector_load %arg8[%swap3A_2950, %swap3A_2951] {strides = array<i32>} : memref<128x256xf32, #tpu.memory_space<vmem>>, vector<1x16xf32>,
          %swap3A_2953 = vector.shape_cast %swap3A_2952 : vector<1x16xf32> to vector<16xf32>
          %swap3A_2954 = vector.shape_cast %mul3A_2947 : vector<16xf32> to vector<1x16xf32>
          tpu.vector_store %arg8[%swap3A_2950, %swap3A_2951], %swap3A_2954 {strides = array<i32>} : memref<128x256xf32, #tpu.memory_space<vmem>>, vector<1x16xf32>,
          %add3A_2955 = arith.constant 12 : i32
          %add3A_2956 = arith.addi %mul3A_35, %add3A_2955 : i32
          %get3A_2957 = arith.index_cast %add3A_2956 : i32 to index
          %get3A_2958 = arith.constant 224 : index
          %get3A_2959 = tpu.vector_load %arg8[%get3A_2957, %get3A_2958] {strides = array<i32>} : memref<128x256xf32, #tpu.memory_space<vmem>>, vector<1x16xf32>,
          %get3A_2960 = vector.shape_cast %get3A_2959 : vector<1x16xf32> to vector<16xf32>
          %mul3A_2961 = arith.mulf %get3A_2960, %broadcast_in_dim3A_2758 : vector<16xf32>
          %add3A_2962 = arith.constant 12 : i32
          %add3A_2963 = arith.addi %mul3A_35, %add3A_2962 : i32
          %swap3A_2964 = arith.index_cast %add3A_2963 : i32 to index
          %swap3A_2965 = arith.constant 224 : index
          %swap3A_2966 = tpu.vector_load %arg8[%swap3A_2964, %swap3A_2965] {strides = array<i32>} : memref<128x256xf32, #tpu.memory_space<vmem>>, vector<1x16xf32>,
          %swap3A_2967 = vector.shape_cast %swap3A_2966 : vector<1x16xf32> to vector<16xf32>
          %swap3A_2968 = vector.shape_cast %mul3A_2961 : vector<16xf32> to vector<1x16xf32>
          tpu.vector_store %arg8[%swap3A_2964, %swap3A_2965], %swap3A_2968 {strides = array<i32>} : memref<128x256xf32, #tpu.memory_space<vmem>>, vector<1x16xf32>,
          %add3A_2969 = arith.constant 12 : i32
          %add3A_2970 = arith.addi %mul3A_35, %add3A_2969 : i32
          %get3A_2971 = arith.index_cast %add3A_2970 : i32 to index
          %get3A_2972 = arith.constant 240 : index
          %get3A_2973 = tpu.vector_load %arg8[%get3A_2971, %get3A_2972] {strides = array<i32>} : memref<128x256xf32, #tpu.memory_space<vmem>>, vector<1x16xf32>,
          %get3A_2974 = vector.shape_cast %get3A_2973 : vector<1x16xf32> to vector<16xf32>
          %mul3A_2975 = arith.mulf %get3A_2974, %broadcast_in_dim3A_2758 : vector<16xf32>
          %add3A_2976 = arith.constant 12 : i32
          %add3A_2977 = arith.addi %mul3A_35, %add3A_2976 : i32
          %swap3A_2978 = arith.index_cast %add3A_2977 : i32 to index
          %swap3A_2979 = arith.constant 240 : index
          %swap3A_2980 = tpu.vector_load %arg8[%swap3A_2978, %swap3A_2979] {strides = array<i32>} : memref<128x256xf32, #tpu.memory_space<vmem>>, vector<1x16xf32>,
          %swap3A_2981 = vector.shape_cast %swap3A_2980 : vector<1x16xf32> to vector<16xf32>
          %swap3A_2982 = vector.shape_cast %mul3A_2975 : vector<16xf32> to vector<1x16xf32>
          tpu.vector_store %arg8[%swap3A_2978, %swap3A_2979], %swap3A_2982 {strides = array<i32>} : memref<128x256xf32, #tpu.memory_space<vmem>>, vector<1x16xf32>,
          %slice3A_2983 = vector.extract_strided_slice %get3A_33 {offsets = [13], sizes = [1], strides = [1]} : vector<16xf32> to vector<1xf32>
          %squeeze3A_2984 = vector.extract %slice3A_2983[0] : f32 from vector<1xf32>
          %broadcast_in_dim3A_2985 = vector.broadcast %squeeze3A_2984 : f32 to vector<16xf32>
          %add3A_2986 = arith.constant 13 : i32
          %add3A_2987 = arith.addi %mul3A_35, %add3A_2986 : i32
          %get3A_2988 = arith.index_cast %add3A_2987 : i32 to index
          %get3A_2989 = arith.constant 0 : index
          %get3A_2990 = tpu.vector_load %arg8[%get3A_2988, %get3A_2989] {strides = array<i32>} : memref<128x256xf32, #tpu.memory_space<vmem>>, vector<1x16xf32>,
          %get3A_2991 = vector.shape_cast %get3A_2990 : vector<1x16xf32> to vector<16xf32>
          %mul3A_2992 = arith.mulf %get3A_2991, %broadcast_in_dim3A_2985 : vector<16xf32>
          %add3A_2993 = arith.constant 13 : i32
          %add3A_2994 = arith.addi %mul3A_35, %add3A_2993 : i32
          %swap3A_2995 = arith.index_cast %add3A_2994 : i32 to index
          %swap3A_2996 = arith.constant 0 : index
          %swap3A_2997 = tpu.vector_load %arg8[%swap3A_2995, %swap3A_2996] {strides = array<i32>} : memref<128x256xf32, #tpu.memory_space<vmem>>, vector<1x16xf32>,
          %swap3A_2998 = vector.shape_cast %swap3A_2997 : vector<1x16xf32> to vector<16xf32>
          %swap3A_2999 = vector.shape_cast %mul3A_2992 : vector<16xf32> to vector<1x16xf32>
          tpu.vector_store %arg8[%swap3A_2995, %swap3A_2996], %swap3A_2999 {strides = array<i32>} : memref<128x256xf32, #tpu.memory_space<vmem>>, vector<1x16xf32>,
          %add3A_3000 = arith.constant 13 : i32
          %add3A_3001 = arith.addi %mul3A_35, %add3A_3000 : i32
          %get3A_3002 = arith.index_cast %add3A_3001 : i32 to index
          %get3A_3003 = arith.constant 16 : index
          %get3A_3004 = tpu.vector_load %arg8[%get3A_3002, %get3A_3003] {strides = array<i32>} : memref<128x256xf32, #tpu.memory_space<vmem>>, vector<1x16xf32>,
          %get3A_3005 = vector.shape_cast %get3A_3004 : vector<1x16xf32> to vector<16xf32>
          %mul3A_3006 = arith.mulf %get3A_3005, %broadcast_in_dim3A_2985 : vector<16xf32>
          %add3A_3007 = arith.constant 13 : i32
          %add3A_3008 = arith.addi %mul3A_35, %add3A_3007 : i32
          %swap3A_3009 = arith.index_cast %add3A_3008 : i32 to index
          %swap3A_3010 = arith.constant 16 : index
          %swap3A_3011 = tpu.vector_load %arg8[%swap3A_3009, %swap3A_3010] {strides = array<i32>} : memref<128x256xf32, #tpu.memory_space<vmem>>, vector<1x16xf32>,
          %swap3A_3012 = vector.shape_cast %swap3A_3011 : vector<1x16xf32> to vector<16xf32>
          %swap3A_3013 = vector.shape_cast %mul3A_3006 : vector<16xf32> to vector<1x16xf32>
          tpu.vector_store %arg8[%swap3A_3009, %swap3A_3010], %swap3A_3013 {strides = array<i32>} : memref<128x256xf32, #tpu.memory_space<vmem>>, vector<1x16xf32>,
          %add3A_3014 = arith.constant 13 : i32
          %add3A_3015 = arith.addi %mul3A_35, %add3A_3014 : i32
          %get3A_3016 = arith.index_cast %add3A_3015 : i32 to index
          %get3A_3017 = arith.constant 32 : index
          %get3A_3018 = tpu.vector_load %arg8[%get3A_3016, %get3A_3017] {strides = array<i32>} : memref<128x256xf32, #tpu.memory_space<vmem>>, vector<1x16xf32>,
          %get3A_3019 = vector.shape_cast %get3A_3018 : vector<1x16xf32> to vector<16xf32>
          %mul3A_3020 = arith.mulf %get3A_3019, %broadcast_in_dim3A_2985 : vector<16xf32>
          %add3A_3021 = arith.constant 13 : i32
          %add3A_3022 = arith.addi %mul3A_35, %add3A_3021 : i32
          %swap3A_3023 = arith.index_cast %add3A_3022 : i32 to index
          %swap3A_3024 = arith.constant 32 : index
          %swap3A_3025 = tpu.vector_load %arg8[%swap3A_3023, %swap3A_3024] {strides = array<i32>} : memref<128x256xf32, #tpu.memory_space<vmem>>, vector<1x16xf32>,
          %swap3A_3026 = vector.shape_cast %swap3A_3025 : vector<1x16xf32> to vector<16xf32>
          %swap3A_3027 = vector.shape_cast %mul3A_3020 : vector<16xf32> to vector<1x16xf32>
          tpu.vector_store %arg8[%swap3A_3023, %swap3A_3024], %swap3A_3027 {strides = array<i32>} : memref<128x256xf32, #tpu.memory_space<vmem>>, vector<1x16xf32>,
          %add3A_3028 = arith.constant 13 : i32
          %add3A_3029 = arith.addi %mul3A_35, %add3A_3028 : i32
          %get3A_3030 = arith.index_cast %add3A_3029 : i32 to index
          %get3A_3031 = arith.constant 48 : index
          %get3A_3032 = tpu.vector_load %arg8[%get3A_3030, %get3A_3031] {strides = array<i32>} : memref<128x256xf32, #tpu.memory_space<vmem>>, vector<1x16xf32>,
          %get3A_3033 = vector.shape_cast %get3A_3032 : vector<1x16xf32> to vector<16xf32>
          %mul3A_3034 = arith.mulf %get3A_3033, %broadcast_in_dim3A_2985 : vector<16xf32>
          %add3A_3035 = arith.constant 13 : i32
          %add3A_3036 = arith.addi %mul3A_35, %add3A_3035 : i32
          %swap3A_3037 = arith.index_cast %add3A_3036 : i32 to index
          %swap3A_3038 = arith.constant 48 : index
          %swap3A_3039 = tpu.vector_load %arg8[%swap3A_3037, %swap3A_3038] {strides = array<i32>} : memref<128x256xf32, #tpu.memory_space<vmem>>, vector<1x16xf32>,
          %swap3A_3040 = vector.shape_cast %swap3A_3039 : vector<1x16xf32> to vector<16xf32>
          %swap3A_3041 = vector.shape_cast %mul3A_3034 : vector<16xf32> to vector<1x16xf32>
          tpu.vector_store %arg8[%swap3A_3037, %swap3A_3038], %swap3A_3041 {strides = array<i32>} : memref<128x256xf32, #tpu.memory_space<vmem>>, vector<1x16xf32>,
          %add3A_3042 = arith.constant 13 : i32
          %add3A_3043 = arith.addi %mul3A_35, %add3A_3042 : i32
          %get3A_3044 = arith.index_cast %add3A_3043 : i32 to index
          %get3A_3045 = arith.constant 64 : index
          %get3A_3046 = tpu.vector_load %arg8[%get3A_3044, %get3A_3045] {strides = array<i32>} : memref<128x256xf32, #tpu.memory_space<vmem>>, vector<1x16xf32>,
          %get3A_3047 = vector.shape_cast %get3A_3046 : vector<1x16xf32> to vector<16xf32>
          %mul3A_3048 = arith.mulf %get3A_3047, %broadcast_in_dim3A_2985 : vector<16xf32>
          %add3A_3049 = arith.constant 13 : i32
          %add3A_3050 = arith.addi %mul3A_35, %add3A_3049 : i32
          %swap3A_3051 = arith.index_cast %add3A_3050 : i32 to index
          %swap3A_3052 = arith.constant 64 : index
          %swap3A_3053 = tpu.vector_load %arg8[%swap3A_3051, %swap3A_3052] {strides = array<i32>} : memref<128x256xf32, #tpu.memory_space<vmem>>, vector<1x16xf32>,
          %swap3A_3054 = vector.shape_cast %swap3A_3053 : vector<1x16xf32> to vector<16xf32>
          %swap3A_3055 = vector.shape_cast %mul3A_3048 : vector<16xf32> to vector<1x16xf32>
          tpu.vector_store %arg8[%swap3A_3051, %swap3A_3052], %swap3A_3055 {strides = array<i32>} : memref<128x256xf32, #tpu.memory_space<vmem>>, vector<1x16xf32>,
          %add3A_3056 = arith.constant 13 : i32
          %add3A_3057 = arith.addi %mul3A_35, %add3A_3056 : i32
          %get3A_3058 = arith.index_cast %add3A_3057 : i32 to index
          %get3A_3059 = arith.constant 80 : index
          %get3A_3060 = tpu.vector_load %arg8[%get3A_3058, %get3A_3059] {strides = array<i32>} : memref<128x256xf32, #tpu.memory_space<vmem>>, vector<1x16xf32>,
          %get3A_3061 = vector.shape_cast %get3A_3060 : vector<1x16xf32> to vector<16xf32>
          %mul3A_3062 = arith.mulf %get3A_3061, %broadcast_in_dim3A_2985 : vector<16xf32>
          %add3A_3063 = arith.constant 13 : i32
          %add3A_3064 = arith.addi %mul3A_35, %add3A_3063 : i32
          %swap3A_3065 = arith.index_cast %add3A_3064 : i32 to index
          %swap3A_3066 = arith.constant 80 : index
          %swap3A_3067 = tpu.vector_load %arg8[%swap3A_3065, %swap3A_3066] {strides = array<i32>} : memref<128x256xf32, #tpu.memory_space<vmem>>, vector<1x16xf32>,
          %swap3A_3068 = vector.shape_cast %swap3A_3067 : vector<1x16xf32> to vector<16xf32>
          %swap3A_3069 = vector.shape_cast %mul3A_3062 : vector<16xf32> to vector<1x16xf32>
          tpu.vector_store %arg8[%swap3A_3065, %swap3A_3066], %swap3A_3069 {strides = array<i32>} : memref<128x256xf32, #tpu.memory_space<vmem>>, vector<1x16xf32>,
          %add3A_3070 = arith.constant 13 : i32
          %add3A_3071 = arith.addi %mul3A_35, %add3A_3070 : i32
          %get3A_3072 = arith.index_cast %add3A_3071 : i32 to index
          %get3A_3073 = arith.constant 96 : index
          %get3A_3074 = tpu.vector_load %arg8[%get3A_3072, %get3A_3073] {strides = array<i32>} : memref<128x256xf32, #tpu.memory_space<vmem>>, vector<1x16xf32>,
          %get3A_3075 = vector.shape_cast %get3A_3074 : vector<1x16xf32> to vector<16xf32>
          %mul3A_3076 = arith.mulf %get3A_3075, %broadcast_in_dim3A_2985 : vector<16xf32>
          %add3A_3077 = arith.constant 13 : i32
          %add3A_3078 = arith.addi %mul3A_35, %add3A_3077 : i32
          %swap3A_3079 = arith.index_cast %add3A_3078 : i32 to index
          %swap3A_3080 = arith.constant 96 : index
          %swap3A_3081 = tpu.vector_load %arg8[%swap3A_3079, %swap3A_3080] {strides = array<i32>} : memref<128x256xf32, #tpu.memory_space<vmem>>, vector<1x16xf32>,
          %swap3A_3082 = vector.shape_cast %swap3A_3081 : vector<1x16xf32> to vector<16xf32>
          %swap3A_3083 = vector.shape_cast %mul3A_3076 : vector<16xf32> to vector<1x16xf32>
          tpu.vector_store %arg8[%swap3A_3079, %swap3A_3080], %swap3A_3083 {strides = array<i32>} : memref<128x256xf32, #tpu.memory_space<vmem>>, vector<1x16xf32>,
          %add3A_3084 = arith.constant 13 : i32
          %add3A_3085 = arith.addi %mul3A_35, %add3A_3084 : i32
          %get3A_3086 = arith.index_cast %add3A_3085 : i32 to index
          %get3A_3087 = arith.constant 112 : index
          %get3A_3088 = tpu.vector_load %arg8[%get3A_3086, %get3A_3087] {strides = array<i32>} : memref<128x256xf32, #tpu.memory_space<vmem>>, vector<1x16xf32>,
          %get3A_3089 = vector.shape_cast %get3A_3088 : vector<1x16xf32> to vector<16xf32>
          %mul3A_3090 = arith.mulf %get3A_3089, %broadcast_in_dim3A_2985 : vector<16xf32>
          %add3A_3091 = arith.constant 13 : i32
          %add3A_3092 = arith.addi %mul3A_35, %add3A_3091 : i32
          %swap3A_3093 = arith.index_cast %add3A_3092 : i32 to index
          %swap3A_3094 = arith.constant 112 : index
          %swap3A_3095 = tpu.vector_load %arg8[%swap3A_3093, %swap3A_3094] {strides = array<i32>} : memref<128x256xf32, #tpu.memory_space<vmem>>, vector<1x16xf32>,
          %swap3A_3096 = vector.shape_cast %swap3A_3095 : vector<1x16xf32> to vector<16xf32>
          %swap3A_3097 = vector.shape_cast %mul3A_3090 : vector<16xf32> to vector<1x16xf32>
          tpu.vector_store %arg8[%swap3A_3093, %swap3A_3094], %swap3A_3097 {strides = array<i32>} : memref<128x256xf32, #tpu.memory_space<vmem>>, vector<1x16xf32>,
          %add3A_3098 = arith.constant 13 : i32
          %add3A_3099 = arith.addi %mul3A_35, %add3A_3098 : i32
          %get3A_3100 = arith.index_cast %add3A_3099 : i32 to index
          %get3A_3101 = arith.constant 128 : index
          %get3A_3102 = tpu.vector_load %arg8[%get3A_3100, %get3A_3101] {strides = array<i32>} : memref<128x256xf32, #tpu.memory_space<vmem>>, vector<1x16xf32>,
          %get3A_3103 = vector.shape_cast %get3A_3102 : vector<1x16xf32> to vector<16xf32>
          %mul3A_3104 = arith.mulf %get3A_3103, %broadcast_in_dim3A_2985 : vector<16xf32>
          %add3A_3105 = arith.constant 13 : i32
          %add3A_3106 = arith.addi %mul3A_35, %add3A_3105 : i32
          %swap3A_3107 = arith.index_cast %add3A_3106 : i32 to index
          %swap3A_3108 = arith.constant 128 : index
          %swap3A_3109 = tpu.vector_load %arg8[%swap3A_3107, %swap3A_3108] {strides = array<i32>} : memref<128x256xf32, #tpu.memory_space<vmem>>, vector<1x16xf32>,
          %swap3A_3110 = vector.shape_cast %swap3A_3109 : vector<1x16xf32> to vector<16xf32>
          %swap3A_3111 = vector.shape_cast %mul3A_3104 : vector<16xf32> to vector<1x16xf32>
          tpu.vector_store %arg8[%swap3A_3107, %swap3A_3108], %swap3A_3111 {strides = array<i32>} : memref<128x256xf32, #tpu.memory_space<vmem>>, vector<1x16xf32>,
          %add3A_3112 = arith.constant 13 : i32
          %add3A_3113 = arith.addi %mul3A_35, %add3A_3112 : i32
          %get3A_3114 = arith.index_cast %add3A_3113 : i32 to index
          %get3A_3115 = arith.constant 144 : index
          %get3A_3116 = tpu.vector_load %arg8[%get3A_3114, %get3A_3115] {strides = array<i32>} : memref<128x256xf32, #tpu.memory_space<vmem>>, vector<1x16xf32>,
          %get3A_3117 = vector.shape_cast %get3A_3116 : vector<1x16xf32> to vector<16xf32>
          %mul3A_3118 = arith.mulf %get3A_3117, %broadcast_in_dim3A_2985 : vector<16xf32>
          %add3A_3119 = arith.constant 13 : i32
          %add3A_3120 = arith.addi %mul3A_35, %add3A_3119 : i32
          %swap3A_3121 = arith.index_cast %add3A_3120 : i32 to index
          %swap3A_3122 = arith.constant 144 : index
          %swap3A_3123 = tpu.vector_load %arg8[%swap3A_3121, %swap3A_3122] {strides = array<i32>} : memref<128x256xf32, #tpu.memory_space<vmem>>, vector<1x16xf32>,
          %swap3A_3124 = vector.shape_cast %swap3A_3123 : vector<1x16xf32> to vector<16xf32>
          %swap3A_3125 = vector.shape_cast %mul3A_3118 : vector<16xf32> to vector<1x16xf32>
          tpu.vector_store %arg8[%swap3A_3121, %swap3A_3122], %swap3A_3125 {strides = array<i32>} : memref<128x256xf32, #tpu.memory_space<vmem>>, vector<1x16xf32>,
          %add3A_3126 = arith.constant 13 : i32
          %add3A_3127 = arith.addi %mul3A_35, %add3A_3126 : i32
          %get3A_3128 = arith.index_cast %add3A_3127 : i32 to index
          %get3A_3129 = arith.constant 160 : index
          %get3A_3130 = tpu.vector_load %arg8[%get3A_3128, %get3A_3129] {strides = array<i32>} : memref<128x256xf32, #tpu.memory_space<vmem>>, vector<1x16xf32>,
          %get3A_3131 = vector.shape_cast %get3A_3130 : vector<1x16xf32> to vector<16xf32>
          %mul3A_3132 = arith.mulf %get3A_3131, %broadcast_in_dim3A_2985 : vector<16xf32>
          %add3A_3133 = arith.constant 13 : i32
          %add3A_3134 = arith.addi %mul3A_35, %add3A_3133 : i32
          %swap3A_3135 = arith.index_cast %add3A_3134 : i32 to index
          %swap3A_3136 = arith.constant 160 : index
          %swap3A_3137 = tpu.vector_load %arg8[%swap3A_3135, %swap3A_3136] {strides = array<i32>} : memref<128x256xf32, #tpu.memory_space<vmem>>, vector<1x16xf32>,
          %swap3A_3138 = vector.shape_cast %swap3A_3137 : vector<1x16xf32> to vector<16xf32>
          %swap3A_3139 = vector.shape_cast %mul3A_3132 : vector<16xf32> to vector<1x16xf32>
          tpu.vector_store %arg8[%swap3A_3135, %swap3A_3136], %swap3A_3139 {strides = array<i32>} : memref<128x256xf32, #tpu.memory_space<vmem>>, vector<1x16xf32>,
          %add3A_3140 = arith.constant 13 : i32
          %add3A_3141 = arith.addi %mul3A_35, %add3A_3140 : i32
          %get3A_3142 = arith.index_cast %add3A_3141 : i32 to index
          %get3A_3143 = arith.constant 176 : index
          %get3A_3144 = tpu.vector_load %arg8[%get3A_3142, %get3A_3143] {strides = array<i32>} : memref<128x256xf32, #tpu.memory_space<vmem>>, vector<1x16xf32>,
          %get3A_3145 = vector.shape_cast %get3A_3144 : vector<1x16xf32> to vector<16xf32>
          %mul3A_3146 = arith.mulf %get3A_3145, %broadcast_in_dim3A_2985 : vector<16xf32>
          %add3A_3147 = arith.constant 13 : i32
          %add3A_3148 = arith.addi %mul3A_35, %add3A_3147 : i32
          %swap3A_3149 = arith.index_cast %add3A_3148 : i32 to index
          %swap3A_3150 = arith.constant 176 : index
          %swap3A_3151 = tpu.vector_load %arg8[%swap3A_3149, %swap3A_3150] {strides = array<i32>} : memref<128x256xf32, #tpu.memory_space<vmem>>, vector<1x16xf32>,
          %swap3A_3152 = vector.shape_cast %swap3A_3151 : vector<1x16xf32> to vector<16xf32>
          %swap3A_3153 = vector.shape_cast %mul3A_3146 : vector<16xf32> to vector<1x16xf32>
          tpu.vector_store %arg8[%swap3A_3149, %swap3A_3150], %swap3A_3153 {strides = array<i32>} : memref<128x256xf32, #tpu.memory_space<vmem>>, vector<1x16xf32>,
          %add3A_3154 = arith.constant 13 : i32
          %add3A_3155 = arith.addi %mul3A_35, %add3A_3154 : i32
          %get3A_3156 = arith.index_cast %add3A_3155 : i32 to index
          %get3A_3157 = arith.constant 192 : index
          %get3A_3158 = tpu.vector_load %arg8[%get3A_3156, %get3A_3157] {strides = array<i32>} : memref<128x256xf32, #tpu.memory_space<vmem>>, vector<1x16xf32>,
          %get3A_3159 = vector.shape_cast %get3A_3158 : vector<1x16xf32> to vector<16xf32>
          %mul3A_3160 = arith.mulf %get3A_3159, %broadcast_in_dim3A_2985 : vector<16xf32>
          %add3A_3161 = arith.constant 13 : i32
          %add3A_3162 = arith.addi %mul3A_35, %add3A_3161 : i32
          %swap3A_3163 = arith.index_cast %add3A_3162 : i32 to index
          %swap3A_3164 = arith.constant 192 : index
          %swap3A_3165 = tpu.vector_load %arg8[%swap3A_3163, %swap3A_3164] {strides = array<i32>} : memref<128x256xf32, #tpu.memory_space<vmem>>, vector<1x16xf32>,
          %swap3A_3166 = vector.shape_cast %swap3A_3165 : vector<1x16xf32> to vector<16xf32>
          %swap3A_3167 = vector.shape_cast %mul3A_3160 : vector<16xf32> to vector<1x16xf32>
          tpu.vector_store %arg8[%swap3A_3163, %swap3A_3164], %swap3A_3167 {strides = array<i32>} : memref<128x256xf32, #tpu.memory_space<vmem>>, vector<1x16xf32>,
          %add3A_3168 = arith.constant 13 : i32
          %add3A_3169 = arith.addi %mul3A_35, %add3A_3168 : i32
          %get3A_3170 = arith.index_cast %add3A_3169 : i32 to index
          %get3A_3171 = arith.constant 208 : index
          %get3A_3172 = tpu.vector_load %arg8[%get3A_3170, %get3A_3171] {strides = array<i32>} : memref<128x256xf32, #tpu.memory_space<vmem>>, vector<1x16xf32>,
          %get3A_3173 = vector.shape_cast %get3A_3172 : vector<1x16xf32> to vector<16xf32>
          %mul3A_3174 = arith.mulf %get3A_3173, %broadcast_in_dim3A_2985 : vector<16xf32>
          %add3A_3175 = arith.constant 13 : i32
          %add3A_3176 = arith.addi %mul3A_35, %add3A_3175 : i32
          %swap3A_3177 = arith.index_cast %add3A_3176 : i32 to index
          %swap3A_3178 = arith.constant 208 : index
          %swap3A_3179 = tpu.vector_load %arg8[%swap3A_3177, %swap3A_3178] {strides = array<i32>} : memref<128x256xf32, #tpu.memory_space<vmem>>, vector<1x16xf32>,
          %swap3A_3180 = vector.shape_cast %swap3A_3179 : vector<1x16xf32> to vector<16xf32>
          %swap3A_3181 = vector.shape_cast %mul3A_3174 : vector<16xf32> to vector<1x16xf32>
          tpu.vector_store %arg8[%swap3A_3177, %swap3A_3178], %swap3A_3181 {strides = array<i32>} : memref<128x256xf32, #tpu.memory_space<vmem>>, vector<1x16xf32>,
          %add3A_3182 = arith.constant 13 : i32
          %add3A_3183 = arith.addi %mul3A_35, %add3A_3182 : i32
          %get3A_3184 = arith.index_cast %add3A_3183 : i32 to index
          %get3A_3185 = arith.constant 224 : index
          %get3A_3186 = tpu.vector_load %arg8[%get3A_3184, %get3A_3185] {strides = array<i32>} : memref<128x256xf32, #tpu.memory_space<vmem>>, vector<1x16xf32>,
          %get3A_3187 = vector.shape_cast %get3A_3186 : vector<1x16xf32> to vector<16xf32>
          %mul3A_3188 = arith.mulf %get3A_3187, %broadcast_in_dim3A_2985 : vector<16xf32>
          %add3A_3189 = arith.constant 13 : i32
          %add3A_3190 = arith.addi %mul3A_35, %add3A_3189 : i32
          %swap3A_3191 = arith.index_cast %add3A_3190 : i32 to index
          %swap3A_3192 = arith.constant 224 : index
          %swap3A_3193 = tpu.vector_load %arg8[%swap3A_3191, %swap3A_3192] {strides = array<i32>} : memref<128x256xf32, #tpu.memory_space<vmem>>, vector<1x16xf32>,
          %swap3A_3194 = vector.shape_cast %swap3A_3193 : vector<1x16xf32> to vector<16xf32>
          %swap3A_3195 = vector.shape_cast %mul3A_3188 : vector<16xf32> to vector<1x16xf32>
          tpu.vector_store %arg8[%swap3A_3191, %swap3A_3192], %swap3A_3195 {strides = array<i32>} : memref<128x256xf32, #tpu.memory_space<vmem>>, vector<1x16xf32>,
          %add3A_3196 = arith.constant 13 : i32
          %add3A_3197 = arith.addi %mul3A_35, %add3A_3196 : i32
          %get3A_3198 = arith.index_cast %add3A_3197 : i32 to index
          %get3A_3199 = arith.constant 240 : index
          %get3A_3200 = tpu.vector_load %arg8[%get3A_3198, %get3A_3199] {strides = array<i32>} : memref<128x256xf32, #tpu.memory_space<vmem>>, vector<1x16xf32>,
          %get3A_3201 = vector.shape_cast %get3A_3200 : vector<1x16xf32> to vector<16xf32>
          %mul3A_3202 = arith.mulf %get3A_3201, %broadcast_in_dim3A_2985 : vector<16xf32>
          %add3A_3203 = arith.constant 13 : i32
          %add3A_3204 = arith.addi %mul3A_35, %add3A_3203 : i32
          %swap3A_3205 = arith.index_cast %add3A_3204 : i32 to index
          %swap3A_3206 = arith.constant 240 : index
          %swap3A_3207 = tpu.vector_load %arg8[%swap3A_3205, %swap3A_3206] {strides = array<i32>} : memref<128x256xf32, #tpu.memory_space<vmem>>, vector<1x16xf32>,
          %swap3A_3208 = vector.shape_cast %swap3A_3207 : vector<1x16xf32> to vector<16xf32>
          %swap3A_3209 = vector.shape_cast %mul3A_3202 : vector<16xf32> to vector<1x16xf32>
          tpu.vector_store %arg8[%swap3A_3205, %swap3A_3206], %swap3A_3209 {strides = array<i32>} : memref<128x256xf32, #tpu.memory_space<vmem>>, vector<1x16xf32>,
          %slice3A_3210 = vector.extract_strided_slice %get3A_33 {offsets = [14], sizes = [1], strides = [1]} : vector<16xf32> to vector<1xf32>
          %squeeze3A_3211 = vector.extract %slice3A_3210[0] : f32 from vector<1xf32>
          %broadcast_in_dim3A_3212 = vector.broadcast %squeeze3A_3211 : f32 to vector<16xf32>
          %add3A_3213 = arith.constant 14 : i32
          %add3A_3214 = arith.addi %mul3A_35, %add3A_3213 : i32
          %get3A_3215 = arith.index_cast %add3A_3214 : i32 to index
          %get3A_3216 = arith.constant 0 : index
          %get3A_3217 = tpu.vector_load %arg8[%get3A_3215, %get3A_3216] {strides = array<i32>} : memref<128x256xf32, #tpu.memory_space<vmem>>, vector<1x16xf32>,
          %get3A_3218 = vector.shape_cast %get3A_3217 : vector<1x16xf32> to vector<16xf32>
          %mul3A_3219 = arith.mulf %get3A_3218, %broadcast_in_dim3A_3212 : vector<16xf32>
          %add3A_3220 = arith.constant 14 : i32
          %add3A_3221 = arith.addi %mul3A_35, %add3A_3220 : i32
          %swap3A_3222 = arith.index_cast %add3A_3221 : i32 to index
          %swap3A_3223 = arith.constant 0 : index
          %swap3A_3224 = tpu.vector_load %arg8[%swap3A_3222, %swap3A_3223] {strides = array<i32>} : memref<128x256xf32, #tpu.memory_space<vmem>>, vector<1x16xf32>,
          %swap3A_3225 = vector.shape_cast %swap3A_3224 : vector<1x16xf32> to vector<16xf32>
          %swap3A_3226 = vector.shape_cast %mul3A_3219 : vector<16xf32> to vector<1x16xf32>
          tpu.vector_store %arg8[%swap3A_3222, %swap3A_3223], %swap3A_3226 {strides = array<i32>} : memref<128x256xf32, #tpu.memory_space<vmem>>, vector<1x16xf32>,
          %add3A_3227 = arith.constant 14 : i32
          %add3A_3228 = arith.addi %mul3A_35, %add3A_3227 : i32
          %get3A_3229 = arith.index_cast %add3A_3228 : i32 to index
          %get3A_3230 = arith.constant 16 : index
          %get3A_3231 = tpu.vector_load %arg8[%get3A_3229, %get3A_3230] {strides = array<i32>} : memref<128x256xf32, #tpu.memory_space<vmem>>, vector<1x16xf32>,
          %get3A_3232 = vector.shape_cast %get3A_3231 : vector<1x16xf32> to vector<16xf32>
          %mul3A_3233 = arith.mulf %get3A_3232, %broadcast_in_dim3A_3212 : vector<16xf32>
          %add3A_3234 = arith.constant 14 : i32
          %add3A_3235 = arith.addi %mul3A_35, %add3A_3234 : i32
          %swap3A_3236 = arith.index_cast %add3A_3235 : i32 to index
          %swap3A_3237 = arith.constant 16 : index
          %swap3A_3238 = tpu.vector_load %arg8[%swap3A_3236, %swap3A_3237] {strides = array<i32>} : memref<128x256xf32, #tpu.memory_space<vmem>>, vector<1x16xf32>,
          %swap3A_3239 = vector.shape_cast %swap3A_3238 : vector<1x16xf32> to vector<16xf32>
          %swap3A_3240 = vector.shape_cast %mul3A_3233 : vector<16xf32> to vector<1x16xf32>
          tpu.vector_store %arg8[%swap3A_3236, %swap3A_3237], %swap3A_3240 {strides = array<i32>} : memref<128x256xf32, #tpu.memory_space<vmem>>, vector<1x16xf32>,
          %add3A_3241 = arith.constant 14 : i32
          %add3A_3242 = arith.addi %mul3A_35, %add3A_3241 : i32
          %get3A_3243 = arith.index_cast %add3A_3242 : i32 to index
          %get3A_3244 = arith.constant 32 : index
          %get3A_3245 = tpu.vector_load %arg8[%get3A_3243, %get3A_3244] {strides = array<i32>} : memref<128x256xf32, #tpu.memory_space<vmem>>, vector<1x16xf32>,
          %get3A_3246 = vector.shape_cast %get3A_3245 : vector<1x16xf32> to vector<16xf32>
          %mul3A_3247 = arith.mulf %get3A_3246, %broadcast_in_dim3A_3212 : vector<16xf32>
          %add3A_3248 = arith.constant 14 : i32
          %add3A_3249 = arith.addi %mul3A_35, %add3A_3248 : i32
          %swap3A_3250 = arith.index_cast %add3A_3249 : i32 to index
          %swap3A_3251 = arith.constant 32 : index
          %swap3A_3252 = tpu.vector_load %arg8[%swap3A_3250, %swap3A_3251] {strides = array<i32>} : memref<128x256xf32, #tpu.memory_space<vmem>>, vector<1x16xf32>,
          %swap3A_3253 = vector.shape_cast %swap3A_3252 : vector<1x16xf32> to vector<16xf32>
          %swap3A_3254 = vector.shape_cast %mul3A_3247 : vector<16xf32> to vector<1x16xf32>
          tpu.vector_store %arg8[%swap3A_3250, %swap3A_3251], %swap3A_3254 {strides = array<i32>} : memref<128x256xf32, #tpu.memory_space<vmem>>, vector<1x16xf32>,
          %add3A_3255 = arith.constant 14 : i32
          %add3A_3256 = arith.addi %mul3A_35, %add3A_3255 : i32
          %get3A_3257 = arith.index_cast %add3A_3256 : i32 to index
          %get3A_3258 = arith.constant 48 : index
          %get3A_3259 = tpu.vector_load %arg8[%get3A_3257, %get3A_3258] {strides = array<i32>} : memref<128x256xf32, #tpu.memory_space<vmem>>, vector<1x16xf32>,
          %get3A_3260 = vector.shape_cast %get3A_3259 : vector<1x16xf32> to vector<16xf32>
          %mul3A_3261 = arith.mulf %get3A_3260, %broadcast_in_dim3A_3212 : vector<16xf32>
          %add3A_3262 = arith.constant 14 : i32
          %add3A_3263 = arith.addi %mul3A_35, %add3A_3262 : i32
          %swap3A_3264 = arith.index_cast %add3A_3263 : i32 to index
          %swap3A_3265 = arith.constant 48 : index
          %swap3A_3266 = tpu.vector_load %arg8[%swap3A_3264, %swap3A_3265] {strides = array<i32>} : memref<128x256xf32, #tpu.memory_space<vmem>>, vector<1x16xf32>,
          %swap3A_3267 = vector.shape_cast %swap3A_3266 : vector<1x16xf32> to vector<16xf32>
          %swap3A_3268 = vector.shape_cast %mul3A_3261 : vector<16xf32> to vector<1x16xf32>
          tpu.vector_store %arg8[%swap3A_3264, %swap3A_3265], %swap3A_3268 {strides = array<i32>} : memref<128x256xf32, #tpu.memory_space<vmem>>, vector<1x16xf32>,
          %add3A_3269 = arith.constant 14 : i32
          %add3A_3270 = arith.addi %mul3A_35, %add3A_3269 : i32
          %get3A_3271 = arith.index_cast %add3A_3270 : i32 to index
          %get3A_3272 = arith.constant 64 : index
          %get3A_3273 = tpu.vector_load %arg8[%get3A_3271, %get3A_3272] {strides = array<i32>} : memref<128x256xf32, #tpu.memory_space<vmem>>, vector<1x16xf32>,
          %get3A_3274 = vector.shape_cast %get3A_3273 : vector<1x16xf32> to vector<16xf32>
          %mul3A_3275 = arith.mulf %get3A_3274, %broadcast_in_dim3A_3212 : vector<16xf32>
          %add3A_3276 = arith.constant 14 : i32
          %add3A_3277 = arith.addi %mul3A_35, %add3A_3276 : i32
          %swap3A_3278 = arith.index_cast %add3A_3277 : i32 to index
          %swap3A_3279 = arith.constant 64 : index
          %swap3A_3280 = tpu.vector_load %arg8[%swap3A_3278, %swap3A_3279] {strides = array<i32>} : memref<128x256xf32, #tpu.memory_space<vmem>>, vector<1x16xf32>,
          %swap3A_3281 = vector.shape_cast %swap3A_3280 : vector<1x16xf32> to vector<16xf32>
          %swap3A_3282 = vector.shape_cast %mul3A_3275 : vector<16xf32> to vector<1x16xf32>
          tpu.vector_store %arg8[%swap3A_3278, %swap3A_3279], %swap3A_3282 {strides = array<i32>} : memref<128x256xf32, #tpu.memory_space<vmem>>, vector<1x16xf32>,
          %add3A_3283 = arith.constant 14 : i32
          %add3A_3284 = arith.addi %mul3A_35, %add3A_3283 : i32
          %get3A_3285 = arith.index_cast %add3A_3284 : i32 to index
          %get3A_3286 = arith.constant 80 : index
          %get3A_3287 = tpu.vector_load %arg8[%get3A_3285, %get3A_3286] {strides = array<i32>} : memref<128x256xf32, #tpu.memory_space<vmem>>, vector<1x16xf32>,
          %get3A_3288 = vector.shape_cast %get3A_3287 : vector<1x16xf32> to vector<16xf32>
          %mul3A_3289 = arith.mulf %get3A_3288, %broadcast_in_dim3A_3212 : vector<16xf32>
          %add3A_3290 = arith.constant 14 : i32
          %add3A_3291 = arith.addi %mul3A_35, %add3A_3290 : i32
          %swap3A_3292 = arith.index_cast %add3A_3291 : i32 to index
          %swap3A_3293 = arith.constant 80 : index
          %swap3A_3294 = tpu.vector_load %arg8[%swap3A_3292, %swap3A_3293] {strides = array<i32>} : memref<128x256xf32, #tpu.memory_space<vmem>>, vector<1x16xf32>,
          %swap3A_3295 = vector.shape_cast %swap3A_3294 : vector<1x16xf32> to vector<16xf32>
          %swap3A_3296 = vector.shape_cast %mul3A_3289 : vector<16xf32> to vector<1x16xf32>
          tpu.vector_store %arg8[%swap3A_3292, %swap3A_3293], %swap3A_3296 {strides = array<i32>} : memref<128x256xf32, #tpu.memory_space<vmem>>, vector<1x16xf32>,
          %add3A_3297 = arith.constant 14 : i32
          %add3A_3298 = arith.addi %mul3A_35, %add3A_3297 : i32
          %get3A_3299 = arith.index_cast %add3A_3298 : i32 to index
          %get3A_3300 = arith.constant 96 : index
          %get3A_3301 = tpu.vector_load %arg8[%get3A_3299, %get3A_3300] {strides = array<i32>} : memref<128x256xf32, #tpu.memory_space<vmem>>, vector<1x16xf32>,
          %get3A_3302 = vector.shape_cast %get3A_3301 : vector<1x16xf32> to vector<16xf32>
          %mul3A_3303 = arith.mulf %get3A_3302, %broadcast_in_dim3A_3212 : vector<16xf32>
          %add3A_3304 = arith.constant 14 : i32
          %add3A_3305 = arith.addi %mul3A_35, %add3A_3304 : i32
          %swap3A_3306 = arith.index_cast %add3A_3305 : i32 to index
          %swap3A_3307 = arith.constant 96 : index
          %swap3A_3308 = tpu.vector_load %arg8[%swap3A_3306, %swap3A_3307] {strides = array<i32>} : memref<128x256xf32, #tpu.memory_space<vmem>>, vector<1x16xf32>,
          %swap3A_3309 = vector.shape_cast %swap3A_3308 : vector<1x16xf32> to vector<16xf32>
          %swap3A_3310 = vector.shape_cast %mul3A_3303 : vector<16xf32> to vector<1x16xf32>
          tpu.vector_store %arg8[%swap3A_3306, %swap3A_3307], %swap3A_3310 {strides = array<i32>} : memref<128x256xf32, #tpu.memory_space<vmem>>, vector<1x16xf32>,
          %add3A_3311 = arith.constant 14 : i32
          %add3A_3312 = arith.addi %mul3A_35, %add3A_3311 : i32
          %get3A_3313 = arith.index_cast %add3A_3312 : i32 to index
          %get3A_3314 = arith.constant 112 : index
          %get3A_3315 = tpu.vector_load %arg8[%get3A_3313, %get3A_3314] {strides = array<i32>} : memref<128x256xf32, #tpu.memory_space<vmem>>, vector<1x16xf32>,
          %get3A_3316 = vector.shape_cast %get3A_3315 : vector<1x16xf32> to vector<16xf32>
          %mul3A_3317 = arith.mulf %get3A_3316, %broadcast_in_dim3A_3212 : vector<16xf32>
          %add3A_3318 = arith.constant 14 : i32
          %add3A_3319 = arith.addi %mul3A_35, %add3A_3318 : i32
          %swap3A_3320 = arith.index_cast %add3A_3319 : i32 to index
          %swap3A_3321 = arith.constant 112 : index
          %swap3A_3322 = tpu.vector_load %arg8[%swap3A_3320, %swap3A_3321] {strides = array<i32>} : memref<128x256xf32, #tpu.memory_space<vmem>>, vector<1x16xf32>,
          %swap3A_3323 = vector.shape_cast %swap3A_3322 : vector<1x16xf32> to vector<16xf32>
          %swap3A_3324 = vector.shape_cast %mul3A_3317 : vector<16xf32> to vector<1x16xf32>
          tpu.vector_store %arg8[%swap3A_3320, %swap3A_3321], %swap3A_3324 {strides = array<i32>} : memref<128x256xf32, #tpu.memory_space<vmem>>, vector<1x16xf32>,
          %add3A_3325 = arith.constant 14 : i32
          %add3A_3326 = arith.addi %mul3A_35, %add3A_3325 : i32
          %get3A_3327 = arith.index_cast %add3A_3326 : i32 to index
          %get3A_3328 = arith.constant 128 : index
          %get3A_3329 = tpu.vector_load %arg8[%get3A_3327, %get3A_3328] {strides = array<i32>} : memref<128x256xf32, #tpu.memory_space<vmem>>, vector<1x16xf32>,
          %get3A_3330 = vector.shape_cast %get3A_3329 : vector<1x16xf32> to vector<16xf32>
          %mul3A_3331 = arith.mulf %get3A_3330, %broadcast_in_dim3A_3212 : vector<16xf32>
          %add3A_3332 = arith.constant 14 : i32
          %add3A_3333 = arith.addi %mul3A_35, %add3A_3332 : i32
          %swap3A_3334 = arith.index_cast %add3A_3333 : i32 to index
          %swap3A_3335 = arith.constant 128 : index
          %swap3A_3336 = tpu.vector_load %arg8[%swap3A_3334, %swap3A_3335] {strides = array<i32>} : memref<128x256xf32, #tpu.memory_space<vmem>>, vector<1x16xf32>,
          %swap3A_3337 = vector.shape_cast %swap3A_3336 : vector<1x16xf32> to vector<16xf32>
          %swap3A_3338 = vector.shape_cast %mul3A_3331 : vector<16xf32> to vector<1x16xf32>
          tpu.vector_store %arg8[%swap3A_3334, %swap3A_3335], %swap3A_3338 {strides = array<i32>} : memref<128x256xf32, #tpu.memory_space<vmem>>, vector<1x16xf32>,
          %add3A_3339 = arith.constant 14 : i32
          %add3A_3340 = arith.addi %mul3A_35, %add3A_3339 : i32
          %get3A_3341 = arith.index_cast %add3A_3340 : i32 to index
          %get3A_3342 = arith.constant 144 : index
          %get3A_3343 = tpu.vector_load %arg8[%get3A_3341, %get3A_3342] {strides = array<i32>} : memref<128x256xf32, #tpu.memory_space<vmem>>, vector<1x16xf32>,
          %get3A_3344 = vector.shape_cast %get3A_3343 : vector<1x16xf32> to vector<16xf32>
          %mul3A_3345 = arith.mulf %get3A_3344, %broadcast_in_dim3A_3212 : vector<16xf32>
          %add3A_3346 = arith.constant 14 : i32
          %add3A_3347 = arith.addi %mul3A_35, %add3A_3346 : i32
          %swap3A_3348 = arith.index_cast %add3A_3347 : i32 to index
          %swap3A_3349 = arith.constant 144 : index
          %swap3A_3350 = tpu.vector_load %arg8[%swap3A_3348, %swap3A_3349] {strides = array<i32>} : memref<128x256xf32, #tpu.memory_space<vmem>>, vector<1x16xf32>,
          %swap3A_3351 = vector.shape_cast %swap3A_3350 : vector<1x16xf32> to vector<16xf32>
          %swap3A_3352 = vector.shape_cast %mul3A_3345 : vector<16xf32> to vector<1x16xf32>
          tpu.vector_store %arg8[%swap3A_3348, %swap3A_3349], %swap3A_3352 {strides = array<i32>} : memref<128x256xf32, #tpu.memory_space<vmem>>, vector<1x16xf32>,
          %add3A_3353 = arith.constant 14 : i32
          %add3A_3354 = arith.addi %mul3A_35, %add3A_3353 : i32
          %get3A_3355 = arith.index_cast %add3A_3354 : i32 to index
          %get3A_3356 = arith.constant 160 : index
          %get3A_3357 = tpu.vector_load %arg8[%get3A_3355, %get3A_3356] {strides = array<i32>} : memref<128x256xf32, #tpu.memory_space<vmem>>, vector<1x16xf32>,
          %get3A_3358 = vector.shape_cast %get3A_3357 : vector<1x16xf32> to vector<16xf32>
          %mul3A_3359 = arith.mulf %get3A_3358, %broadcast_in_dim3A_3212 : vector<16xf32>
          %add3A_3360 = arith.constant 14 : i32
          %add3A_3361 = arith.addi %mul3A_35, %add3A_3360 : i32
          %swap3A_3362 = arith.index_cast %add3A_3361 : i32 to index
          %swap3A_3363 = arith.constant 160 : index
          %swap3A_3364 = tpu.vector_load %arg8[%swap3A_3362, %swap3A_3363] {strides = array<i32>} : memref<128x256xf32, #tpu.memory_space<vmem>>, vector<1x16xf32>,
          %swap3A_3365 = vector.shape_cast %swap3A_3364 : vector<1x16xf32> to vector<16xf32>
          %swap3A_3366 = vector.shape_cast %mul3A_3359 : vector<16xf32> to vector<1x16xf32>
          tpu.vector_store %arg8[%swap3A_3362, %swap3A_3363], %swap3A_3366 {strides = array<i32>} : memref<128x256xf32, #tpu.memory_space<vmem>>, vector<1x16xf32>,
          %add3A_3367 = arith.constant 14 : i32
          %add3A_3368 = arith.addi %mul3A_35, %add3A_3367 : i32
          %get3A_3369 = arith.index_cast %add3A_3368 : i32 to index
          %get3A_3370 = arith.constant 176 : index
          %get3A_3371 = tpu.vector_load %arg8[%get3A_3369, %get3A_3370] {strides = array<i32>} : memref<128x256xf32, #tpu.memory_space<vmem>>, vector<1x16xf32>,
          %get3A_3372 = vector.shape_cast %get3A_3371 : vector<1x16xf32> to vector<16xf32>
          %mul3A_3373 = arith.mulf %get3A_3372, %broadcast_in_dim3A_3212 : vector<16xf32>
          %add3A_3374 = arith.constant 14 : i32
          %add3A_3375 = arith.addi %mul3A_35, %add3A_3374 : i32
          %swap3A_3376 = arith.index_cast %add3A_3375 : i32 to index
          %swap3A_3377 = arith.constant 176 : index
          %swap3A_3378 = tpu.vector_load %arg8[%swap3A_3376, %swap3A_3377] {strides = array<i32>} : memref<128x256xf32, #tpu.memory_space<vmem>>, vector<1x16xf32>,
          %swap3A_3379 = vector.shape_cast %swap3A_3378 : vector<1x16xf32> to vector<16xf32>
          %swap3A_3380 = vector.shape_cast %mul3A_3373 : vector<16xf32> to vector<1x16xf32>
          tpu.vector_store %arg8[%swap3A_3376, %swap3A_3377], %swap3A_3380 {strides = array<i32>} : memref<128x256xf32, #tpu.memory_space<vmem>>, vector<1x16xf32>,
          %add3A_3381 = arith.constant 14 : i32
          %add3A_3382 = arith.addi %mul3A_35, %add3A_3381 : i32
          %get3A_3383 = arith.index_cast %add3A_3382 : i32 to index
          %get3A_3384 = arith.constant 192 : index
          %get3A_3385 = tpu.vector_load %arg8[%get3A_3383, %get3A_3384] {strides = array<i32>} : memref<128x256xf32, #tpu.memory_space<vmem>>, vector<1x16xf32>,
          %get3A_3386 = vector.shape_cast %get3A_3385 : vector<1x16xf32> to vector<16xf32>
          %mul3A_3387 = arith.mulf %get3A_3386, %broadcast_in_dim3A_3212 : vector<16xf32>
          %add3A_3388 = arith.constant 14 : i32
          %add3A_3389 = arith.addi %mul3A_35, %add3A_3388 : i32
          %swap3A_3390 = arith.index_cast %add3A_3389 : i32 to index
          %swap3A_3391 = arith.constant 192 : index
          %swap3A_3392 = tpu.vector_load %arg8[%swap3A_3390, %swap3A_3391] {strides = array<i32>} : memref<128x256xf32, #tpu.memory_space<vmem>>, vector<1x16xf32>,
          %swap3A_3393 = vector.shape_cast %swap3A_3392 : vector<1x16xf32> to vector<16xf32>
          %swap3A_3394 = vector.shape_cast %mul3A_3387 : vector<16xf32> to vector<1x16xf32>
          tpu.vector_store %arg8[%swap3A_3390, %swap3A_3391], %swap3A_3394 {strides = array<i32>} : memref<128x256xf32, #tpu.memory_space<vmem>>, vector<1x16xf32>,
          %add3A_3395 = arith.constant 14 : i32
          %add3A_3396 = arith.addi %mul3A_35, %add3A_3395 : i32
          %get3A_3397 = arith.index_cast %add3A_3396 : i32 to index
          %get3A_3398 = arith.constant 208 : index
          %get3A_3399 = tpu.vector_load %arg8[%get3A_3397, %get3A_3398] {strides = array<i32>} : memref<128x256xf32, #tpu.memory_space<vmem>>, vector<1x16xf32>,
          %get3A_3400 = vector.shape_cast %get3A_3399 : vector<1x16xf32> to vector<16xf32>
          %mul3A_3401 = arith.mulf %get3A_3400, %broadcast_in_dim3A_3212 : vector<16xf32>
          %add3A_3402 = arith.constant 14 : i32
          %add3A_3403 = arith.addi %mul3A_35, %add3A_3402 : i32
          %swap3A_3404 = arith.index_cast %add3A_3403 : i32 to index
          %swap3A_3405 = arith.constant 208 : index
          %swap3A_3406 = tpu.vector_load %arg8[%swap3A_3404, %swap3A_3405] {strides = array<i32>} : memref<128x256xf32, #tpu.memory_space<vmem>>, vector<1x16xf32>,
          %swap3A_3407 = vector.shape_cast %swap3A_3406 : vector<1x16xf32> to vector<16xf32>
          %swap3A_3408 = vector.shape_cast %mul3A_3401 : vector<16xf32> to vector<1x16xf32>
          tpu.vector_store %arg8[%swap3A_3404, %swap3A_3405], %swap3A_3408 {strides = array<i32>} : memref<128x256xf32, #tpu.memory_space<vmem>>, vector<1x16xf32>,
          %add3A_3409 = arith.constant 14 : i32
          %add3A_3410 = arith.addi %mul3A_35, %add3A_3409 : i32
          %get3A_3411 = arith.index_cast %add3A_3410 : i32 to index
          %get3A_3412 = arith.constant 224 : index
          %get3A_3413 = tpu.vector_load %arg8[%get3A_3411, %get3A_3412] {strides = array<i32>} : memref<128x256xf32, #tpu.memory_space<vmem>>, vector<1x16xf32>,
          %get3A_3414 = vector.shape_cast %get3A_3413 : vector<1x16xf32> to vector<16xf32>
          %mul3A_3415 = arith.mulf %get3A_3414, %broadcast_in_dim3A_3212 : vector<16xf32>
          %add3A_3416 = arith.constant 14 : i32
          %add3A_3417 = arith.addi %mul3A_35, %add3A_3416 : i32
          %swap3A_3418 = arith.index_cast %add3A_3417 : i32 to index
          %swap3A_3419 = arith.constant 224 : index
          %swap3A_3420 = tpu.vector_load %arg8[%swap3A_3418, %swap3A_3419] {strides = array<i32>} : memref<128x256xf32, #tpu.memory_space<vmem>>, vector<1x16xf32>,
          %swap3A_3421 = vector.shape_cast %swap3A_3420 : vector<1x16xf32> to vector<16xf32>
          %swap3A_3422 = vector.shape_cast %mul3A_3415 : vector<16xf32> to vector<1x16xf32>
          tpu.vector_store %arg8[%swap3A_3418, %swap3A_3419], %swap3A_3422 {strides = array<i32>} : memref<128x256xf32, #tpu.memory_space<vmem>>, vector<1x16xf32>,
          %add3A_3423 = arith.constant 14 : i32
          %add3A_3424 = arith.addi %mul3A_35, %add3A_3423 : i32
          %get3A_3425 = arith.index_cast %add3A_3424 : i32 to index
          %get3A_3426 = arith.constant 240 : index
          %get3A_3427 = tpu.vector_load %arg8[%get3A_3425, %get3A_3426] {strides = array<i32>} : memref<128x256xf32, #tpu.memory_space<vmem>>, vector<1x16xf32>,
          %get3A_3428 = vector.shape_cast %get3A_3427 : vector<1x16xf32> to vector<16xf32>
          %mul3A_3429 = arith.mulf %get3A_3428, %broadcast_in_dim3A_3212 : vector<16xf32>
          %add3A_3430 = arith.constant 14 : i32
          %add3A_3431 = arith.addi %mul3A_35, %add3A_3430 : i32
          %swap3A_3432 = arith.index_cast %add3A_3431 : i32 to index
          %swap3A_3433 = arith.constant 240 : index
          %swap3A_3434 = tpu.vector_load %arg8[%swap3A_3432, %swap3A_3433] {strides = array<i32>} : memref<128x256xf32, #tpu.memory_space<vmem>>, vector<1x16xf32>,
          %swap3A_3435 = vector.shape_cast %swap3A_3434 : vector<1x16xf32> to vector<16xf32>
          %swap3A_3436 = vector.shape_cast %mul3A_3429 : vector<16xf32> to vector<1x16xf32>
          tpu.vector_store %arg8[%swap3A_3432, %swap3A_3433], %swap3A_3436 {strides = array<i32>} : memref<128x256xf32, #tpu.memory_space<vmem>>, vector<1x16xf32>,
          %slice3A_3437 = vector.extract_strided_slice %get3A_33 {offsets = [15], sizes = [1], strides = [1]} : vector<16xf32> to vector<1xf32>
          %squeeze3A_3438 = vector.extract %slice3A_3437[0] : f32 from vector<1xf32>
          %broadcast_in_dim3A_3439 = vector.broadcast %squeeze3A_3438 : f32 to vector<16xf32>
          %add3A_3440 = arith.constant 15 : i32
          %add3A_3441 = arith.addi %mul3A_35, %add3A_3440 : i32
          %get3A_3442 = arith.index_cast %add3A_3441 : i32 to index
          %get3A_3443 = arith.constant 0 : index
          %get3A_3444 = tpu.vector_load %arg8[%get3A_3442, %get3A_3443] {strides = array<i32>} : memref<128x256xf32, #tpu.memory_space<vmem>>, vector<1x16xf32>,
          %get3A_3445 = vector.shape_cast %get3A_3444 : vector<1x16xf32> to vector<16xf32>
          %mul3A_3446 = arith.mulf %get3A_3445, %broadcast_in_dim3A_3439 : vector<16xf32>
          %add3A_3447 = arith.constant 15 : i32
          %add3A_3448 = arith.addi %mul3A_35, %add3A_3447 : i32
          %swap3A_3449 = arith.index_cast %add3A_3448 : i32 to index
          %swap3A_3450 = arith.constant 0 : index
          %swap3A_3451 = tpu.vector_load %arg8[%swap3A_3449, %swap3A_3450] {strides = array<i32>} : memref<128x256xf32, #tpu.memory_space<vmem>>, vector<1x16xf32>,
          %swap3A_3452 = vector.shape_cast %swap3A_3451 : vector<1x16xf32> to vector<16xf32>
          %swap3A_3453 = vector.shape_cast %mul3A_3446 : vector<16xf32> to vector<1x16xf32>
          tpu.vector_store %arg8[%swap3A_3449, %swap3A_3450], %swap3A_3453 {strides = array<i32>} : memref<128x256xf32, #tpu.memory_space<vmem>>, vector<1x16xf32>,
          %add3A_3454 = arith.constant 15 : i32
          %add3A_3455 = arith.addi %mul3A_35, %add3A_3454 : i32
          %get3A_3456 = arith.index_cast %add3A_3455 : i32 to index
          %get3A_3457 = arith.constant 16 : index
          %get3A_3458 = tpu.vector_load %arg8[%get3A_3456, %get3A_3457] {strides = array<i32>} : memref<128x256xf32, #tpu.memory_space<vmem>>, vector<1x16xf32>,
          %get3A_3459 = vector.shape_cast %get3A_3458 : vector<1x16xf32> to vector<16xf32>
          %mul3A_3460 = arith.mulf %get3A_3459, %broadcast_in_dim3A_3439 : vector<16xf32>
          %add3A_3461 = arith.constant 15 : i32
          %add3A_3462 = arith.addi %mul3A_35, %add3A_3461 : i32
          %swap3A_3463 = arith.index_cast %add3A_3462 : i32 to index
          %swap3A_3464 = arith.constant 16 : index
          %swap3A_3465 = tpu.vector_load %arg8[%swap3A_3463, %swap3A_3464] {strides = array<i32>} : memref<128x256xf32, #tpu.memory_space<vmem>>, vector<1x16xf32>,
          %swap3A_3466 = vector.shape_cast %swap3A_3465 : vector<1x16xf32> to vector<16xf32>
          %swap3A_3467 = vector.shape_cast %mul3A_3460 : vector<16xf32> to vector<1x16xf32>
          tpu.vector_store %arg8[%swap3A_3463, %swap3A_3464], %swap3A_3467 {strides = array<i32>} : memref<128x256xf32, #tpu.memory_space<vmem>>, vector<1x16xf32>,
          %add3A_3468 = arith.constant 15 : i32
          %add3A_3469 = arith.addi %mul3A_35, %add3A_3468 : i32
          %get3A_3470 = arith.index_cast %add3A_3469 : i32 to index
          %get3A_3471 = arith.constant 32 : index
          %get3A_3472 = tpu.vector_load %arg8[%get3A_3470, %get3A_3471] {strides = array<i32>} : memref<128x256xf32, #tpu.memory_space<vmem>>, vector<1x16xf32>,
          %get3A_3473 = vector.shape_cast %get3A_3472 : vector<1x16xf32> to vector<16xf32>
          %mul3A_3474 = arith.mulf %get3A_3473, %broadcast_in_dim3A_3439 : vector<16xf32>
          %add3A_3475 = arith.constant 15 : i32
          %add3A_3476 = arith.addi %mul3A_35, %add3A_3475 : i32
          %swap3A_3477 = arith.index_cast %add3A_3476 : i32 to index
          %swap3A_3478 = arith.constant 32 : index
          %swap3A_3479 = tpu.vector_load %arg8[%swap3A_3477, %swap3A_3478] {strides = array<i32>} : memref<128x256xf32, #tpu.memory_space<vmem>>, vector<1x16xf32>,
          %swap3A_3480 = vector.shape_cast %swap3A_3479 : vector<1x16xf32> to vector<16xf32>
          %swap3A_3481 = vector.shape_cast %mul3A_3474 : vector<16xf32> to vector<1x16xf32>
          tpu.vector_store %arg8[%swap3A_3477, %swap3A_3478], %swap3A_3481 {strides = array<i32>} : memref<128x256xf32, #tpu.memory_space<vmem>>, vector<1x16xf32>,
          %add3A_3482 = arith.constant 15 : i32
          %add3A_3483 = arith.addi %mul3A_35, %add3A_3482 : i32
          %get3A_3484 = arith.index_cast %add3A_3483 : i32 to index
          %get3A_3485 = arith.constant 48 : index
          %get3A_3486 = tpu.vector_load %arg8[%get3A_3484, %get3A_3485] {strides = array<i32>} : memref<128x256xf32, #tpu.memory_space<vmem>>, vector<1x16xf32>,
          %get3A_3487 = vector.shape_cast %get3A_3486 : vector<1x16xf32> to vector<16xf32>
          %mul3A_3488 = arith.mulf %get3A_3487, %broadcast_in_dim3A_3439 : vector<16xf32>
          %add3A_3489 = arith.constant 15 : i32
          %add3A_3490 = arith.addi %mul3A_35, %add3A_3489 : i32
          %swap3A_3491 = arith.index_cast %add3A_3490 : i32 to index
          %swap3A_3492 = arith.constant 48 : index
          %swap3A_3493 = tpu.vector_load %arg8[%swap3A_3491, %swap3A_3492] {strides = array<i32>} : memref<128x256xf32, #tpu.memory_space<vmem>>, vector<1x16xf32>,
          %swap3A_3494 = vector.shape_cast %swap3A_3493 : vector<1x16xf32> to vector<16xf32>
          %swap3A_3495 = vector.shape_cast %mul3A_3488 : vector<16xf32> to vector<1x16xf32>
          tpu.vector_store %arg8[%swap3A_3491, %swap3A_3492], %swap3A_3495 {strides = array<i32>} : memref<128x256xf32, #tpu.memory_space<vmem>>, vector<1x16xf32>,
          %add3A_3496 = arith.constant 15 : i32
          %add3A_3497 = arith.addi %mul3A_35, %add3A_3496 : i32
          %get3A_3498 = arith.index_cast %add3A_3497 : i32 to index
          %get3A_3499 = arith.constant 64 : index
          %get3A_3500 = tpu.vector_load %arg8[%get3A_3498, %get3A_3499] {strides = array<i32>} : memref<128x256xf32, #tpu.memory_space<vmem>>, vector<1x16xf32>,
          %get3A_3501 = vector.shape_cast %get3A_3500 : vector<1x16xf32> to vector<16xf32>
          %mul3A_3502 = arith.mulf %get3A_3501, %broadcast_in_dim3A_3439 : vector<16xf32>
          %add3A_3503 = arith.constant 15 : i32
          %add3A_3504 = arith.addi %mul3A_35, %add3A_3503 : i32
          %swap3A_3505 = arith.index_cast %add3A_3504 : i32 to index
          %swap3A_3506 = arith.constant 64 : index
          %swap3A_3507 = tpu.vector_load %arg8[%swap3A_3505, %swap3A_3506] {strides = array<i32>} : memref<128x256xf32, #tpu.memory_space<vmem>>, vector<1x16xf32>,
          %swap3A_3508 = vector.shape_cast %swap3A_3507 : vector<1x16xf32> to vector<16xf32>
          %swap3A_3509 = vector.shape_cast %mul3A_3502 : vector<16xf32> to vector<1x16xf32>
          tpu.vector_store %arg8[%swap3A_3505, %swap3A_3506], %swap3A_3509 {strides = array<i32>} : memref<128x256xf32, #tpu.memory_space<vmem>>, vector<1x16xf32>,
          %add3A_3510 = arith.constant 15 : i32
          %add3A_3511 = arith.addi %mul3A_35, %add3A_3510 : i32
          %get3A_3512 = arith.index_cast %add3A_3511 : i32 to index
          %get3A_3513 = arith.constant 80 : index
          %get3A_3514 = tpu.vector_load %arg8[%get3A_3512, %get3A_3513] {strides = array<i32>} : memref<128x256xf32, #tpu.memory_space<vmem>>, vector<1x16xf32>,
          %get3A_3515 = vector.shape_cast %get3A_3514 : vector<1x16xf32> to vector<16xf32>
          %mul3A_3516 = arith.mulf %get3A_3515, %broadcast_in_dim3A_3439 : vector<16xf32>
          %add3A_3517 = arith.constant 15 : i32
          %add3A_3518 = arith.addi %mul3A_35, %add3A_3517 : i32
          %swap3A_3519 = arith.index_cast %add3A_3518 : i32 to index
          %swap3A_3520 = arith.constant 80 : index
          %swap3A_3521 = tpu.vector_load %arg8[%swap3A_3519, %swap3A_3520] {strides = array<i32>} : memref<128x256xf32, #tpu.memory_space<vmem>>, vector<1x16xf32>,
          %swap3A_3522 = vector.shape_cast %swap3A_3521 : vector<1x16xf32> to vector<16xf32>
          %swap3A_3523 = vector.shape_cast %mul3A_3516 : vector<16xf32> to vector<1x16xf32>
          tpu.vector_store %arg8[%swap3A_3519, %swap3A_3520], %swap3A_3523 {strides = array<i32>} : memref<128x256xf32, #tpu.memory_space<vmem>>, vector<1x16xf32>,
          %add3A_3524 = arith.constant 15 : i32
          %add3A_3525 = arith.addi %mul3A_35, %add3A_3524 : i32
          %get3A_3526 = arith.index_cast %add3A_3525 : i32 to index
          %get3A_3527 = arith.constant 96 : index
          %get3A_3528 = tpu.vector_load %arg8[%get3A_3526, %get3A_3527] {strides = array<i32>} : memref<128x256xf32, #tpu.memory_space<vmem>>, vector<1x16xf32>,
          %get3A_3529 = vector.shape_cast %get3A_3528 : vector<1x16xf32> to vector<16xf32>
          %mul3A_3530 = arith.mulf %get3A_3529, %broadcast_in_dim3A_3439 : vector<16xf32>
          %add3A_3531 = arith.constant 15 : i32
          %add3A_3532 = arith.addi %mul3A_35, %add3A_3531 : i32
          %swap3A_3533 = arith.index_cast %add3A_3532 : i32 to index
          %swap3A_3534 = arith.constant 96 : index
          %swap3A_3535 = tpu.vector_load %arg8[%swap3A_3533, %swap3A_3534] {strides = array<i32>} : memref<128x256xf32, #tpu.memory_space<vmem>>, vector<1x16xf32>,
          %swap3A_3536 = vector.shape_cast %swap3A_3535 : vector<1x16xf32> to vector<16xf32>
          %swap3A_3537 = vector.shape_cast %mul3A_3530 : vector<16xf32> to vector<1x16xf32>
          tpu.vector_store %arg8[%swap3A_3533, %swap3A_3534], %swap3A_3537 {strides = array<i32>} : memref<128x256xf32, #tpu.memory_space<vmem>>, vector<1x16xf32>,
          %add3A_3538 = arith.constant 15 : i32
          %add3A_3539 = arith.addi %mul3A_35, %add3A_3538 : i32
          %get3A_3540 = arith.index_cast %add3A_3539 : i32 to index
          %get3A_3541 = arith.constant 112 : index
          %get3A_3542 = tpu.vector_load %arg8[%get3A_3540, %get3A_3541] {strides = array<i32>} : memref<128x256xf32, #tpu.memory_space<vmem>>, vector<1x16xf32>,
          %get3A_3543 = vector.shape_cast %get3A_3542 : vector<1x16xf32> to vector<16xf32>
          %mul3A_3544 = arith.mulf %get3A_3543, %broadcast_in_dim3A_3439 : vector<16xf32>
          %add3A_3545 = arith.constant 15 : i32
          %add3A_3546 = arith.addi %mul3A_35, %add3A_3545 : i32
          %swap3A_3547 = arith.index_cast %add3A_3546 : i32 to index
          %swap3A_3548 = arith.constant 112 : index
          %swap3A_3549 = tpu.vector_load %arg8[%swap3A_3547, %swap3A_3548] {strides = array<i32>} : memref<128x256xf32, #tpu.memory_space<vmem>>, vector<1x16xf32>,
          %swap3A_3550 = vector.shape_cast %swap3A_3549 : vector<1x16xf32> to vector<16xf32>
          %swap3A_3551 = vector.shape_cast %mul3A_3544 : vector<16xf32> to vector<1x16xf32>
          tpu.vector_store %arg8[%swap3A_3547, %swap3A_3548], %swap3A_3551 {strides = array<i32>} : memref<128x256xf32, #tpu.memory_space<vmem>>, vector<1x16xf32>,
          %add3A_3552 = arith.constant 15 : i32
          %add3A_3553 = arith.addi %mul3A_35, %add3A_3552 : i32
          %get3A_3554 = arith.index_cast %add3A_3553 : i32 to index
          %get3A_3555 = arith.constant 128 : index
          %get3A_3556 = tpu.vector_load %arg8[%get3A_3554, %get3A_3555] {strides = array<i32>} : memref<128x256xf32, #tpu.memory_space<vmem>>, vector<1x16xf32>,
          %get3A_3557 = vector.shape_cast %get3A_3556 : vector<1x16xf32> to vector<16xf32>
          %mul3A_3558 = arith.mulf %get3A_3557, %broadcast_in_dim3A_3439 : vector<16xf32>
          %add3A_3559 = arith.constant 15 : i32
          %add3A_3560 = arith.addi %mul3A_35, %add3A_3559 : i32
          %swap3A_3561 = arith.index_cast %add3A_3560 : i32 to index
          %swap3A_3562 = arith.constant 128 : index
          %swap3A_3563 = tpu.vector_load %arg8[%swap3A_3561, %swap3A_3562] {strides = array<i32>} : memref<128x256xf32, #tpu.memory_space<vmem>>, vector<1x16xf32>,
          %swap3A_3564 = vector.shape_cast %swap3A_3563 : vector<1x16xf32> to vector<16xf32>
          %swap3A_3565 = vector.shape_cast %mul3A_3558 : vector<16xf32> to vector<1x16xf32>
          tpu.vector_store %arg8[%swap3A_3561, %swap3A_3562], %swap3A_3565 {strides = array<i32>} : memref<128x256xf32, #tpu.memory_space<vmem>>, vector<1x16xf32>,
          %add3A_3566 = arith.constant 15 : i32
          %add3A_3567 = arith.addi %mul3A_35, %add3A_3566 : i32
          %get3A_3568 = arith.index_cast %add3A_3567 : i32 to index
          %get3A_3569 = arith.constant 144 : index
          %get3A_3570 = tpu.vector_load %arg8[%get3A_3568, %get3A_3569] {strides = array<i32>} : memref<128x256xf32, #tpu.memory_space<vmem>>, vector<1x16xf32>,
          %get3A_3571 = vector.shape_cast %get3A_3570 : vector<1x16xf32> to vector<16xf32>
          %mul3A_3572 = arith.mulf %get3A_3571, %broadcast_in_dim3A_3439 : vector<16xf32>
          %add3A_3573 = arith.constant 15 : i32
          %add3A_3574 = arith.addi %mul3A_35, %add3A_3573 : i32
          %swap3A_3575 = arith.index_cast %add3A_3574 : i32 to index
          %swap3A_3576 = arith.constant 144 : index
          %swap3A_3577 = tpu.vector_load %arg8[%swap3A_3575, %swap3A_3576] {strides = array<i32>} : memref<128x256xf32, #tpu.memory_space<vmem>>, vector<1x16xf32>,
          %swap3A_3578 = vector.shape_cast %swap3A_3577 : vector<1x16xf32> to vector<16xf32>
          %swap3A_3579 = vector.shape_cast %mul3A_3572 : vector<16xf32> to vector<1x16xf32>
          tpu.vector_store %arg8[%swap3A_3575, %swap3A_3576], %swap3A_3579 {strides = array<i32>} : memref<128x256xf32, #tpu.memory_space<vmem>>, vector<1x16xf32>,
          %add3A_3580 = arith.constant 15 : i32
          %add3A_3581 = arith.addi %mul3A_35, %add3A_3580 : i32
          %get3A_3582 = arith.index_cast %add3A_3581 : i32 to index
          %get3A_3583 = arith.constant 160 : index
          %get3A_3584 = tpu.vector_load %arg8[%get3A_3582, %get3A_3583] {strides = array<i32>} : memref<128x256xf32, #tpu.memory_space<vmem>>, vector<1x16xf32>,
          %get3A_3585 = vector.shape_cast %get3A_3584 : vector<1x16xf32> to vector<16xf32>
          %mul3A_3586 = arith.mulf %get3A_3585, %broadcast_in_dim3A_3439 : vector<16xf32>
          %add3A_3587 = arith.constant 15 : i32
          %add3A_3588 = arith.addi %mul3A_35, %add3A_3587 : i32
          %swap3A_3589 = arith.index_cast %add3A_3588 : i32 to index
          %swap3A_3590 = arith.constant 160 : index
          %swap3A_3591 = tpu.vector_load %arg8[%swap3A_3589, %swap3A_3590] {strides = array<i32>} : memref<128x256xf32, #tpu.memory_space<vmem>>, vector<1x16xf32>,
          %swap3A_3592 = vector.shape_cast %swap3A_3591 : vector<1x16xf32> to vector<16xf32>
          %swap3A_3593 = vector.shape_cast %mul3A_3586 : vector<16xf32> to vector<1x16xf32>
          tpu.vector_store %arg8[%swap3A_3589, %swap3A_3590], %swap3A_3593 {strides = array<i32>} : memref<128x256xf32, #tpu.memory_space<vmem>>, vector<1x16xf32>,
          %add3A_3594 = arith.constant 15 : i32
          %add3A_3595 = arith.addi %mul3A_35, %add3A_3594 : i32
          %get3A_3596 = arith.index_cast %add3A_3595 : i32 to index
          %get3A_3597 = arith.constant 176 : index
          %get3A_3598 = tpu.vector_load %arg8[%get3A_3596, %get3A_3597] {strides = array<i32>} : memref<128x256xf32, #tpu.memory_space<vmem>>, vector<1x16xf32>,
          %get3A_3599 = vector.shape_cast %get3A_3598 : vector<1x16xf32> to vector<16xf32>
          %mul3A_3600 = arith.mulf %get3A_3599, %broadcast_in_dim3A_3439 : vector<16xf32>
          %add3A_3601 = arith.constant 15 : i32
          %add3A_3602 = arith.addi %mul3A_35, %add3A_3601 : i32
          %swap3A_3603 = arith.index_cast %add3A_3602 : i32 to index
          %swap3A_3604 = arith.constant 176 : index
          %swap3A_3605 = tpu.vector_load %arg8[%swap3A_3603, %swap3A_3604] {strides = array<i32>} : memref<128x256xf32, #tpu.memory_space<vmem>>, vector<1x16xf32>,
          %swap3A_3606 = vector.shape_cast %swap3A_3605 : vector<1x16xf32> to vector<16xf32>
          %swap3A_3607 = vector.shape_cast %mul3A_3600 : vector<16xf32> to vector<1x16xf32>
          tpu.vector_store %arg8[%swap3A_3603, %swap3A_3604], %swap3A_3607 {strides = array<i32>} : memref<128x256xf32, #tpu.memory_space<vmem>>, vector<1x16xf32>,
          %add3A_3608 = arith.constant 15 : i32
          %add3A_3609 = arith.addi %mul3A_35, %add3A_3608 : i32
          %get3A_3610 = arith.index_cast %add3A_3609 : i32 to index
          %get3A_3611 = arith.constant 192 : index
          %get3A_3612 = tpu.vector_load %arg8[%get3A_3610, %get3A_3611] {strides = array<i32>} : memref<128x256xf32, #tpu.memory_space<vmem>>, vector<1x16xf32>,
          %get3A_3613 = vector.shape_cast %get3A_3612 : vector<1x16xf32> to vector<16xf32>
          %mul3A_3614 = arith.mulf %get3A_3613, %broadcast_in_dim3A_3439 : vector<16xf32>
          %add3A_3615 = arith.constant 15 : i32
          %add3A_3616 = arith.addi %mul3A_35, %add3A_3615 : i32
          %swap3A_3617 = arith.index_cast %add3A_3616 : i32 to index
          %swap3A_3618 = arith.constant 192 : index
          %swap3A_3619 = tpu.vector_load %arg8[%swap3A_3617, %swap3A_3618] {strides = array<i32>} : memref<128x256xf32, #tpu.memory_space<vmem>>, vector<1x16xf32>,
          %swap3A_3620 = vector.shape_cast %swap3A_3619 : vector<1x16xf32> to vector<16xf32>
          %swap3A_3621 = vector.shape_cast %mul3A_3614 : vector<16xf32> to vector<1x16xf32>
          tpu.vector_store %arg8[%swap3A_3617, %swap3A_3618], %swap3A_3621 {strides = array<i32>} : memref<128x256xf32, #tpu.memory_space<vmem>>, vector<1x16xf32>,
          %add3A_3622 = arith.constant 15 : i32
          %add3A_3623 = arith.addi %mul3A_35, %add3A_3622 : i32
          %get3A_3624 = arith.index_cast %add3A_3623 : i32 to index
          %get3A_3625 = arith.constant 208 : index
          %get3A_3626 = tpu.vector_load %arg8[%get3A_3624, %get3A_3625] {strides = array<i32>} : memref<128x256xf32, #tpu.memory_space<vmem>>, vector<1x16xf32>,
          %get3A_3627 = vector.shape_cast %get3A_3626 : vector<1x16xf32> to vector<16xf32>
          %mul3A_3628 = arith.mulf %get3A_3627, %broadcast_in_dim3A_3439 : vector<16xf32>
          %add3A_3629 = arith.constant 15 : i32
          %add3A_3630 = arith.addi %mul3A_35, %add3A_3629 : i32
          %swap3A_3631 = arith.index_cast %add3A_3630 : i32 to index
          %swap3A_3632 = arith.constant 208 : index
          %swap3A_3633 = tpu.vector_load %arg8[%swap3A_3631, %swap3A_3632] {strides = array<i32>} : memref<128x256xf32, #tpu.memory_space<vmem>>, vector<1x16xf32>,
          %swap3A_3634 = vector.shape_cast %swap3A_3633 : vector<1x16xf32> to vector<16xf32>
          %swap3A_3635 = vector.shape_cast %mul3A_3628 : vector<16xf32> to vector<1x16xf32>
          tpu.vector_store %arg8[%swap3A_3631, %swap3A_3632], %swap3A_3635 {strides = array<i32>} : memref<128x256xf32, #tpu.memory_space<vmem>>, vector<1x16xf32>,
          %add3A_3636 = arith.constant 15 : i32
          %add3A_3637 = arith.addi %mul3A_35, %add3A_3636 : i32
          %get3A_3638 = arith.index_cast %add3A_3637 : i32 to index
          %get3A_3639 = arith.constant 224 : index
          %get3A_3640 = tpu.vector_load %arg8[%get3A_3638, %get3A_3639] {strides = array<i32>} : memref<128x256xf32, #tpu.memory_space<vmem>>, vector<1x16xf32>,
          %get3A_3641 = vector.shape_cast %get3A_3640 : vector<1x16xf32> to vector<16xf32>
          %mul3A_3642 = arith.mulf %get3A_3641, %broadcast_in_dim3A_3439 : vector<16xf32>
          %add3A_3643 = arith.constant 15 : i32
          %add3A_3644 = arith.addi %mul3A_35, %add3A_3643 : i32
          %swap3A_3645 = arith.index_cast %add3A_3644 : i32 to index
          %swap3A_3646 = arith.constant 224 : index
          %swap3A_3647 = tpu.vector_load %arg8[%swap3A_3645, %swap3A_3646] {strides = array<i32>} : memref<128x256xf32, #tpu.memory_space<vmem>>, vector<1x16xf32>,
          %swap3A_3648 = vector.shape_cast %swap3A_3647 : vector<1x16xf32> to vector<16xf32>
          %swap3A_3649 = vector.shape_cast %mul3A_3642 : vector<16xf32> to vector<1x16xf32>
          tpu.vector_store %arg8[%swap3A_3645, %swap3A_3646], %swap3A_3649 {strides = array<i32>} : memref<128x256xf32, #tpu.memory_space<vmem>>, vector<1x16xf32>,
          %add3A_3650 = arith.constant 15 : i32
          %add3A_3651 = arith.addi %mul3A_35, %add3A_3650 : i32
          %get3A_3652 = arith.index_cast %add3A_3651 : i32 to index
          %get3A_3653 = arith.constant 240 : index
          %get3A_3654 = tpu.vector_load %arg8[%get3A_3652, %get3A_3653] {strides = array<i32>} : memref<128x256xf32, #tpu.memory_space<vmem>>, vector<1x16xf32>,
          %get3A_3655 = vector.shape_cast %get3A_3654 : vector<1x16xf32> to vector<16xf32>
          %mul3A_3656 = arith.mulf %get3A_3655, %broadcast_in_dim3A_3439 : vector<16xf32>
          %add3A_3657 = arith.constant 15 : i32
          %add3A_3658 = arith.addi %mul3A_35, %add3A_3657 : i32
          %swap3A_3659 = arith.index_cast %add3A_3658 : i32 to index
          %swap3A_3660 = arith.constant 240 : index
          %swap3A_3661 = tpu.vector_load %arg8[%swap3A_3659, %swap3A_3660] {strides = array<i32>} : memref<128x256xf32, #tpu.memory_space<vmem>>, vector<1x16xf32>,
          %swap3A_3662 = vector.shape_cast %swap3A_3661 : vector<1x16xf32> to vector<16xf32>
          %swap3A_3663 = vector.shape_cast %mul3A_3656 : vector<16xf32> to vector<1x16xf32>
          tpu.vector_store %arg8[%swap3A_3659, %swap3A_3660], %swap3A_3663 {strides = array<i32>} : memref<128x256xf32, #tpu.memory_space<vmem>>, vector<1x16xf32>,
        }
        %scan3A_28 = arith.constant 8 : i32
        "tpu.region"() ({
          %run_scoped3A = tpu.sem_alloc : memref<!tpu.dma_semaphore, #tpu.memory_space<semaphore_mem>>
          %dma_start3A_29 = arith.constant 0 : i32
          %dma_start3A_30 = tpu.memref_slice %arg5[%min3A_14, %dma_start3A_29] : memref<50000x256xf32, #tpu.memory_space<hbm>> -> memref<128x256xf32, #tpu.memory_space<hbm>>
          %dma_start3A_31 = arith.constant 0 : i32
          %dma_start3A_32 = tpu.memref_slice %arg5[%min3A_14, %dma_start3A_31] : memref<50000x256xf32, #tpu.memory_space<hbm>> -> memref<128x256xf32, #tpu.memory_space<hbm>>
          tpu.enqueue_dma source(%arg8 : memref<128x256xf32, #tpu.memory_space<vmem>>) target(%dma_start3A_32 : memref<128x256xf32, #tpu.memory_space<hbm>>) target_semaphore(%run_scoped3A : memref<!tpu.dma_semaphore, #tpu.memory_space<semaphore_mem>>)
          %dma_wait3A_33 = arith.constant 0 : i32
          %dma_wait3A_34 = tpu.memref_slice %arg5[%min3A_14, %dma_wait3A_33] : memref<50000x256xf32, #tpu.memory_space<hbm>> -> memref<128x256xf32, #tpu.memory_space<hbm>>
          %dma_wait3A_35 = arith.constant 0 : i32
          %dma_wait3A_36 = tpu.memref_slice %arg5[%min3A_14, %dma_wait3A_35] : memref<50000x256xf32, #tpu.memory_space<hbm>> -> memref<128x256xf32, #tpu.memory_space<hbm>>
          tpu.wait_dma2 semaphore(%run_scoped3A : memref<!tpu.dma_semaphore, #tpu.memory_space<semaphore_mem>>) src(%arg8 : memref<128x256xf32, #tpu.memory_space<vmem>>) dst(%dma_wait3A_36 : memref<128x256xf32, #tpu.memory_space<hbm>>)
          tpu.yield
        }) : () -> ()
      } else {
      }
    }
    %scan3A_5 = arith.constant 13 : i32
    return
  }
}

</mosaic_0001>

<sc_bundles>
// kernel: kernel.3.cloned.1.call-start
scs
__scs_entry_jumppad:
0x0: {  	(pc) =	sbr.rel $0x88, $3  }
0x1: {  	(tag) =	ssettag $0x0;
	lr =	simm.s32 $0x1  }
0x2: {  	[smem:$0x3F9F] =	sst lr;
	_ =	strace $0xD0000000  }
0x3: {  	_ = 	snop  }
0x4: {  	_ = 	snop  }
0x5: {  	_ = 	snop  }
0x6: {  	_ = 	snop  }
0x7: {  	_ = 	snop  }
__scs_overlays_trampoline_lowered:
0x8: {  	[smem:$0x3FAE] =	sst s0  }
0x9: {  	[smem:$0x3FAF] =	sst s1  }
0xa: {  	[smem:$0x3FB0] =	sst s2  }
0xb: {  	[smem:$0x3FB1] =	sst s3  }
0xc: {  	[smem:$0x3FB2] =	sst s4  }
0xd: {  	[smem:$0x3FB3] =	sst s5  }
0xe: {  	[smem:$0x3FB4] =	sst s6  }
0xf: {  	[smem:$0x3FB5] =	sst s7  }
0x10: {  	[smem:$0x3FB6] =	sst s8  }
0x11: {  	[smem:$0x3FB7] =	sst s9;
	s0 =	simm.s32 @!p0 $0x0  }
0x12: {  	s1 =	sld [smem:$0x3F9D];
	s0 =	simm.s32 @p0 $0x1  }
0x13: {  	[smem:$0x3FB8] =	sst s0;
	s0 =	simm.s32 @!p1 $0x0  }
0x14: {  	s2 =	sld [smem:$0x3F9C];
	s0 =	simm.s32 @p1 $0x1  }
0x15: {  	[smem:$0x3FB9] =	sst s0;
	s0 =	simm.s32 @!p2 $0x0  }
0x16: {  	s3 =	sld [smem:$0x3FDB];
	s0 =	simm.s32 @p2 $0x1  }
0x17: {  	s4 =	simm.s32 $0x1BF5;
	[smem:$0x3FBB] =	sst s0  }
0x18: {  	s0 =	sld [smem:$0x3F9E];
	_ =	swait.ge [sflag:s4], $0x0  }
0x19: {  	s7 =	sld [smem:$0x3F9F]  }
0x1a: {  	s8 =	sadd.s32 $0xFFFFE003, lr  }
0x1b: {  	s9 =	sadd.s32 $0xFFFFFEF7, lr;
	s5 =	simm.s32 $0xFFFFFFFF;
	p2 =	slt.u32 s8, $0xFFFFF086  }
0x1c: {  	p1 =	slt.u32 s9, $0xF7A;
	s5 =	simm.s32 @!p2 $0x0  }
0x1d: {  	s5 =	simm.s32 @p1 $0x1;
	p0 =	seq.s32 s7, s2  }
0x1e: {  	s7 =	smul.u32 @!p0 $0xF7A, s2;
	p2 =	seq.s32 @!p0 s5, $0x0  }
0x1f: {  	s9 =	smul.u32 $0xF7A, s1;
	s8 =	simm.s32 @!p0 $0x1BF5;
	p2 =	por !p2, p0  }
0x20: {  	[sflag:s8] =	ssyncset.s32 @!p0 $0xFFFFF086;
	s6 =	sadd.s32 @!p0 s3, s7;
	s7 =	simm.s32 @!p0 $0x108  }
0x21: {  	s3 =	sadd.s32 s3, s9;
	s6 =	sadd.s32 @!p0 $0x88, s6;
	s7 =	simm.s32 @p2 $0x1082  }
0x22: {  	[simem:s7], [sflag:s8] =	dma.local @!p0 [hbm:s6], $0xF7A  }
0x23: {  	s9 =	sor.u32 $0xD0000000, s2;
	s6 =	simm.s32 $0x108;
	_ =	swait.ge @!p0 [sflag:s8], $0x0  }
0x24: {  	s3 =	sadd.s32 $0x88, s3;
	s6 =	simm.s32 @!p1 $0x1082;
	[sflag:s4] =	ssyncset.s32 $0xFFFFF086  }
0x25: {  	[simem:s6], [sflag:s4] =	dma.local [hbm:s3], $0xF7A  }
0x26: {  	[smem:$0x3F9F] =	sst s1;
	(tag) =	ssettag s2;
	_ =	strace s9  }
0x27: {  	s1 =	sld [smem:$0x3FAF]  }
0x28: {  	s2 =	sld [smem:$0x3FB0]  }
0x29: {  	s4 =	sld [smem:$0x3FB2]  }
0x2a: {  	p0 =	seq.s32 s5, $0x0;
	s5 =	sld [smem:$0x3FB3]  }
0x2b: {  	s6 =	sld [smem:$0x3FB4]  }
0x2c: {  	s7 =	sld [smem:$0x3FB5]  }
0x2d: {  	s3 =	simm.s32 $0x108;
	s8 =	sld [smem:$0x3FB6]  }
0x2e: {  	s3 =	simm.s32 @!p0 $0x1082;
	s9 =	sld [smem:$0x3FB7]  }
0x2f: {  	lr =	sadd.s32 s0, s3;
	s0 =	sld [smem:$0x3FAE]  }
0x30: {  	s3 =	sld [smem:$0x3FB1]  }
0x31: {  	[smem:$0x3FBA] =	sst s10  }
0x32: {  	s10 =	sld [smem:$0x3FB8];
	_ =	sdelay $0x3  }
0x33: {  	p0 =	seq.s32 s10, $0x1;
	s10 =	sld [smem:$0x3FBA];
	_ =	sdelay $0x3  }
0x34: {  	[smem:$0x3FBA] =	sst s10  }
0x35: {  	s10 =	sld [smem:$0x3FB9];
	_ =	sdelay $0x3  }
0x36: {  	p1 =	seq.s32 s10, $0x1;
	s10 =	sld [smem:$0x3FBA];
	_ =	sdelay $0x3  }
0x37: {  	[smem:$0x3FBA] =	sst s10  }
0x38: {  	s10 =	sld [smem:$0x3FBB]  }
0x39: {  	_ = 	snop;
	(pc) =	sbr.ind lr, $3  }
0x3a: {  	_ = 	snop  }
0x3b: {  	_ = 	snop  }
0x3c: {  	p2 =	seq.s32 s10, $0x1;
	s10 =	sld [smem:$0x3FBA]  }
0x3d: {  	_ =	shalt  }
0x3e: {  	_ =	shalt  }
0x3f: {  	_ =	shalt  }
0x40: {  	_ =	shalt  }
0x41: {  	_ =	shalt  }
0x42: {  	_ =	shalt  }
0x43: {  	_ =	shalt  }
0x44: {  	_ =	shalt  }
0x45: {  	_ =	shalt  }
0x46: {  	_ =	shalt  }
0x47: {  	_ =	shalt  }
0x48: {  	_ =	shalt  }
0x49: {  	_ =	shalt  }
0x4a: {  	_ =	shalt  }
0x4b: {  	_ =	shalt  }
0x4c: {  	_ =	shalt  }
0x4d: {  	_ =	shalt  }
0x4e: {  	_ =	shalt  }
0x4f: {  	_ =	shalt  }
0x50: {  	_ =	shalt  }
0x51: {  	_ =	shalt  }
0x52: {  	_ =	shalt  }
0x53: {  	_ =	shalt  }
0x54: {  	_ =	shalt  }
0x55: {  	_ =	shalt  }
0x56: {  	_ =	shalt  }
0x57: {  	_ =	shalt  }
0x58: {  	_ =	shalt  }
0x59: {  	_ =	shalt  }
0x5a: {  	_ =	shalt  }
0x5b: {  	_ =	shalt  }
0x5c: {  	_ =	shalt  }
0x5d: {  	_ =	shalt  }
0x5e: {  	_ =	shalt  }
0x5f: {  	_ =	shalt  }
0x60: {  	_ =	shalt  }
0x61: {  	_ =	shalt  }
0x62: {  	_ =	shalt  }
0x63: {  	_ =	shalt  }
0x64: {  	_ =	shalt  }
0x65: {  	_ =	shalt  }
0x66: {  	_ =	shalt  }
0x67: {  	_ =	shalt  }
0x68: {  	_ =	shalt  }
0x69: {  	_ =	shalt  }
0x6a: {  	_ =	shalt  }
0x6b: {  	_ =	shalt  }
0x6c: {  	_ =	shalt  }
0x6d: {  	_ =	shalt  }
0x6e: {  	_ =	shalt  }
0x6f: {  	_ =	shalt  }
0x70: {  	_ =	shalt  }
0x71: {  	_ =	shalt  }
0x72: {  	_ =	shalt  }
0x73: {  	_ =	shalt  }
0x74: {  	_ =	shalt  }
0x75: {  	_ =	shalt  }
0x76: {  	_ =	shalt  }
0x77: {  	_ =	shalt  }
0x78: {  	_ =	shalt  }
0x79: {  	_ =	shalt  }
0x7a: {  	_ =	shalt  }
0x7b: {  	_ =	shalt  }
0x7c: {  	_ =	shalt  }
0x7d: {  	_ =	shalt  }
0x7e: {  	_ =	shalt  }
0x7f: {  	_ =	shalt  }
0x80: {  	_ =	shalt  }
0x81: {  	_ =	shalt  }
0x82: {  	_ =	shalt  }
0x83: {  	_ =	shalt  }
0x84: {  	_ =	shalt  }
0x85: {  	_ =	shalt  }
0x86: {  	_ =	shalt  }
0x87: {  	_ =	shalt  }
.Lfunc_end0:
.L_simem_size_0:
called_computation_lowered:
.L_overlay_start_0:
0x88: {  	s2 =	sld [smem:$0x3FD9]  }
0x89: {  	s3 =	sld [smem:$0x3FFE];
	_ =	sdelay $0x1  }
0x8a: {  	s1 =	srdreg.scid  }
0x8b: {  	s0 =	sand.u32 $0x1, s1  }
0x8c: {  	s17 =	sshll.u32 s0, $0xA;
	s2 =	sadd.s32 s3, s2  }
0x8d: {  	s2 =	sadd.s32 s2, s17  }
0x8e: {  	[smem:$0x3FC6] =	sst s2  }
0x8f: {  	_ = 	snop  }
0x90: {  	s2 =	sld [smem:$0x3FC9]  }
0x91: {  	s18 =	sld [smem:$0x3FC8]  }
0x92: {  	s4 =	sld [smem:$0x3FD0];
	(tm) =	ssettm $0x1  }
0x93: {  	s5 =	sld [smem:$0x3FFB];
	_ =	sdelay $0x3  }
0x94: {  	_ =	strace s5  }
0x95: {  	s5 =	sld [smem:$0x3FFC];
	_ =	sdelay $0x3  }
0x96: {  	_ =	strace s5  }
0x97: {  	s5 =	sld [smem:$0x3FFD];
	_ =	sdelay $0x3  }
0x98: {  	_ =	strace s5  }
0x99: {  	_ =	strace $0x8FFFFFFF  }
0x9a: {  	s19 =	sld [smem:$0x3FDB];
	_ =	sdelay $0x1  }
0x9b: {  	s6 =	simm.s32 $_scs_section_size  }
0x9c: {  	s7 =	simm.s32 $_size__tile_overlayer_lowered;
	s8 =	simm.s32 $_tile_overlayer_lowered  }
0x9d: {  	s22 =	simm.s32 $0x1BFF;
	s21 =	sshll.u32 s8, $0x1;
	s5 =	sadd.s32 s6, s19  }
0x9e: {  	s9 =	simm.s32 $0x0;
	s20 =	sshll.u32 s7, $0x1;
	s7 =	sadd.s32 s21, s5  }
0x9f: {  	[timem:s9], [sflag:s22] =	dma.local [hbm:s7], s20  }
0xa0: {  	_ =	swait.ge [sflag:s22], s20  }
0xa1: {  	s6 =	ssub.s32 $0x0, s20;
	[sflag:s22] =	ssyncset.done $0x0  }
0xa2: {  	[sflag:s22] =	ssyncadd.s32 s6;
	_ =	sdelay $0x1  }
0xa3: {  	s23 =	simm.s32 $0x1B8B  }
0xa4: {  	_ =	swait.ge [sflag:s23], $0x1  }
0xa5: {  	[sflag:s23] =	ssyncset.done $0x0  }
0xa6: {  	s25 =	simm.s32 $0x1B8E;
	s24 =	sld [smem:$0x3FFE];
	[sflag:s23] =	ssyncadd.s32 $0xFFFFFFFF  }
0xa7: {  	s26 =	simm.s32 $execute0_lowered;
	[smem:$0x3FD2] =	sst s25  }
0xa8: {  	s7 =	sshll.u32 s26, $0x1;
	_ =	strace $0x80000046;
	[dreg:$0x1] =	wrdreg $0xFFFFFFFF  }
0xa9: {  	s28 =	simm.s32 $_size_execute0_lowered;
	s5 =	sadd.s32 s5, s7;
	[dreg:$0x0] =	wrdreg $0x0  }
0xaa: {  	s7 =	sshll.u32 s28, $0x1;
	[dreg:$0x2] =	wrdreg s5  }
0xab: {  	[dreg:$0x3] =	wrdreg s7  }
0xac: {  	[dreg:$0x4] =	wrdreg $0xC0  }
0xad: {  	_ =	task [dreg:s9], $0x5FFFF  }
0xae: {  	[dreg:$0x1] =	wrdreg $0xFFFFFFFF  }
0xaf: {  	[dreg:$0x0] =	wrdreg $0x60  }
0xb0: {  	[dreg:$0x2] =	wrdreg s24  }
0xb1: {  	[dreg:$0x3] =	wrdreg s2  }
0xb2: {  	[dreg:$0x4] =	wrdreg s18  }
0xb3: {  	[dreg:$0x5] =	wrdreg s4  }
0xb4: {  	[dreg:$0x6] =	wrdreg $0x9  }
0xb5: {  	_ =	task.clear_ibuf [dreg:s9], $0x7FFFF;
	_ =	strace $0x90000046  }
0xb6: {  	s29 =	simm.s32 $0x9;
	_ =	strace $0x80000048  }
0xb7: {  	_ =	swait.ge [sflag:s29], $0x1  }
0xb8: {  	[sflag:s29] =	ssyncadd.s32 $0xFFFFFFFF  }
0xb9: {  	_ =	strace $0x90000048  }
0xba: {  	_ =	sfence  }
0xbb: {  	s30 =	sld [smem:$0x0];
	_ =	sdelay $0x2  }
0xbc: {  	s31 =	sshll.u32 s1, $0xD;
	s1 =	sshrl.u32 s1, $0x2  }
0xbd: {  	s3 =	sand.u32 $0x4000, s31;
	s1 =	sadd.s32 s1, s30  }
0xbe: {  	s0 =	sor.u32 s3, s0;
	s1 =	sshll.u32 s1, $0x11  }
0xbf: {  	s0 =	sor.u32 s1, s0  }
0xc0: {  	s0 =	sadd.s32 $0x8F2B, s0  }
0xc1: {  	[sflag:s0] =	ssyncadd.remote.s32 $0x1  }
0xc2: {  	_ =	sfence.sel $0xFFFF  }
0xc3: {  	[dreg:$0x0] =	wrdreg $0xFFFFFFFF;
	(pc) =	sbr.abs _section_cstart, $3  }
0xc4: {  	[dreg:$0x1] =	wrdreg $0xFFFFFFFF  }
0xc5: {  	_ =	task.clear_ibuf [dreg:s9], $0x2FFFF;
	_ =	strace $0x9FFFFFFF  }
0xc6: {  	(tm) =	ssettm $0x7FFFFFFF  }
0xc7: {  	_ =	shalt  }
tec
execute0_lowered:
.L_overlay_start_1:
0x0: {  	(tag) =	ssettag $0x1  }
0x1: {  	s0 =	rddreg [dreg:$0x0]  }
0x2: {  	s3 =	rddreg [dreg:$0x3]  }
0x3: {  	s1 =	srdreg.scid;
	s4 =	simm.s32 $0x0;
	s2 =	stileid.u32  }
0x4: {  	s10 =	simm.s32 $0x4;
	s11 =	simm.s32 $0x100;
	s12 =	simm.s32 $0x900  }
0x5: {  	s13 =	simm.s32 $0x1100;
	s14 =	simm.s32 $0x1900;
	s15 =	simm.s32 $0x2100  }
0x6: {  	s16 =	simm.s32 $0x2900;
	s17 =	simm.s32 $0x3100;
	s18 =	simm.s32 $0x3900  }
0x7: {  	s19 =	simm.s32 $0x4100;
	s20 =	simm.s32 $0x4900;
	s21 =	simm.s32 $0x5100  }
0x8: {  	s22 =	simm.s32 $0x5900;
	s23 =	simm.s32 $0x6100;
	s24 =	simm.s32 $0x6900  }
0x9: {  	s25 =	simm.s32 $0x7100;
	s28 =	simm.s32 $0x80;
	s5 =	sand.u32 $0x1, s1  }
.Ltmp0:
0xa: {  	s29 =	simm.s32 $0x2;
	s1 =	ssub.s32 $0x2, s5;
	(pc) =	sbr.rel .LBB2_1-.Ltmp0, $4  }
0xb: {  	s30 =	simm.s32 $0x1;
	s31 =	simm.s32 $0x3;
	s6 =	sshrl.u32 s1, $0x1  }
0xc: {  	v2 =	vlaneseq.u32;
	[smem:$0x7FF] =	sst s4;
	s7 =	sadd.s32 $0x600, s0;
	s26 =	ssub.s32 s1, s6  }
0xd: {  	vm0 =	vmmov $0xffff;
	s8 =	sshll.u32 s2, $0x1;
	v1 =	vshrl.u32 v2, $0x3;
	_ =	strace $0x80000047;
	s0 =	smax.u32 s26, $0x1  }
0xe: {  	v0 =	vand.u32 $0x7, v2;
	v2 =	vor.u32 $0x8, v2;
	v1 =	vmul.u32 $0x8, v1;
	s1 =	simm.s32 $0x0;
	s26 =	simm.s32 $0x7900;
	[dreg:$0x5] =	wrdreg s0  }
.LBB2_7:
0xf: {  	s1 =	rddreg [dreg:$0x6]  }
0x10: {  	s0 =	rddreg [dreg:$0x5];
	s1 =	sadd.s32 $0x1, s1  }
0x11: {  	p0 =	sne.s32 s1, s0  }
.Ltmp1:
0x12: {  	_ = 	snop;
	(pc) =	sbr.rel @!p0 .LBB2_8-.Ltmp1, $1  }
0x13: {  	_ =	sdelay $0x3  }
.LBB2_1:
.Ltmp2:
0x14: {  	(pc) =	sbr.rel .LBB2_2-.Ltmp2, $2  }
0x15: {  	_ =	sdelay $0x2  }
0x16: {  	[dreg:$0x6] =	wrdreg s1;
	s6 =	simm.s32 $0x0  }
.LBB2_6:
0x17: {  	s6 =	sadd.s32 $0x1, s6  }
0x18: {  	p0 =	sne.s32 s6, $0xD  }
.Ltmp3:
0x19: {  	_ = 	snop;
	(pc) =	sbr.rel @!p0 .LBB2_7-.Ltmp3, $1  }
0x1a: {  	_ =	sdelay $0x3  }
.LBB2_2:
0x1b: {  	s0 =	sshll.u32 s6, $0x5  }
0x1c: {  	s0 =	sor.u32 s0, s8  }
0x1d: {  	s0 =	sor.u32 s5, s0  }
0x1e: {  	p0 =	sgt.u32 s0, $0x186  }
.Ltmp4:
0x1f: {  	_ = 	snop;
	(pc) =	sbr.rel @p0 .LBB2_6-.Ltmp4, $1  }
0x20: {  	_ =	sdelay $0x3  }
0x21: {  	s0 =	sshll.u32 s0, $0x7  }
0x22: {  	s9 =	smin.u32 s0, $0xC2D0  }
0x23: {  	s1 =	rddreg [dreg:$0x1];
	s0 =	sshrl.u32 s9, $0x3  }
0x24: {  	s1 =	sadd.s32 s1, s0;
	s0 =	simm.s32 $0x0  }
0x25: {  	[tilespmem:s0], [sflag:$0x4] =	stream.linear.gather [hbm4b:s1+s0], $0x80, $0x38;
	[tilespmem:$0x8100] =	vst v63  }
0x26: {  	_ =	swait.ge [sflag:s10], $0x80  }
0x27: {  	[sflag:s10] =	ssyncset.done $0x0  }
0x28: {  	[sflag:s10] =	ssyncadd.s32 $0xFFFFFF80  }
0x29: {  	v3 =	vld [tilespmem:$0x0];
	_ =	sdelay $0x4  }
0x2a: {  	v4 =	vshll.u32 v3, $0x1  }
0x2b: {  	v3 =	vand.u32 $0x7, v3;
	v4 =	vand.u32 $0xFFFFFFF0, v4  }
0x2c: {  	v3 =	vor.u32 v3, v4  }
0x2d: {  	v4 =	vperm.xlane v3, v0;
	_ =	sdelay $0x1  }
0x2e: {  	v3 =	vperm.xlane v3, v2;
	v4 =	vadd.s32 v1, v4;
	_ =	sdelay $0x1  }
0x2f: {  	v3 =	vadd.s32 v1, v3;
	_ =	sdelay $0x2  }
0x30: {  	[tilespmem:s11], [sflag:$0x1] =	stream.indirect_vreg.gather [hbm4b:s7+s0], $0x80, v4, vm0, $0xb8;
	[tilespmem:$0x8100] =	vst v63  }
0x31: {  	_ = 	snop  }
0x32: {  	[tilespmem:s12], [sflag:$0x1] =	stream.indirect_vreg.gather [hbm4b:s7+s0], $0x80, v3, vm0, $0xb8;
	[tilespmem:$0x8100] =	vst v63  }
0x33: {  	v3 =	vld [tilespmem:$0x10];
	_ =	sdelay $0x4  }
0x34: {  	v4 =	vshll.u32 v3, $0x1  }
0x35: {  	v3 =	vand.u32 $0x7, v3;
	v4 =	vand.u32 $0xFFFFFFF0, v4  }
0x36: {  	v3 =	vor.u32 v3, v4  }
0x37: {  	v4 =	vperm.xlane v3, v0;
	_ =	sdelay $0x1  }
0x38: {  	v3 =	vperm.xlane v3, v2;
	v4 =	vadd.s32 v1, v4;
	_ =	sdelay $0x1  }
0x39: {  	v3 =	vadd.s32 v1, v3;
	_ =	sdelay $0x2  }
0x3a: {  	[tilespmem:s13], [sflag:$0x1] =	stream.indirect_vreg.gather [hbm4b:s7+s0], $0x80, v4, vm0, $0xb8;
	[tilespmem:$0x8100] =	vst v63  }
0x3b: {  	_ = 	snop  }
0x3c: {  	[tilespmem:s14], [sflag:$0x1] =	stream.indirect_vreg.gather [hbm4b:s7+s0], $0x80, v3, vm0, $0xb8;
	[tilespmem:$0x8100] =	vst v63  }
0x3d: {  	v3 =	vld [tilespmem:$0x20];
	_ =	sdelay $0x4  }
0x3e: {  	v4 =	vshll.u32 v3, $0x1  }
0x3f: {  	v3 =	vand.u32 $0x7, v3;
	v4 =	vand.u32 $0xFFFFFFF0, v4  }
0x40: {  	v3 =	vor.u32 v3, v4  }
0x41: {  	v4 =	vperm.xlane v3, v0;
	_ =	sdelay $0x1  }
0x42: {  	v3 =	vperm.xlane v3, v2;
	v4 =	vadd.s32 v1, v4;
	_ =	sdelay $0x1  }
0x43: {  	v3 =	vadd.s32 v1, v3;
	_ =	sdelay $0x2  }
0x44: {  	[tilespmem:s15], [sflag:$0x1] =	stream.indirect_vreg.gather [hbm4b:s7+s0], $0x80, v4, vm0, $0xb8;
	[tilespmem:$0x8100] =	vst v63  }
0x45: {  	_ = 	snop  }
0x46: {  	[tilespmem:s16], [sflag:$0x1] =	stream.indirect_vreg.gather [hbm4b:s7+s0], $0x80, v3, vm0, $0xb8;
	[tilespmem:$0x8100] =	vst v63  }
0x47: {  	v3 =	vld [tilespmem:$0x30];
	_ =	sdelay $0x4  }
0x48: {  	v4 =	vshll.u32 v3, $0x1  }
0x49: {  	v3 =	vand.u32 $0x7, v3;
	v4 =	vand.u32 $0xFFFFFFF0, v4  }
0x4a: {  	v3 =	vor.u32 v3, v4  }
0x4b: {  	v4 =	vperm.xlane v3, v0;
	_ =	sdelay $0x1  }
0x4c: {  	v3 =	vperm.xlane v3, v2;
	v4 =	vadd.s32 v1, v4;
	_ =	sdelay $0x1  }
0x4d: {  	v3 =	vadd.s32 v1, v3;
	_ =	sdelay $0x2  }
0x4e: {  	[tilespmem:s17], [sflag:$0x1] =	stream.indirect_vreg.gather [hbm4b:s7+s0], $0x80, v4, vm0, $0xb8;
	[tilespmem:$0x8100] =	vst v63  }
0x4f: {  	_ = 	snop  }
0x50: {  	[tilespmem:s18], [sflag:$0x1] =	stream.indirect_vreg.gather [hbm4b:s7+s0], $0x80, v3, vm0, $0xb8;
	[tilespmem:$0x8100] =	vst v63  }
0x51: {  	v3 =	vld [tilespmem:$0x40];
	_ =	sdelay $0x4  }
0x52: {  	v4 =	vshll.u32 v3, $0x1  }
0x53: {  	v3 =	vand.u32 $0x7, v3;
	v4 =	vand.u32 $0xFFFFFFF0, v4  }
0x54: {  	v3 =	vor.u32 v3, v4  }
0x55: {  	v4 =	vperm.xlane v3, v0;
	_ =	sdelay $0x1  }
0x56: {  	v3 =	vperm.xlane v3, v2;
	v4 =	vadd.s32 v1, v4;
	_ =	sdelay $0x1  }
0x57: {  	v3 =	vadd.s32 v1, v3;
	_ =	sdelay $0x2  }
0x58: {  	[tilespmem:s19], [sflag:$0x1] =	stream.indirect_vreg.gather [hbm4b:s7+s0], $0x80, v4, vm0, $0xb8;
	[tilespmem:$0x8100] =	vst v63  }
0x59: {  	_ = 	snop  }
0x5a: {  	[tilespmem:s20], [sflag:$0x1] =	stream.indirect_vreg.gather [hbm4b:s7+s0], $0x80, v3, vm0, $0xb8;
	[tilespmem:$0x8100] =	vst v63  }
0x5b: {  	v3 =	vld [tilespmem:$0x50];
	_ =	sdelay $0x4  }
0x5c: {  	v4 =	vshll.u32 v3, $0x1  }
0x5d: {  	v3 =	vand.u32 $0x7, v3;
	v4 =	vand.u32 $0xFFFFFFF0, v4  }
0x5e: {  	v3 =	vor.u32 v3, v4  }
0x5f: {  	v4 =	vperm.xlane v3, v0;
	_ =	sdelay $0x1  }
0x60: {  	v3 =	vperm.xlane v3, v2;
	v4 =	vadd.s32 v1, v4;
	_ =	sdelay $0x1  }
0x61: {  	v3 =	vadd.s32 v1, v3;
	_ =	sdelay $0x2  }
0x62: {  	[tilespmem:s21], [sflag:$0x1] =	stream.indirect_vreg.gather [hbm4b:s7+s0], $0x80, v4, vm0, $0xb8;
	[tilespmem:$0x8100] =	vst v63  }
0x63: {  	_ = 	snop  }
0x64: {  	[tilespmem:s22], [sflag:$0x1] =	stream.indirect_vreg.gather [hbm4b:s7+s0], $0x80, v3, vm0, $0xb8;
	[tilespmem:$0x8100] =	vst v63  }
0x65: {  	v3 =	vld [tilespmem:$0x60];
	_ =	sdelay $0x4  }
0x66: {  	v4 =	vshll.u32 v3, $0x1  }
0x67: {  	v3 =	vand.u32 $0x7, v3;
	v4 =	vand.u32 $0xFFFFFFF0, v4  }
0x68: {  	v3 =	vor.u32 v3, v4  }
0x69: {  	v4 =	vperm.xlane v3, v0;
	_ =	sdelay $0x1  }
0x6a: {  	v3 =	vperm.xlane v3, v2;
	v4 =	vadd.s32 v1, v4;
	_ =	sdelay $0x1  }
0x6b: {  	v3 =	vadd.s32 v1, v3;
	_ =	sdelay $0x2  }
0x6c: {  	[tilespmem:s23], [sflag:$0x1] =	stream.indirect_vreg.gather [hbm4b:s7+s0], $0x80, v4, vm0, $0xb8;
	[tilespmem:$0x8100] =	vst v63  }
0x6d: {  	_ = 	snop  }
0x6e: {  	[tilespmem:s24], [sflag:$0x1] =	stream.indirect_vreg.gather [hbm4b:s7+s0], $0x80, v3, vm0, $0xb8;
	[tilespmem:$0x8100] =	vst v63  }
0x6f: {  	v3 =	vld [tilespmem:$0x70];
	_ =	sdelay $0x4  }
0x70: {  	v4 =	vshll.u32 v3, $0x1  }
0x71: {  	v3 =	vand.u32 $0x7, v3;
	v4 =	vand.u32 $0xFFFFFFF0, v4  }
0x72: {  	v3 =	vor.u32 v3, v4  }
0x73: {  	v4 =	vperm.xlane v3, v0;
	_ =	sdelay $0x1  }
0x74: {  	v3 =	vperm.xlane v3, v2;
	v4 =	vadd.s32 v1, v4;
	_ =	sdelay $0x1  }
0x75: {  	v3 =	vadd.s32 v1, v3;
	_ =	sdelay $0x2  }
0x76: {  	[tilespmem:s25], [sflag:$0x1] =	stream.indirect_vreg.gather [hbm4b:s7+s0], $0x80, v4, vm0, $0xb8;
	[tilespmem:$0x8100] =	vst v63  }
0x77: {  	_ = 	snop  }
0x78: {  	[tilespmem:s26], [sflag:$0x1] =	stream.indirect_vreg.gather [hbm4b:s7+s0], $0x80, v3, vm0, $0xb8;
	[tilespmem:$0x8100] =	vst v63  }
0x79: {  	s2 =	rddreg [dreg:$0x2]  }
0x7a: {  	[tilespmem:s28], [sflag:$0x2] =	stream.indirect.gather [hbm4b:s2+s28], $0x1, s0, s28, $0xb8;
	[tilespmem:$0x8100] =	vst v63  }
0x7b: {  	_ =	swait.ge [sflag:s29], $0x80  }
0x7c: {  	[sflag:s29] =	ssyncset.done $0x0  }
0x7d: {  	[sflag:s29] =	ssyncadd.s32 $0xFFFFFF80  }
0x7e: {  	_ =	swait.ge [sflag:s30], $0x8000  }
0x7f: {  	s1 =	simm.s32 $0x0;
	[sflag:s30] =	ssyncset.done $0x0  }
0x80: {  	s0 =	sand.u32 $0x3FFFFFF0, s1;
	[sflag:s30] =	ssyncadd.s32 $0xFFFF8000  }
0x81: {  	s2 =	simm.s32 $0x0;
	v3 =	vld [tilespmem:s0+$0x80]  }
0x82: {  	s0 =	sand.u32 $0x3FFFF000, s2  }
0x83: {  	v7 =	vld [tilespmem:s0+$0x100]  }
0x84: {  	v6 =	vld [tilespmem:s0+$0x110]  }
0x85: {  	s1 =	simm.s32 $0x1;
	v4 =	vld [tilespmem:s0+$0x120]  }
.LBB2_4:
0x86: {  	p0 =	sne.s32 s1, $0x7;
	v16 =	vbroadcast v3, $0x0;
	v5 =	vld [tilespmem:s0+$0x130];
	v18 =	vbroadcast v3, $0xE  }
0x87: {  	v15 =	vbroadcast v3, $0x1;
	v17 =	vbroadcast v3, $0xF;
	v8 =	vld [tilespmem:s0+$0x140]  }
0x88: {  	v14 =	vbroadcast v3, $0x2;
	v7 =	vmul.f32 v16, v7;
	v9 =	vld [tilespmem:s0+$0x150]  }
0x89: {  	v13 =	vbroadcast v3, $0x3;
	v6 =	vmul.f32 v6, v16  }
0x8a: {  	v12 =	vbroadcast v3, $0x4;
	[tilespmem:s0+$0x100] =	vst v7;
	v4 =	vmul.f32 v4, v16  }
0x8b: {  	v11 =	vbroadcast v3, $0x5;
	[tilespmem:s0+$0x110] =	vst v6;
	v5 =	vmul.f32 v5, v16  }
0x8c: {  	v10 =	vbroadcast v3, $0x6;
	[tilespmem:s0+$0x120] =	vst v4;
	v4 =	vmul.f32 v8, v16  }
0x8d: {  	[tilespmem:s0+$0x130] =	vst v5;
	v5 =	vmul.f32 v9, v16;
	v9 =	vbroadcast v3, $0x7  }
0x8e: {  	v7 =	vbroadcast v3, $0x9;
	v8 =	vbroadcast v3, $0x8;
	[tilespmem:s0+$0x140] =	vst v4  }
0x8f: {  	v6 =	vbroadcast v3, $0xA;
	[tilespmem:s0+$0x150] =	vst v5;
	v5 =	vbroadcast v3, $0xB  }
0x90: {  	v4 =	vbroadcast v3, $0xC;
	v19 =	vld [tilespmem:s0+$0x160]  }
0x91: {  	v20 =	vld [tilespmem:s0+$0xF90]  }
0x92: {  	v21 =	vld [tilespmem:s0+$0xFA0]  }
0x93: {  	v22 =	vld [tilespmem:s0+$0xFB0]  }
0x94: {  	v3 =	vbroadcast v3, $0xD;
	v23 =	vld [tilespmem:s0+$0xFC0]  }
0x95: {  	v19 =	vmul.f32 v19, v16;
	v24 =	vld [tilespmem:s0+$0xFD0]  }
0x96: {  	v20 =	vmul.f32 v20, v3;
	v25 =	vld [tilespmem:s0+$0xFE0]  }
0x97: {  	[tilespmem:s0+$0x160] =	vst v19;
	v19 =	vmul.f32 v21, v3;
	v21 =	vld [tilespmem:s0+$0xFF0]  }
0x98: {  	[tilespmem:s0+$0xF90] =	vst v20;
	v20 =	vmul.f32 v22, v3;
	v22 =	vld [tilespmem:s0+$0xC00]  }
0x99: {  	[tilespmem:s0+$0xFA0] =	vst v19;
	v19 =	vmul.f32 v23, v3;
	v23 =	vld [tilespmem:s0+$0xC10]  }
0x9a: {  	[tilespmem:s0+$0xFB0] =	vst v20;
	v20 =	vmul.f32 v24, v3;
	v24 =	vld [tilespmem:s0+$0xC20]  }
0x9b: {  	[tilespmem:s0+$0xFC0] =	vst v19;
	v19 =	vmul.f32 v25, v3;
	v25 =	vld [tilespmem:s0+$0xC30]  }
0x9c: {  	[tilespmem:s0+$0xFD0] =	vst v20;
	v20 =	vmul.f32 v21, v3;
	v21 =	vld [tilespmem:s0+$0xC40]  }
0x9d: {  	[tilespmem:s0+$0xFE0] =	vst v19;
	v19 =	vmul.f32 v22, v18;
	v22 =	vld [tilespmem:s0+$0xC50]  }
0x9e: {  	[tilespmem:s0+$0xFF0] =	vst v20;
	v20 =	vmul.f32 v23, v18;
	v23 =	vld [tilespmem:s0+$0xC60]  }
0x9f: {  	[tilespmem:s0+$0xC00] =	vst v19;
	v19 =	vmul.f32 v24, v18;
	v24 =	vld [tilespmem:s0+$0xC70]  }
0xa0: {  	[tilespmem:s0+$0xC10] =	vst v20;
	v20 =	vmul.f32 v25, v18;
	v25 =	vld [tilespmem:s0+$0x1000]  }
0xa1: {  	[tilespmem:s0+$0xC20] =	vst v19;
	v19 =	vmul.f32 v21, v18;
	v21 =	vld [tilespmem:s0+$0x1010]  }
0xa2: {  	[tilespmem:s0+$0xC30] =	vst v20;
	v20 =	vmul.f32 v22, v18;
	v22 =	vld [tilespmem:s0+$0x1020]  }
0xa3: {  	[tilespmem:s0+$0xC40] =	vst v19;
	v19 =	vmul.f32 v23, v18;
	v23 =	vld [tilespmem:s0+$0x1030]  }
0xa4: {  	[tilespmem:s0+$0xC50] =	vst v20;
	v20 =	vmul.f32 v24, v18;
	v24 =	vld [tilespmem:s0+$0x1040]  }
0xa5: {  	[tilespmem:s0+$0xC60] =	vst v19;
	v19 =	vmul.f32 v25, v18;
	v25 =	vld [tilespmem:s0+$0x1050]  }
0xa6: {  	[tilespmem:s0+$0xC70] =	vst v20;
	v20 =	vmul.f32 v21, v18;
	v21 =	vld [tilespmem:s0+$0x1060]  }
0xa7: {  	[tilespmem:s0+$0x1000] =	vst v19;
	v19 =	vmul.f32 v22, v18;
	v22 =	vld [tilespmem:s0+$0x1070]  }
0xa8: {  	[tilespmem:s0+$0x1010] =	vst v20;
	v20 =	vmul.f32 v23, v18;
	v23 =	vld [tilespmem:s0+$0xC80]  }
0xa9: {  	[tilespmem:s0+$0x1020] =	vst v19;
	v19 =	vmul.f32 v24, v18;
	v24 =	vld [tilespmem:s0+$0xC90]  }
0xaa: {  	[tilespmem:s0+$0x1030] =	vst v20;
	v20 =	vmul.f32 v25, v18;
	v25 =	vld [tilespmem:s0+$0xCA0]  }
0xab: {  	[tilespmem:s0+$0x1040] =	vst v19;
	v19 =	vmul.f32 v21, v18;
	v21 =	vld [tilespmem:s0+$0xCB0]  }
0xac: {  	[tilespmem:s0+$0x1050] =	vst v20;
	v18 =	vmul.f32 v22, v18;
	v20 =	vld [tilespmem:s0+$0xCC0]  }
0xad: {  	[tilespmem:s0+$0x1060] =	vst v19;
	v19 =	vmul.f32 v23, v17;
	v22 =	vld [tilespmem:s0+$0xCD0]  }
0xae: {  	[tilespmem:s0+$0x1070] =	vst v18;
	v18 =	vmul.f32 v24, v17;
	v23 =	vld [tilespmem:s0+$0xCE0]  }
0xaf: {  	[tilespmem:s0+$0xC80] =	vst v19;
	v19 =	vmul.f32 v25, v17;
	v24 =	vld [tilespmem:s0+$0xCF0]  }
0xb0: {  	[tilespmem:s0+$0xC90] =	vst v18;
	v18 =	vmul.f32 v21, v17;
	v21 =	vld [tilespmem:s0+$0x1080]  }
0xb1: {  	[tilespmem:s0+$0xCA0] =	vst v19;
	v19 =	vmul.f32 v20, v17;
	v20 =	vld [tilespmem:s0+$0x1090]  }
0xb2: {  	[tilespmem:s0+$0xCB0] =	vst v18;
	v18 =	vmul.f32 v22, v17;
	v22 =	vld [tilespmem:s0+$0x10A0]  }
0xb3: {  	[tilespmem:s0+$0xCC0] =	vst v19;
	v19 =	vmul.f32 v23, v17;
	v23 =	vld [tilespmem:s0+$0x10B0]  }
0xb4: {  	[tilespmem:s0+$0xCD0] =	vst v18;
	v18 =	vmul.f32 v24, v17;
	v24 =	vld [tilespmem:s0+$0x10C0]  }
0xb5: {  	[tilespmem:s0+$0xCE0] =	vst v19;
	v19 =	vmul.f32 v21, v17;
	v21 =	vld [tilespmem:s0+$0x10D0]  }
0xb6: {  	[tilespmem:s0+$0xCF0] =	vst v18;
	v18 =	vmul.f32 v20, v17;
	v20 =	vld [tilespmem:s0+$0x10E0]  }
0xb7: {  	[tilespmem:s0+$0x1080] =	vst v19;
	v19 =	vmul.f32 v22, v17;
	v22 =	vld [tilespmem:s0+$0x10F0]  }
0xb8: {  	v25 =	vld [tilespmem:s0+$0xF80];
	[tilespmem:s0+$0x1090] =	vst v18;
	v18 =	vmul.f32 v23, v17  }
0xb9: {  	v23 =	vld [tilespmem:s0+$0x170];
	[tilespmem:s0+$0x10A0] =	vst v19;
	v19 =	vmul.f32 v24, v17  }
0xba: {  	v24 =	vld [tilespmem:s0+$0x500];
	[tilespmem:s0+$0x10B0] =	vst v18;
	v18 =	vmul.f32 v21, v17  }
0xbb: {  	v21 =	vld [tilespmem:s0+$0x510];
	[tilespmem:s0+$0x10C0] =	vst v19;
	v19 =	vmul.f32 v20, v17  }
0xbc: {  	v20 =	vld [tilespmem:s0+$0x520];
	[tilespmem:s0+$0x10D0] =	vst v18;
	v17 =	vmul.f32 v22, v17  }
0xbd: {  	v18 =	vld [tilespmem:s0+$0x530];
	v22 =	vmul.f32 v25, v3;
	[tilespmem:s0+$0x10E0] =	vst v19  }
0xbe: {  	v19 =	vmul.f32 v23, v16;
	v23 =	vld [tilespmem:s0+$0x540];
	[tilespmem:s0+$0x10F0] =	vst v17  }
0xbf: {  	v17 =	vmul.f32 v24, v16;
	v24 =	vld [tilespmem:s0+$0x550];
	[tilespmem:s0+$0xF80] =	vst v22  }
0xc0: {  	[tilespmem:s0+$0x170] =	vst v19;
	v19 =	vmul.f32 v21, v16;
	v21 =	vld [tilespmem:s0+$0x560]  }
0xc1: {  	[tilespmem:s0+$0x500] =	vst v17;
	v17 =	vmul.f32 v20, v16;
	v20 =	vld [tilespmem:s0+$0x570]  }
0xc2: {  	[tilespmem:s0+$0x510] =	vst v19;
	v18 =	vmul.f32 v18, v16;
	v19 =	vld [tilespmem:s0+$0x180]  }
0xc3: {  	[tilespmem:s0+$0x520] =	vst v17;
	v17 =	vmul.f32 v23, v16;
	v22 =	vld [tilespmem:s0+$0x190]  }
0xc4: {  	[tilespmem:s0+$0x530] =	vst v18;
	v18 =	vmul.f32 v24, v16;
	v23 =	vld [tilespmem:s0+$0x1A0]  }
0xc5: {  	[tilespmem:s0+$0x540] =	vst v17;
	v17 =	vmul.f32 v21, v16;
	v21 =	vld [tilespmem:s0+$0x1B0]  }
0xc6: {  	[tilespmem:s0+$0x550] =	vst v18;
	v16 =	vmul.f32 v20, v16;
	v18 =	vld [tilespmem:s0+$0x1C0]  }
0xc7: {  	[tilespmem:s0+$0x560] =	vst v17;
	v17 =	vmul.f32 v19, v15;
	v19 =	vld [tilespmem:s0+$0x1D0]  }
0xc8: {  	[tilespmem:s0+$0x570] =	vst v16;
	v16 =	vmul.f32 v22, v15;
	v20 =	vld [tilespmem:s0+$0x1E0]  }
0xc9: {  	[tilespmem:s0+$0x180] =	vst v17;
	v17 =	vmul.f32 v23, v15;
	v22 =	vld [tilespmem:s0+$0x1F0]  }
0xca: {  	[tilespmem:s0+$0x190] =	vst v16;
	v16 =	vmul.f32 v21, v15;
	v21 =	vld [tilespmem:s0+$0x580]  }
0xcb: {  	[tilespmem:s0+$0x1A0] =	vst v17;
	v17 =	vmul.f32 v18, v15;
	v18 =	vld [tilespmem:s0+$0x590]  }
0xcc: {  	[tilespmem:s0+$0x1B0] =	vst v16;
	v16 =	vmul.f32 v19, v15;
	v19 =	vld [tilespmem:s0+$0x5A0]  }
0xcd: {  	[tilespmem:s0+$0x1C0] =	vst v17;
	v17 =	vmul.f32 v20, v15;
	v20 =	vld [tilespmem:s0+$0x5B0]  }
0xce: {  	[tilespmem:s0+$0x1D0] =	vst v16;
	v16 =	vmul.f32 v22, v15;
	v22 =	vld [tilespmem:s0+$0x5C0]  }
0xcf: {  	[tilespmem:s0+$0x1E0] =	vst v17;
	v17 =	vmul.f32 v21, v15;
	v21 =	vld [tilespmem:s0+$0x5D0]  }
0xd0: {  	[tilespmem:s0+$0x1F0] =	vst v16;
	v16 =	vmul.f32 v18, v15;
	v18 =	vld [tilespmem:s0+$0x5E0]  }
0xd1: {  	[tilespmem:s0+$0x580] =	vst v17;
	v17 =	vmul.f32 v19, v15;
	v19 =	vld [tilespmem:s0+$0x5F0]  }
0xd2: {  	[tilespmem:s0+$0x590] =	vst v16;
	v16 =	vmul.f32 v20, v15;
	v20 =	vld [tilespmem:s0+$0x200]  }
0xd3: {  	[tilespmem:s0+$0x5A0] =	vst v17;
	v17 =	vmul.f32 v22, v15;
	v22 =	vld [tilespmem:s0+$0x210]  }
0xd4: {  	[tilespmem:s0+$0x5B0] =	vst v16;
	v16 =	vmul.f32 v21, v15;
	v21 =	vld [tilespmem:s0+$0x220]  }
0xd5: {  	[tilespmem:s0+$0x5C0] =	vst v17;
	v17 =	vmul.f32 v18, v15;
	v18 =	vld [tilespmem:s0+$0x230]  }
0xd6: {  	[tilespmem:s0+$0x5D0] =	vst v16;
	v15 =	vmul.f32 v19, v15;
	v16 =	vld [tilespmem:s0+$0x240]  }
0xd7: {  	[tilespmem:s0+$0x5E0] =	vst v17;
	v17 =	vmul.f32 v20, v14;
	v19 =	vld [tilespmem:s0+$0x250]  }
0xd8: {  	[tilespmem:s0+$0x5F0] =	vst v15;
	v15 =	vmul.f32 v22, v14;
	v20 =	vld [tilespmem:s0+$0x260]  }
0xd9: {  	[tilespmem:s0+$0x200] =	vst v17;
	v17 =	vmul.f32 v21, v14;
	v21 =	vld [tilespmem:s0+$0x270]  }
0xda: {  	[tilespmem:s0+$0x210] =	vst v15;
	v15 =	vmul.f32 v18, v14;
	v18 =	vld [tilespmem:s0+$0x600]  }
0xdb: {  	[tilespmem:s0+$0x220] =	vst v17;
	v16 =	vmul.f32 v16, v14;
	v17 =	vld [tilespmem:s0+$0x610]  }
0xdc: {  	[tilespmem:s0+$0x230] =	vst v15;
	v15 =	vmul.f32 v19, v14;
	v19 =	vld [tilespmem:s0+$0x620]  }
0xdd: {  	[tilespmem:s0+$0x240] =	vst v16;
	v16 =	vmul.f32 v20, v14;
	v20 =	vld [tilespmem:s0+$0x630]  }
0xde: {  	[tilespmem:s0+$0x250] =	vst v15;
	v15 =	vmul.f32 v21, v14;
	v21 =	vld [tilespmem:s0+$0x640]  }
0xdf: {  	[tilespmem:s0+$0x260] =	vst v16;
	v16 =	vmul.f32 v18, v14;
	v18 =	vld [tilespmem:s0+$0x650]  }
0xe0: {  	[tilespmem:s0+$0x270] =	vst v15;
	v15 =	vmul.f32 v17, v14;
	v17 =	vld [tilespmem:s0+$0x660]  }
0xe1: {  	[tilespmem:s0+$0x600] =	vst v16;
	v16 =	vmul.f32 v19, v14;
	v19 =	vld [tilespmem:s0+$0x670]  }
0xe2: {  	[tilespmem:s0+$0x610] =	vst v15;
	v15 =	vmul.f32 v20, v14;
	v20 =	vld [tilespmem:s0+$0x280]  }
0xe3: {  	[tilespmem:s0+$0x620] =	vst v16;
	v16 =	vmul.f32 v21, v14;
	v21 =	vld [tilespmem:s0+$0x290]  }
0xe4: {  	[tilespmem:s0+$0x630] =	vst v15;
	v15 =	vmul.f32 v18, v14;
	v18 =	vld [tilespmem:s0+$0x2A0]  }
0xe5: {  	[tilespmem:s0+$0x640] =	vst v16;
	v16 =	vmul.f32 v17, v14;
	v17 =	vld [tilespmem:s0+$0x2B0]  }
0xe6: {  	[tilespmem:s0+$0x650] =	vst v15;
	v14 =	vmul.f32 v19, v14;
	v15 =	vld [tilespmem:s0+$0x2C0]  }
0xe7: {  	[tilespmem:s0+$0x660] =	vst v16;
	v16 =	vmul.f32 v20, v13;
	v19 =	vld [tilespmem:s0+$0x2D0]  }
0xe8: {  	[tilespmem:s0+$0x670] =	vst v14;
	v14 =	vmul.f32 v21, v13;
	v20 =	vld [tilespmem:s0+$0x2E0]  }
0xe9: {  	[tilespmem:s0+$0x280] =	vst v16;
	v16 =	vmul.f32 v18, v13;
	v18 =	vld [tilespmem:s0+$0x2F0]  }
0xea: {  	[tilespmem:s0+$0x290] =	vst v14;
	v14 =	vmul.f32 v17, v13;
	v17 =	vld [tilespmem:s0+$0x680]  }
0xeb: {  	[tilespmem:s0+$0x2A0] =	vst v16;
	v15 =	vmul.f32 v15, v13;
	v16 =	vld [tilespmem:s0+$0x690]  }
0xec: {  	[tilespmem:s0+$0x2B0] =	vst v14;
	v14 =	vmul.f32 v19, v13;
	v19 =	vld [tilespmem:s0+$0x6A0]  }
0xed: {  	[tilespmem:s0+$0x2C0] =	vst v15;
	v15 =	vmul.f32 v20, v13;
	v20 =	vld [tilespmem:s0+$0x6B0]  }
0xee: {  	[tilespmem:s0+$0x2D0] =	vst v14;
	v14 =	vmul.f32 v18, v13;
	v18 =	vld [tilespmem:s0+$0x6C0]  }
0xef: {  	[tilespmem:s0+$0x2E0] =	vst v15;
	v15 =	vmul.f32 v17, v13;
	v17 =	vld [tilespmem:s0+$0x6D0]  }
0xf0: {  	[tilespmem:s0+$0x2F0] =	vst v14;
	v14 =	vmul.f32 v16, v13;
	v16 =	vld [tilespmem:s0+$0x6E0]  }
0xf1: {  	[tilespmem:s0+$0x680] =	vst v15;
	v15 =	vmul.f32 v19, v13;
	v19 =	vld [tilespmem:s0+$0x6F0]  }
0xf2: {  	[tilespmem:s0+$0x690] =	vst v14;
	v14 =	vmul.f32 v20, v13;
	v20 =	vld [tilespmem:s0+$0x300]  }
0xf3: {  	[tilespmem:s0+$0x6A0] =	vst v15;
	v15 =	vmul.f32 v18, v13;
	v18 =	vld [tilespmem:s0+$0x310]  }
0xf4: {  	[tilespmem:s0+$0x6B0] =	vst v14;
	v14 =	vmul.f32 v17, v13;
	v17 =	vld [tilespmem:s0+$0x320]  }
0xf5: {  	[tilespmem:s0+$0x6C0] =	vst v15;
	v15 =	vmul.f32 v16, v13;
	v16 =	vld [tilespmem:s0+$0x330]  }
0xf6: {  	[tilespmem:s0+$0x6D0] =	vst v14;
	v13 =	vmul.f32 v19, v13;
	v14 =	vld [tilespmem:s0+$0x340]  }
0xf7: {  	[tilespmem:s0+$0x6E0] =	vst v15;
	v15 =	vmul.f32 v20, v12;
	v19 =	vld [tilespmem:s0+$0x350]  }
0xf8: {  	[tilespmem:s0+$0x6F0] =	vst v13;
	v13 =	vmul.f32 v18, v12;
	v18 =	vld [tilespmem:s0+$0x360]  }
0xf9: {  	[tilespmem:s0+$0x300] =	vst v15;
	v15 =	vmul.f32 v17, v12;
	v17 =	vld [tilespmem:s0+$0x370]  }
0xfa: {  	[tilespmem:s0+$0x310] =	vst v13;
	v13 =	vmul.f32 v16, v12;
	v16 =	vld [tilespmem:s0+$0x700]  }
0xfb: {  	[tilespmem:s0+$0x320] =	vst v15;
	v14 =	vmul.f32 v14, v12;
	v15 =	vld [tilespmem:s0+$0x710]  }
0xfc: {  	[tilespmem:s0+$0x330] =	vst v13;
	v13 =	vmul.f32 v19, v12;
	v19 =	vld [tilespmem:s0+$0x720]  }
0xfd: {  	[tilespmem:s0+$0x340] =	vst v14;
	v14 =	vmul.f32 v18, v12;
	v18 =	vld [tilespmem:s0+$0x730]  }
0xfe: {  	[tilespmem:s0+$0x350] =	vst v13;
	v13 =	vmul.f32 v17, v12;
	v17 =	vld [tilespmem:s0+$0x740]  }
0xff: {  	[tilespmem:s0+$0x360] =	vst v14;
	v14 =	vmul.f32 v16, v12;
	v16 =	vld [tilespmem:s0+$0x750]  }
0x100: {  	[tilespmem:s0+$0x370] =	vst v13;
	v13 =	vmul.f32 v15, v12;
	v15 =	vld [tilespmem:s0+$0x760]  }
0x101: {  	[tilespmem:s0+$0x700] =	vst v14;
	v14 =	vmul.f32 v19, v12;
	v19 =	vld [tilespmem:s0+$0x770]  }
0x102: {  	[tilespmem:s0+$0x710] =	vst v13;
	v13 =	vmul.f32 v18, v12;
	v18 =	vld [tilespmem:s0+$0x380]  }
0x103: {  	[tilespmem:s0+$0x720] =	vst v14;
	v14 =	vmul.f32 v17, v12;
	v17 =	vld [tilespmem:s0+$0x390]  }
0x104: {  	[tilespmem:s0+$0x730] =	vst v13;
	v13 =	vmul.f32 v16, v12;
	v16 =	vld [tilespmem:s0+$0x3A0]  }
0x105: {  	[tilespmem:s0+$0x740] =	vst v14;
	v14 =	vmul.f32 v15, v12;
	v15 =	vld [tilespmem:s0+$0x3B0]  }
0x106: {  	[tilespmem:s0+$0x750] =	vst v13;
	v12 =	vmul.f32 v19, v12;
	v13 =	vld [tilespmem:s0+$0x3C0]  }
0x107: {  	[tilespmem:s0+$0x760] =	vst v14;
	v14 =	vmul.f32 v18, v11;
	v18 =	vld [tilespmem:s0+$0x3D0]  }
0x108: {  	[tilespmem:s0+$0x770] =	vst v12;
	v12 =	vmul.f32 v17, v11;
	v17 =	vld [tilespmem:s0+$0x3E0]  }
0x109: {  	[tilespmem:s0+$0x380] =	vst v14;
	v14 =	vmul.f32 v16, v11;
	v16 =	vld [tilespmem:s0+$0x3F0]  }
0x10a: {  	[tilespmem:s0+$0x390] =	vst v12;
	v12 =	vmul.f32 v15, v11;
	v15 =	vld [tilespmem:s0+$0x780]  }
0x10b: {  	[tilespmem:s0+$0x3A0] =	vst v14;
	v13 =	vmul.f32 v13, v11;
	v14 =	vld [tilespmem:s0+$0x790]  }
0x10c: {  	[tilespmem:s0+$0x3B0] =	vst v12;
	v12 =	vmul.f32 v18, v11;
	v18 =	vld [tilespmem:s0+$0x7A0]  }
0x10d: {  	[tilespmem:s0+$0x3C0] =	vst v13;
	v13 =	vmul.f32 v17, v11;
	v17 =	vld [tilespmem:s0+$0x7B0]  }
0x10e: {  	[tilespmem:s0+$0x3D0] =	vst v12;
	v12 =	vmul.f32 v16, v11;
	v16 =	vld [tilespmem:s0+$0x7C0]  }
0x10f: {  	[tilespmem:s0+$0x3E0] =	vst v13;
	v13 =	vmul.f32 v15, v11;
	v15 =	vld [tilespmem:s0+$0x7D0]  }
0x110: {  	[tilespmem:s0+$0x3F0] =	vst v12;
	v12 =	vmul.f32 v14, v11;
	v14 =	vld [tilespmem:s0+$0x7E0]  }
0x111: {  	[tilespmem:s0+$0x780] =	vst v13;
	v13 =	vmul.f32 v18, v11;
	v18 =	vld [tilespmem:s0+$0x7F0]  }
0x112: {  	[tilespmem:s0+$0x790] =	vst v12;
	v12 =	vmul.f32 v17, v11;
	v17 =	vld [tilespmem:s0+$0x400]  }
0x113: {  	[tilespmem:s0+$0x7A0] =	vst v13;
	v13 =	vmul.f32 v16, v11;
	v16 =	vld [tilespmem:s0+$0x410]  }
0x114: {  	[tilespmem:s0+$0x7B0] =	vst v12;
	v12 =	vmul.f32 v15, v11;
	v15 =	vld [tilespmem:s0+$0x420]  }
0x115: {  	[tilespmem:s0+$0x7C0] =	vst v13;
	v13 =	vmul.f32 v14, v11;
	v14 =	vld [tilespmem:s0+$0x430]  }
0x116: {  	[tilespmem:s0+$0x7D0] =	vst v12;
	v11 =	vmul.f32 v18, v11;
	v12 =	vld [tilespmem:s0+$0x440]  }
0x117: {  	[tilespmem:s0+$0x7E0] =	vst v13;
	v13 =	vmul.f32 v17, v10;
	v17 =	vld [tilespmem:s0+$0x450]  }
0x118: {  	[tilespmem:s0+$0x7F0] =	vst v11;
	v11 =	vmul.f32 v16, v10;
	v16 =	vld [tilespmem:s0+$0x460]  }
0x119: {  	[tilespmem:s0+$0x400] =	vst v13;
	v13 =	vmul.f32 v15, v10;
	v15 =	vld [tilespmem:s0+$0x470]  }
0x11a: {  	[tilespmem:s0+$0x410] =	vst v11;
	v11 =	vmul.f32 v14, v10;
	v14 =	vld [tilespmem:s0+$0x800]  }
0x11b: {  	[tilespmem:s0+$0x420] =	vst v13;
	v12 =	vmul.f32 v12, v10;
	v13 =	vld [tilespmem:s0+$0x810]  }
0x11c: {  	[tilespmem:s0+$0x430] =	vst v11;
	v11 =	vmul.f32 v17, v10;
	v17 =	vld [tilespmem:s0+$0x820]  }
0x11d: {  	[tilespmem:s0+$0x440] =	vst v12;
	v12 =	vmul.f32 v16, v10;
	v16 =	vld [tilespmem:s0+$0x830]  }
0x11e: {  	[tilespmem:s0+$0x450] =	vst v11;
	v11 =	vmul.f32 v15, v10;
	v15 =	vld [tilespmem:s0+$0x840]  }
0x11f: {  	[tilespmem:s0+$0x460] =	vst v12;
	v12 =	vmul.f32 v14, v10;
	v14 =	vld [tilespmem:s0+$0x850]  }
0x120: {  	[tilespmem:s0+$0x470] =	vst v11;
	v11 =	vmul.f32 v13, v10;
	v13 =	vld [tilespmem:s0+$0x860]  }
0x121: {  	[tilespmem:s0+$0x800] =	vst v12;
	v12 =	vmul.f32 v17, v10;
	v17 =	vld [tilespmem:s0+$0x870]  }
0x122: {  	[tilespmem:s0+$0x810] =	vst v11;
	v11 =	vmul.f32 v16, v10;
	v16 =	vld [tilespmem:s0+$0x480]  }
0x123: {  	[tilespmem:s0+$0x820] =	vst v12;
	v12 =	vmul.f32 v15, v10;
	v15 =	vld [tilespmem:s0+$0x490]  }
0x124: {  	[tilespmem:s0+$0x830] =	vst v11;
	v11 =	vmul.f32 v14, v10;
	v14 =	vld [tilespmem:s0+$0x4A0]  }
0x125: {  	[tilespmem:s0+$0x840] =	vst v12;
	v12 =	vmul.f32 v13, v10;
	v13 =	vld [tilespmem:s0+$0x4B0]  }
0x126: {  	[tilespmem:s0+$0x850] =	vst v11;
	v10 =	vmul.f32 v17, v10;
	v11 =	vld [tilespmem:s0+$0x4C0]  }
0x127: {  	[tilespmem:s0+$0x860] =	vst v12;
	v12 =	vmul.f32 v16, v9;
	v16 =	vld [tilespmem:s0+$0x4D0]  }
0x128: {  	[tilespmem:s0+$0x870] =	vst v10;
	v10 =	vmul.f32 v15, v9;
	v15 =	vld [tilespmem:s0+$0x4E0]  }
0x129: {  	[tilespmem:s0+$0x480] =	vst v12;
	v12 =	vmul.f32 v14, v9;
	v14 =	vld [tilespmem:s0+$0x4F0]  }
0x12a: {  	[tilespmem:s0+$0x490] =	vst v10;
	v10 =	vmul.f32 v13, v9;
	v13 =	vld [tilespmem:s0+$0x880]  }
0x12b: {  	[tilespmem:s0+$0x4A0] =	vst v12;
	v11 =	vmul.f32 v11, v9;
	v12 =	vld [tilespmem:s0+$0x890]  }
0x12c: {  	[tilespmem:s0+$0x4B0] =	vst v10;
	v10 =	vmul.f32 v16, v9;
	v16 =	vld [tilespmem:s0+$0x8A0]  }
0x12d: {  	[tilespmem:s0+$0x4C0] =	vst v11;
	v11 =	vmul.f32 v15, v9;
	v15 =	vld [tilespmem:s0+$0x8B0]  }
0x12e: {  	[tilespmem:s0+$0x4D0] =	vst v10;
	v10 =	vmul.f32 v14, v9;
	v14 =	vld [tilespmem:s0+$0x8C0]  }
0x12f: {  	[tilespmem:s0+$0x4E0] =	vst v11;
	v11 =	vmul.f32 v13, v9;
	v13 =	vld [tilespmem:s0+$0x8D0]  }
0x130: {  	[tilespmem:s0+$0x4F0] =	vst v10;
	v10 =	vmul.f32 v12, v9;
	v12 =	vld [tilespmem:s0+$0x8E0]  }
0x131: {  	[tilespmem:s0+$0x880] =	vst v11;
	v11 =	vmul.f32 v16, v9;
	v16 =	vld [tilespmem:s0+$0x8F0]  }
0x132: {  	[tilespmem:s0+$0x890] =	vst v10;
	v10 =	vmul.f32 v15, v9;
	v15 =	vld [tilespmem:s0+$0x900]  }
0x133: {  	[tilespmem:s0+$0x8A0] =	vst v11;
	v11 =	vmul.f32 v14, v9;
	v14 =	vld [tilespmem:s0+$0x910]  }
0x134: {  	[tilespmem:s0+$0x8B0] =	vst v10;
	v10 =	vmul.f32 v13, v9;
	v13 =	vld [tilespmem:s0+$0x920]  }
0x135: {  	[tilespmem:s0+$0x8C0] =	vst v11;
	v11 =	vmul.f32 v12, v9;
	v12 =	vld [tilespmem:s0+$0x930]  }
0x136: {  	[tilespmem:s0+$0x8D0] =	vst v10;
	v9 =	vmul.f32 v16, v9;
	v10 =	vld [tilespmem:s0+$0x940]  }
0x137: {  	[tilespmem:s0+$0x8E0] =	vst v11;
	v11 =	vmul.f32 v15, v8;
	v15 =	vld [tilespmem:s0+$0x950]  }
0x138: {  	[tilespmem:s0+$0x8F0] =	vst v9;
	v9 =	vmul.f32 v14, v8;
	v14 =	vld [tilespmem:s0+$0x960]  }
0x139: {  	[tilespmem:s0+$0x900] =	vst v11;
	v11 =	vmul.f32 v13, v8;
	v13 =	vld [tilespmem:s0+$0x970]  }
0x13a: {  	[tilespmem:s0+$0x910] =	vst v9;
	v9 =	vmul.f32 v12, v8;
	v12 =	vld [tilespmem:s0+$0xD00]  }
0x13b: {  	[tilespmem:s0+$0x920] =	vst v11;
	v10 =	vmul.f32 v10, v8;
	v11 =	vld [tilespmem:s0+$0xD10]  }
0x13c: {  	[tilespmem:s0+$0x930] =	vst v9;
	v9 =	vmul.f32 v15, v8;
	v15 =	vld [tilespmem:s0+$0xD20]  }
0x13d: {  	[tilespmem:s0+$0x940] =	vst v10;
	v10 =	vmul.f32 v14, v8;
	v14 =	vld [tilespmem:s0+$0xD30]  }
0x13e: {  	[tilespmem:s0+$0x950] =	vst v9;
	v9 =	vmul.f32 v13, v8;
	v13 =	vld [tilespmem:s0+$0xD40]  }
0x13f: {  	[tilespmem:s0+$0x960] =	vst v10;
	v10 =	vmul.f32 v12, v8;
	v12 =	vld [tilespmem:s0+$0xD50]  }
0x140: {  	[tilespmem:s0+$0x970] =	vst v9;
	v9 =	vmul.f32 v11, v8;
	v11 =	vld [tilespmem:s0+$0xD60]  }
0x141: {  	[tilespmem:s0+$0xD00] =	vst v10;
	v10 =	vmul.f32 v15, v8;
	v15 =	vld [tilespmem:s0+$0xD70]  }
0x142: {  	[tilespmem:s0+$0xD10] =	vst v9;
	v9 =	vmul.f32 v14, v8;
	v14 =	vld [tilespmem:s0+$0x980]  }
0x143: {  	[tilespmem:s0+$0xD20] =	vst v10;
	v10 =	vmul.f32 v13, v8;
	v13 =	vld [tilespmem:s0+$0x990]  }
0x144: {  	[tilespmem:s0+$0xD30] =	vst v9;
	v9 =	vmul.f32 v12, v8;
	v12 =	vld [tilespmem:s0+$0x9A0]  }
0x145: {  	[tilespmem:s0+$0xD40] =	vst v10;
	v10 =	vmul.f32 v11, v8;
	v11 =	vld [tilespmem:s0+$0x9B0]  }
0x146: {  	[tilespmem:s0+$0xD50] =	vst v9;
	v8 =	vmul.f32 v15, v8;
	v9 =	vld [tilespmem:s0+$0x9C0]  }
0x147: {  	[tilespmem:s0+$0xD60] =	vst v10;
	v10 =	vmul.f32 v14, v7;
	v14 =	vld [tilespmem:s0+$0x9D0]  }
0x148: {  	[tilespmem:s0+$0xD70] =	vst v8;
	v8 =	vmul.f32 v13, v7;
	v13 =	vld [tilespmem:s0+$0x9E0]  }
0x149: {  	[tilespmem:s0+$0x980] =	vst v10;
	v10 =	vmul.f32 v12, v7;
	v12 =	vld [tilespmem:s0+$0x9F0]  }
0x14a: {  	[tilespmem:s0+$0x990] =	vst v8;
	v8 =	vmul.f32 v11, v7;
	v11 =	vld [tilespmem:s0+$0xD80]  }
0x14b: {  	[tilespmem:s0+$0x9A0] =	vst v10;
	v9 =	vmul.f32 v9, v7;
	v10 =	vld [tilespmem:s0+$0xD90]  }
0x14c: {  	[tilespmem:s0+$0x9B0] =	vst v8;
	v8 =	vmul.f32 v14, v7;
	v14 =	vld [tilespmem:s0+$0xDA0]  }
0x14d: {  	[tilespmem:s0+$0x9C0] =	vst v9;
	v9 =	vmul.f32 v13, v7;
	v13 =	vld [tilespmem:s0+$0xDB0]  }
0x14e: {  	[tilespmem:s0+$0x9D0] =	vst v8;
	v8 =	vmul.f32 v12, v7;
	v12 =	vld [tilespmem:s0+$0xDC0]  }
0x14f: {  	[tilespmem:s0+$0x9E0] =	vst v9;
	v9 =	vmul.f32 v11, v7;
	v11 =	vld [tilespmem:s0+$0xDD0]  }
0x150: {  	[tilespmem:s0+$0x9F0] =	vst v8;
	v8 =	vmul.f32 v10, v7;
	v10 =	vld [tilespmem:s0+$0xDE0]  }
0x151: {  	[tilespmem:s0+$0xD80] =	vst v9;
	v9 =	vmul.f32 v14, v7;
	v14 =	vld [tilespmem:s0+$0xDF0]  }
0x152: {  	[tilespmem:s0+$0xD90] =	vst v8;
	v8 =	vmul.f32 v13, v7;
	v13 =	vld [tilespmem:s0+$0xA00]  }
0x153: {  	[tilespmem:s0+$0xDA0] =	vst v9;
	v9 =	vmul.f32 v12, v7;
	v12 =	vld [tilespmem:s0+$0xA10]  }
0x154: {  	[tilespmem:s0+$0xDB0] =	vst v8;
	v8 =	vmul.f32 v11, v7;
	v11 =	vld [tilespmem:s0+$0xA20]  }
0x155: {  	[tilespmem:s0+$0xDC0] =	vst v9;
	v9 =	vmul.f32 v10, v7;
	v10 =	vld [tilespmem:s0+$0xA30]  }
0x156: {  	[tilespmem:s0+$0xDD0] =	vst v8;
	v7 =	vmul.f32 v14, v7;
	v8 =	vld [tilespmem:s0+$0xA40]  }
0x157: {  	[tilespmem:s0+$0xDE0] =	vst v9;
	v9 =	vmul.f32 v13, v6;
	v13 =	vld [tilespmem:s0+$0xA50]  }
0x158: {  	[tilespmem:s0+$0xDF0] =	vst v7;
	v7 =	vmul.f32 v12, v6;
	v12 =	vld [tilespmem:s0+$0xA60]  }
0x159: {  	[tilespmem:s0+$0xA00] =	vst v9;
	v9 =	vmul.f32 v11, v6;
	v11 =	vld [tilespmem:s0+$0xA70]  }
0x15a: {  	[tilespmem:s0+$0xA10] =	vst v7;
	v7 =	vmul.f32 v10, v6;
	v10 =	vld [tilespmem:s0+$0xE00]  }
0x15b: {  	[tilespmem:s0+$0xA20] =	vst v9;
	v8 =	vmul.f32 v8, v6;
	v9 =	vld [tilespmem:s0+$0xE10]  }
0x15c: {  	[tilespmem:s0+$0xA30] =	vst v7;
	v7 =	vmul.f32 v13, v6;
	v13 =	vld [tilespmem:s0+$0xE20]  }
0x15d: {  	[tilespmem:s0+$0xA40] =	vst v8;
	v8 =	vmul.f32 v12, v6;
	v12 =	vld [tilespmem:s0+$0xE30]  }
0x15e: {  	[tilespmem:s0+$0xA50] =	vst v7;
	v7 =	vmul.f32 v11, v6;
	v11 =	vld [tilespmem:s0+$0xE40]  }
0x15f: {  	[tilespmem:s0+$0xA60] =	vst v8;
	v8 =	vmul.f32 v10, v6;
	v10 =	vld [tilespmem:s0+$0xE50]  }
0x160: {  	[tilespmem:s0+$0xA70] =	vst v7;
	v7 =	vmul.f32 v9, v6;
	v9 =	vld [tilespmem:s0+$0xE60]  }
0x161: {  	[tilespmem:s0+$0xE00] =	vst v8;
	v8 =	vmul.f32 v13, v6;
	v13 =	vld [tilespmem:s0+$0xE70]  }
0x162: {  	[tilespmem:s0+$0xE10] =	vst v7;
	v7 =	vmul.f32 v12, v6;
	v12 =	vld [tilespmem:s0+$0xA80]  }
0x163: {  	[tilespmem:s0+$0xE20] =	vst v8;
	v8 =	vmul.f32 v11, v6;
	v11 =	vld [tilespmem:s0+$0xA90]  }
0x164: {  	[tilespmem:s0+$0xE30] =	vst v7;
	v7 =	vmul.f32 v10, v6;
	v10 =	vld [tilespmem:s0+$0xAA0]  }
0x165: {  	[tilespmem:s0+$0xE40] =	vst v8;
	v8 =	vmul.f32 v9, v6;
	v9 =	vld [tilespmem:s0+$0xAB0]  }
0x166: {  	[tilespmem:s0+$0xE50] =	vst v7;
	v6 =	vmul.f32 v13, v6;
	v7 =	vld [tilespmem:s0+$0xAC0]  }
0x167: {  	[tilespmem:s0+$0xE60] =	vst v8;
	v8 =	vmul.f32 v12, v5;
	v12 =	vld [tilespmem:s0+$0xAD0]  }
0x168: {  	[tilespmem:s0+$0xE70] =	vst v6;
	v6 =	vmul.f32 v11, v5;
	v11 =	vld [tilespmem:s0+$0xAE0]  }
0x169: {  	[tilespmem:s0+$0xA80] =	vst v8;
	v8 =	vmul.f32 v10, v5;
	v10 =	vld [tilespmem:s0+$0xAF0]  }
0x16a: {  	[tilespmem:s0+$0xA90] =	vst v6;
	v6 =	vmul.f32 v9, v5;
	v9 =	vld [tilespmem:s0+$0xE80]  }
0x16b: {  	[tilespmem:s0+$0xAA0] =	vst v8;
	v7 =	vmul.f32 v7, v5;
	v8 =	vld [tilespmem:s0+$0xE90]  }
0x16c: {  	[tilespmem:s0+$0xAB0] =	vst v6;
	v6 =	vmul.f32 v12, v5;
	v12 =	vld [tilespmem:s0+$0xEA0]  }
0x16d: {  	[tilespmem:s0+$0xAC0] =	vst v7;
	v7 =	vmul.f32 v11, v5;
	v11 =	vld [tilespmem:s0+$0xEB0]  }
0x16e: {  	[tilespmem:s0+$0xAD0] =	vst v6;
	v6 =	vmul.f32 v10, v5;
	v10 =	vld [tilespmem:s0+$0xEC0]  }
0x16f: {  	[tilespmem:s0+$0xAE0] =	vst v7;
	v7 =	vmul.f32 v9, v5;
	v9 =	vld [tilespmem:s0+$0xED0]  }
0x170: {  	[tilespmem:s0+$0xAF0] =	vst v6;
	v6 =	vmul.f32 v8, v5;
	v8 =	vld [tilespmem:s0+$0xEE0]  }
0x171: {  	[tilespmem:s0+$0xE80] =	vst v7;
	v7 =	vmul.f32 v12, v5;
	v12 =	vld [tilespmem:s0+$0xEF0]  }
0x172: {  	[tilespmem:s0+$0xE90] =	vst v6;
	v6 =	vmul.f32 v11, v5;
	v11 =	vld [tilespmem:s0+$0xB00]  }
0x173: {  	[tilespmem:s0+$0xEA0] =	vst v7;
	v7 =	vmul.f32 v10, v5;
	v10 =	vld [tilespmem:s0+$0xB10]  }
0x174: {  	[tilespmem:s0+$0xEB0] =	vst v6;
	v6 =	vmul.f32 v9, v5;
	v9 =	vld [tilespmem:s0+$0xB20]  }
0x175: {  	[tilespmem:s0+$0xEC0] =	vst v7;
	v7 =	vmul.f32 v8, v5;
	v8 =	vld [tilespmem:s0+$0xB30]  }
0x176: {  	[tilespmem:s0+$0xED0] =	vst v6;
	v5 =	vmul.f32 v12, v5;
	v6 =	vld [tilespmem:s0+$0xB40]  }
0x177: {  	[tilespmem:s0+$0xEE0] =	vst v7;
	v7 =	vmul.f32 v11, v4;
	v11 =	vld [tilespmem:s0+$0xB50]  }
0x178: {  	[tilespmem:s0+$0xEF0] =	vst v5;
	v5 =	vmul.f32 v10, v4;
	v10 =	vld [tilespmem:s0+$0xB60]  }
0x179: {  	[tilespmem:s0+$0xB00] =	vst v7;
	v7 =	vmul.f32 v9, v4;
	v9 =	vld [tilespmem:s0+$0xB70]  }
0x17a: {  	[tilespmem:s0+$0xB10] =	vst v5;
	v5 =	vmul.f32 v8, v4;
	v8 =	vld [tilespmem:s0+$0xF00]  }
0x17b: {  	[tilespmem:s0+$0xB20] =	vst v7;
	v6 =	vmul.f32 v6, v4;
	v7 =	vld [tilespmem:s0+$0xF10]  }
0x17c: {  	[tilespmem:s0+$0xB30] =	vst v5;
	v5 =	vmul.f32 v11, v4;
	v11 =	vld [tilespmem:s0+$0xF20]  }
0x17d: {  	[tilespmem:s0+$0xB40] =	vst v6;
	v6 =	vmul.f32 v10, v4;
	v10 =	vld [tilespmem:s0+$0xF30]  }
0x17e: {  	[tilespmem:s0+$0xB50] =	vst v5;
	v5 =	vmul.f32 v9, v4;
	v9 =	vld [tilespmem:s0+$0xF40]  }
0x17f: {  	[tilespmem:s0+$0xB60] =	vst v6;
	v6 =	vmul.f32 v8, v4;
	v8 =	vld [tilespmem:s0+$0xF50]  }
0x180: {  	[tilespmem:s0+$0xB70] =	vst v5;
	v5 =	vmul.f32 v7, v4;
	v7 =	vld [tilespmem:s0+$0xF60]  }
0x181: {  	[tilespmem:s0+$0xF00] =	vst v6;
	v6 =	vmul.f32 v11, v4;
	v11 =	vld [tilespmem:s0+$0xF70]  }
0x182: {  	[tilespmem:s0+$0xF10] =	vst v5;
	v5 =	vmul.f32 v10, v4;
	v10 =	vld [tilespmem:s0+$0xB80]  }
0x183: {  	[tilespmem:s0+$0xF20] =	vst v6;
	v6 =	vmul.f32 v9, v4;
	v9 =	vld [tilespmem:s0+$0xB90]  }
0x184: {  	[tilespmem:s0+$0xF30] =	vst v5;
	v5 =	vmul.f32 v8, v4;
	v8 =	vld [tilespmem:s0+$0xBA0]  }
0x185: {  	[tilespmem:s0+$0xF40] =	vst v6;
	v6 =	vmul.f32 v7, v4;
	v7 =	vld [tilespmem:s0+$0xBB0]  }
0x186: {  	[tilespmem:s0+$0xF50] =	vst v5;
	v4 =	vmul.f32 v11, v4;
	v5 =	vld [tilespmem:s0+$0xBC0]  }
0x187: {  	[tilespmem:s0+$0xF60] =	vst v6;
	v6 =	vmul.f32 v10, v3;
	v10 =	vld [tilespmem:s0+$0xBD0]  }
0x188: {  	[tilespmem:s0+$0xF70] =	vst v4;
	v4 =	vmul.f32 v9, v3;
	v9 =	vld [tilespmem:s0+$0xBE0]  }
0x189: {  	[tilespmem:s0+$0xB80] =	vst v6;
	v6 =	vmul.f32 v8, v3;
	v8 =	vld [tilespmem:s0+$0xBF0]  }
0x18a: {  	[tilespmem:s0+$0xB90] =	vst v4;
	v4 =	vmul.f32 v7, v3  }
0x18b: {  	[tilespmem:s0+$0xBA0] =	vst v6;
	v5 =	vmul.f32 v5, v3  }
0x18c: {  	[tilespmem:s0+$0xBB0] =	vst v4;
	v4 =	vmul.f32 v10, v3  }
0x18d: {  	[tilespmem:s0+$0xBC0] =	vst v5;
	v5 =	vmul.f32 v9, v3  }
0x18e: {  	[tilespmem:s0+$0xBD0] =	vst v4;
	v3 =	vmul.f32 v8, v3  }
0x18f: {  	s2 =	sshll.u32 s1, $0x4;
	[tilespmem:s0+$0xBE0] =	vst v5  }
0x190: {  	s2 =	sand.u32 $0x3FFFFFF0, s2;
	[tilespmem:s0+$0xBF0] =	vst v3  }
.Ltmp5:
0x191: {  	s0 =	sshll.u32 s1, $0xC;
	v3 =	vld [tilespmem:s2+$0x80];
	(pc) =	sbr.rel @p0 .LBB2_4-.Ltmp5, $4  }
0x192: {  	s0 =	sand.u32 $0x3FFFF000, s0  }
0x193: {  	v7 =	vld [tilespmem:s0+$0x100]  }
0x194: {  	v6 =	vld [tilespmem:s0+$0x110]  }
0x195: {  	s1 =	sadd.s32 $0x1, s1;
	v4 =	vld [tilespmem:s0+$0x120]  }
0x196: {  	v5 =	vbroadcast v3, $0x0;
	v8 =	vld [tilespmem:s0+$0x130]  }
0x197: {  	v9 =	vld [tilespmem:s0+$0x140]  }
0x198: {  	v10 =	vld [tilespmem:s0+$0x150];
	v7 =	vmul.f32 v5, v7  }
0x199: {  	v6 =	vmul.f32 v6, v5  }
0x19a: {  	[tilespmem:s0+$0x100] =	vst v7;
	v4 =	vmul.f32 v4, v5  }
0x19b: {  	[tilespmem:s0+$0x110] =	vst v6;
	v50 =	vmul.f32 v8, v5  }
0x19c: {  	v51 =	vmul.f32 v9, v5;
	[tilespmem:s0+$0x120] =	vst v4  }
0x19d: {  	v53 =	vld [tilespmem:s0+$0x160];
	v52 =	vmul.f32 v10, v5;
	[tilespmem:s0+$0x130] =	vst v50  }
0x19e: {  	v54 =	vld [tilespmem:s0+$0xF90];
	[tilespmem:s0+$0x140] =	vst v51  }
0x19f: {  	v55 =	vld [tilespmem:s0+$0xFA0];
	[tilespmem:s0+$0x150] =	vst v52  }
0x1a0: {  	v56 =	vld [tilespmem:s0+$0xFB0]  }
0x1a1: {  	v57 =	vld [tilespmem:s0+$0xFC0]  }
0x1a2: {  	v11 =	vld [tilespmem:s0+$0xFD0]  }
0x1a3: {  	v12 =	vld [tilespmem:s0+$0xFE0]  }
0x1a4: {  	v58 =	vld [tilespmem:s0+$0xFF0]  }
0x1a5: {  	v4 =	vbroadcast v3, $0xD;
	v59 =	vld [tilespmem:s0+$0xC00]  }
0x1a6: {  	v6 =	vmul.f32 v53, v5;
	v60 =	vld [tilespmem:s0+$0xC10]  }
0x1a7: {  	v7 =	vmul.f32 v54, v4;
	v61 =	vld [tilespmem:s0+$0xC20]  }
0x1a8: {  	[tilespmem:s0+$0x160] =	vst v6;
	v8 =	vmul.f32 v55, v4;
	v62 =	vld [tilespmem:s0+$0xC30]  }
0x1a9: {  	v63 =	vld [tilespmem:s0+$0xC40];
	[tilespmem:s0+$0xF90] =	vst v7;
	v9 =	vmul.f32 v56, v4  }
0x1aa: {  	v16 =	vld [tilespmem:s0+$0xC50];
	[tilespmem:s0+$0xFA0] =	vst v8;
	v10 =	vmul.f32 v57, v4  }
0x1ab: {  	v36 =	vld [tilespmem:s0+$0x1090];
	v11 =	vmul.f32 v11, v4;
	[tilespmem:s0+$0xFB0] =	vst v9  }
0x1ac: {  	v13 =	vbroadcast v3, $0xE;
	v17 =	vld [tilespmem:s0+$0xC60];
	v12 =	vmul.f32 v12, v4;
	[tilespmem:s0+$0xFC0] =	vst v10  }
0x1ad: {  	v18 =	vld [tilespmem:s0+$0xC70];
	v6 =	vmul.f32 v58, v4;
	[tilespmem:s0+$0xFD0] =	vst v11  }
0x1ae: {  	v14 =	vbroadcast v3, $0xF;
	v19 =	vld [tilespmem:s0+$0x1000];
	v7 =	vmul.f32 v59, v13;
	[tilespmem:s0+$0xFE0] =	vst v12  }
0x1af: {  	v20 =	vld [tilespmem:s0+$0x1010];
	v8 =	vmul.f32 v60, v13;
	[tilespmem:s0+$0xFF0] =	vst v6  }
0x1b0: {  	v21 =	vld [tilespmem:s0+$0x1020];
	v42 =	vmul.f32 v36, v14;
	[tilespmem:s0+$0xC00] =	vst v7  }
0x1b1: {  	v22 =	vld [tilespmem:s0+$0x1030];
	v9 =	vmul.f32 v61, v13;
	[tilespmem:s0+$0xC10] =	vst v8  }
0x1b2: {  	v23 =	vld [tilespmem:s0+$0x1040];
	v10 =	vmul.f32 v62, v13;
	[tilespmem:s0+$0x1090] =	vst v42  }
0x1b3: {  	v24 =	vld [tilespmem:s0+$0x1050];
	v11 =	vmul.f32 v63, v13;
	[tilespmem:s0+$0xC20] =	vst v9  }
0x1b4: {  	v25 =	vld [tilespmem:s0+$0x1060];
	v12 =	vmul.f32 v16, v13;
	[tilespmem:s0+$0xC30] =	vst v10  }
0x1b5: {  	v26 =	vld [tilespmem:s0+$0x1070];
	v6 =	vmul.f32 v17, v13;
	[tilespmem:s0+$0xC40] =	vst v11  }
0x1b6: {  	v27 =	vld [tilespmem:s0+$0xC80];
	v7 =	vmul.f32 v18, v13;
	[tilespmem:s0+$0xC50] =	vst v12  }
0x1b7: {  	v28 =	vld [tilespmem:s0+$0xC90];
	v8 =	vmul.f32 v19, v13;
	[tilespmem:s0+$0xC60] =	vst v6  }
0x1b8: {  	v29 =	vld [tilespmem:s0+$0xCA0];
	[tilespmem:s0+$0xC70] =	vst v7;
	v9 =	vmul.f32 v20, v13  }
0x1b9: {  	v30 =	vld [tilespmem:s0+$0xCB0];
	[tilespmem:s0+$0x1000] =	vst v8;
	v10 =	vmul.f32 v21, v13  }
0x1ba: {  	v44 =	vld [tilespmem:s0+$0xF80];
	v11 =	vmul.f32 v22, v13;
	[tilespmem:s0+$0x1010] =	vst v9  }
0x1bb: {  	v31 =	vld [tilespmem:s0+$0xCC0];
	v12 =	vmul.f32 v23, v13;
	[tilespmem:s0+$0x1020] =	vst v10  }
0x1bc: {  	v32 =	vld [tilespmem:s0+$0xCD0];
	v6 =	vmul.f32 v24, v13;
	[tilespmem:s0+$0x1030] =	vst v11  }
0x1bd: {  	v33 =	vld [tilespmem:s0+$0xCE0];
	v7 =	vmul.f32 v25, v13;
	[tilespmem:s0+$0x1040] =	vst v12  }
0x1be: {  	v34 =	vld [tilespmem:s0+$0xCF0];
	v8 =	vmul.f32 v26, v13;
	[tilespmem:s0+$0x1050] =	vst v6  }
0x1bf: {  	v35 =	vld [tilespmem:s0+$0x1080];
	v13 =	vmul.f32 v44, v4;
	[tilespmem:s0+$0x1060] =	vst v7  }
0x1c0: {  	v37 =	vld [tilespmem:s0+$0x10A0];
	v9 =	vmul.f32 v27, v14;
	[tilespmem:s0+$0x1070] =	vst v8  }
0x1c1: {  	v38 =	vld [tilespmem:s0+$0x10B0];
	v10 =	vmul.f32 v28, v14;
	[tilespmem:s0+$0xF80] =	vst v13  }
0x1c2: {  	v39 =	vld [tilespmem:s0+$0x10C0];
	v11 =	vmul.f32 v29, v14;
	[tilespmem:s0+$0xC80] =	vst v9  }
0x1c3: {  	v40 =	vld [tilespmem:s0+$0x10D0];
	v12 =	vmul.f32 v30, v14;
	[tilespmem:s0+$0xC90] =	vst v10  }
0x1c4: {  	v41 =	vld [tilespmem:s0+$0x10E0];
	v6 =	vmul.f32 v31, v14;
	[tilespmem:s0+$0xCA0] =	vst v11  }
0x1c5: {  	v43 =	vld [tilespmem:s0+$0x10F0];
	v7 =	vmul.f32 v32, v14;
	[tilespmem:s0+$0xCB0] =	vst v12  }
0x1c6: {  	v45 =	vld [tilespmem:s0+$0x170];
	v8 =	vmul.f32 v33, v14;
	[tilespmem:s0+$0xCC0] =	vst v6  }
0x1c7: {  	v46 =	vld [tilespmem:s0+$0x500];
	[tilespmem:s0+$0xCD0] =	vst v7;
	v9 =	vmul.f32 v34, v14  }
0x1c8: {  	v47 =	vld [tilespmem:s0+$0x510];
	[tilespmem:s0+$0xCE0] =	vst v8;
	v10 =	vmul.f32 v35, v14  }
0x1c9: {  	v48 =	vld [tilespmem:s0+$0x520];
	v12 =	vmul.f32 v37, v14;
	[tilespmem:s0+$0xCF0] =	vst v9  }
0x1ca: {  	v49 =	vld [tilespmem:s0+$0x530];
	v6 =	vmul.f32 v38, v14;
	[tilespmem:s0+$0x1080] =	vst v10  }
0x1cb: {  	v50 =	vld [tilespmem:s0+$0x540];
	v7 =	vmul.f32 v39, v14;
	[tilespmem:s0+$0x10A0] =	vst v12  }
0x1cc: {  	v51 =	vld [tilespmem:s0+$0x550];
	v8 =	vmul.f32 v40, v14;
	[tilespmem:s0+$0x10B0] =	vst v6  }
0x1cd: {  	v52 =	vld [tilespmem:s0+$0x560];
	v11 =	vmul.f32 v43, v14;
	[tilespmem:s0+$0x10C0] =	vst v7  }
0x1ce: {  	v53 =	vld [tilespmem:s0+$0x570];
	v9 =	vmul.f32 v41, v14;
	[tilespmem:s0+$0x10D0] =	vst v8  }
0x1cf: {  	v54 =	vld [tilespmem:s0+$0x180];
	[tilespmem:s0+$0x10F0] =	vst v11;
	v10 =	vmul.f32 v45, v5  }
0x1d0: {  	v55 =	vld [tilespmem:s0+$0x190];
	v12 =	vmul.f32 v46, v5;
	[tilespmem:s0+$0x10E0] =	vst v9  }
0x1d1: {  	v15 =	vld [tilespmem:s0+$0x5B0];
	v6 =	vmul.f32 v47, v5;
	[tilespmem:s0+$0x170] =	vst v10  }
0x1d2: {  	v56 =	vld [tilespmem:s0+$0x1A0];
	v7 =	vmul.f32 v48, v5;
	[tilespmem:s0+$0x500] =	vst v12  }
0x1d3: {  	v57 =	vld [tilespmem:s0+$0x1B0];
	v8 =	vmul.f32 v49, v5;
	[tilespmem:s0+$0x510] =	vst v6  }
0x1d4: {  	v58 =	vld [tilespmem:s0+$0x1C0];
	v11 =	vmul.f32 v51, v5;
	[tilespmem:s0+$0x520] =	vst v7  }
0x1d5: {  	v60 =	vld [tilespmem:s0+$0x1D0];
	v9 =	vmul.f32 v50, v5;
	[tilespmem:s0+$0x530] =	vst v8  }
0x1d6: {  	v59 =	vbroadcast v3, $0x1;
	v36 =	vld [tilespmem:s0+$0x670];
	v10 =	vmul.f32 v52, v5;
	[tilespmem:s0+$0x550] =	vst v11  }
0x1d7: {  	v61 =	vld [tilespmem:s0+$0x1E0];
	v5 =	vmul.f32 v53, v5;
	[tilespmem:s0+$0x540] =	vst v9  }
0x1d8: {  	v62 =	vld [tilespmem:s0+$0x1F0];
	v6 =	vmul.f32 v54, v59;
	[tilespmem:s0+$0x560] =	vst v10  }
0x1d9: {  	v63 =	vld [tilespmem:s0+$0x580];
	v7 =	vmul.f32 v55, v59;
	[tilespmem:s0+$0x570] =	vst v5  }
0x1da: {  	v16 =	vld [tilespmem:s0+$0x5C0];
	v8 =	vmul.f32 v56, v59;
	[tilespmem:s0+$0x180] =	vst v6  }
0x1db: {  	v17 =	vld [tilespmem:s0+$0x5D0];
	v11 =	vmul.f32 v58, v59;
	[tilespmem:s0+$0x190] =	vst v7  }
0x1dc: {  	v18 =	vld [tilespmem:s0+$0x5E0];
	v9 =	vmul.f32 v57, v59;
	[tilespmem:s0+$0x1A0] =	vst v8  }
0x1dd: {  	v14 =	vld [tilespmem:s0+$0x5A0];
	v10 =	vmul.f32 v60, v59;
	[tilespmem:s0+$0x1C0] =	vst v11  }
0x1de: {  	v19 =	vld [tilespmem:s0+$0x5F0];
	v5 =	vmul.f32 v61, v59;
	[tilespmem:s0+$0x1B0] =	vst v9  }
0x1df: {  	v20 =	vld [tilespmem:s0+$0x200];
	v6 =	vmul.f32 v62, v59;
	[tilespmem:s0+$0x1D0] =	vst v10  }
0x1e0: {  	v21 =	vld [tilespmem:s0+$0x210];
	v7 =	vmul.f32 v63, v59;
	[tilespmem:s0+$0x1E0] =	vst v5  }
0x1e1: {  	v22 =	vld [tilespmem:s0+$0x220];
	v11 =	vmul.f32 v15, v59;
	[tilespmem:s0+$0x1F0] =	vst v6  }
0x1e2: {  	v23 =	vld [tilespmem:s0+$0x230];
	[tilespmem:s0+$0x580] =	vst v7;
	v9 =	vmul.f32 v14, v59  }
0x1e3: {  	v12 =	vld [tilespmem:s0+$0x590];
	v10 =	vmul.f32 v16, v59;
	[tilespmem:s0+$0x5B0] =	vst v11  }
0x1e4: {  	v24 =	vld [tilespmem:s0+$0x240];
	v5 =	vmul.f32 v17, v59;
	[tilespmem:s0+$0x5A0] =	vst v9  }
0x1e5: {  	v25 =	vbroadcast v3, $0x2;
	v26 =	vld [tilespmem:s0+$0x250];
	v6 =	vmul.f32 v18, v59;
	[tilespmem:s0+$0x5C0] =	vst v10  }
0x1e6: {  	v44 =	vld [tilespmem:s0+$0x2E0];
	v7 =	vmul.f32 v19, v59;
	[tilespmem:s0+$0x5D0] =	vst v5  }
0x1e7: {  	v27 =	vld [tilespmem:s0+$0x260];
	v11 =	vmul.f32 v22, v25;
	[tilespmem:s0+$0x5E0] =	vst v6  }
0x1e8: {  	v28 =	vld [tilespmem:s0+$0x270];
	v8 =	vmul.f32 v12, v59;
	[tilespmem:s0+$0x5F0] =	vst v7  }
0x1e9: {  	v30 =	vld [tilespmem:s0+$0x610];
	v9 =	vmul.f32 v21, v25;
	[tilespmem:s0+$0x220] =	vst v11  }
0x1ea: {  	v29 =	vld [tilespmem:s0+$0x600];
	v10 =	vmul.f32 v23, v25;
	[tilespmem:s0+$0x590] =	vst v8  }
0x1eb: {  	v31 =	vld [tilespmem:s0+$0x620];
	v5 =	vmul.f32 v24, v25;
	[tilespmem:s0+$0x210] =	vst v9  }
0x1ec: {  	v32 =	vld [tilespmem:s0+$0x630];
	v6 =	vmul.f32 v26, v25;
	[tilespmem:s0+$0x230] =	vst v10  }
0x1ed: {  	v33 =	vld [tilespmem:s0+$0x640];
	v7 =	vmul.f32 v27, v25;
	[tilespmem:s0+$0x240] =	vst v5  }
0x1ee: {  	v13 =	vld [tilespmem:s0+$0x710];
	v11 =	vmul.f32 v30, v25;
	[tilespmem:s0+$0x250] =	vst v6  }
0x1ef: {  	v34 =	vld [tilespmem:s0+$0x650];
	v8 =	vmul.f32 v20, v25;
	[tilespmem:s0+$0x260] =	vst v7  }
0x1f0: {  	v37 =	vld [tilespmem:s0+$0x280];
	v9 =	vmul.f32 v29, v25;
	[tilespmem:s0+$0x610] =	vst v11  }
0x1f1: {  	v35 =	vld [tilespmem:s0+$0x660];
	v10 =	vmul.f32 v31, v25;
	[tilespmem:s0+$0x200] =	vst v8  }
0x1f2: {  	v38 =	vld [tilespmem:s0+$0x290];
	v5 =	vmul.f32 v32, v25;
	[tilespmem:s0+$0x600] =	vst v9  }
0x1f3: {  	v42 =	vbroadcast v3, $0x3;
	v39 =	vld [tilespmem:s0+$0x2A0];
	v6 =	vmul.f32 v33, v25;
	[tilespmem:s0+$0x620] =	vst v10  }
0x1f4: {  	v40 =	vld [tilespmem:s0+$0x2B0];
	v7 =	vmul.f32 v34, v25;
	[tilespmem:s0+$0x630] =	vst v5  }
0x1f5: {  	v43 =	vld [tilespmem:s0+$0x2D0];
	v11 =	vmul.f32 v37, v42;
	[tilespmem:s0+$0x640] =	vst v6  }
0x1f6: {  	v41 =	vld [tilespmem:s0+$0x2C0];
	v8 =	vmul.f32 v28, v25;
	[tilespmem:s0+$0x650] =	vst v7  }
0x1f7: {  	v45 =	vld [tilespmem:s0+$0x2F0];
	v9 =	vmul.f32 v36, v25;
	[tilespmem:s0+$0x280] =	vst v11  }
0x1f8: {  	v46 =	vld [tilespmem:s0+$0x680];
	v10 =	vmul.f32 v38, v42;
	[tilespmem:s0+$0x270] =	vst v8  }
0x1f9: {  	v47 =	vld [tilespmem:s0+$0x690];
	v5 =	vmul.f32 v39, v42;
	[tilespmem:s0+$0x670] =	vst v9  }
0x1fa: {  	v48 =	vld [tilespmem:s0+$0x6A0];
	v6 =	vmul.f32 v40, v42;
	[tilespmem:s0+$0x290] =	vst v10  }
0x1fb: {  	v49 =	vld [tilespmem:s0+$0x6B0];
	v7 =	vmul.f32 v41, v42;
	[tilespmem:s0+$0x2A0] =	vst v5  }
0x1fc: {  	v51 =	vld [tilespmem:s0+$0x6D0];
	v11 =	vmul.f32 v45, v42;
	[tilespmem:s0+$0x2B0] =	vst v6  }
0x1fd: {  	v50 =	vld [tilespmem:s0+$0x6C0];
	v8 =	vmul.f32 v35, v25;
	[tilespmem:s0+$0x2C0] =	vst v7  }
0x1fe: {  	v52 =	vld [tilespmem:s0+$0x6E0];
	v9 =	vmul.f32 v44, v42;
	[tilespmem:s0+$0x2F0] =	vst v11  }
0x1ff: {  	v53 =	vld [tilespmem:s0+$0x6F0];
	v10 =	vmul.f32 v46, v42;
	[tilespmem:s0+$0x660] =	vst v8  }
0x200: {  	v54 =	vld [tilespmem:s0+$0x300];
	v5 =	vmul.f32 v47, v42;
	[tilespmem:s0+$0x2E0] =	vst v9  }
0x201: {  	v55 =	vld [tilespmem:s0+$0x310];
	v6 =	vmul.f32 v48, v42;
	[tilespmem:s0+$0x680] =	vst v10  }
0x202: {  	v56 =	vld [tilespmem:s0+$0x320];
	v7 =	vmul.f32 v49, v42;
	[tilespmem:s0+$0x690] =	vst v5  }
0x203: {  	v58 =	vld [tilespmem:s0+$0x340];
	v11 =	vmul.f32 v52, v42;
	[tilespmem:s0+$0x6A0] =	vst v6  }
0x204: {  	v57 =	vld [tilespmem:s0+$0x330];
	v8 =	vmul.f32 v43, v42;
	[tilespmem:s0+$0x6B0] =	vst v7  }
0x205: {  	v60 =	vld [tilespmem:s0+$0x350];
	v59 =	vbroadcast v3, $0x4;
	v9 =	vmul.f32 v51, v42;
	[tilespmem:s0+$0x6E0] =	vst v11  }
0x206: {  	v61 =	vld [tilespmem:s0+$0x360];
	v10 =	vmul.f32 v53, v42;
	[tilespmem:s0+$0x2D0] =	vst v8  }
0x207: {  	v62 =	vld [tilespmem:s0+$0x370];
	v5 =	vmul.f32 v54, v59;
	[tilespmem:s0+$0x6D0] =	vst v9  }
0x208: {  	v63 =	vld [tilespmem:s0+$0x700];
	v6 =	vmul.f32 v55, v59;
	[tilespmem:s0+$0x6F0] =	vst v10  }
0x209: {  	v15 =	vld [tilespmem:s0+$0x730];
	v7 =	vmul.f32 v56, v59;
	[tilespmem:s0+$0x300] =	vst v5  }
0x20a: {  	v14 =	vld [tilespmem:s0+$0x720];
	v11 =	vmul.f32 v60, v59;
	[tilespmem:s0+$0x310] =	vst v6  }
0x20b: {  	v16 =	vld [tilespmem:s0+$0x740];
	v8 =	vmul.f32 v50, v42;
	[tilespmem:s0+$0x320] =	vst v7  }
0x20c: {  	v17 =	vld [tilespmem:s0+$0x750];
	v9 =	vmul.f32 v58, v59;
	[tilespmem:s0+$0x350] =	vst v11  }
0x20d: {  	v18 =	vld [tilespmem:s0+$0x760];
	v10 =	vmul.f32 v61, v59;
	[tilespmem:s0+$0x6C0] =	vst v8  }
0x20e: {  	v19 =	vld [tilespmem:s0+$0x770];
	v5 =	vmul.f32 v62, v59;
	[tilespmem:s0+$0x340] =	vst v9  }
0x20f: {  	v22 =	vld [tilespmem:s0+$0x3A0];
	v6 =	vmul.f32 v63, v59;
	[tilespmem:s0+$0x360] =	vst v10  }
0x210: {  	v21 =	vld [tilespmem:s0+$0x390];
	v7 =	vmul.f32 v13, v59;
	[tilespmem:s0+$0x370] =	vst v5  }
0x211: {  	v23 =	vld [tilespmem:s0+$0x3B0];
	v11 =	vmul.f32 v16, v59;
	[tilespmem:s0+$0x700] =	vst v6  }
0x212: {  	v20 =	vld [tilespmem:s0+$0x380];
	v8 =	vmul.f32 v57, v59;
	[tilespmem:s0+$0x710] =	vst v7  }
0x213: {  	v24 =	vld [tilespmem:s0+$0x3C0];
	v9 =	vmul.f32 v15, v59;
	[tilespmem:s0+$0x740] =	vst v11  }
0x214: {  	v26 =	vld [tilespmem:s0+$0x3D0];
	v10 =	vmul.f32 v17, v59;
	[tilespmem:s0+$0x330] =	vst v8  }
0x215: {  	v27 =	vld [tilespmem:s0+$0x3E0];
	v25 =	vbroadcast v3, $0x5;
	v5 =	vmul.f32 v18, v59;
	[tilespmem:s0+$0x730] =	vst v9  }
0x216: {  	v30 =	vld [tilespmem:s0+$0x790];
	v6 =	vmul.f32 v19, v59;
	[tilespmem:s0+$0x750] =	vst v10  }
0x217: {  	v29 =	vld [tilespmem:s0+$0x780];
	v7 =	vmul.f32 v20, v25;
	[tilespmem:s0+$0x760] =	vst v5  }
0x218: {  	v31 =	vld [tilespmem:s0+$0x7A0];
	v11 =	vmul.f32 v23, v25;
	[tilespmem:s0+$0x770] =	vst v6  }
0x219: {  	v28 =	vld [tilespmem:s0+$0x3F0];
	v8 =	vmul.f32 v14, v59;
	[tilespmem:s0+$0x380] =	vst v7  }
0x21a: {  	v32 =	vld [tilespmem:s0+$0x7B0];
	v9 =	vmul.f32 v22, v25;
	[tilespmem:s0+$0x3B0] =	vst v11  }
0x21b: {  	v33 =	vld [tilespmem:s0+$0x7C0];
	v10 =	vmul.f32 v24, v25;
	[tilespmem:s0+$0x720] =	vst v8  }
0x21c: {  	v34 =	vld [tilespmem:s0+$0x7D0];
	v5 =	vmul.f32 v26, v25;
	[tilespmem:s0+$0x3A0] =	vst v9  }
0x21d: {  	v37 =	vld [tilespmem:s0+$0x400];
	v6 =	vmul.f32 v27, v25;
	[tilespmem:s0+$0x3C0] =	vst v10  }
0x21e: {  	v12 =	vld [tilespmem:s0+$0x890];
	v7 =	vmul.f32 v28, v25;
	[tilespmem:s0+$0x3D0] =	vst v5  }
0x21f: {  	v36 =	vld [tilespmem:s0+$0x7F0];
	v11 =	vmul.f32 v31, v25;
	[tilespmem:s0+$0x3E0] =	vst v6  }
0x220: {  	v35 =	vld [tilespmem:s0+$0x7E0];
	v8 =	vmul.f32 v21, v25;
	[tilespmem:s0+$0x3F0] =	vst v7  }
0x221: {  	v38 =	vld [tilespmem:s0+$0x410];
	v9 =	vmul.f32 v30, v25;
	[tilespmem:s0+$0x7A0] =	vst v11  }
0x222: {  	v39 =	vld [tilespmem:s0+$0x420];
	v10 =	vmul.f32 v32, v25;
	[tilespmem:s0+$0x390] =	vst v8  }
0x223: {  	v40 =	vld [tilespmem:s0+$0x430];
	v5 =	vmul.f32 v33, v25;
	[tilespmem:s0+$0x790] =	vst v9  }
0x224: {  	v41 =	vld [tilespmem:s0+$0x440];
	v42 =	vbroadcast v3, $0x6;
	v6 =	vmul.f32 v34, v25;
	[tilespmem:s0+$0x7B0] =	vst v10  }
0x225: {  	v45 =	vld [tilespmem:s0+$0x470];
	v7 =	vmul.f32 v35, v25;
	[tilespmem:s0+$0x7C0] =	vst v5  }
0x226: {  	v44 =	vld [tilespmem:s0+$0x460];
	v11 =	vmul.f32 v38, v42;
	[tilespmem:s0+$0x7D0] =	vst v6  }
0x227: {  	v43 =	vld [tilespmem:s0+$0x450];
	v8 =	vmul.f32 v29, v25;
	[tilespmem:s0+$0x7E0] =	vst v7  }
0x228: {  	v46 =	vld [tilespmem:s0+$0x800];
	v9 =	vmul.f32 v37, v42;
	[tilespmem:s0+$0x410] =	vst v11  }
0x229: {  	v47 =	vld [tilespmem:s0+$0x810];
	v10 =	vmul.f32 v39, v42;
	[tilespmem:s0+$0x780] =	vst v8  }
0x22a: {  	v48 =	vld [tilespmem:s0+$0x820];
	v5 =	vmul.f32 v40, v42;
	[tilespmem:s0+$0x400] =	vst v9  }
0x22b: {  	v49 =	vld [tilespmem:s0+$0x830];
	v6 =	vmul.f32 v41, v42;
	[tilespmem:s0+$0x420] =	vst v10  }
0x22c: {  	v52 =	vld [tilespmem:s0+$0x860];
	v7 =	vmul.f32 v43, v42;
	[tilespmem:s0+$0x430] =	vst v5  }
0x22d: {  	v51 =	vld [tilespmem:s0+$0x850];
	v11 =	vmul.f32 v46, v42;
	[tilespmem:s0+$0x440] =	vst v6  }
0x22e: {  	v50 =	vld [tilespmem:s0+$0x840];
	v8 =	vmul.f32 v36, v25;
	[tilespmem:s0+$0x450] =	vst v7  }
0x22f: {  	v53 =	vld [tilespmem:s0+$0x870];
	v9 =	vmul.f32 v45, v42;
	[tilespmem:s0+$0x800] =	vst v11  }
0x230: {  	v54 =	vld [tilespmem:s0+$0x480];
	v10 =	vmul.f32 v47, v42;
	[tilespmem:s0+$0x7F0] =	vst v8  }
0x231: {  	v55 =	vld [tilespmem:s0+$0x490];
	v5 =	vmul.f32 v48, v42;
	[tilespmem:s0+$0x470] =	vst v9  }
0x232: {  	v56 =	vld [tilespmem:s0+$0x4A0];
	v6 =	vmul.f32 v49, v42;
	[tilespmem:s0+$0x810] =	vst v10  }
0x233: {  	v60 =	vld [tilespmem:s0+$0x4D0];
	v7 =	vmul.f32 v50, v42;
	[tilespmem:s0+$0x820] =	vst v5  }
0x234: {  	v58 =	vld [tilespmem:s0+$0x4C0];
	v11 =	vmul.f32 v53, v42;
	[tilespmem:s0+$0x830] =	vst v6  }
0x235: {  	v57 =	vld [tilespmem:s0+$0x4B0];
	v59 =	vbroadcast v3, $0x7;
	v8 =	vmul.f32 v44, v42;
	[tilespmem:s0+$0x840] =	vst v7  }
0x236: {  	v61 =	vld [tilespmem:s0+$0x4E0];
	v9 =	vmul.f32 v52, v42;
	[tilespmem:s0+$0x870] =	vst v11  }
0x237: {  	v62 =	vld [tilespmem:s0+$0x4F0];
	v10 =	vmul.f32 v54, v59;
	[tilespmem:s0+$0x460] =	vst v8  }
0x238: {  	v63 =	vld [tilespmem:s0+$0x880];
	v5 =	vmul.f32 v55, v59;
	[tilespmem:s0+$0x860] =	vst v9  }
0x239: {  	v16 =	vld [tilespmem:s0+$0x8C0];
	v6 =	vmul.f32 v56, v59;
	[tilespmem:s0+$0x480] =	vst v10  }
0x23a: {  	v15 =	vld [tilespmem:s0+$0x8B0];
	v7 =	vmul.f32 v57, v59;
	[tilespmem:s0+$0x490] =	vst v5  }
0x23b: {  	v17 =	vld [tilespmem:s0+$0x8D0];
	v11 =	vmul.f32 v61, v59;
	[tilespmem:s0+$0x4A0] =	vst v6  }
0x23c: {  	v14 =	vld [tilespmem:s0+$0x8A0];
	v8 =	vmul.f32 v51, v42;
	[tilespmem:s0+$0x4B0] =	vst v7  }
0x23d: {  	v18 =	vld [tilespmem:s0+$0x8E0];
	v9 =	vmul.f32 v60, v59;
	[tilespmem:s0+$0x4E0] =	vst v11  }
0x23e: {  	v19 =	vld [tilespmem:s0+$0x8F0];
	v10 =	vmul.f32 v62, v59;
	[tilespmem:s0+$0x850] =	vst v8  }
0x23f: {  	v20 =	vld [tilespmem:s0+$0x900];
	v5 =	vmul.f32 v63, v59;
	[tilespmem:s0+$0x4D0] =	vst v9  }
0x240: {  	v23 =	vld [tilespmem:s0+$0x930];
	v6 =	vmul.f32 v12, v59;
	[tilespmem:s0+$0x4F0] =	vst v10  }
0x241: {  	v22 =	vld [tilespmem:s0+$0x920];
	v7 =	vmul.f32 v14, v59;
	[tilespmem:s0+$0x880] =	vst v5  }
0x242: {  	v24 =	vld [tilespmem:s0+$0x940];
	v11 =	vmul.f32 v17, v59;
	[tilespmem:s0+$0x890] =	vst v6  }
0x243: {  	v21 =	vld [tilespmem:s0+$0x910];
	v8 =	vmul.f32 v58, v59;
	[tilespmem:s0+$0x8A0] =	vst v7  }
0x244: {  	v26 =	vld [tilespmem:s0+$0x950];
	v9 =	vmul.f32 v16, v59;
	[tilespmem:s0+$0x8D0] =	vst v11  }
0x245: {  	v27 =	vld [tilespmem:s0+$0x960];
	v25 =	vbroadcast v3, $0x8;
	v10 =	vmul.f32 v18, v59;
	[tilespmem:s0+$0x4C0] =	vst v8  }
0x246: {  	v28 =	vld [tilespmem:s0+$0x970];
	v5 =	vmul.f32 v19, v59;
	[tilespmem:s0+$0x8C0] =	vst v9  }
0x247: {  	v31 =	vld [tilespmem:s0+$0xD20];
	v6 =	vmul.f32 v20, v25;
	[tilespmem:s0+$0x8E0] =	vst v10  }
0x248: {  	v30 =	vld [tilespmem:s0+$0xD10];
	v7 =	vmul.f32 v21, v25;
	[tilespmem:s0+$0x8F0] =	vst v5  }
0x249: {  	v32 =	vld [tilespmem:s0+$0xD30];
	v11 =	vmul.f32 v24, v25;
	[tilespmem:s0+$0x900] =	vst v6  }
0x24a: {  	v29 =	vld [tilespmem:s0+$0xD00];
	v8 =	vmul.f32 v15, v59;
	[tilespmem:s0+$0x910] =	vst v7  }
0x24b: {  	v33 =	vld [tilespmem:s0+$0xD40];
	v9 =	vmul.f32 v23, v25;
	[tilespmem:s0+$0x940] =	vst v11  }
0x24c: {  	v34 =	vld [tilespmem:s0+$0xD50];
	v10 =	vmul.f32 v26, v25;
	[tilespmem:s0+$0x8B0] =	vst v8  }
0x24d: {  	v35 =	vld [tilespmem:s0+$0xD60];
	v5 =	vmul.f32 v27, v25;
	[tilespmem:s0+$0x930] =	vst v9  }
0x24e: {  	v38 =	vld [tilespmem:s0+$0x990];
	v6 =	vmul.f32 v28, v25;
	[tilespmem:s0+$0x950] =	vst v10  }
0x24f: {  	v13 =	vld [tilespmem:s0+$0xE10];
	v7 =	vmul.f32 v29, v25;
	[tilespmem:s0+$0x960] =	vst v5  }
0x250: {  	v37 =	vld [tilespmem:s0+$0x980];
	v11 =	vmul.f32 v32, v25;
	[tilespmem:s0+$0x970] =	vst v6  }
0x251: {  	v36 =	vld [tilespmem:s0+$0xD70];
	v8 =	vmul.f32 v22, v25;
	[tilespmem:s0+$0xD00] =	vst v7  }
0x252: {  	v39 =	vld [tilespmem:s0+$0x9A0];
	v9 =	vmul.f32 v31, v25;
	[tilespmem:s0+$0xD30] =	vst v11  }
0x253: {  	v40 =	vld [tilespmem:s0+$0x9B0];
	v10 =	vmul.f32 v33, v25;
	[tilespmem:s0+$0x920] =	vst v8  }
0x254: {  	v41 =	vld [tilespmem:s0+$0x9C0];
	v5 =	vmul.f32 v34, v25;
	[tilespmem:s0+$0xD20] =	vst v9  }
0x255: {  	v43 =	vld [tilespmem:s0+$0x9D0];
	v42 =	vbroadcast v3, $0x9;
	v6 =	vmul.f32 v35, v25;
	[tilespmem:s0+$0xD40] =	vst v10  }
0x256: {  	v46 =	vld [tilespmem:s0+$0xD80];
	v7 =	vmul.f32 v36, v25;
	[tilespmem:s0+$0xD50] =	vst v5  }
0x257: {  	v45 =	vld [tilespmem:s0+$0x9F0];
	v11 =	vmul.f32 v39, v42;
	[tilespmem:s0+$0xD60] =	vst v6  }
0x258: {  	v44 =	vld [tilespmem:s0+$0x9E0];
	v8 =	vmul.f32 v30, v25;
	[tilespmem:s0+$0xD70] =	vst v7  }
0x259: {  	v47 =	vld [tilespmem:s0+$0xD90];
	v9 =	vmul.f32 v38, v42;
	[tilespmem:s0+$0x9A0] =	vst v11  }
0x25a: {  	v48 =	vld [tilespmem:s0+$0xDA0];
	v10 =	vmul.f32 v40, v42;
	[tilespmem:s0+$0xD10] =	vst v8  }
0x25b: {  	v49 =	vld [tilespmem:s0+$0xDB0];
	v5 =	vmul.f32 v41, v42;
	[tilespmem:s0+$0x990] =	vst v9  }
0x25c: {  	v50 =	vld [tilespmem:s0+$0xDC0];
	v6 =	vmul.f32 v43, v42;
	[tilespmem:s0+$0x9B0] =	vst v10  }
0x25d: {  	v53 =	vld [tilespmem:s0+$0xDF0];
	v7 =	vmul.f32 v44, v42;
	[tilespmem:s0+$0x9C0] =	vst v5  }
0x25e: {  	v52 =	vld [tilespmem:s0+$0xDE0];
	v11 =	vmul.f32 v47, v42;
	[tilespmem:s0+$0x9D0] =	vst v6  }
0x25f: {  	v51 =	vld [tilespmem:s0+$0xDD0];
	v8 =	vmul.f32 v37, v42;
	[tilespmem:s0+$0x9E0] =	vst v7  }
0x260: {  	v54 =	vld [tilespmem:s0+$0xA00];
	v9 =	vmul.f32 v46, v42;
	[tilespmem:s0+$0xD90] =	vst v11  }
0x261: {  	v55 =	vld [tilespmem:s0+$0xA10];
	v10 =	vmul.f32 v48, v42;
	[tilespmem:s0+$0x980] =	vst v8  }
0x262: {  	v56 =	vld [tilespmem:s0+$0xA20];
	v5 =	vmul.f32 v49, v42;
	[tilespmem:s0+$0xD80] =	vst v9  }
0x263: {  	v57 =	vld [tilespmem:s0+$0xA30];
	v59 =	vbroadcast v3, $0xA;
	v6 =	vmul.f32 v50, v42;
	[tilespmem:s0+$0xDA0] =	vst v10  }
0x264: {  	v61 =	vld [tilespmem:s0+$0xA60];
	v7 =	vmul.f32 v51, v42;
	[tilespmem:s0+$0xDB0] =	vst v5  }
0x265: {  	v60 =	vld [tilespmem:s0+$0xA50];
	v11 =	vmul.f32 v54, v59;
	[tilespmem:s0+$0xDC0] =	vst v6  }
0x266: {  	v58 =	vld [tilespmem:s0+$0xA40];
	v8 =	vmul.f32 v45, v42;
	[tilespmem:s0+$0xDD0] =	vst v7  }
0x267: {  	v62 =	vld [tilespmem:s0+$0xA70];
	v9 =	vmul.f32 v53, v42;
	[tilespmem:s0+$0xA00] =	vst v11  }
0x268: {  	v63 =	vld [tilespmem:s0+$0xE00];
	v10 =	vmul.f32 v55, v59;
	[tilespmem:s0+$0x9F0] =	vst v8  }
0x269: {  	v14 =	vld [tilespmem:s0+$0xE20];
	v5 =	vmul.f32 v56, v59;
	[tilespmem:s0+$0xDF0] =	vst v9  }
0x26a: {  	v17 =	vld [tilespmem:s0+$0xE50];
	v6 =	vmul.f32 v57, v59;
	[tilespmem:s0+$0xA10] =	vst v10  }
0x26b: {  	v16 =	vld [tilespmem:s0+$0xE40];
	v7 =	vmul.f32 v58, v59;
	[tilespmem:s0+$0xA20] =	vst v5  }
0x26c: {  	v18 =	vld [tilespmem:s0+$0xE60];
	v11 =	vmul.f32 v62, v59;
	[tilespmem:s0+$0xA30] =	vst v6  }
0x26d: {  	v15 =	vld [tilespmem:s0+$0xE30];
	v8 =	vmul.f32 v52, v42;
	[tilespmem:s0+$0xA40] =	vst v7  }
0x26e: {  	v19 =	vld [tilespmem:s0+$0xE70];
	v9 =	vmul.f32 v61, v59;
	[tilespmem:s0+$0xA70] =	vst v11  }
0x26f: {  	v20 =	vld [tilespmem:s0+$0xA80];
	v10 =	vmul.f32 v63, v59;
	[tilespmem:s0+$0xDE0] =	vst v8  }
0x270: {  	v54 =	vld [tilespmem:s0+$0xB90];
	v5 =	vmul.f32 v13, v59;
	[tilespmem:s0+$0xA60] =	vst v9  }
0x271: {  	v21 =	vld [tilespmem:s0+$0xA90];
	v6 =	vmul.f32 v14, v59;
	[tilespmem:s0+$0xE00] =	vst v10  }
0x272: {  	v24 =	vld [tilespmem:s0+$0xAC0];
	v7 =	vmul.f32 v15, v59;
	[tilespmem:s0+$0xE10] =	vst v5  }
0x273: {  	v23 =	vld [tilespmem:s0+$0xAB0];
	v11 =	vmul.f32 v18, v59;
	[tilespmem:s0+$0xE20] =	vst v6  }
0x274: {  	v26 =	vld [tilespmem:s0+$0xAD0];
	v8 =	vmul.f32 v60, v59;
	[tilespmem:s0+$0xE30] =	vst v7  }
0x275: {  	v22 =	vld [tilespmem:s0+$0xAA0];
	v60 =	vmul.f32 v54, v4;
	[tilespmem:s0+$0xE60] =	vst v11  }
0x276: {  	v27 =	vld [tilespmem:s0+$0xAE0];
	v25 =	vbroadcast v3, $0xB;
	v9 =	vmul.f32 v17, v59;
	[tilespmem:s0+$0xA50] =	vst v8  }
0x277: {  	v28 =	vld [tilespmem:s0+$0xAF0];
	v10 =	vmul.f32 v19, v59;
	[tilespmem:s0+$0xB90] =	vst v60  }
0x278: {  	v53 =	vld [tilespmem:s0+$0xB80];
	v5 =	vmul.f32 v20, v25;
	[tilespmem:s0+$0xE50] =	vst v9  }
0x279: {  	v55 =	vld [tilespmem:s0+$0xBA0];
	v6 =	vmul.f32 v21, v25;
	[tilespmem:s0+$0xE70] =	vst v10  }
0x27a: {  	v58 =	vld [tilespmem:s0+$0xBD0];
	v7 =	vmul.f32 v22, v25;
	[tilespmem:s0+$0xA80] =	vst v5  }
0x27b: {  	v29 =	vld [tilespmem:s0+$0xE80];
	v11 =	vmul.f32 v26, v25;
	[tilespmem:s0+$0xA90] =	vst v6  }
0x27c: {  	v32 =	vld [tilespmem:s0+$0xEB0];
	v8 =	vmul.f32 v16, v59;
	[tilespmem:s0+$0xAA0] =	vst v7  }
0x27d: {  	v31 =	vld [tilespmem:s0+$0xEA0];
	v59 =	vmul.f32 v53, v4;
	[tilespmem:s0+$0xAD0] =	vst v11  }
0x27e: {  	v33 =	vld [tilespmem:s0+$0xEC0];
	v61 =	vmul.f32 v55, v4;
	[tilespmem:s0+$0xE40] =	vst v8  }
0x27f: {  	v30 =	vld [tilespmem:s0+$0xE90];
	v63 =	vmul.f32 v58, v4;
	[tilespmem:s0+$0xB80] =	vst v59  }
0x280: {  	v34 =	vld [tilespmem:s0+$0xED0];
	v9 =	vmul.f32 v24, v25;
	[tilespmem:s0+$0xBA0] =	vst v61  }
0x281: {  	v35 =	vld [tilespmem:s0+$0xEE0];
	v10 =	vmul.f32 v27, v25;
	[tilespmem:s0+$0xBD0] =	vst v63  }
0x282: {  	v36 =	vld [tilespmem:s0+$0xEF0];
	v5 =	vmul.f32 v28, v25;
	[tilespmem:s0+$0xAC0] =	vst v9  }
0x283: {  	v39 =	vld [tilespmem:s0+$0xB20];
	v6 =	vmul.f32 v29, v25;
	[tilespmem:s0+$0xAE0] =	vst v10  }
0x284: {  	v38 =	vld [tilespmem:s0+$0xB10];
	v7 =	vmul.f32 v30, v25;
	[tilespmem:s0+$0xAF0] =	vst v5  }
0x285: {  	v40 =	vld [tilespmem:s0+$0xB30];
	v11 =	vmul.f32 v33, v25;
	[tilespmem:s0+$0xE80] =	vst v6  }
0x286: {  	v37 =	vld [tilespmem:s0+$0xB00];
	v8 =	vmul.f32 v23, v25;
	[tilespmem:s0+$0xE90] =	vst v7  }
0x287: {  	v41 =	vld [tilespmem:s0+$0xB40];
	v9 =	vmul.f32 v32, v25;
	[tilespmem:s0+$0xEC0] =	vst v11  }
0x288: {  	v43 =	vld [tilespmem:s0+$0xB60];
	v10 =	vmul.f32 v34, v25;
	[tilespmem:s0+$0xAB0] =	vst v8  }
0x289: {  	v3 =	vbroadcast v3, $0xC;
	v44 =	vld [tilespmem:s0+$0xB70];
	v5 =	vmul.f32 v35, v25;
	[tilespmem:s0+$0xEB0] =	vst v9  }
0x28a: {  	v47 =	vld [tilespmem:s0+$0xF20];
	v6 =	vmul.f32 v36, v25;
	[tilespmem:s0+$0xED0] =	vst v10  }
0x28b: {  	v42 =	vld [tilespmem:s0+$0xB50];
	v7 =	vmul.f32 v37, v3;
	[tilespmem:s0+$0xEE0] =	vst v5  }
0x28c: {  	v46 =	vld [tilespmem:s0+$0xF10];
	v11 =	vmul.f32 v40, v3;
	[tilespmem:s0+$0xEF0] =	vst v6  }
0x28d: {  	v48 =	vld [tilespmem:s0+$0xF30];
	v8 =	vmul.f32 v31, v25;
	[tilespmem:s0+$0xB00] =	vst v7  }
0x28e: {  	v49 =	vld [tilespmem:s0+$0xF40];
	v9 =	vmul.f32 v39, v3;
	[tilespmem:s0+$0xB30] =	vst v11  }
0x28f: {  	v50 =	vld [tilespmem:s0+$0xF50];
	v10 =	vmul.f32 v41, v3;
	[tilespmem:s0+$0xEA0] =	vst v8  }
0x290: {  	v51 =	vld [tilespmem:s0+$0xF60];
	v5 =	vmul.f32 v42, v3;
	[tilespmem:s0+$0xB20] =	vst v9  }
0x291: {  	v45 =	vld [tilespmem:s0+$0xF00];
	v6 =	vmul.f32 v43, v3;
	[tilespmem:s0+$0xB40] =	vst v10  }
0x292: {  	v52 =	vld [tilespmem:s0+$0xF70];
	v7 =	vmul.f32 v44, v3;
	[tilespmem:s0+$0xB50] =	vst v5  }
0x293: {  	v11 =	vmul.f32 v47, v3;
	[tilespmem:s0+$0xB60] =	vst v6  }
0x294: {  	v8 =	vmul.f32 v38, v3;
	[tilespmem:s0+$0xB70] =	vst v7;
	v9 =	vmul.f32 v46, v3  }
0x295: {  	v10 =	vmul.f32 v48, v3;
	[tilespmem:s0+$0xF20] =	vst v11;
	v5 =	vmul.f32 v49, v3  }
0x296: {  	v6 =	vmul.f32 v50, v3;
	v7 =	vmul.f32 v51, v3;
	[tilespmem:s0+$0xB10] =	vst v8  }
0x297: {  	v56 =	vld [tilespmem:s0+$0xBB0];
	v8 =	vmul.f32 v45, v3;
	v3 =	vmul.f32 v52, v3;
	[tilespmem:s0+$0xF10] =	vst v9  }
0x298: {  	v57 =	vld [tilespmem:s0+$0xBC0];
	[tilespmem:s0+$0xF30] =	vst v10  }
0x299: {  	[tilespmem:s0+$0xF70] =	vst v3;
	v3 =	vld [tilespmem:s0+$0xBE0]  }
0x29a: {  	v62 =	vld [tilespmem:s0+$0xBF0];
	[tilespmem:s0+$0xF40] =	vst v5  }
0x29b: {  	[tilespmem:s0+$0xF50] =	vst v6  }
0x29c: {  	[tilespmem:s0+$0xF60] =	vst v7;
	v5 =	vmul.f32 v56, v4  }
0x29d: {  	v6 =	vmul.f32 v57, v4;
	[tilespmem:s0+$0xF00] =	vst v8  }
0x29e: {  	[tilespmem:s0+$0xBB0] =	vst v5;
	v3 =	vmul.f32 v3, v4  }
0x29f: {  	[tilespmem:s0+$0xBC0] =	vst v6;
	v4 =	vmul.f32 v62, v4  }
0x2a0: {  	s1 =	sshll.u32 s9, $0x5;
	[tilespmem:s0+$0xBE0] =	vst v3  }
.Ltmp6:
0x2a1: {  	s9 =	sadd.s32 s3, s1;
	[tilespmem:s0+$0xBF0] =	vst v4;
	(pc) =	sbr.rel .LBB2_6-.Ltmp6, $4  }
0x2a2: {  	[hbm4b:s9+s4] =	stream.linear.scatter [tilespmem:s11], [sflag:$0x3], $0x8000, $0x38;
	[tilespmem:$0x8100] =	vst v63  }
0x2a3: {  	_ =	swait.ge [sflag:s31], $0x8000  }
0x2a4: {  	[sflag:s31] =	ssyncset.done $0x0  }
0x2a5: {  	[sflag:s31] =	ssyncadd.s32 $0xFFFF8000  }
.LBB2_8:
0x2a6: {  	_ =	sfence.sel $0x180000  }
0x2a7: {  	[bflag:$0x0] =	sbarrier.arrive $0xFFFF  }
0x2a8: {  	_ =	strace $0x90000047  }
0x2a9: {  	s0 =	stileid.u32;
	[bflag:$0x2] =	sbarrier.arrive $0xFFFF  }
0x2aa: {  	p0 =	sne.s32 s0, $0x0;
	s0 =	rddreg [dreg:$0x4]  }
0x2ab: {  	s0 =	sadd.s32 @!p0 $0x100000, s0  }
0x2ac: {  	[sflag:s0] =	ssyncadd.tile.s32 @!p0 $0x1;
	_ =	shalt  }
.Lfunc_end2:
_tile_overlayer_lowered:
.L_overlay_start_2:
0x2ad: {  	(tag) =	ssettag $0x2  }
0x2ae: {  	s0 =	rddreg [dreg:$0x0];
	s2 =	stileid.u32  }
0x2af: {  	s1 =	rddreg [dreg:$0x1];
	p0 =	sne.s32 s2, $0x0  }
0x2b0: {  	s3 =	rddreg [dreg:$0x2];
	[bflag:$0x3] =	sbarrier.arrive $0xFFFF;
	s2 =	simm.s32 @!p0 $0x1C03  }
0x2b1: {  	[timem:s3], [sflag:s2] =	dma.local @!p0 [hbm:s0], s1  }
0x2b2: {  	s0 =	simm.s32 @!p0 $0x3  }
0x2b3: {  	_ =	swait.ge @!p0 [sflag:s0], s1  }
0x2b4: {  	s1 =	ssub.s32 @!p0 $0x0, s1;
	[sflag:s0] =	ssyncset.done @!p0 $0x0  }
0x2b5: {  	[sflag:s0] =	ssyncadd.s32 @!p0 s1  }
0x2b6: {  	[bflag:$0x3] =	sbarrier.arrive $0xFFFF  }
0x2b7: {  	_ =	shalt  }

</sc_bundles>
